<compile_context>
chip_gen: v7x
topology: tpu7x:2x2x1
jax: 0.10.2.dev20260603
libtpu: 0.0.44.dev20260713+nightly
codegen_flags: <defaults>
</compile_context>

<pallas_src>
import functools

import jax
import jax.numpy as jnp
from jax import lax
from jax.experimental import pallas as pl
from jax.experimental.pallas import tpu as pltpu
from jax.experimental.pallas import tpu_sc as plsc

_NC = 2
_NS = 16
_NW = _NC * _NS
_LB = 128
_CHUNK = 128


def _c16(x):
    return jnp.full((16,), x, jnp.int32)


def _iota16():
    return lax.iota(jnp.int32, 16)


@jax.jit
def _detile(table_t):
    mesh = plsc.VectorSubcoreMesh(core_axis_name="c", subcore_axis_name="s")
    d, vocab = table_t.shape
    nblk = vocab // _LB
    tail = vocab - nblk * _LB
    per = nblk // _NW
    extra = nblk - per * _NW

    @functools.partial(
        pl.kernel,
        mesh=mesh,
        out_type=jax.ShapeDtypeStruct((vocab // 4, 128), jnp.float32),
        scratch_types=[
            pltpu.VMEM((2, 32, _LB), jnp.float32),
            pltpu.VMEM((2, 32, _LB), jnp.float32),
            pltpu.SemaphoreType.DMA,
            pltpu.SemaphoreType.DMA,
        ],
        compiler_params=pltpu.CompilerParams(use_tc_tiling_on_sc=True, needs_layout_passes=False),
    )
    def run(tab_hbm, pout_hbm, in_v, out_v, isem, osem):
        wid = lax.axis_index("s") * _NC + lax.axis_index("c")
        base = per * wid + jnp.minimum(wid, extra)
        cnt = per + jnp.where(wid < extra, 1, 0)
        ca = _iota16()
        cb = ca + 16

        def transpose_block(slot):
            iref = in_v.at[slot]
            oref = out_v.at[slot]

            @pl.loop(0, 8, unroll=2)
            def _(g):
                g16 = g * 16
                g4 = _c16(g * 4)
                for k in range(16):
                    perm = (ca + k) & 15
                    jv = perm + g16
                    row = g4 + lax.shift_right_logical(perm, 2)
                    col = lax.shift_left(perm & 3, 5) + ca
                    v1 = plsc.load_gather(iref, [ca, jv])
                    plsc.store_scatter(oref, [row, col], v1)
                    v2 = plsc.load_gather(iref, [cb, jv])
                    plsc.store_scatter(oref, [row, col + 16], v2)

        pltpu.async_copy(tab_hbm.at[:, pl.ds(base * _LB, _LB)], in_v.at[0], isem)

        @pl.loop(0, cnt)
        def _(j):
            slot = lax.rem(j, 2)

            @pl.when(j + 1 < cnt)
            def _():
                pltpu.async_copy(
                    tab_hbm.at[:, pl.ds((base + j + 1) * _LB, _LB)],
                    in_v.at[1 - slot],
                    isem,
                )

            pltpu.make_async_copy(
                tab_hbm.at[:, pl.ds(base * _LB, _LB)], in_v.at[slot], isem
            ).wait()

            @pl.when(j >= 2)
            def _():
                pltpu.make_async_copy(
                    out_v.at[slot], pout_hbm.at[pl.ds(0, 32)], osem
                ).wait()

            transpose_block(slot)
            pltpu.async_copy(
                out_v.at[slot], pout_hbm.at[pl.ds((base + j) * 32, 32)], osem
            )

        @pl.when(cnt >= 2)
        def _():
            pltpu.make_async_copy(
                out_v.at[0], pout_hbm.at[pl.ds(0, 32)], osem
            ).wait()

        @pl.when(cnt >= 1)
        def _():
            pltpu.make_async_copy(
                out_v.at[1], pout_hbm.at[pl.ds(0, 32)], osem
            ).wait()

    packed = run(table_t)
    if tail:
        tail_rows = table_t[:, nblk * _LB :].T.reshape(tail // 4, 128)
        packed = lax.dynamic_update_slice(packed, tail_rows, (nblk * 32, 0))
    return packed


@jax.jit
def _gather(idx_t, packed):
    mesh = plsc.VectorSubcoreMesh(core_axis_name="c", subcore_axis_name="s")
    nf, bsz = idx_t.shape
    t_per_w = nf * bsz // _NW
    n_chunks = t_per_w // _CHUNK

    @functools.partial(
        pl.kernel,
        mesh=mesh,
        out_type=jax.ShapeDtypeStruct((nf, 32, bsz), jnp.float32),
        scratch_types=[
            pltpu.VMEM((2, _CHUNK), jnp.int32),
            pltpu.VMEM((2, _CHUNK), jnp.int32),
            pltpu.VMEM((2, _CHUNK), jnp.int32),
            pltpu.VMEM((2, _CHUNK, 128), jnp.float32),
            pltpu.VMEM((2, 32, _CHUNK), jnp.float32),
            pltpu.SemaphoreType.DMA,
            pltpu.SemaphoreType.DMA,
            pltpu.SemaphoreType.DMA,
        ],
        compiler_params=pltpu.CompilerParams(use_tc_tiling_on_sc=True, needs_layout_passes=False),
    )
    def run(idx_hbm, pk_hbm, out_hbm, idx_v, pidx_v, sub_v, rows_v, tr_v,
            qsem, gsem, osem):
        wid = lax.axis_index("s") * _NC + lax.axis_index("c")
        t0w = wid * t_per_w
        ca = _iota16()

        def fb(j):
            t0 = t0w + j * _CHUNK
            return lax.div(t0, bsz), lax.rem(t0, bsz)

        def idx_dma(j, slot):
            f, b0 = fb(j)
            return pltpu.async_copy(
                idx_hbm.at[f, pl.ds(b0, _CHUNK)], idx_v.at[slot], qsem
            )

        idx_dma(0, 0)

        @pl.loop(0, n_chunks + 1)
        def _(j):
            slot = lax.rem(j, 2)

            @pl.when(j < n_chunks)
            def _():
                pltpu.make_async_copy(
                    idx_hbm.at[0, pl.ds(0, _CHUNK)], idx_v.at[slot], qsem
                ).wait()
                for g in range(8):
                    iv = idx_v[slot, pl.ds(g * 16, 16)]
                    pidx_v[slot, pl.ds(g * 16, 16)] = lax.shift_right_logical(
                        iv, 2
                    )
                    sub_v[slot, pl.ds(g * 16, 16)] = lax.shift_left(iv & 3, 5)
                pltpu.async_copy(
                    pk_hbm.at[pidx_v.at[slot]], rows_v.at[slot], gsem
                )

                @pl.when(j + 1 < n_chunks)
                def _():
                    idx_dma(j + 1, 1 - slot)

            @pl.when(j >= 1)
            def _():
                pslot = 1 - slot
                pltpu.make_async_copy(
                    pk_hbm.at[pidx_v.at[pslot]], rows_v.at[pslot], gsem
                ).wait()

                @pl.when(j >= 3)
                def _():
                    pltpu.make_async_copy(
                        tr_v.at[pslot], out_hbm.at[0, :, pl.ds(0, _CHUNK)],
                        osem,
                    ).wait()

                rref = rows_v.at[pslot]
                tref = tr_v.at[pslot]
                sref = sub_v.at[pslot]
                cb = ca + 16

                @pl.loop(0, 8)
                def _(g):
                    g16 = g * 16
                    for k in range(16):
                        perm = (ca + k) & 15
                        jv = perm + g16
                        subg = plsc.load_gather(sref, [jv])
                        colv = subg + ca
                        v1 = plsc.load_gather(rref, [jv, colv])
                        plsc.store_scatter(tref, [ca, jv], v1)
                        v2 = plsc.load_gather(rref, [jv, colv + 16])
                        plsc.store_scatter(tref, [cb, jv], v2)
                f, b0 = fb(j - 1)
                pltpu.async_copy(
                    tr_v.at[pslot], out_hbm.at[f, :, pl.ds(b0, _CHUNK)], osem
                )

        for _s in range(2):
            pltpu.make_async_copy(
                tr_v.at[_s], out_hbm.at[0, :, pl.ds(0, _CHUNK)], osem
            ).wait()

    return run(idx_t, packed)


def kernel(input_idx, embedding_matrix):
    bsz, nf = input_idx.shape
    packed = _detile(embedding_matrix.T)
    out_t = _gather(input_idx.T.astype(jnp.int32), packed)
    return out_t.transpose(2, 0, 1)

# --- scband reference (transcript-rebuilt; emitter-appended) ---
"""Pipeline reference for scband-my-embedding-75436805587436 (READ-ONLY COPY).

The authoritative reference and input builder live on the scoring server;
editing this copy changes nothing except your own understanding.
"""

import jax, jax.numpy as jnp
import numpy as np

VOCAB = 1000000
EMBED_DIM = 32
BATCH = 16384
N_FIELDS = 26


def setup_inputs(seed: int = 0) -> dict:
    key = jax.random.key(seed)
    k1, k2 = jax.random.split(key)
    input_idx = jax.random.randint(k1, (BATCH, N_FIELDS), 0, VOCAB, dtype=jnp.int64 if jax.config.jax_enable_x64 else jnp.int32)
    embedding_matrix = jax.random.normal(k2, (VOCAB, EMBED_DIM), dtype=jnp.float32)
    return {"input_idx": input_idx, "embedding_matrix": embedding_matrix}


def reference(input_idx, embedding_matrix):
    # Faithful translation of: self.embedding_matrix[input_idx]
    return jnp.take(embedding_matrix, input_idx, axis=0)

if __name__ == "__main__":
    import jax
    _d = setup_inputs()
    print(jax.jit(kernel)(*tuple(_d.values())))

</pallas_src>

<mosaic_0001>
#map = affine_map<(d0, d1) -> (0, 0)>
module attributes {stable_mosaic.version = 14 : i64} {
  func.func @run(%arg0: i32, %arg1: i32, %arg2: memref<32x1000000xf32, #tpu.memory_space<hbm>>, %arg3: memref<250000x128xf32, #tpu.memory_space<hbm>>, %arg4: memref<2x32x128xf32, #tpu.memory_space<vmem>>, %arg5: memref<2x32x128xf32, #tpu.memory_space<vmem>>, %arg6: memref<!tpu.dma_semaphore, #tpu.memory_space<semaphore_mem>>, %arg7: memref<!tpu.dma_semaphore, #tpu.memory_space<semaphore_mem>>) attributes {dimension_semantics = [#tpu.dimension_semantics<core_parallel>, #tpu.dimension_semantics<subcore_parallel>], iteration_bounds = array<i64: 2, 16>, scalar_prefetch = 0 : i64, scratch_operands = 4 : i64, tpu.core_type = #tpu.core_type<sc_vector_subcore>, window_params = [{transform_indices = #map}, {transform_indices = #map}]} {
    %mul3A = arith.constant 2 : i32
    %mul3A_0 = arith.muli %arg1, %mul3A : i32
    %add3A = arith.addi %mul3A_0, %arg0 : i32
    %mul3A_1 = arith.constant 244 : i32
    %mul3A_2 = arith.muli %mul3A_1, %add3A : i32
    %min3A = arith.constant 4 : i32
    %min3A_3 = arith.minsi %add3A, %min3A : i32
    %add3A_4 = arith.addi %mul3A_2, %min3A_3 : i32
    %lt3A = arith.constant 4 : i32
    %lt3A_5 = arith.cmpi slt, %add3A, %lt3A : i32
    %jit3A = arith.constant 1 : i32
    %jit3A_6 = arith.constant 0 : i32
    %select_n3A = arith.select %lt3A_5, %jit3A, %jit3A_6 : i32
    %add3A_7 = arith.constant 244 : i32
    %add3A_8 = arith.addi %add3A_7, %select_n3A : i32
    %iota3A = tpu.iota {dimensions = array<i32: 0>} : vector<16xi32>
    %add3A_9 = arith.constant 16 : i32
    %add3A_10 = vector.broadcast %add3A_9 : i32 to vector<16xi32>
    %add3A_11 = arith.addi %iota3A, %add3A_10 : vector<16xi32>
    %mul3A_12 = arith.constant 128 : i32
    %mul3A_13 = arith.muli %add3A_4, %mul3A_12 : i32
    %dma_start3A = arith.constant 0 : i32
    %dma_start3A_14 = arith.constant 0 : i32
    %dma_start3A_15 = arith.constant 0 : i32
    %dma_start3A_16 = tpu.memref_slice %arg4[%dma_start3A, %dma_start3A_14, %dma_start3A_15] : memref<2x32x128xf32, #tpu.memory_space<vmem>> -> memref<1x32x128xf32, #tpu.memory_space<vmem>>
    %dma_start3A_17 = tpu.memref_squeeze %dma_start3A_16 : memref<1x32x128xf32, #tpu.memory_space<vmem>> -> memref<32x128xf32, #tpu.memory_space<vmem>>
    %dma_start3A_18 = arith.constant 0 : i32
    %dma_start3A_19 = tpu.memref_slice %arg2[%dma_start3A_18, %mul3A_13] : memref<32x1000000xf32, #tpu.memory_space<hbm>> -> memref<32x128xf32, #tpu.memory_space<hbm>>
    %dma_start3A_20 = arith.constant 0 : i32
    %dma_start3A_21 = arith.constant 0 : i32
    %dma_start3A_22 = tpu.memref_slice %arg4[%dma_start3A, %dma_start3A_20, %dma_start3A_21] : memref<2x32x128xf32, #tpu.memory_space<vmem>> -> memref<1x32x128xf32, #tpu.memory_space<vmem>>
    %dma_start3A_23 = tpu.memref_squeeze %dma_start3A_22 : memref<1x32x128xf32, #tpu.memory_space<vmem>> -> memref<32x128xf32, #tpu.memory_space<vmem>>
    %dma_start3A_24 = arith.constant 0 : i32
    %dma_start3A_25 = tpu.memref_slice %arg2[%dma_start3A_24, %mul3A_13] : memref<32x1000000xf32, #tpu.memory_space<hbm>> -> memref<32x128xf32, #tpu.memory_space<hbm>>
    tpu.enqueue_dma source(%dma_start3A_25 : memref<32x128xf32, #tpu.memory_space<hbm>>) target(%dma_start3A_23 : memref<32x128xf32, #tpu.memory_space<vmem>>) target_semaphore(%arg6 : memref<!tpu.dma_semaphore, #tpu.memory_space<semaphore_mem>>)
    %sub3A = arith.constant 0 : i32
    %sub3A_26 = arith.subi %add3A_8, %sub3A : i32
    %sub3A_27 = arith.constant 1 : i32
    %sub3A_28 = arith.constant 1 : i32
    %sub3A_29 = arith.subi %sub3A_27, %sub3A_28 : i32
    %add3A_30 = arith.addi %sub3A_26, %sub3A_29 : i32
    %div3A = arith.constant 1 : i32
    %div3A_31 = arith.divsi %add3A_30, %div3A : i32
    %while3A = arith.constant 1 : i32
    %while3A_32 = arith.constant 0 : i32
    %while3A_33 = arith.constant 0 : i32
    %while3A_34 = arith.subi %div3A_31, %while3A_33 : i32
    %while3A_35 = arith.addi %while3A_33, %while3A_34 : i32
    %while3A_36 = arith.constant 1 : i32
    %while3A_37 = arith.divsi %while3A_34, %while3A_36 : i32
    %while3A_38 = arith.muli %while3A_37, %while3A_36 : i32
    %while3A_39 = arith.addi %while3A_33, %while3A_38 : i32
    %while3A_40 = arith.constant 1 : i32
    scf.for %while3A_49 = %while3A_33 to %while3A_39 step %while3A_40  : i32 {
      %mul3A_50 = arith.muli %while3A_49, %while3A : i32
      %add3A_51 = arith.addi %while3A_32, %mul3A_50 : i32
      %rem3A = arith.constant 2 : i32
      %rem3A_52 = arith.remsi %add3A_51, %rem3A : i32
      %add3A_53 = arith.constant 1 : i32
      %add3A_54 = arith.addi %add3A_51, %add3A_53 : i32
      %lt3A_55 = arith.cmpi slt, %add3A_54, %add3A_8 : i32
      %convert_element_type3A_56 = arith.extui %lt3A_55 : i1 to i32
      %cond3A_57 = arith.constant 0 : i32
      %cond3A_58 = arith.cmpi ne, %convert_element_type3A_56, %cond3A_57 : i32
      scf.if %cond3A_58 {
        %add3A_96 = arith.addi %add3A_4, %add3A_51 : i32
        %add3A_97 = arith.constant 1 : i32
        %add3A_98 = arith.addi %add3A_96, %add3A_97 : i32
        %mul3A_99 = arith.constant 128 : i32
        %mul3A_100 = arith.muli %add3A_98, %mul3A_99 : i32
        %sub3A_101 = arith.constant 1 : i32
        %sub3A_102 = arith.subi %sub3A_101, %rem3A_52 : i32
        %dma_start3A_103 = arith.constant 0 : i32
        %dma_start3A_104 = arith.constant 0 : i32
        %dma_start3A_105 = tpu.memref_slice %arg4[%sub3A_102, %dma_start3A_103, %dma_start3A_104] : memref<2x32x128xf32, #tpu.memory_space<vmem>> -> memref<1x32x128xf32, #tpu.memory_space<vmem>>
        %dma_start3A_106 = tpu.memref_squeeze %dma_start3A_105 : memref<1x32x128xf32, #tpu.memory_space<vmem>> -> memref<32x128xf32, #tpu.memory_space<vmem>>
        %dma_start3A_107 = arith.constant 0 : i32
        %dma_start3A_108 = tpu.memref_slice %arg2[%dma_start3A_107, %mul3A_100] : memref<32x1000000xf32, #tpu.memory_space<hbm>> -> memref<32x128xf32, #tpu.memory_space<hbm>>
        %dma_start3A_109 = arith.constant 0 : i32
        %dma_start3A_110 = arith.constant 0 : i32
        %dma_start3A_111 = tpu.memref_slice %arg4[%sub3A_102, %dma_start3A_109, %dma_start3A_110] : memref<2x32x128xf32, #tpu.memory_space<vmem>> -> memref<1x32x128xf32, #tpu.memory_space<vmem>>
        %dma_start3A_112 = tpu.memref_squeeze %dma_start3A_111 : memref<1x32x128xf32, #tpu.memory_space<vmem>> -> memref<32x128xf32, #tpu.memory_space<vmem>>
        %dma_start3A_113 = arith.constant 0 : i32
        %dma_start3A_114 = tpu.memref_slice %arg2[%dma_start3A_113, %mul3A_100] : memref<32x1000000xf32, #tpu.memory_space<hbm>> -> memref<32x128xf32, #tpu.memory_space<hbm>>
        tpu.enqueue_dma source(%dma_start3A_114 : memref<32x128xf32, #tpu.memory_space<hbm>>) target(%dma_start3A_112 : memref<32x128xf32, #tpu.memory_space<vmem>>) target_semaphore(%arg6 : memref<!tpu.dma_semaphore, #tpu.memory_space<semaphore_mem>>)
      } else {
      }
      %mul3A_59 = arith.constant 128 : i32
      %mul3A_60 = arith.muli %add3A_4, %mul3A_59 : i32
      %dma_wait3A = arith.constant 0 : i32
      %dma_wait3A_61 = arith.constant 0 : i32
      %dma_wait3A_62 = tpu.memref_slice %arg4[%rem3A_52, %dma_wait3A, %dma_wait3A_61] : memref<2x32x128xf32, #tpu.memory_space<vmem>> -> memref<1x32x128xf32, #tpu.memory_space<vmem>>
      %dma_wait3A_63 = tpu.memref_squeeze %dma_wait3A_62 : memref<1x32x128xf32, #tpu.memory_space<vmem>> -> memref<32x128xf32, #tpu.memory_space<vmem>>
      %dma_wait3A_64 = arith.constant 0 : i32
      %dma_wait3A_65 = tpu.memref_slice %arg2[%dma_wait3A_64, %mul3A_60] : memref<32x1000000xf32, #tpu.memory_space<hbm>> -> memref<32x128xf32, #tpu.memory_space<hbm>>
      %dma_wait3A_66 = arith.constant 0 : i32
      %dma_wait3A_67 = arith.constant 0 : i32
      %dma_wait3A_68 = tpu.memref_slice %arg4[%rem3A_52, %dma_wait3A_66, %dma_wait3A_67] : memref<2x32x128xf32, #tpu.memory_space<vmem>> -> memref<1x32x128xf32, #tpu.memory_space<vmem>>
      %dma_wait3A_69 = tpu.memref_squeeze %dma_wait3A_68 : memref<1x32x128xf32, #tpu.memory_space<vmem>> -> memref<32x128xf32, #tpu.memory_space<vmem>>
      %dma_wait3A_70 = arith.constant 0 : i32
      %dma_wait3A_71 = tpu.memref_slice %arg2[%dma_wait3A_70, %mul3A_60] : memref<32x1000000xf32, #tpu.memory_space<hbm>> -> memref<32x128xf32, #tpu.memory_space<hbm>>
      tpu.wait_dma2 semaphore(%arg6 : memref<!tpu.dma_semaphore, #tpu.memory_space<semaphore_mem>>) src(%dma_wait3A_71 : memref<32x128xf32, #tpu.memory_space<hbm>>) dst(%dma_wait3A_69 : memref<32x128xf32, #tpu.memory_space<vmem>>)
      %ge3A_72 = arith.constant 2 : i32
      %ge3A_73 = arith.cmpi sge, %add3A_51, %ge3A_72 : i32
      %convert_element_type3A_74 = arith.extui %ge3A_73 : i1 to i32
      %cond3A_75 = arith.constant 0 : i32
      %cond3A_76 = arith.cmpi ne, %convert_element_type3A_74, %cond3A_75 : i32
      scf.if %cond3A_76 {
        %dma_wait3A_96 = arith.constant 0 : i32
        %dma_wait3A_97 = arith.constant 0 : i32
        %dma_wait3A_98 = tpu.memref_slice %arg5[%rem3A_52, %dma_wait3A_96, %dma_wait3A_97] : memref<2x32x128xf32, #tpu.memory_space<vmem>> -> memref<1x32x128xf32, #tpu.memory_space<vmem>>
        %dma_wait3A_99 = tpu.memref_squeeze %dma_wait3A_98 : memref<1x32x128xf32, #tpu.memory_space<vmem>> -> memref<32x128xf32, #tpu.memory_space<vmem>>
        %dma_wait3A_100 = arith.constant 0 : i32
        %dma_wait3A_101 = arith.constant 0 : i32
        %dma_wait3A_102 = tpu.memref_slice %arg3[%dma_wait3A_100, %dma_wait3A_101] : memref<250000x128xf32, #tpu.memory_space<hbm>> -> memref<32x128xf32, #tpu.memory_space<hbm>>
        %dma_wait3A_103 = arith.constant 0 : i32
        %dma_wait3A_104 = arith.constant 0 : i32
        %dma_wait3A_105 = tpu.memref_slice %arg3[%dma_wait3A_103, %dma_wait3A_104] : memref<250000x128xf32, #tpu.memory_space<hbm>> -> memref<32x128xf32, #tpu.memory_space<hbm>>
        %dma_wait3A_106 = arith.constant 0 : i32
        %dma_wait3A_107 = arith.constant 0 : i32
        %dma_wait3A_108 = tpu.memref_slice %arg5[%rem3A_52, %dma_wait3A_106, %dma_wait3A_107] : memref<2x32x128xf32, #tpu.memory_space<vmem>> -> memref<1x32x128xf32, #tpu.memory_space<vmem>>
        %dma_wait3A_109 = tpu.memref_squeeze %dma_wait3A_108 : memref<1x32x128xf32, #tpu.memory_space<vmem>> -> memref<32x128xf32, #tpu.memory_space<vmem>>
        tpu.wait_dma2 semaphore(%arg7 : memref<!tpu.dma_semaphore, #tpu.memory_space<semaphore_mem>>) src(%dma_wait3A_109 : memref<32x128xf32, #tpu.memory_space<vmem>>) dst(%dma_wait3A_105 : memref<32x128xf32, #tpu.memory_space<hbm>>)
      } else {
      }
      %scan3A = arith.constant 0 : i32
      %scan3A_77 = arith.constant 8 : i32
      %scan3A_78 = arith.addi %scan3A, %scan3A_77 : i32
      %scan3A_79 = arith.constant 2 : i32
      scf.for %scan3A_96 = %scan3A to %scan3A_78 step %scan3A_79  : i32 {
        %mul3A_97 = arith.constant 1 : i32
        %mul3A_98 = arith.muli %scan3A_96, %mul3A_97 : i32
        %add3A_99 = arith.constant 0 : i32
        %add3A_100 = arith.addi %add3A_99, %mul3A_98 : i32
        %mul3A_101 = arith.constant 16 : i32
        %mul3A_102 = arith.muli %add3A_100, %mul3A_101 : i32
        %mul3A_103 = arith.constant 4 : i32
        %mul3A_104 = arith.muli %add3A_100, %mul3A_103 : i32
        %broadcast_in_dim3A = vector.broadcast %mul3A_104 : i32 to vector<16xi32>
        %add3A_105 = arith.constant 0 : i32
        %add3A_106 = vector.broadcast %add3A_105 : i32 to vector<16xi32>
        %add3A_107 = arith.addi %iota3A, %add3A_106 : vector<16xi32>
        %and3A = arith.constant 15 : i32
        %and3A_108 = vector.broadcast %and3A : i32 to vector<16xi32>
        %and3A_109 = arith.andi %add3A_107, %and3A_108 : vector<16xi32>
        %add3A_110 = vector.broadcast %mul3A_102 : i32 to vector<16xi32>
        %add3A_111 = arith.addi %and3A_109, %add3A_110 : vector<16xi32>
        %shift_right_logical3A = arith.constant 2 : i32
        %shift_right_logical3A_112 = vector.broadcast %shift_right_logical3A : i32 to vector<16xi32>
        %shift_right_logical3A_113 = arith.shrui %and3A_109, %shift_right_logical3A_112 : vector<16xi32>
        %add3A_114 = arith.addi %broadcast_in_dim3A, %shift_right_logical3A_113 : vector<16xi32>
        %and3A_115 = arith.constant 3 : i32
        %and3A_116 = vector.broadcast %and3A_115 : i32 to vector<16xi32>
        %and3A_117 = arith.andi %and3A_109, %and3A_116 : vector<16xi32>
        %shift_left3A = arith.constant 5 : i32
        %shift_left3A_118 = vector.broadcast %shift_left3A : i32 to vector<16xi32>
        %shift_left3A_119 = arith.shli %and3A_117, %shift_left3A_118 : vector<16xi32>
        %add3A_120 = arith.addi %shift_left3A_119, %iota3A : vector<16xi32>
        %gather3A = arith.constant 0 : i32
        %gather3A_121 = arith.constant 0 : i32
        %gather3A_122 = tpu.memref_slice %arg4[%rem3A_52, %gather3A, %gather3A_121] : memref<2x32x128xf32, #tpu.memory_space<vmem>> -> memref<1x32x128xf32, #tpu.memory_space<vmem>>
        %gather3A_123 = tpu.memref_squeeze %gather3A_122 : memref<1x32x128xf32, #tpu.memory_space<vmem>> -> memref<32x128xf32, #tpu.memory_space<vmem>>
        %gather3A_124 = tpu.vector_load_idx %gather3A_123[%iota3A, %add3A_111] : memref<32x128xf32, #tpu.memory_space<vmem>>[vector<16xi32>, vector<16xi32>], vector<16xf32>,
        %scatter3A = arith.constant 0 : i32
        %scatter3A_125 = arith.constant 0 : i32
        %scatter3A_126 = tpu.memref_slice %arg5[%rem3A_52, %scatter3A, %scatter3A_125] : memref<2x32x128xf32, #tpu.memory_space<vmem>> -> memref<1x32x128xf32, #tpu.memory_space<vmem>>
        %scatter3A_127 = tpu.memref_squeeze %scatter3A_126 : memref<1x32x128xf32, #tpu.memory_space<vmem>> -> memref<32x128xf32, #tpu.memory_space<vmem>>
        tpu.vector_store_idx %scatter3A_127[%add3A_114, %add3A_120], %gather3A_124 : memref<32x128xf32, #tpu.memory_space<vmem>>[vector<16xi32>, vector<16xi32>], vector<16xf32>,
        %gather3A_128 = arith.constant 0 : i32
        %gather3A_129 = arith.constant 0 : i32
        %gather3A_130 = tpu.memref_slice %arg4[%rem3A_52, %gather3A_128, %gather3A_129] : memref<2x32x128xf32, #tpu.memory_space<vmem>> -> memref<1x32x128xf32, #tpu.memory_space<vmem>>
        %gather3A_131 = tpu.memref_squeeze %gather3A_130 : memref<1x32x128xf32, #tpu.memory_space<vmem>> -> memref<32x128xf32, #tpu.memory_space<vmem>>
        %gather3A_132 = tpu.vector_load_idx %gather3A_131[%add3A_11, %add3A_111] : memref<32x128xf32, #tpu.memory_space<vmem>>[vector<16xi32>, vector<16xi32>], vector<16xf32>,
        %add3A_133 = arith.constant 16 : i32
        %add3A_134 = vector.broadcast %add3A_133 : i32 to vector<16xi32>
        %add3A_135 = arith.addi %add3A_120, %add3A_134 : vector<16xi32>
        %scatter3A_136 = arith.constant 0 : i32
        %scatter3A_137 = arith.constant 0 : i32
        %scatter3A_138 = tpu.memref_slice %arg5[%rem3A_52, %scatter3A_136, %scatter3A_137] : memref<2x32x128xf32, #tpu.memory_space<vmem>> -> memref<1x32x128xf32, #tpu.memory_space<vmem>>
        %scatter3A_139 = tpu.memref_squeeze %scatter3A_138 : memref<1x32x128xf32, #tpu.memory_space<vmem>> -> memref<32x128xf32, #tpu.memory_space<vmem>>
        tpu.vector_store_idx %scatter3A_139[%add3A_114, %add3A_135], %gather3A_132 : memref<32x128xf32, #tpu.memory_space<vmem>>[vector<16xi32>, vector<16xi32>], vector<16xf32>,
        %add3A_140 = arith.constant 1 : i32
        %add3A_141 = vector.broadcast %add3A_140 : i32 to vector<16xi32>
        %add3A_142 = arith.addi %iota3A, %add3A_141 : vector<16xi32>
        %and3A_143 = arith.constant 15 : i32
        %and3A_144 = vector.broadcast %and3A_143 : i32 to vector<16xi32>
        %and3A_145 = arith.andi %add3A_142, %and3A_144 : vector<16xi32>
        %add3A_146 = vector.broadcast %mul3A_102 : i32 to vector<16xi32>
        %add3A_147 = arith.addi %and3A_145, %add3A_146 : vector<16xi32>
        %shift_right_logical3A_148 = arith.constant 2 : i32
        %shift_right_logical3A_149 = vector.broadcast %shift_right_logical3A_148 : i32 to vector<16xi32>
        %shift_right_logical3A_150 = arith.shrui %and3A_145, %shift_right_logical3A_149 : vector<16xi32>
        %add3A_151 = arith.addi %broadcast_in_dim3A, %shift_right_logical3A_150 : vector<16xi32>
        %and3A_152 = arith.constant 3 : i32
        %and3A_153 = vector.broadcast %and3A_152 : i32 to vector<16xi32>
        %and3A_154 = arith.andi %and3A_145, %and3A_153 : vector<16xi32>
        %shift_left3A_155 = arith.constant 5 : i32
        %shift_left3A_156 = vector.broadcast %shift_left3A_155 : i32 to vector<16xi32>
        %shift_left3A_157 = arith.shli %and3A_154, %shift_left3A_156 : vector<16xi32>
        %add3A_158 = arith.addi %shift_left3A_157, %iota3A : vector<16xi32>
        %gather3A_159 = arith.constant 0 : i32
        %gather3A_160 = arith.constant 0 : i32
        %gather3A_161 = tpu.memref_slice %arg4[%rem3A_52, %gather3A_159, %gather3A_160] : memref<2x32x128xf32, #tpu.memory_space<vmem>> -> memref<1x32x128xf32, #tpu.memory_space<vmem>>
        %gather3A_162 = tpu.memref_squeeze %gather3A_161 : memref<1x32x128xf32, #tpu.memory_space<vmem>> -> memref<32x128xf32, #tpu.memory_space<vmem>>
        %gather3A_163 = tpu.vector_load_idx %gather3A_162[%iota3A, %add3A_147] : memref<32x128xf32, #tpu.memory_space<vmem>>[vector<16xi32>, vector<16xi32>], vector<16xf32>,
        %scatter3A_164 = arith.constant 0 : i32
        %scatter3A_165 = arith.constant 0 : i32
        %scatter3A_166 = tpu.memref_slice %arg5[%rem3A_52, %scatter3A_164, %scatter3A_165] : memref<2x32x128xf32, #tpu.memory_space<vmem>> -> memref<1x32x128xf32, #tpu.memory_space<vmem>>
        %scatter3A_167 = tpu.memref_squeeze %scatter3A_166 : memref<1x32x128xf32, #tpu.memory_space<vmem>> -> memref<32x128xf32, #tpu.memory_space<vmem>>
        tpu.vector_store_idx %scatter3A_167[%add3A_151, %add3A_158], %gather3A_163 : memref<32x128xf32, #tpu.memory_space<vmem>>[vector<16xi32>, vector<16xi32>], vector<16xf32>,
        %gather3A_168 = arith.constant 0 : i32
        %gather3A_169 = arith.constant 0 : i32
        %gather3A_170 = tpu.memref_slice %arg4[%rem3A_52, %gather3A_168, %gather3A_169] : memref<2x32x128xf32, #tpu.memory_space<vmem>> -> memref<1x32x128xf32, #tpu.memory_space<vmem>>
        %gather3A_171 = tpu.memref_squeeze %gather3A_170 : memref<1x32x128xf32, #tpu.memory_space<vmem>> -> memref<32x128xf32, #tpu.memory_space<vmem>>
        %gather3A_172 = tpu.vector_load_idx %gather3A_171[%add3A_11, %add3A_147] : memref<32x128xf32, #tpu.memory_space<vmem>>[vector<16xi32>, vector<16xi32>], vector<16xf32>,
        %add3A_173 = arith.constant 16 : i32
        %add3A_174 = vector.broadcast %add3A_173 : i32 to vector<16xi32>
        %add3A_175 = arith.addi %add3A_158, %add3A_174 : vector<16xi32>
        %scatter3A_176 = arith.constant 0 : i32
        %scatter3A_177 = arith.constant 0 : i32
        %scatter3A_178 = tpu.memref_slice %arg5[%rem3A_52, %scatter3A_176, %scatter3A_177] : memref<2x32x128xf32, #tpu.memory_space<vmem>> -> memref<1x32x128xf32, #tpu.memory_space<vmem>>
        %scatter3A_179 = tpu.memref_squeeze %scatter3A_178 : memref<1x32x128xf32, #tpu.memory_space<vmem>> -> memref<32x128xf32, #tpu.memory_space<vmem>>
        tpu.vector_store_idx %scatter3A_179[%add3A_151, %add3A_175], %gather3A_172 : memref<32x128xf32, #tpu.memory_space<vmem>>[vector<16xi32>, vector<16xi32>], vector<16xf32>,
        %add3A_180 = arith.constant 2 : i32
        %add3A_181 = vector.broadcast %add3A_180 : i32 to vector<16xi32>
        %add3A_182 = arith.addi %iota3A, %add3A_181 : vector<16xi32>
        %and3A_183 = arith.constant 15 : i32
        %and3A_184 = vector.broadcast %and3A_183 : i32 to vector<16xi32>
        %and3A_185 = arith.andi %add3A_182, %and3A_184 : vector<16xi32>
        %add3A_186 = vector.broadcast %mul3A_102 : i32 to vector<16xi32>
        %add3A_187 = arith.addi %and3A_185, %add3A_186 : vector<16xi32>
        %shift_right_logical3A_188 = arith.constant 2 : i32
        %shift_right_logical3A_189 = vector.broadcast %shift_right_logical3A_188 : i32 to vector<16xi32>
        %shift_right_logical3A_190 = arith.shrui %and3A_185, %shift_right_logical3A_189 : vector<16xi32>
        %add3A_191 = arith.addi %broadcast_in_dim3A, %shift_right_logical3A_190 : vector<16xi32>
        %and3A_192 = arith.constant 3 : i32
        %and3A_193 = vector.broadcast %and3A_192 : i32 to vector<16xi32>
        %and3A_194 = arith.andi %and3A_185, %and3A_193 : vector<16xi32>
        %shift_left3A_195 = arith.constant 5 : i32
        %shift_left3A_196 = vector.broadcast %shift_left3A_195 : i32 to vector<16xi32>
        %shift_left3A_197 = arith.shli %and3A_194, %shift_left3A_196 : vector<16xi32>
        %add3A_198 = arith.addi %shift_left3A_197, %iota3A : vector<16xi32>
        %gather3A_199 = arith.constant 0 : i32
        %gather3A_200 = arith.constant 0 : i32
        %gather3A_201 = tpu.memref_slice %arg4[%rem3A_52, %gather3A_199, %gather3A_200] : memref<2x32x128xf32, #tpu.memory_space<vmem>> -> memref<1x32x128xf32, #tpu.memory_space<vmem>>
        %gather3A_202 = tpu.memref_squeeze %gather3A_201 : memref<1x32x128xf32, #tpu.memory_space<vmem>> -> memref<32x128xf32, #tpu.memory_space<vmem>>
        %gather3A_203 = tpu.vector_load_idx %gather3A_202[%iota3A, %add3A_187] : memref<32x128xf32, #tpu.memory_space<vmem>>[vector<16xi32>, vector<16xi32>], vector<16xf32>,
        %scatter3A_204 = arith.constant 0 : i32
        %scatter3A_205 = arith.constant 0 : i32
        %scatter3A_206 = tpu.memref_slice %arg5[%rem3A_52, %scatter3A_204, %scatter3A_205] : memref<2x32x128xf32, #tpu.memory_space<vmem>> -> memref<1x32x128xf32, #tpu.memory_space<vmem>>
        %scatter3A_207 = tpu.memref_squeeze %scatter3A_206 : memref<1x32x128xf32, #tpu.memory_space<vmem>> -> memref<32x128xf32, #tpu.memory_space<vmem>>
        tpu.vector_store_idx %scatter3A_207[%add3A_191, %add3A_198], %gather3A_203 : memref<32x128xf32, #tpu.memory_space<vmem>>[vector<16xi32>, vector<16xi32>], vector<16xf32>,
        %gather3A_208 = arith.constant 0 : i32
        %gather3A_209 = arith.constant 0 : i32
        %gather3A_210 = tpu.memref_slice %arg4[%rem3A_52, %gather3A_208, %gather3A_209] : memref<2x32x128xf32, #tpu.memory_space<vmem>> -> memref<1x32x128xf32, #tpu.memory_space<vmem>>
        %gather3A_211 = tpu.memref_squeeze %gather3A_210 : memref<1x32x128xf32, #tpu.memory_space<vmem>> -> memref<32x128xf32, #tpu.memory_space<vmem>>
        %gather3A_212 = tpu.vector_load_idx %gather3A_211[%add3A_11, %add3A_187] : memref<32x128xf32, #tpu.memory_space<vmem>>[vector<16xi32>, vector<16xi32>], vector<16xf32>,
        %add3A_213 = arith.constant 16 : i32
        %add3A_214 = vector.broadcast %add3A_213 : i32 to vector<16xi32>
        %add3A_215 = arith.addi %add3A_198, %add3A_214 : vector<16xi32>
        %scatter3A_216 = arith.constant 0 : i32
        %scatter3A_217 = arith.constant 0 : i32
        %scatter3A_218 = tpu.memref_slice %arg5[%rem3A_52, %scatter3A_216, %scatter3A_217] : memref<2x32x128xf32, #tpu.memory_space<vmem>> -> memref<1x32x128xf32, #tpu.memory_space<vmem>>
        %scatter3A_219 = tpu.memref_squeeze %scatter3A_218 : memref<1x32x128xf32, #tpu.memory_space<vmem>> -> memref<32x128xf32, #tpu.memory_space<vmem>>
        tpu.vector_store_idx %scatter3A_219[%add3A_191, %add3A_215], %gather3A_212 : memref<32x128xf32, #tpu.memory_space<vmem>>[vector<16xi32>, vector<16xi32>], vector<16xf32>,
        %add3A_220 = arith.constant 3 : i32
        %add3A_221 = vector.broadcast %add3A_220 : i32 to vector<16xi32>
        %add3A_222 = arith.addi %iota3A, %add3A_221 : vector<16xi32>
        %and3A_223 = arith.constant 15 : i32
        %and3A_224 = vector.broadcast %and3A_223 : i32 to vector<16xi32>
        %and3A_225 = arith.andi %add3A_222, %and3A_224 : vector<16xi32>
        %add3A_226 = vector.broadcast %mul3A_102 : i32 to vector<16xi32>
        %add3A_227 = arith.addi %and3A_225, %add3A_226 : vector<16xi32>
        %shift_right_logical3A_228 = arith.constant 2 : i32
        %shift_right_logical3A_229 = vector.broadcast %shift_right_logical3A_228 : i32 to vector<16xi32>
        %shift_right_logical3A_230 = arith.shrui %and3A_225, %shift_right_logical3A_229 : vector<16xi32>
        %add3A_231 = arith.addi %broadcast_in_dim3A, %shift_right_logical3A_230 : vector<16xi32>
        %and3A_232 = arith.constant 3 : i32
        %and3A_233 = vector.broadcast %and3A_232 : i32 to vector<16xi32>
        %and3A_234 = arith.andi %and3A_225, %and3A_233 : vector<16xi32>
        %shift_left3A_235 = arith.constant 5 : i32
        %shift_left3A_236 = vector.broadcast %shift_left3A_235 : i32 to vector<16xi32>
        %shift_left3A_237 = arith.shli %and3A_234, %shift_left3A_236 : vector<16xi32>
        %add3A_238 = arith.addi %shift_left3A_237, %iota3A : vector<16xi32>
        %gather3A_239 = arith.constant 0 : i32
        %gather3A_240 = arith.constant 0 : i32
        %gather3A_241 = tpu.memref_slice %arg4[%rem3A_52, %gather3A_239, %gather3A_240] : memref<2x32x128xf32, #tpu.memory_space<vmem>> -> memref<1x32x128xf32, #tpu.memory_space<vmem>>
        %gather3A_242 = tpu.memref_squeeze %gather3A_241 : memref<1x32x128xf32, #tpu.memory_space<vmem>> -> memref<32x128xf32, #tpu.memory_space<vmem>>
        %gather3A_243 = tpu.vector_load_idx %gather3A_242[%iota3A, %add3A_227] : memref<32x128xf32, #tpu.memory_space<vmem>>[vector<16xi32>, vector<16xi32>], vector<16xf32>,
        %scatter3A_244 = arith.constant 0 : i32
        %scatter3A_245 = arith.constant 0 : i32
        %scatter3A_246 = tpu.memref_slice %arg5[%rem3A_52, %scatter3A_244, %scatter3A_245] : memref<2x32x128xf32, #tpu.memory_space<vmem>> -> memref<1x32x128xf32, #tpu.memory_space<vmem>>
        %scatter3A_247 = tpu.memref_squeeze %scatter3A_246 : memref<1x32x128xf32, #tpu.memory_space<vmem>> -> memref<32x128xf32, #tpu.memory_space<vmem>>
        tpu.vector_store_idx %scatter3A_247[%add3A_231, %add3A_238], %gather3A_243 : memref<32x128xf32, #tpu.memory_space<vmem>>[vector<16xi32>, vector<16xi32>], vector<16xf32>,
        %gather3A_248 = arith.constant 0 : i32
        %gather3A_249 = arith.constant 0 : i32
        %gather3A_250 = tpu.memref_slice %arg4[%rem3A_52, %gather3A_248, %gather3A_249] : memref<2x32x128xf32, #tpu.memory_space<vmem>> -> memref<1x32x128xf32, #tpu.memory_space<vmem>>
        %gather3A_251 = tpu.memref_squeeze %gather3A_250 : memref<1x32x128xf32, #tpu.memory_space<vmem>> -> memref<32x128xf32, #tpu.memory_space<vmem>>
        %gather3A_252 = tpu.vector_load_idx %gather3A_251[%add3A_11, %add3A_227] : memref<32x128xf32, #tpu.memory_space<vmem>>[vector<16xi32>, vector<16xi32>], vector<16xf32>,
        %add3A_253 = arith.constant 16 : i32
        %add3A_254 = vector.broadcast %add3A_253 : i32 to vector<16xi32>
        %add3A_255 = arith.addi %add3A_238, %add3A_254 : vector<16xi32>
        %scatter3A_256 = arith.constant 0 : i32
        %scatter3A_257 = arith.constant 0 : i32
        %scatter3A_258 = tpu.memref_slice %arg5[%rem3A_52, %scatter3A_256, %scatter3A_257] : memref<2x32x128xf32, #tpu.memory_space<vmem>> -> memref<1x32x128xf32, #tpu.memory_space<vmem>>
        %scatter3A_259 = tpu.memref_squeeze %scatter3A_258 : memref<1x32x128xf32, #tpu.memory_space<vmem>> -> memref<32x128xf32, #tpu.memory_space<vmem>>
        tpu.vector_store_idx %scatter3A_259[%add3A_231, %add3A_255], %gather3A_252 : memref<32x128xf32, #tpu.memory_space<vmem>>[vector<16xi32>, vector<16xi32>], vector<16xf32>,
        %add3A_260 = arith.constant 4 : i32
        %add3A_261 = vector.broadcast %add3A_260 : i32 to vector<16xi32>
        %add3A_262 = arith.addi %iota3A, %add3A_261 : vector<16xi32>
        %and3A_263 = arith.constant 15 : i32
        %and3A_264 = vector.broadcast %and3A_263 : i32 to vector<16xi32>
        %and3A_265 = arith.andi %add3A_262, %and3A_264 : vector<16xi32>
        %add3A_266 = vector.broadcast %mul3A_102 : i32 to vector<16xi32>
        %add3A_267 = arith.addi %and3A_265, %add3A_266 : vector<16xi32>
        %shift_right_logical3A_268 = arith.constant 2 : i32
        %shift_right_logical3A_269 = vector.broadcast %shift_right_logical3A_268 : i32 to vector<16xi32>
        %shift_right_logical3A_270 = arith.shrui %and3A_265, %shift_right_logical3A_269 : vector<16xi32>
        %add3A_271 = arith.addi %broadcast_in_dim3A, %shift_right_logical3A_270 : vector<16xi32>
        %and3A_272 = arith.constant 3 : i32
        %and3A_273 = vector.broadcast %and3A_272 : i32 to vector<16xi32>
        %and3A_274 = arith.andi %and3A_265, %and3A_273 : vector<16xi32>
        %shift_left3A_275 = arith.constant 5 : i32
        %shift_left3A_276 = vector.broadcast %shift_left3A_275 : i32 to vector<16xi32>
        %shift_left3A_277 = arith.shli %and3A_274, %shift_left3A_276 : vector<16xi32>
        %add3A_278 = arith.addi %shift_left3A_277, %iota3A : vector<16xi32>
        %gather3A_279 = arith.constant 0 : i32
        %gather3A_280 = arith.constant 0 : i32
        %gather3A_281 = tpu.memref_slice %arg4[%rem3A_52, %gather3A_279, %gather3A_280] : memref<2x32x128xf32, #tpu.memory_space<vmem>> -> memref<1x32x128xf32, #tpu.memory_space<vmem>>
        %gather3A_282 = tpu.memref_squeeze %gather3A_281 : memref<1x32x128xf32, #tpu.memory_space<vmem>> -> memref<32x128xf32, #tpu.memory_space<vmem>>
        %gather3A_283 = tpu.vector_load_idx %gather3A_282[%iota3A, %add3A_267] : memref<32x128xf32, #tpu.memory_space<vmem>>[vector<16xi32>, vector<16xi32>], vector<16xf32>,
        %scatter3A_284 = arith.constant 0 : i32
        %scatter3A_285 = arith.constant 0 : i32
        %scatter3A_286 = tpu.memref_slice %arg5[%rem3A_52, %scatter3A_284, %scatter3A_285] : memref<2x32x128xf32, #tpu.memory_space<vmem>> -> memref<1x32x128xf32, #tpu.memory_space<vmem>>
        %scatter3A_287 = tpu.memref_squeeze %scatter3A_286 : memref<1x32x128xf32, #tpu.memory_space<vmem>> -> memref<32x128xf32, #tpu.memory_space<vmem>>
        tpu.vector_store_idx %scatter3A_287[%add3A_271, %add3A_278], %gather3A_283 : memref<32x128xf32, #tpu.memory_space<vmem>>[vector<16xi32>, vector<16xi32>], vector<16xf32>,
        %gather3A_288 = arith.constant 0 : i32
        %gather3A_289 = arith.constant 0 : i32
        %gather3A_290 = tpu.memref_slice %arg4[%rem3A_52, %gather3A_288, %gather3A_289] : memref<2x32x128xf32, #tpu.memory_space<vmem>> -> memref<1x32x128xf32, #tpu.memory_space<vmem>>
        %gather3A_291 = tpu.memref_squeeze %gather3A_290 : memref<1x32x128xf32, #tpu.memory_space<vmem>> -> memref<32x128xf32, #tpu.memory_space<vmem>>
        %gather3A_292 = tpu.vector_load_idx %gather3A_291[%add3A_11, %add3A_267] : memref<32x128xf32, #tpu.memory_space<vmem>>[vector<16xi32>, vector<16xi32>], vector<16xf32>,
        %add3A_293 = arith.constant 16 : i32
        %add3A_294 = vector.broadcast %add3A_293 : i32 to vector<16xi32>
        %add3A_295 = arith.addi %add3A_278, %add3A_294 : vector<16xi32>
        %scatter3A_296 = arith.constant 0 : i32
        %scatter3A_297 = arith.constant 0 : i32
        %scatter3A_298 = tpu.memref_slice %arg5[%rem3A_52, %scatter3A_296, %scatter3A_297] : memref<2x32x128xf32, #tpu.memory_space<vmem>> -> memref<1x32x128xf32, #tpu.memory_space<vmem>>
        %scatter3A_299 = tpu.memref_squeeze %scatter3A_298 : memref<1x32x128xf32, #tpu.memory_space<vmem>> -> memref<32x128xf32, #tpu.memory_space<vmem>>
        tpu.vector_store_idx %scatter3A_299[%add3A_271, %add3A_295], %gather3A_292 : memref<32x128xf32, #tpu.memory_space<vmem>>[vector<16xi32>, vector<16xi32>], vector<16xf32>,
        %add3A_300 = arith.constant 5 : i32
        %add3A_301 = vector.broadcast %add3A_300 : i32 to vector<16xi32>
        %add3A_302 = arith.addi %iota3A, %add3A_301 : vector<16xi32>
        %and3A_303 = arith.constant 15 : i32
        %and3A_304 = vector.broadcast %and3A_303 : i32 to vector<16xi32>
        %and3A_305 = arith.andi %add3A_302, %and3A_304 : vector<16xi32>
        %add3A_306 = vector.broadcast %mul3A_102 : i32 to vector<16xi32>
        %add3A_307 = arith.addi %and3A_305, %add3A_306 : vector<16xi32>
        %shift_right_logical3A_308 = arith.constant 2 : i32
        %shift_right_logical3A_309 = vector.broadcast %shift_right_logical3A_308 : i32 to vector<16xi32>
        %shift_right_logical3A_310 = arith.shrui %and3A_305, %shift_right_logical3A_309 : vector<16xi32>
        %add3A_311 = arith.addi %broadcast_in_dim3A, %shift_right_logical3A_310 : vector<16xi32>
        %and3A_312 = arith.constant 3 : i32
        %and3A_313 = vector.broadcast %and3A_312 : i32 to vector<16xi32>
        %and3A_314 = arith.andi %and3A_305, %and3A_313 : vector<16xi32>
        %shift_left3A_315 = arith.constant 5 : i32
        %shift_left3A_316 = vector.broadcast %shift_left3A_315 : i32 to vector<16xi32>
        %shift_left3A_317 = arith.shli %and3A_314, %shift_left3A_316 : vector<16xi32>
        %add3A_318 = arith.addi %shift_left3A_317, %iota3A : vector<16xi32>
        %gather3A_319 = arith.constant 0 : i32
        %gather3A_320 = arith.constant 0 : i32
        %gather3A_321 = tpu.memref_slice %arg4[%rem3A_52, %gather3A_319, %gather3A_320] : memref<2x32x128xf32, #tpu.memory_space<vmem>> -> memref<1x32x128xf32, #tpu.memory_space<vmem>>
        %gather3A_322 = tpu.memref_squeeze %gather3A_321 : memref<1x32x128xf32, #tpu.memory_space<vmem>> -> memref<32x128xf32, #tpu.memory_space<vmem>>
        %gather3A_323 = tpu.vector_load_idx %gather3A_322[%iota3A, %add3A_307] : memref<32x128xf32, #tpu.memory_space<vmem>>[vector<16xi32>, vector<16xi32>], vector<16xf32>,
        %scatter3A_324 = arith.constant 0 : i32
        %scatter3A_325 = arith.constant 0 : i32
        %scatter3A_326 = tpu.memref_slice %arg5[%rem3A_52, %scatter3A_324, %scatter3A_325] : memref<2x32x128xf32, #tpu.memory_space<vmem>> -> memref<1x32x128xf32, #tpu.memory_space<vmem>>
        %scatter3A_327 = tpu.memref_squeeze %scatter3A_326 : memref<1x32x128xf32, #tpu.memory_space<vmem>> -> memref<32x128xf32, #tpu.memory_space<vmem>>
        tpu.vector_store_idx %scatter3A_327[%add3A_311, %add3A_318], %gather3A_323 : memref<32x128xf32, #tpu.memory_space<vmem>>[vector<16xi32>, vector<16xi32>], vector<16xf32>,
        %gather3A_328 = arith.constant 0 : i32
        %gather3A_329 = arith.constant 0 : i32
        %gather3A_330 = tpu.memref_slice %arg4[%rem3A_52, %gather3A_328, %gather3A_329] : memref<2x32x128xf32, #tpu.memory_space<vmem>> -> memref<1x32x128xf32, #tpu.memory_space<vmem>>
        %gather3A_331 = tpu.memref_squeeze %gather3A_330 : memref<1x32x128xf32, #tpu.memory_space<vmem>> -> memref<32x128xf32, #tpu.memory_space<vmem>>
        %gather3A_332 = tpu.vector_load_idx %gather3A_331[%add3A_11, %add3A_307] : memref<32x128xf32, #tpu.memory_space<vmem>>[vector<16xi32>, vector<16xi32>], vector<16xf32>,
        %add3A_333 = arith.constant 16 : i32
        %add3A_334 = vector.broadcast %add3A_333 : i32 to vector<16xi32>
        %add3A_335 = arith.addi %add3A_318, %add3A_334 : vector<16xi32>
        %scatter3A_336 = arith.constant 0 : i32
        %scatter3A_337 = arith.constant 0 : i32
        %scatter3A_338 = tpu.memref_slice %arg5[%rem3A_52, %scatter3A_336, %scatter3A_337] : memref<2x32x128xf32, #tpu.memory_space<vmem>> -> memref<1x32x128xf32, #tpu.memory_space<vmem>>
        %scatter3A_339 = tpu.memref_squeeze %scatter3A_338 : memref<1x32x128xf32, #tpu.memory_space<vmem>> -> memref<32x128xf32, #tpu.memory_space<vmem>>
        tpu.vector_store_idx %scatter3A_339[%add3A_311, %add3A_335], %gather3A_332 : memref<32x128xf32, #tpu.memory_space<vmem>>[vector<16xi32>, vector<16xi32>], vector<16xf32>,
        %add3A_340 = arith.constant 6 : i32
        %add3A_341 = vector.broadcast %add3A_340 : i32 to vector<16xi32>
        %add3A_342 = arith.addi %iota3A, %add3A_341 : vector<16xi32>
        %and3A_343 = arith.constant 15 : i32
        %and3A_344 = vector.broadcast %and3A_343 : i32 to vector<16xi32>
        %and3A_345 = arith.andi %add3A_342, %and3A_344 : vector<16xi32>
        %add3A_346 = vector.broadcast %mul3A_102 : i32 to vector<16xi32>
        %add3A_347 = arith.addi %and3A_345, %add3A_346 : vector<16xi32>
        %shift_right_logical3A_348 = arith.constant 2 : i32
        %shift_right_logical3A_349 = vector.broadcast %shift_right_logical3A_348 : i32 to vector<16xi32>
        %shift_right_logical3A_350 = arith.shrui %and3A_345, %shift_right_logical3A_349 : vector<16xi32>
        %add3A_351 = arith.addi %broadcast_in_dim3A, %shift_right_logical3A_350 : vector<16xi32>
        %and3A_352 = arith.constant 3 : i32
        %and3A_353 = vector.broadcast %and3A_352 : i32 to vector<16xi32>
        %and3A_354 = arith.andi %and3A_345, %and3A_353 : vector<16xi32>
        %shift_left3A_355 = arith.constant 5 : i32
        %shift_left3A_356 = vector.broadcast %shift_left3A_355 : i32 to vector<16xi32>
        %shift_left3A_357 = arith.shli %and3A_354, %shift_left3A_356 : vector<16xi32>
        %add3A_358 = arith.addi %shift_left3A_357, %iota3A : vector<16xi32>
        %gather3A_359 = arith.constant 0 : i32
        %gather3A_360 = arith.constant 0 : i32
        %gather3A_361 = tpu.memref_slice %arg4[%rem3A_52, %gather3A_359, %gather3A_360] : memref<2x32x128xf32, #tpu.memory_space<vmem>> -> memref<1x32x128xf32, #tpu.memory_space<vmem>>
        %gather3A_362 = tpu.memref_squeeze %gather3A_361 : memref<1x32x128xf32, #tpu.memory_space<vmem>> -> memref<32x128xf32, #tpu.memory_space<vmem>>
        %gather3A_363 = tpu.vector_load_idx %gather3A_362[%iota3A, %add3A_347] : memref<32x128xf32, #tpu.memory_space<vmem>>[vector<16xi32>, vector<16xi32>], vector<16xf32>,
        %scatter3A_364 = arith.constant 0 : i32
        %scatter3A_365 = arith.constant 0 : i32
        %scatter3A_366 = tpu.memref_slice %arg5[%rem3A_52, %scatter3A_364, %scatter3A_365] : memref<2x32x128xf32, #tpu.memory_space<vmem>> -> memref<1x32x128xf32, #tpu.memory_space<vmem>>
        %scatter3A_367 = tpu.memref_squeeze %scatter3A_366 : memref<1x32x128xf32, #tpu.memory_space<vmem>> -> memref<32x128xf32, #tpu.memory_space<vmem>>
        tpu.vector_store_idx %scatter3A_367[%add3A_351, %add3A_358], %gather3A_363 : memref<32x128xf32, #tpu.memory_space<vmem>>[vector<16xi32>, vector<16xi32>], vector<16xf32>,
        %gather3A_368 = arith.constant 0 : i32
        %gather3A_369 = arith.constant 0 : i32
        %gather3A_370 = tpu.memref_slice %arg4[%rem3A_52, %gather3A_368, %gather3A_369] : memref<2x32x128xf32, #tpu.memory_space<vmem>> -> memref<1x32x128xf32, #tpu.memory_space<vmem>>
        %gather3A_371 = tpu.memref_squeeze %gather3A_370 : memref<1x32x128xf32, #tpu.memory_space<vmem>> -> memref<32x128xf32, #tpu.memory_space<vmem>>
        %gather3A_372 = tpu.vector_load_idx %gather3A_371[%add3A_11, %add3A_347] : memref<32x128xf32, #tpu.memory_space<vmem>>[vector<16xi32>, vector<16xi32>], vector<16xf32>,
        %add3A_373 = arith.constant 16 : i32
        %add3A_374 = vector.broadcast %add3A_373 : i32 to vector<16xi32>
        %add3A_375 = arith.addi %add3A_358, %add3A_374 : vector<16xi32>
        %scatter3A_376 = arith.constant 0 : i32
        %scatter3A_377 = arith.constant 0 : i32
        %scatter3A_378 = tpu.memref_slice %arg5[%rem3A_52, %scatter3A_376, %scatter3A_377] : memref<2x32x128xf32, #tpu.memory_space<vmem>> -> memref<1x32x128xf32, #tpu.memory_space<vmem>>
        %scatter3A_379 = tpu.memref_squeeze %scatter3A_378 : memref<1x32x128xf32, #tpu.memory_space<vmem>> -> memref<32x128xf32, #tpu.memory_space<vmem>>
        tpu.vector_store_idx %scatter3A_379[%add3A_351, %add3A_375], %gather3A_372 : memref<32x128xf32, #tpu.memory_space<vmem>>[vector<16xi32>, vector<16xi32>], vector<16xf32>,
        %add3A_380 = arith.constant 7 : i32
        %add3A_381 = vector.broadcast %add3A_380 : i32 to vector<16xi32>
        %add3A_382 = arith.addi %iota3A, %add3A_381 : vector<16xi32>
        %and3A_383 = arith.constant 15 : i32
        %and3A_384 = vector.broadcast %and3A_383 : i32 to vector<16xi32>
        %and3A_385 = arith.andi %add3A_382, %and3A_384 : vector<16xi32>
        %add3A_386 = vector.broadcast %mul3A_102 : i32 to vector<16xi32>
        %add3A_387 = arith.addi %and3A_385, %add3A_386 : vector<16xi32>
        %shift_right_logical3A_388 = arith.constant 2 : i32
        %shift_right_logical3A_389 = vector.broadcast %shift_right_logical3A_388 : i32 to vector<16xi32>
        %shift_right_logical3A_390 = arith.shrui %and3A_385, %shift_right_logical3A_389 : vector<16xi32>
        %add3A_391 = arith.addi %broadcast_in_dim3A, %shift_right_logical3A_390 : vector<16xi32>
        %and3A_392 = arith.constant 3 : i32
        %and3A_393 = vector.broadcast %and3A_392 : i32 to vector<16xi32>
        %and3A_394 = arith.andi %and3A_385, %and3A_393 : vector<16xi32>
        %shift_left3A_395 = arith.constant 5 : i32
        %shift_left3A_396 = vector.broadcast %shift_left3A_395 : i32 to vector<16xi32>
        %shift_left3A_397 = arith.shli %and3A_394, %shift_left3A_396 : vector<16xi32>
        %add3A_398 = arith.addi %shift_left3A_397, %iota3A : vector<16xi32>
        %gather3A_399 = arith.constant 0 : i32
        %gather3A_400 = arith.constant 0 : i32
        %gather3A_401 = tpu.memref_slice %arg4[%rem3A_52, %gather3A_399, %gather3A_400] : memref<2x32x128xf32, #tpu.memory_space<vmem>> -> memref<1x32x128xf32, #tpu.memory_space<vmem>>
        %gather3A_402 = tpu.memref_squeeze %gather3A_401 : memref<1x32x128xf32, #tpu.memory_space<vmem>> -> memref<32x128xf32, #tpu.memory_space<vmem>>
        %gather3A_403 = tpu.vector_load_idx %gather3A_402[%iota3A, %add3A_387] : memref<32x128xf32, #tpu.memory_space<vmem>>[vector<16xi32>, vector<16xi32>], vector<16xf32>,
        %scatter3A_404 = arith.constant 0 : i32
        %scatter3A_405 = arith.constant 0 : i32
        %scatter3A_406 = tpu.memref_slice %arg5[%rem3A_52, %scatter3A_404, %scatter3A_405] : memref<2x32x128xf32, #tpu.memory_space<vmem>> -> memref<1x32x128xf32, #tpu.memory_space<vmem>>
        %scatter3A_407 = tpu.memref_squeeze %scatter3A_406 : memref<1x32x128xf32, #tpu.memory_space<vmem>> -> memref<32x128xf32, #tpu.memory_space<vmem>>
        tpu.vector_store_idx %scatter3A_407[%add3A_391, %add3A_398], %gather3A_403 : memref<32x128xf32, #tpu.memory_space<vmem>>[vector<16xi32>, vector<16xi32>], vector<16xf32>,
        %gather3A_408 = arith.constant 0 : i32
        %gather3A_409 = arith.constant 0 : i32
        %gather3A_410 = tpu.memref_slice %arg4[%rem3A_52, %gather3A_408, %gather3A_409] : memref<2x32x128xf32, #tpu.memory_space<vmem>> -> memref<1x32x128xf32, #tpu.memory_space<vmem>>
        %gather3A_411 = tpu.memref_squeeze %gather3A_410 : memref<1x32x128xf32, #tpu.memory_space<vmem>> -> memref<32x128xf32, #tpu.memory_space<vmem>>
        %gather3A_412 = tpu.vector_load_idx %gather3A_411[%add3A_11, %add3A_387] : memref<32x128xf32, #tpu.memory_space<vmem>>[vector<16xi32>, vector<16xi32>], vector<16xf32>,
        %add3A_413 = arith.constant 16 : i32
        %add3A_414 = vector.broadcast %add3A_413 : i32 to vector<16xi32>
        %add3A_415 = arith.addi %add3A_398, %add3A_414 : vector<16xi32>
        %scatter3A_416 = arith.constant 0 : i32
        %scatter3A_417 = arith.constant 0 : i32
        %scatter3A_418 = tpu.memref_slice %arg5[%rem3A_52, %scatter3A_416, %scatter3A_417] : memref<2x32x128xf32, #tpu.memory_space<vmem>> -> memref<1x32x128xf32, #tpu.memory_space<vmem>>
        %scatter3A_419 = tpu.memref_squeeze %scatter3A_418 : memref<1x32x128xf32, #tpu.memory_space<vmem>> -> memref<32x128xf32, #tpu.memory_space<vmem>>
        tpu.vector_store_idx %scatter3A_419[%add3A_391, %add3A_415], %gather3A_412 : memref<32x128xf32, #tpu.memory_space<vmem>>[vector<16xi32>, vector<16xi32>], vector<16xf32>,
        %add3A_420 = arith.constant 8 : i32
        %add3A_421 = vector.broadcast %add3A_420 : i32 to vector<16xi32>
        %add3A_422 = arith.addi %iota3A, %add3A_421 : vector<16xi32>
        %and3A_423 = arith.constant 15 : i32
        %and3A_424 = vector.broadcast %and3A_423 : i32 to vector<16xi32>
        %and3A_425 = arith.andi %add3A_422, %and3A_424 : vector<16xi32>
        %add3A_426 = vector.broadcast %mul3A_102 : i32 to vector<16xi32>
        %add3A_427 = arith.addi %and3A_425, %add3A_426 : vector<16xi32>
        %shift_right_logical3A_428 = arith.constant 2 : i32
        %shift_right_logical3A_429 = vector.broadcast %shift_right_logical3A_428 : i32 to vector<16xi32>
        %shift_right_logical3A_430 = arith.shrui %and3A_425, %shift_right_logical3A_429 : vector<16xi32>
        %add3A_431 = arith.addi %broadcast_in_dim3A, %shift_right_logical3A_430 : vector<16xi32>
        %and3A_432 = arith.constant 3 : i32
        %and3A_433 = vector.broadcast %and3A_432 : i32 to vector<16xi32>
        %and3A_434 = arith.andi %and3A_425, %and3A_433 : vector<16xi32>
        %shift_left3A_435 = arith.constant 5 : i32
        %shift_left3A_436 = vector.broadcast %shift_left3A_435 : i32 to vector<16xi32>
        %shift_left3A_437 = arith.shli %and3A_434, %shift_left3A_436 : vector<16xi32>
        %add3A_438 = arith.addi %shift_left3A_437, %iota3A : vector<16xi32>
        %gather3A_439 = arith.constant 0 : i32
        %gather3A_440 = arith.constant 0 : i32
        %gather3A_441 = tpu.memref_slice %arg4[%rem3A_52, %gather3A_439, %gather3A_440] : memref<2x32x128xf32, #tpu.memory_space<vmem>> -> memref<1x32x128xf32, #tpu.memory_space<vmem>>
        %gather3A_442 = tpu.memref_squeeze %gather3A_441 : memref<1x32x128xf32, #tpu.memory_space<vmem>> -> memref<32x128xf32, #tpu.memory_space<vmem>>
        %gather3A_443 = tpu.vector_load_idx %gather3A_442[%iota3A, %add3A_427] : memref<32x128xf32, #tpu.memory_space<vmem>>[vector<16xi32>, vector<16xi32>], vector<16xf32>,
        %scatter3A_444 = arith.constant 0 : i32
        %scatter3A_445 = arith.constant 0 : i32
        %scatter3A_446 = tpu.memref_slice %arg5[%rem3A_52, %scatter3A_444, %scatter3A_445] : memref<2x32x128xf32, #tpu.memory_space<vmem>> -> memref<1x32x128xf32, #tpu.memory_space<vmem>>
        %scatter3A_447 = tpu.memref_squeeze %scatter3A_446 : memref<1x32x128xf32, #tpu.memory_space<vmem>> -> memref<32x128xf32, #tpu.memory_space<vmem>>
        tpu.vector_store_idx %scatter3A_447[%add3A_431, %add3A_438], %gather3A_443 : memref<32x128xf32, #tpu.memory_space<vmem>>[vector<16xi32>, vector<16xi32>], vector<16xf32>,
        %gather3A_448 = arith.constant 0 : i32
        %gather3A_449 = arith.constant 0 : i32
        %gather3A_450 = tpu.memref_slice %arg4[%rem3A_52, %gather3A_448, %gather3A_449] : memref<2x32x128xf32, #tpu.memory_space<vmem>> -> memref<1x32x128xf32, #tpu.memory_space<vmem>>
        %gather3A_451 = tpu.memref_squeeze %gather3A_450 : memref<1x32x128xf32, #tpu.memory_space<vmem>> -> memref<32x128xf32, #tpu.memory_space<vmem>>
        %gather3A_452 = tpu.vector_load_idx %gather3A_451[%add3A_11, %add3A_427] : memref<32x128xf32, #tpu.memory_space<vmem>>[vector<16xi32>, vector<16xi32>], vector<16xf32>,
        %add3A_453 = arith.constant 16 : i32
        %add3A_454 = vector.broadcast %add3A_453 : i32 to vector<16xi32>
        %add3A_455 = arith.addi %add3A_438, %add3A_454 : vector<16xi32>
        %scatter3A_456 = arith.constant 0 : i32
        %scatter3A_457 = arith.constant 0 : i32
        %scatter3A_458 = tpu.memref_slice %arg5[%rem3A_52, %scatter3A_456, %scatter3A_457] : memref<2x32x128xf32, #tpu.memory_space<vmem>> -> memref<1x32x128xf32, #tpu.memory_space<vmem>>
        %scatter3A_459 = tpu.memref_squeeze %scatter3A_458 : memref<1x32x128xf32, #tpu.memory_space<vmem>> -> memref<32x128xf32, #tpu.memory_space<vmem>>
        tpu.vector_store_idx %scatter3A_459[%add3A_431, %add3A_455], %gather3A_452 : memref<32x128xf32, #tpu.memory_space<vmem>>[vector<16xi32>, vector<16xi32>], vector<16xf32>,
        %add3A_460 = arith.constant 9 : i32
        %add3A_461 = vector.broadcast %add3A_460 : i32 to vector<16xi32>
        %add3A_462 = arith.addi %iota3A, %add3A_461 : vector<16xi32>
        %and3A_463 = arith.constant 15 : i32
        %and3A_464 = vector.broadcast %and3A_463 : i32 to vector<16xi32>
        %and3A_465 = arith.andi %add3A_462, %and3A_464 : vector<16xi32>
        %add3A_466 = vector.broadcast %mul3A_102 : i32 to vector<16xi32>
        %add3A_467 = arith.addi %and3A_465, %add3A_466 : vector<16xi32>
        %shift_right_logical3A_468 = arith.constant 2 : i32
        %shift_right_logical3A_469 = vector.broadcast %shift_right_logical3A_468 : i32 to vector<16xi32>
        %shift_right_logical3A_470 = arith.shrui %and3A_465, %shift_right_logical3A_469 : vector<16xi32>
        %add3A_471 = arith.addi %broadcast_in_dim3A, %shift_right_logical3A_470 : vector<16xi32>
        %and3A_472 = arith.constant 3 : i32
        %and3A_473 = vector.broadcast %and3A_472 : i32 to vector<16xi32>
        %and3A_474 = arith.andi %and3A_465, %and3A_473 : vector<16xi32>
        %shift_left3A_475 = arith.constant 5 : i32
        %shift_left3A_476 = vector.broadcast %shift_left3A_475 : i32 to vector<16xi32>
        %shift_left3A_477 = arith.shli %and3A_474, %shift_left3A_476 : vector<16xi32>
        %add3A_478 = arith.addi %shift_left3A_477, %iota3A : vector<16xi32>
        %gather3A_479 = arith.constant 0 : i32
        %gather3A_480 = arith.constant 0 : i32
        %gather3A_481 = tpu.memref_slice %arg4[%rem3A_52, %gather3A_479, %gather3A_480] : memref<2x32x128xf32, #tpu.memory_space<vmem>> -> memref<1x32x128xf32, #tpu.memory_space<vmem>>
        %gather3A_482 = tpu.memref_squeeze %gather3A_481 : memref<1x32x128xf32, #tpu.memory_space<vmem>> -> memref<32x128xf32, #tpu.memory_space<vmem>>
        %gather3A_483 = tpu.vector_load_idx %gather3A_482[%iota3A, %add3A_467] : memref<32x128xf32, #tpu.memory_space<vmem>>[vector<16xi32>, vector<16xi32>], vector<16xf32>,
        %scatter3A_484 = arith.constant 0 : i32
        %scatter3A_485 = arith.constant 0 : i32
        %scatter3A_486 = tpu.memref_slice %arg5[%rem3A_52, %scatter3A_484, %scatter3A_485] : memref<2x32x128xf32, #tpu.memory_space<vmem>> -> memref<1x32x128xf32, #tpu.memory_space<vmem>>
        %scatter3A_487 = tpu.memref_squeeze %scatter3A_486 : memref<1x32x128xf32, #tpu.memory_space<vmem>> -> memref<32x128xf32, #tpu.memory_space<vmem>>
        tpu.vector_store_idx %scatter3A_487[%add3A_471, %add3A_478], %gather3A_483 : memref<32x128xf32, #tpu.memory_space<vmem>>[vector<16xi32>, vector<16xi32>], vector<16xf32>,
        %gather3A_488 = arith.constant 0 : i32
        %gather3A_489 = arith.constant 0 : i32
        %gather3A_490 = tpu.memref_slice %arg4[%rem3A_52, %gather3A_488, %gather3A_489] : memref<2x32x128xf32, #tpu.memory_space<vmem>> -> memref<1x32x128xf32, #tpu.memory_space<vmem>>
        %gather3A_491 = tpu.memref_squeeze %gather3A_490 : memref<1x32x128xf32, #tpu.memory_space<vmem>> -> memref<32x128xf32, #tpu.memory_space<vmem>>
        %gather3A_492 = tpu.vector_load_idx %gather3A_491[%add3A_11, %add3A_467] : memref<32x128xf32, #tpu.memory_space<vmem>>[vector<16xi32>, vector<16xi32>], vector<16xf32>,
        %add3A_493 = arith.constant 16 : i32
        %add3A_494 = vector.broadcast %add3A_493 : i32 to vector<16xi32>
        %add3A_495 = arith.addi %add3A_478, %add3A_494 : vector<16xi32>
        %scatter3A_496 = arith.constant 0 : i32
        %scatter3A_497 = arith.constant 0 : i32
        %scatter3A_498 = tpu.memref_slice %arg5[%rem3A_52, %scatter3A_496, %scatter3A_497] : memref<2x32x128xf32, #tpu.memory_space<vmem>> -> memref<1x32x128xf32, #tpu.memory_space<vmem>>
        %scatter3A_499 = tpu.memref_squeeze %scatter3A_498 : memref<1x32x128xf32, #tpu.memory_space<vmem>> -> memref<32x128xf32, #tpu.memory_space<vmem>>
        tpu.vector_store_idx %scatter3A_499[%add3A_471, %add3A_495], %gather3A_492 : memref<32x128xf32, #tpu.memory_space<vmem>>[vector<16xi32>, vector<16xi32>], vector<16xf32>,
        %add3A_500 = arith.constant 10 : i32
        %add3A_501 = vector.broadcast %add3A_500 : i32 to vector<16xi32>
        %add3A_502 = arith.addi %iota3A, %add3A_501 : vector<16xi32>
        %and3A_503 = arith.constant 15 : i32
        %and3A_504 = vector.broadcast %and3A_503 : i32 to vector<16xi32>
        %and3A_505 = arith.andi %add3A_502, %and3A_504 : vector<16xi32>
        %add3A_506 = vector.broadcast %mul3A_102 : i32 to vector<16xi32>
        %add3A_507 = arith.addi %and3A_505, %add3A_506 : vector<16xi32>
        %shift_right_logical3A_508 = arith.constant 2 : i32
        %shift_right_logical3A_509 = vector.broadcast %shift_right_logical3A_508 : i32 to vector<16xi32>
        %shift_right_logical3A_510 = arith.shrui %and3A_505, %shift_right_logical3A_509 : vector<16xi32>
        %add3A_511 = arith.addi %broadcast_in_dim3A, %shift_right_logical3A_510 : vector<16xi32>
        %and3A_512 = arith.constant 3 : i32
        %and3A_513 = vector.broadcast %and3A_512 : i32 to vector<16xi32>
        %and3A_514 = arith.andi %and3A_505, %and3A_513 : vector<16xi32>
        %shift_left3A_515 = arith.constant 5 : i32
        %shift_left3A_516 = vector.broadcast %shift_left3A_515 : i32 to vector<16xi32>
        %shift_left3A_517 = arith.shli %and3A_514, %shift_left3A_516 : vector<16xi32>
        %add3A_518 = arith.addi %shift_left3A_517, %iota3A : vector<16xi32>
        %gather3A_519 = arith.constant 0 : i32
        %gather3A_520 = arith.constant 0 : i32
        %gather3A_521 = tpu.memref_slice %arg4[%rem3A_52, %gather3A_519, %gather3A_520] : memref<2x32x128xf32, #tpu.memory_space<vmem>> -> memref<1x32x128xf32, #tpu.memory_space<vmem>>
        %gather3A_522 = tpu.memref_squeeze %gather3A_521 : memref<1x32x128xf32, #tpu.memory_space<vmem>> -> memref<32x128xf32, #tpu.memory_space<vmem>>
        %gather3A_523 = tpu.vector_load_idx %gather3A_522[%iota3A, %add3A_507] : memref<32x128xf32, #tpu.memory_space<vmem>>[vector<16xi32>, vector<16xi32>], vector<16xf32>,
        %scatter3A_524 = arith.constant 0 : i32
        %scatter3A_525 = arith.constant 0 : i32
        %scatter3A_526 = tpu.memref_slice %arg5[%rem3A_52, %scatter3A_524, %scatter3A_525] : memref<2x32x128xf32, #tpu.memory_space<vmem>> -> memref<1x32x128xf32, #tpu.memory_space<vmem>>
        %scatter3A_527 = tpu.memref_squeeze %scatter3A_526 : memref<1x32x128xf32, #tpu.memory_space<vmem>> -> memref<32x128xf32, #tpu.memory_space<vmem>>
        tpu.vector_store_idx %scatter3A_527[%add3A_511, %add3A_518], %gather3A_523 : memref<32x128xf32, #tpu.memory_space<vmem>>[vector<16xi32>, vector<16xi32>], vector<16xf32>,
        %gather3A_528 = arith.constant 0 : i32
        %gather3A_529 = arith.constant 0 : i32
        %gather3A_530 = tpu.memref_slice %arg4[%rem3A_52, %gather3A_528, %gather3A_529] : memref<2x32x128xf32, #tpu.memory_space<vmem>> -> memref<1x32x128xf32, #tpu.memory_space<vmem>>
        %gather3A_531 = tpu.memref_squeeze %gather3A_530 : memref<1x32x128xf32, #tpu.memory_space<vmem>> -> memref<32x128xf32, #tpu.memory_space<vmem>>
        %gather3A_532 = tpu.vector_load_idx %gather3A_531[%add3A_11, %add3A_507] : memref<32x128xf32, #tpu.memory_space<vmem>>[vector<16xi32>, vector<16xi32>], vector<16xf32>,
        %add3A_533 = arith.constant 16 : i32
        %add3A_534 = vector.broadcast %add3A_533 : i32 to vector<16xi32>
        %add3A_535 = arith.addi %add3A_518, %add3A_534 : vector<16xi32>
        %scatter3A_536 = arith.constant 0 : i32
        %scatter3A_537 = arith.constant 0 : i32
        %scatter3A_538 = tpu.memref_slice %arg5[%rem3A_52, %scatter3A_536, %scatter3A_537] : memref<2x32x128xf32, #tpu.memory_space<vmem>> -> memref<1x32x128xf32, #tpu.memory_space<vmem>>
        %scatter3A_539 = tpu.memref_squeeze %scatter3A_538 : memref<1x32x128xf32, #tpu.memory_space<vmem>> -> memref<32x128xf32, #tpu.memory_space<vmem>>
        tpu.vector_store_idx %scatter3A_539[%add3A_511, %add3A_535], %gather3A_532 : memref<32x128xf32, #tpu.memory_space<vmem>>[vector<16xi32>, vector<16xi32>], vector<16xf32>,
        %add3A_540 = arith.constant 11 : i32
        %add3A_541 = vector.broadcast %add3A_540 : i32 to vector<16xi32>
        %add3A_542 = arith.addi %iota3A, %add3A_541 : vector<16xi32>
        %and3A_543 = arith.constant 15 : i32
        %and3A_544 = vector.broadcast %and3A_543 : i32 to vector<16xi32>
        %and3A_545 = arith.andi %add3A_542, %and3A_544 : vector<16xi32>
        %add3A_546 = vector.broadcast %mul3A_102 : i32 to vector<16xi32>
        %add3A_547 = arith.addi %and3A_545, %add3A_546 : vector<16xi32>
        %shift_right_logical3A_548 = arith.constant 2 : i32
        %shift_right_logical3A_549 = vector.broadcast %shift_right_logical3A_548 : i32 to vector<16xi32>
        %shift_right_logical3A_550 = arith.shrui %and3A_545, %shift_right_logical3A_549 : vector<16xi32>
        %add3A_551 = arith.addi %broadcast_in_dim3A, %shift_right_logical3A_550 : vector<16xi32>
        %and3A_552 = arith.constant 3 : i32
        %and3A_553 = vector.broadcast %and3A_552 : i32 to vector<16xi32>
        %and3A_554 = arith.andi %and3A_545, %and3A_553 : vector<16xi32>
        %shift_left3A_555 = arith.constant 5 : i32
        %shift_left3A_556 = vector.broadcast %shift_left3A_555 : i32 to vector<16xi32>
        %shift_left3A_557 = arith.shli %and3A_554, %shift_left3A_556 : vector<16xi32>
        %add3A_558 = arith.addi %shift_left3A_557, %iota3A : vector<16xi32>
        %gather3A_559 = arith.constant 0 : i32
        %gather3A_560 = arith.constant 0 : i32
        %gather3A_561 = tpu.memref_slice %arg4[%rem3A_52, %gather3A_559, %gather3A_560] : memref<2x32x128xf32, #tpu.memory_space<vmem>> -> memref<1x32x128xf32, #tpu.memory_space<vmem>>
        %gather3A_562 = tpu.memref_squeeze %gather3A_561 : memref<1x32x128xf32, #tpu.memory_space<vmem>> -> memref<32x128xf32, #tpu.memory_space<vmem>>
        %gather3A_563 = tpu.vector_load_idx %gather3A_562[%iota3A, %add3A_547] : memref<32x128xf32, #tpu.memory_space<vmem>>[vector<16xi32>, vector<16xi32>], vector<16xf32>,
        %scatter3A_564 = arith.constant 0 : i32
        %scatter3A_565 = arith.constant 0 : i32
        %scatter3A_566 = tpu.memref_slice %arg5[%rem3A_52, %scatter3A_564, %scatter3A_565] : memref<2x32x128xf32, #tpu.memory_space<vmem>> -> memref<1x32x128xf32, #tpu.memory_space<vmem>>
        %scatter3A_567 = tpu.memref_squeeze %scatter3A_566 : memref<1x32x128xf32, #tpu.memory_space<vmem>> -> memref<32x128xf32, #tpu.memory_space<vmem>>
        tpu.vector_store_idx %scatter3A_567[%add3A_551, %add3A_558], %gather3A_563 : memref<32x128xf32, #tpu.memory_space<vmem>>[vector<16xi32>, vector<16xi32>], vector<16xf32>,
        %gather3A_568 = arith.constant 0 : i32
        %gather3A_569 = arith.constant 0 : i32
        %gather3A_570 = tpu.memref_slice %arg4[%rem3A_52, %gather3A_568, %gather3A_569] : memref<2x32x128xf32, #tpu.memory_space<vmem>> -> memref<1x32x128xf32, #tpu.memory_space<vmem>>
        %gather3A_571 = tpu.memref_squeeze %gather3A_570 : memref<1x32x128xf32, #tpu.memory_space<vmem>> -> memref<32x128xf32, #tpu.memory_space<vmem>>
        %gather3A_572 = tpu.vector_load_idx %gather3A_571[%add3A_11, %add3A_547] : memref<32x128xf32, #tpu.memory_space<vmem>>[vector<16xi32>, vector<16xi32>], vector<16xf32>,
        %add3A_573 = arith.constant 16 : i32
        %add3A_574 = vector.broadcast %add3A_573 : i32 to vector<16xi32>
        %add3A_575 = arith.addi %add3A_558, %add3A_574 : vector<16xi32>
        %scatter3A_576 = arith.constant 0 : i32
        %scatter3A_577 = arith.constant 0 : i32
        %scatter3A_578 = tpu.memref_slice %arg5[%rem3A_52, %scatter3A_576, %scatter3A_577] : memref<2x32x128xf32, #tpu.memory_space<vmem>> -> memref<1x32x128xf32, #tpu.memory_space<vmem>>
        %scatter3A_579 = tpu.memref_squeeze %scatter3A_578 : memref<1x32x128xf32, #tpu.memory_space<vmem>> -> memref<32x128xf32, #tpu.memory_space<vmem>>
        tpu.vector_store_idx %scatter3A_579[%add3A_551, %add3A_575], %gather3A_572 : memref<32x128xf32, #tpu.memory_space<vmem>>[vector<16xi32>, vector<16xi32>], vector<16xf32>,
        %add3A_580 = arith.constant 12 : i32
        %add3A_581 = vector.broadcast %add3A_580 : i32 to vector<16xi32>
        %add3A_582 = arith.addi %iota3A, %add3A_581 : vector<16xi32>
        %and3A_583 = arith.constant 15 : i32
        %and3A_584 = vector.broadcast %and3A_583 : i32 to vector<16xi32>
        %and3A_585 = arith.andi %add3A_582, %and3A_584 : vector<16xi32>
        %add3A_586 = vector.broadcast %mul3A_102 : i32 to vector<16xi32>
        %add3A_587 = arith.addi %and3A_585, %add3A_586 : vector<16xi32>
        %shift_right_logical3A_588 = arith.constant 2 : i32
        %shift_right_logical3A_589 = vector.broadcast %shift_right_logical3A_588 : i32 to vector<16xi32>
        %shift_right_logical3A_590 = arith.shrui %and3A_585, %shift_right_logical3A_589 : vector<16xi32>
        %add3A_591 = arith.addi %broadcast_in_dim3A, %shift_right_logical3A_590 : vector<16xi32>
        %and3A_592 = arith.constant 3 : i32
        %and3A_593 = vector.broadcast %and3A_592 : i32 to vector<16xi32>
        %and3A_594 = arith.andi %and3A_585, %and3A_593 : vector<16xi32>
        %shift_left3A_595 = arith.constant 5 : i32
        %shift_left3A_596 = vector.broadcast %shift_left3A_595 : i32 to vector<16xi32>
        %shift_left3A_597 = arith.shli %and3A_594, %shift_left3A_596 : vector<16xi32>
        %add3A_598 = arith.addi %shift_left3A_597, %iota3A : vector<16xi32>
        %gather3A_599 = arith.constant 0 : i32
        %gather3A_600 = arith.constant 0 : i32
        %gather3A_601 = tpu.memref_slice %arg4[%rem3A_52, %gather3A_599, %gather3A_600] : memref<2x32x128xf32, #tpu.memory_space<vmem>> -> memref<1x32x128xf32, #tpu.memory_space<vmem>>
        %gather3A_602 = tpu.memref_squeeze %gather3A_601 : memref<1x32x128xf32, #tpu.memory_space<vmem>> -> memref<32x128xf32, #tpu.memory_space<vmem>>
        %gather3A_603 = tpu.vector_load_idx %gather3A_602[%iota3A, %add3A_587] : memref<32x128xf32, #tpu.memory_space<vmem>>[vector<16xi32>, vector<16xi32>], vector<16xf32>,
        %scatter3A_604 = arith.constant 0 : i32
        %scatter3A_605 = arith.constant 0 : i32
        %scatter3A_606 = tpu.memref_slice %arg5[%rem3A_52, %scatter3A_604, %scatter3A_605] : memref<2x32x128xf32, #tpu.memory_space<vmem>> -> memref<1x32x128xf32, #tpu.memory_space<vmem>>
        %scatter3A_607 = tpu.memref_squeeze %scatter3A_606 : memref<1x32x128xf32, #tpu.memory_space<vmem>> -> memref<32x128xf32, #tpu.memory_space<vmem>>
        tpu.vector_store_idx %scatter3A_607[%add3A_591, %add3A_598], %gather3A_603 : memref<32x128xf32, #tpu.memory_space<vmem>>[vector<16xi32>, vector<16xi32>], vector<16xf32>,
        %gather3A_608 = arith.constant 0 : i32
        %gather3A_609 = arith.constant 0 : i32
        %gather3A_610 = tpu.memref_slice %arg4[%rem3A_52, %gather3A_608, %gather3A_609] : memref<2x32x128xf32, #tpu.memory_space<vmem>> -> memref<1x32x128xf32, #tpu.memory_space<vmem>>
        %gather3A_611 = tpu.memref_squeeze %gather3A_610 : memref<1x32x128xf32, #tpu.memory_space<vmem>> -> memref<32x128xf32, #tpu.memory_space<vmem>>
        %gather3A_612 = tpu.vector_load_idx %gather3A_611[%add3A_11, %add3A_587] : memref<32x128xf32, #tpu.memory_space<vmem>>[vector<16xi32>, vector<16xi32>], vector<16xf32>,
        %add3A_613 = arith.constant 16 : i32
        %add3A_614 = vector.broadcast %add3A_613 : i32 to vector<16xi32>
        %add3A_615 = arith.addi %add3A_598, %add3A_614 : vector<16xi32>
        %scatter3A_616 = arith.constant 0 : i32
        %scatter3A_617 = arith.constant 0 : i32
        %scatter3A_618 = tpu.memref_slice %arg5[%rem3A_52, %scatter3A_616, %scatter3A_617] : memref<2x32x128xf32, #tpu.memory_space<vmem>> -> memref<1x32x128xf32, #tpu.memory_space<vmem>>
        %scatter3A_619 = tpu.memref_squeeze %scatter3A_618 : memref<1x32x128xf32, #tpu.memory_space<vmem>> -> memref<32x128xf32, #tpu.memory_space<vmem>>
        tpu.vector_store_idx %scatter3A_619[%add3A_591, %add3A_615], %gather3A_612 : memref<32x128xf32, #tpu.memory_space<vmem>>[vector<16xi32>, vector<16xi32>], vector<16xf32>,
        %add3A_620 = arith.constant 13 : i32
        %add3A_621 = vector.broadcast %add3A_620 : i32 to vector<16xi32>
        %add3A_622 = arith.addi %iota3A, %add3A_621 : vector<16xi32>
        %and3A_623 = arith.constant 15 : i32
        %and3A_624 = vector.broadcast %and3A_623 : i32 to vector<16xi32>
        %and3A_625 = arith.andi %add3A_622, %and3A_624 : vector<16xi32>
        %add3A_626 = vector.broadcast %mul3A_102 : i32 to vector<16xi32>
        %add3A_627 = arith.addi %and3A_625, %add3A_626 : vector<16xi32>
        %shift_right_logical3A_628 = arith.constant 2 : i32
        %shift_right_logical3A_629 = vector.broadcast %shift_right_logical3A_628 : i32 to vector<16xi32>
        %shift_right_logical3A_630 = arith.shrui %and3A_625, %shift_right_logical3A_629 : vector<16xi32>
        %add3A_631 = arith.addi %broadcast_in_dim3A, %shift_right_logical3A_630 : vector<16xi32>
        %and3A_632 = arith.constant 3 : i32
        %and3A_633 = vector.broadcast %and3A_632 : i32 to vector<16xi32>
        %and3A_634 = arith.andi %and3A_625, %and3A_633 : vector<16xi32>
        %shift_left3A_635 = arith.constant 5 : i32
        %shift_left3A_636 = vector.broadcast %shift_left3A_635 : i32 to vector<16xi32>
        %shift_left3A_637 = arith.shli %and3A_634, %shift_left3A_636 : vector<16xi32>
        %add3A_638 = arith.addi %shift_left3A_637, %iota3A : vector<16xi32>
        %gather3A_639 = arith.constant 0 : i32
        %gather3A_640 = arith.constant 0 : i32
        %gather3A_641 = tpu.memref_slice %arg4[%rem3A_52, %gather3A_639, %gather3A_640] : memref<2x32x128xf32, #tpu.memory_space<vmem>> -> memref<1x32x128xf32, #tpu.memory_space<vmem>>
        %gather3A_642 = tpu.memref_squeeze %gather3A_641 : memref<1x32x128xf32, #tpu.memory_space<vmem>> -> memref<32x128xf32, #tpu.memory_space<vmem>>
        %gather3A_643 = tpu.vector_load_idx %gather3A_642[%iota3A, %add3A_627] : memref<32x128xf32, #tpu.memory_space<vmem>>[vector<16xi32>, vector<16xi32>], vector<16xf32>,
        %scatter3A_644 = arith.constant 0 : i32
        %scatter3A_645 = arith.constant 0 : i32
        %scatter3A_646 = tpu.memref_slice %arg5[%rem3A_52, %scatter3A_644, %scatter3A_645] : memref<2x32x128xf32, #tpu.memory_space<vmem>> -> memref<1x32x128xf32, #tpu.memory_space<vmem>>
        %scatter3A_647 = tpu.memref_squeeze %scatter3A_646 : memref<1x32x128xf32, #tpu.memory_space<vmem>> -> memref<32x128xf32, #tpu.memory_space<vmem>>
        tpu.vector_store_idx %scatter3A_647[%add3A_631, %add3A_638], %gather3A_643 : memref<32x128xf32, #tpu.memory_space<vmem>>[vector<16xi32>, vector<16xi32>], vector<16xf32>,
        %gather3A_648 = arith.constant 0 : i32
        %gather3A_649 = arith.constant 0 : i32
        %gather3A_650 = tpu.memref_slice %arg4[%rem3A_52, %gather3A_648, %gather3A_649] : memref<2x32x128xf32, #tpu.memory_space<vmem>> -> memref<1x32x128xf32, #tpu.memory_space<vmem>>
        %gather3A_651 = tpu.memref_squeeze %gather3A_650 : memref<1x32x128xf32, #tpu.memory_space<vmem>> -> memref<32x128xf32, #tpu.memory_space<vmem>>
        %gather3A_652 = tpu.vector_load_idx %gather3A_651[%add3A_11, %add3A_627] : memref<32x128xf32, #tpu.memory_space<vmem>>[vector<16xi32>, vector<16xi32>], vector<16xf32>,
        %add3A_653 = arith.constant 16 : i32
        %add3A_654 = vector.broadcast %add3A_653 : i32 to vector<16xi32>
        %add3A_655 = arith.addi %add3A_638, %add3A_654 : vector<16xi32>
        %scatter3A_656 = arith.constant 0 : i32
        %scatter3A_657 = arith.constant 0 : i32
        %scatter3A_658 = tpu.memref_slice %arg5[%rem3A_52, %scatter3A_656, %scatter3A_657] : memref<2x32x128xf32, #tpu.memory_space<vmem>> -> memref<1x32x128xf32, #tpu.memory_space<vmem>>
        %scatter3A_659 = tpu.memref_squeeze %scatter3A_658 : memref<1x32x128xf32, #tpu.memory_space<vmem>> -> memref<32x128xf32, #tpu.memory_space<vmem>>
        tpu.vector_store_idx %scatter3A_659[%add3A_631, %add3A_655], %gather3A_652 : memref<32x128xf32, #tpu.memory_space<vmem>>[vector<16xi32>, vector<16xi32>], vector<16xf32>,
        %add3A_660 = arith.constant 14 : i32
        %add3A_661 = vector.broadcast %add3A_660 : i32 to vector<16xi32>
        %add3A_662 = arith.addi %iota3A, %add3A_661 : vector<16xi32>
        %and3A_663 = arith.constant 15 : i32
        %and3A_664 = vector.broadcast %and3A_663 : i32 to vector<16xi32>
        %and3A_665 = arith.andi %add3A_662, %and3A_664 : vector<16xi32>
        %add3A_666 = vector.broadcast %mul3A_102 : i32 to vector<16xi32>
        %add3A_667 = arith.addi %and3A_665, %add3A_666 : vector<16xi32>
        %shift_right_logical3A_668 = arith.constant 2 : i32
        %shift_right_logical3A_669 = vector.broadcast %shift_right_logical3A_668 : i32 to vector<16xi32>
        %shift_right_logical3A_670 = arith.shrui %and3A_665, %shift_right_logical3A_669 : vector<16xi32>
        %add3A_671 = arith.addi %broadcast_in_dim3A, %shift_right_logical3A_670 : vector<16xi32>
        %and3A_672 = arith.constant 3 : i32
        %and3A_673 = vector.broadcast %and3A_672 : i32 to vector<16xi32>
        %and3A_674 = arith.andi %and3A_665, %and3A_673 : vector<16xi32>
        %shift_left3A_675 = arith.constant 5 : i32
        %shift_left3A_676 = vector.broadcast %shift_left3A_675 : i32 to vector<16xi32>
        %shift_left3A_677 = arith.shli %and3A_674, %shift_left3A_676 : vector<16xi32>
        %add3A_678 = arith.addi %shift_left3A_677, %iota3A : vector<16xi32>
        %gather3A_679 = arith.constant 0 : i32
        %gather3A_680 = arith.constant 0 : i32
        %gather3A_681 = tpu.memref_slice %arg4[%rem3A_52, %gather3A_679, %gather3A_680] : memref<2x32x128xf32, #tpu.memory_space<vmem>> -> memref<1x32x128xf32, #tpu.memory_space<vmem>>
        %gather3A_682 = tpu.memref_squeeze %gather3A_681 : memref<1x32x128xf32, #tpu.memory_space<vmem>> -> memref<32x128xf32, #tpu.memory_space<vmem>>
        %gather3A_683 = tpu.vector_load_idx %gather3A_682[%iota3A, %add3A_667] : memref<32x128xf32, #tpu.memory_space<vmem>>[vector<16xi32>, vector<16xi32>], vector<16xf32>,
        %scatter3A_684 = arith.constant 0 : i32
        %scatter3A_685 = arith.constant 0 : i32
        %scatter3A_686 = tpu.memref_slice %arg5[%rem3A_52, %scatter3A_684, %scatter3A_685] : memref<2x32x128xf32, #tpu.memory_space<vmem>> -> memref<1x32x128xf32, #tpu.memory_space<vmem>>
        %scatter3A_687 = tpu.memref_squeeze %scatter3A_686 : memref<1x32x128xf32, #tpu.memory_space<vmem>> -> memref<32x128xf32, #tpu.memory_space<vmem>>
        tpu.vector_store_idx %scatter3A_687[%add3A_671, %add3A_678], %gather3A_683 : memref<32x128xf32, #tpu.memory_space<vmem>>[vector<16xi32>, vector<16xi32>], vector<16xf32>,
        %gather3A_688 = arith.constant 0 : i32
        %gather3A_689 = arith.constant 0 : i32
        %gather3A_690 = tpu.memref_slice %arg4[%rem3A_52, %gather3A_688, %gather3A_689] : memref<2x32x128xf32, #tpu.memory_space<vmem>> -> memref<1x32x128xf32, #tpu.memory_space<vmem>>
        %gather3A_691 = tpu.memref_squeeze %gather3A_690 : memref<1x32x128xf32, #tpu.memory_space<vmem>> -> memref<32x128xf32, #tpu.memory_space<vmem>>
        %gather3A_692 = tpu.vector_load_idx %gather3A_691[%add3A_11, %add3A_667] : memref<32x128xf32, #tpu.memory_space<vmem>>[vector<16xi32>, vector<16xi32>], vector<16xf32>,
        %add3A_693 = arith.constant 16 : i32
        %add3A_694 = vector.broadcast %add3A_693 : i32 to vector<16xi32>
        %add3A_695 = arith.addi %add3A_678, %add3A_694 : vector<16xi32>
        %scatter3A_696 = arith.constant 0 : i32
        %scatter3A_697 = arith.constant 0 : i32
        %scatter3A_698 = tpu.memref_slice %arg5[%rem3A_52, %scatter3A_696, %scatter3A_697] : memref<2x32x128xf32, #tpu.memory_space<vmem>> -> memref<1x32x128xf32, #tpu.memory_space<vmem>>
        %scatter3A_699 = tpu.memref_squeeze %scatter3A_698 : memref<1x32x128xf32, #tpu.memory_space<vmem>> -> memref<32x128xf32, #tpu.memory_space<vmem>>
        tpu.vector_store_idx %scatter3A_699[%add3A_671, %add3A_695], %gather3A_692 : memref<32x128xf32, #tpu.memory_space<vmem>>[vector<16xi32>, vector<16xi32>], vector<16xf32>,
        %add3A_700 = arith.constant 15 : i32
        %add3A_701 = vector.broadcast %add3A_700 : i32 to vector<16xi32>
        %add3A_702 = arith.addi %iota3A, %add3A_701 : vector<16xi32>
        %and3A_703 = arith.constant 15 : i32
        %and3A_704 = vector.broadcast %and3A_703 : i32 to vector<16xi32>
        %and3A_705 = arith.andi %add3A_702, %and3A_704 : vector<16xi32>
        %add3A_706 = vector.broadcast %mul3A_102 : i32 to vector<16xi32>
        %add3A_707 = arith.addi %and3A_705, %add3A_706 : vector<16xi32>
        %shift_right_logical3A_708 = arith.constant 2 : i32
        %shift_right_logical3A_709 = vector.broadcast %shift_right_logical3A_708 : i32 to vector<16xi32>
        %shift_right_logical3A_710 = arith.shrui %and3A_705, %shift_right_logical3A_709 : vector<16xi32>
        %add3A_711 = arith.addi %broadcast_in_dim3A, %shift_right_logical3A_710 : vector<16xi32>
        %and3A_712 = arith.constant 3 : i32
        %and3A_713 = vector.broadcast %and3A_712 : i32 to vector<16xi32>
        %and3A_714 = arith.andi %and3A_705, %and3A_713 : vector<16xi32>
        %shift_left3A_715 = arith.constant 5 : i32
        %shift_left3A_716 = vector.broadcast %shift_left3A_715 : i32 to vector<16xi32>
        %shift_left3A_717 = arith.shli %and3A_714, %shift_left3A_716 : vector<16xi32>
        %add3A_718 = arith.addi %shift_left3A_717, %iota3A : vector<16xi32>
        %gather3A_719 = arith.constant 0 : i32
        %gather3A_720 = arith.constant 0 : i32
        %gather3A_721 = tpu.memref_slice %arg4[%rem3A_52, %gather3A_719, %gather3A_720] : memref<2x32x128xf32, #tpu.memory_space<vmem>> -> memref<1x32x128xf32, #tpu.memory_space<vmem>>
        %gather3A_722 = tpu.memref_squeeze %gather3A_721 : memref<1x32x128xf32, #tpu.memory_space<vmem>> -> memref<32x128xf32, #tpu.memory_space<vmem>>
        %gather3A_723 = tpu.vector_load_idx %gather3A_722[%iota3A, %add3A_707] : memref<32x128xf32, #tpu.memory_space<vmem>>[vector<16xi32>, vector<16xi32>], vector<16xf32>,
        %scatter3A_724 = arith.constant 0 : i32
        %scatter3A_725 = arith.constant 0 : i32
        %scatter3A_726 = tpu.memref_slice %arg5[%rem3A_52, %scatter3A_724, %scatter3A_725] : memref<2x32x128xf32, #tpu.memory_space<vmem>> -> memref<1x32x128xf32, #tpu.memory_space<vmem>>
        %scatter3A_727 = tpu.memref_squeeze %scatter3A_726 : memref<1x32x128xf32, #tpu.memory_space<vmem>> -> memref<32x128xf32, #tpu.memory_space<vmem>>
        tpu.vector_store_idx %scatter3A_727[%add3A_711, %add3A_718], %gather3A_723 : memref<32x128xf32, #tpu.memory_space<vmem>>[vector<16xi32>, vector<16xi32>], vector<16xf32>,
        %gather3A_728 = arith.constant 0 : i32
        %gather3A_729 = arith.constant 0 : i32
        %gather3A_730 = tpu.memref_slice %arg4[%rem3A_52, %gather3A_728, %gather3A_729] : memref<2x32x128xf32, #tpu.memory_space<vmem>> -> memref<1x32x128xf32, #tpu.memory_space<vmem>>
        %gather3A_731 = tpu.memref_squeeze %gather3A_730 : memref<1x32x128xf32, #tpu.memory_space<vmem>> -> memref<32x128xf32, #tpu.memory_space<vmem>>
        %gather3A_732 = tpu.vector_load_idx %gather3A_731[%add3A_11, %add3A_707] : memref<32x128xf32, #tpu.memory_space<vmem>>[vector<16xi32>, vector<16xi32>], vector<16xf32>,
        %add3A_733 = arith.constant 16 : i32
        %add3A_734 = vector.broadcast %add3A_733 : i32 to vector<16xi32>
        %add3A_735 = arith.addi %add3A_718, %add3A_734 : vector<16xi32>
        %scatter3A_736 = arith.constant 0 : i32
        %scatter3A_737 = arith.constant 0 : i32
        %scatter3A_738 = tpu.memref_slice %arg5[%rem3A_52, %scatter3A_736, %scatter3A_737] : memref<2x32x128xf32, #tpu.memory_space<vmem>> -> memref<1x32x128xf32, #tpu.memory_space<vmem>>
        %scatter3A_739 = tpu.memref_squeeze %scatter3A_738 : memref<1x32x128xf32, #tpu.memory_space<vmem>> -> memref<32x128xf32, #tpu.memory_space<vmem>>
        tpu.vector_store_idx %scatter3A_739[%add3A_711, %add3A_735], %gather3A_732 : memref<32x128xf32, #tpu.memory_space<vmem>>[vector<16xi32>, vector<16xi32>], vector<16xf32>,
        %scan3A_740 = arith.constant 1 : i32
        %scan3A_741 = arith.addi %scan3A_96, %scan3A_740 : i32
        %mul3A_742 = arith.constant 1 : i32
        %mul3A_743 = arith.muli %scan3A_741, %mul3A_742 : i32
        %add3A_744 = arith.constant 0 : i32
        %add3A_745 = arith.addi %add3A_744, %mul3A_743 : i32
        %mul3A_746 = arith.constant 16 : i32
        %mul3A_747 = arith.muli %add3A_745, %mul3A_746 : i32
        %mul3A_748 = arith.constant 4 : i32
        %mul3A_749 = arith.muli %add3A_745, %mul3A_748 : i32
        %broadcast_in_dim3A_750 = vector.broadcast %mul3A_749 : i32 to vector<16xi32>
        %add3A_751 = arith.constant 0 : i32
        %add3A_752 = vector.broadcast %add3A_751 : i32 to vector<16xi32>
        %add3A_753 = arith.addi %iota3A, %add3A_752 : vector<16xi32>
        %and3A_754 = arith.constant 15 : i32
        %and3A_755 = vector.broadcast %and3A_754 : i32 to vector<16xi32>
        %and3A_756 = arith.andi %add3A_753, %and3A_755 : vector<16xi32>
        %add3A_757 = vector.broadcast %mul3A_747 : i32 to vector<16xi32>
        %add3A_758 = arith.addi %and3A_756, %add3A_757 : vector<16xi32>
        %shift_right_logical3A_759 = arith.constant 2 : i32
        %shift_right_logical3A_760 = vector.broadcast %shift_right_logical3A_759 : i32 to vector<16xi32>
        %shift_right_logical3A_761 = arith.shrui %and3A_756, %shift_right_logical3A_760 : vector<16xi32>
        %add3A_762 = arith.addi %broadcast_in_dim3A_750, %shift_right_logical3A_761 : vector<16xi32>
        %and3A_763 = arith.constant 3 : i32
        %and3A_764 = vector.broadcast %and3A_763 : i32 to vector<16xi32>
        %and3A_765 = arith.andi %and3A_756, %and3A_764 : vector<16xi32>
        %shift_left3A_766 = arith.constant 5 : i32
        %shift_left3A_767 = vector.broadcast %shift_left3A_766 : i32 to vector<16xi32>
        %shift_left3A_768 = arith.shli %and3A_765, %shift_left3A_767 : vector<16xi32>
        %add3A_769 = arith.addi %shift_left3A_768, %iota3A : vector<16xi32>
        %gather3A_770 = arith.constant 0 : i32
        %gather3A_771 = arith.constant 0 : i32
        %gather3A_772 = tpu.memref_slice %arg4[%rem3A_52, %gather3A_770, %gather3A_771] : memref<2x32x128xf32, #tpu.memory_space<vmem>> -> memref<1x32x128xf32, #tpu.memory_space<vmem>>
        %gather3A_773 = tpu.memref_squeeze %gather3A_772 : memref<1x32x128xf32, #tpu.memory_space<vmem>> -> memref<32x128xf32, #tpu.memory_space<vmem>>
        %gather3A_774 = tpu.vector_load_idx %gather3A_773[%iota3A, %add3A_758] : memref<32x128xf32, #tpu.memory_space<vmem>>[vector<16xi32>, vector<16xi32>], vector<16xf32>,
        %scatter3A_775 = arith.constant 0 : i32
        %scatter3A_776 = arith.constant 0 : i32
        %scatter3A_777 = tpu.memref_slice %arg5[%rem3A_52, %scatter3A_775, %scatter3A_776] : memref<2x32x128xf32, #tpu.memory_space<vmem>> -> memref<1x32x128xf32, #tpu.memory_space<vmem>>
        %scatter3A_778 = tpu.memref_squeeze %scatter3A_777 : memref<1x32x128xf32, #tpu.memory_space<vmem>> -> memref<32x128xf32, #tpu.memory_space<vmem>>
        tpu.vector_store_idx %scatter3A_778[%add3A_762, %add3A_769], %gather3A_774 : memref<32x128xf32, #tpu.memory_space<vmem>>[vector<16xi32>, vector<16xi32>], vector<16xf32>,
        %gather3A_779 = arith.constant 0 : i32
        %gather3A_780 = arith.constant 0 : i32
        %gather3A_781 = tpu.memref_slice %arg4[%rem3A_52, %gather3A_779, %gather3A_780] : memref<2x32x128xf32, #tpu.memory_space<vmem>> -> memref<1x32x128xf32, #tpu.memory_space<vmem>>
        %gather3A_782 = tpu.memref_squeeze %gather3A_781 : memref<1x32x128xf32, #tpu.memory_space<vmem>> -> memref<32x128xf32, #tpu.memory_space<vmem>>
        %gather3A_783 = tpu.vector_load_idx %gather3A_782[%add3A_11, %add3A_758] : memref<32x128xf32, #tpu.memory_space<vmem>>[vector<16xi32>, vector<16xi32>], vector<16xf32>,
        %add3A_784 = arith.constant 16 : i32
        %add3A_785 = vector.broadcast %add3A_784 : i32 to vector<16xi32>
        %add3A_786 = arith.addi %add3A_769, %add3A_785 : vector<16xi32>
        %scatter3A_787 = arith.constant 0 : i32
        %scatter3A_788 = arith.constant 0 : i32
        %scatter3A_789 = tpu.memref_slice %arg5[%rem3A_52, %scatter3A_787, %scatter3A_788] : memref<2x32x128xf32, #tpu.memory_space<vmem>> -> memref<1x32x128xf32, #tpu.memory_space<vmem>>
        %scatter3A_790 = tpu.memref_squeeze %scatter3A_789 : memref<1x32x128xf32, #tpu.memory_space<vmem>> -> memref<32x128xf32, #tpu.memory_space<vmem>>
        tpu.vector_store_idx %scatter3A_790[%add3A_762, %add3A_786], %gather3A_783 : memref<32x128xf32, #tpu.memory_space<vmem>>[vector<16xi32>, vector<16xi32>], vector<16xf32>,
        %add3A_791 = arith.constant 1 : i32
        %add3A_792 = vector.broadcast %add3A_791 : i32 to vector<16xi32>
        %add3A_793 = arith.addi %iota3A, %add3A_792 : vector<16xi32>
        %and3A_794 = arith.constant 15 : i32
        %and3A_795 = vector.broadcast %and3A_794 : i32 to vector<16xi32>
        %and3A_796 = arith.andi %add3A_793, %and3A_795 : vector<16xi32>
        %add3A_797 = vector.broadcast %mul3A_747 : i32 to vector<16xi32>
        %add3A_798 = arith.addi %and3A_796, %add3A_797 : vector<16xi32>
        %shift_right_logical3A_799 = arith.constant 2 : i32
        %shift_right_logical3A_800 = vector.broadcast %shift_right_logical3A_799 : i32 to vector<16xi32>
        %shift_right_logical3A_801 = arith.shrui %and3A_796, %shift_right_logical3A_800 : vector<16xi32>
        %add3A_802 = arith.addi %broadcast_in_dim3A_750, %shift_right_logical3A_801 : vector<16xi32>
        %and3A_803 = arith.constant 3 : i32
        %and3A_804 = vector.broadcast %and3A_803 : i32 to vector<16xi32>
        %and3A_805 = arith.andi %and3A_796, %and3A_804 : vector<16xi32>
        %shift_left3A_806 = arith.constant 5 : i32
        %shift_left3A_807 = vector.broadcast %shift_left3A_806 : i32 to vector<16xi32>
        %shift_left3A_808 = arith.shli %and3A_805, %shift_left3A_807 : vector<16xi32>
        %add3A_809 = arith.addi %shift_left3A_808, %iota3A : vector<16xi32>
        %gather3A_810 = arith.constant 0 : i32
        %gather3A_811 = arith.constant 0 : i32
        %gather3A_812 = tpu.memref_slice %arg4[%rem3A_52, %gather3A_810, %gather3A_811] : memref<2x32x128xf32, #tpu.memory_space<vmem>> -> memref<1x32x128xf32, #tpu.memory_space<vmem>>
        %gather3A_813 = tpu.memref_squeeze %gather3A_812 : memref<1x32x128xf32, #tpu.memory_space<vmem>> -> memref<32x128xf32, #tpu.memory_space<vmem>>
        %gather3A_814 = tpu.vector_load_idx %gather3A_813[%iota3A, %add3A_798] : memref<32x128xf32, #tpu.memory_space<vmem>>[vector<16xi32>, vector<16xi32>], vector<16xf32>,
        %scatter3A_815 = arith.constant 0 : i32
        %scatter3A_816 = arith.constant 0 : i32
        %scatter3A_817 = tpu.memref_slice %arg5[%rem3A_52, %scatter3A_815, %scatter3A_816] : memref<2x32x128xf32, #tpu.memory_space<vmem>> -> memref<1x32x128xf32, #tpu.memory_space<vmem>>
        %scatter3A_818 = tpu.memref_squeeze %scatter3A_817 : memref<1x32x128xf32, #tpu.memory_space<vmem>> -> memref<32x128xf32, #tpu.memory_space<vmem>>
        tpu.vector_store_idx %scatter3A_818[%add3A_802, %add3A_809], %gather3A_814 : memref<32x128xf32, #tpu.memory_space<vmem>>[vector<16xi32>, vector<16xi32>], vector<16xf32>,
        %gather3A_819 = arith.constant 0 : i32
        %gather3A_820 = arith.constant 0 : i32
        %gather3A_821 = tpu.memref_slice %arg4[%rem3A_52, %gather3A_819, %gather3A_820] : memref<2x32x128xf32, #tpu.memory_space<vmem>> -> memref<1x32x128xf32, #tpu.memory_space<vmem>>
        %gather3A_822 = tpu.memref_squeeze %gather3A_821 : memref<1x32x128xf32, #tpu.memory_space<vmem>> -> memref<32x128xf32, #tpu.memory_space<vmem>>
        %gather3A_823 = tpu.vector_load_idx %gather3A_822[%add3A_11, %add3A_798] : memref<32x128xf32, #tpu.memory_space<vmem>>[vector<16xi32>, vector<16xi32>], vector<16xf32>,
        %add3A_824 = arith.constant 16 : i32
        %add3A_825 = vector.broadcast %add3A_824 : i32 to vector<16xi32>
        %add3A_826 = arith.addi %add3A_809, %add3A_825 : vector<16xi32>
        %scatter3A_827 = arith.constant 0 : i32
        %scatter3A_828 = arith.constant 0 : i32
        %scatter3A_829 = tpu.memref_slice %arg5[%rem3A_52, %scatter3A_827, %scatter3A_828] : memref<2x32x128xf32, #tpu.memory_space<vmem>> -> memref<1x32x128xf32, #tpu.memory_space<vmem>>
        %scatter3A_830 = tpu.memref_squeeze %scatter3A_829 : memref<1x32x128xf32, #tpu.memory_space<vmem>> -> memref<32x128xf32, #tpu.memory_space<vmem>>
        tpu.vector_store_idx %scatter3A_830[%add3A_802, %add3A_826], %gather3A_823 : memref<32x128xf32, #tpu.memory_space<vmem>>[vector<16xi32>, vector<16xi32>], vector<16xf32>,
        %add3A_831 = arith.constant 2 : i32
        %add3A_832 = vector.broadcast %add3A_831 : i32 to vector<16xi32>
        %add3A_833 = arith.addi %iota3A, %add3A_832 : vector<16xi32>
        %and3A_834 = arith.constant 15 : i32
        %and3A_835 = vector.broadcast %and3A_834 : i32 to vector<16xi32>
        %and3A_836 = arith.andi %add3A_833, %and3A_835 : vector<16xi32>
        %add3A_837 = vector.broadcast %mul3A_747 : i32 to vector<16xi32>
        %add3A_838 = arith.addi %and3A_836, %add3A_837 : vector<16xi32>
        %shift_right_logical3A_839 = arith.constant 2 : i32
        %shift_right_logical3A_840 = vector.broadcast %shift_right_logical3A_839 : i32 to vector<16xi32>
        %shift_right_logical3A_841 = arith.shrui %and3A_836, %shift_right_logical3A_840 : vector<16xi32>
        %add3A_842 = arith.addi %broadcast_in_dim3A_750, %shift_right_logical3A_841 : vector<16xi32>
        %and3A_843 = arith.constant 3 : i32
        %and3A_844 = vector.broadcast %and3A_843 : i32 to vector<16xi32>
        %and3A_845 = arith.andi %and3A_836, %and3A_844 : vector<16xi32>
        %shift_left3A_846 = arith.constant 5 : i32
        %shift_left3A_847 = vector.broadcast %shift_left3A_846 : i32 to vector<16xi32>
        %shift_left3A_848 = arith.shli %and3A_845, %shift_left3A_847 : vector<16xi32>
        %add3A_849 = arith.addi %shift_left3A_848, %iota3A : vector<16xi32>
        %gather3A_850 = arith.constant 0 : i32
        %gather3A_851 = arith.constant 0 : i32
        %gather3A_852 = tpu.memref_slice %arg4[%rem3A_52, %gather3A_850, %gather3A_851] : memref<2x32x128xf32, #tpu.memory_space<vmem>> -> memref<1x32x128xf32, #tpu.memory_space<vmem>>
        %gather3A_853 = tpu.memref_squeeze %gather3A_852 : memref<1x32x128xf32, #tpu.memory_space<vmem>> -> memref<32x128xf32, #tpu.memory_space<vmem>>
        %gather3A_854 = tpu.vector_load_idx %gather3A_853[%iota3A, %add3A_838] : memref<32x128xf32, #tpu.memory_space<vmem>>[vector<16xi32>, vector<16xi32>], vector<16xf32>,
        %scatter3A_855 = arith.constant 0 : i32
        %scatter3A_856 = arith.constant 0 : i32
        %scatter3A_857 = tpu.memref_slice %arg5[%rem3A_52, %scatter3A_855, %scatter3A_856] : memref<2x32x128xf32, #tpu.memory_space<vmem>> -> memref<1x32x128xf32, #tpu.memory_space<vmem>>
        %scatter3A_858 = tpu.memref_squeeze %scatter3A_857 : memref<1x32x128xf32, #tpu.memory_space<vmem>> -> memref<32x128xf32, #tpu.memory_space<vmem>>
        tpu.vector_store_idx %scatter3A_858[%add3A_842, %add3A_849], %gather3A_854 : memref<32x128xf32, #tpu.memory_space<vmem>>[vector<16xi32>, vector<16xi32>], vector<16xf32>,
        %gather3A_859 = arith.constant 0 : i32
        %gather3A_860 = arith.constant 0 : i32
        %gather3A_861 = tpu.memref_slice %arg4[%rem3A_52, %gather3A_859, %gather3A_860] : memref<2x32x128xf32, #tpu.memory_space<vmem>> -> memref<1x32x128xf32, #tpu.memory_space<vmem>>
        %gather3A_862 = tpu.memref_squeeze %gather3A_861 : memref<1x32x128xf32, #tpu.memory_space<vmem>> -> memref<32x128xf32, #tpu.memory_space<vmem>>
        %gather3A_863 = tpu.vector_load_idx %gather3A_862[%add3A_11, %add3A_838] : memref<32x128xf32, #tpu.memory_space<vmem>>[vector<16xi32>, vector<16xi32>], vector<16xf32>,
        %add3A_864 = arith.constant 16 : i32
        %add3A_865 = vector.broadcast %add3A_864 : i32 to vector<16xi32>
        %add3A_866 = arith.addi %add3A_849, %add3A_865 : vector<16xi32>
        %scatter3A_867 = arith.constant 0 : i32
        %scatter3A_868 = arith.constant 0 : i32
        %scatter3A_869 = tpu.memref_slice %arg5[%rem3A_52, %scatter3A_867, %scatter3A_868] : memref<2x32x128xf32, #tpu.memory_space<vmem>> -> memref<1x32x128xf32, #tpu.memory_space<vmem>>
        %scatter3A_870 = tpu.memref_squeeze %scatter3A_869 : memref<1x32x128xf32, #tpu.memory_space<vmem>> -> memref<32x128xf32, #tpu.memory_space<vmem>>
        tpu.vector_store_idx %scatter3A_870[%add3A_842, %add3A_866], %gather3A_863 : memref<32x128xf32, #tpu.memory_space<vmem>>[vector<16xi32>, vector<16xi32>], vector<16xf32>,
        %add3A_871 = arith.constant 3 : i32
        %add3A_872 = vector.broadcast %add3A_871 : i32 to vector<16xi32>
        %add3A_873 = arith.addi %iota3A, %add3A_872 : vector<16xi32>
        %and3A_874 = arith.constant 15 : i32
        %and3A_875 = vector.broadcast %and3A_874 : i32 to vector<16xi32>
        %and3A_876 = arith.andi %add3A_873, %and3A_875 : vector<16xi32>
        %add3A_877 = vector.broadcast %mul3A_747 : i32 to vector<16xi32>
        %add3A_878 = arith.addi %and3A_876, %add3A_877 : vector<16xi32>
        %shift_right_logical3A_879 = arith.constant 2 : i32
        %shift_right_logical3A_880 = vector.broadcast %shift_right_logical3A_879 : i32 to vector<16xi32>
        %shift_right_logical3A_881 = arith.shrui %and3A_876, %shift_right_logical3A_880 : vector<16xi32>
        %add3A_882 = arith.addi %broadcast_in_dim3A_750, %shift_right_logical3A_881 : vector<16xi32>
        %and3A_883 = arith.constant 3 : i32
        %and3A_884 = vector.broadcast %and3A_883 : i32 to vector<16xi32>
        %and3A_885 = arith.andi %and3A_876, %and3A_884 : vector<16xi32>
        %shift_left3A_886 = arith.constant 5 : i32
        %shift_left3A_887 = vector.broadcast %shift_left3A_886 : i32 to vector<16xi32>
        %shift_left3A_888 = arith.shli %and3A_885, %shift_left3A_887 : vector<16xi32>
        %add3A_889 = arith.addi %shift_left3A_888, %iota3A : vector<16xi32>
        %gather3A_890 = arith.constant 0 : i32
        %gather3A_891 = arith.constant 0 : i32
        %gather3A_892 = tpu.memref_slice %arg4[%rem3A_52, %gather3A_890, %gather3A_891] : memref<2x32x128xf32, #tpu.memory_space<vmem>> -> memref<1x32x128xf32, #tpu.memory_space<vmem>>
        %gather3A_893 = tpu.memref_squeeze %gather3A_892 : memref<1x32x128xf32, #tpu.memory_space<vmem>> -> memref<32x128xf32, #tpu.memory_space<vmem>>
        %gather3A_894 = tpu.vector_load_idx %gather3A_893[%iota3A, %add3A_878] : memref<32x128xf32, #tpu.memory_space<vmem>>[vector<16xi32>, vector<16xi32>], vector<16xf32>,
        %scatter3A_895 = arith.constant 0 : i32
        %scatter3A_896 = arith.constant 0 : i32
        %scatter3A_897 = tpu.memref_slice %arg5[%rem3A_52, %scatter3A_895, %scatter3A_896] : memref<2x32x128xf32, #tpu.memory_space<vmem>> -> memref<1x32x128xf32, #tpu.memory_space<vmem>>
        %scatter3A_898 = tpu.memref_squeeze %scatter3A_897 : memref<1x32x128xf32, #tpu.memory_space<vmem>> -> memref<32x128xf32, #tpu.memory_space<vmem>>
        tpu.vector_store_idx %scatter3A_898[%add3A_882, %add3A_889], %gather3A_894 : memref<32x128xf32, #tpu.memory_space<vmem>>[vector<16xi32>, vector<16xi32>], vector<16xf32>,
        %gather3A_899 = arith.constant 0 : i32
        %gather3A_900 = arith.constant 0 : i32
        %gather3A_901 = tpu.memref_slice %arg4[%rem3A_52, %gather3A_899, %gather3A_900] : memref<2x32x128xf32, #tpu.memory_space<vmem>> -> memref<1x32x128xf32, #tpu.memory_space<vmem>>
        %gather3A_902 = tpu.memref_squeeze %gather3A_901 : memref<1x32x128xf32, #tpu.memory_space<vmem>> -> memref<32x128xf32, #tpu.memory_space<vmem>>
        %gather3A_903 = tpu.vector_load_idx %gather3A_902[%add3A_11, %add3A_878] : memref<32x128xf32, #tpu.memory_space<vmem>>[vector<16xi32>, vector<16xi32>], vector<16xf32>,
        %add3A_904 = arith.constant 16 : i32
        %add3A_905 = vector.broadcast %add3A_904 : i32 to vector<16xi32>
        %add3A_906 = arith.addi %add3A_889, %add3A_905 : vector<16xi32>
        %scatter3A_907 = arith.constant 0 : i32
        %scatter3A_908 = arith.constant 0 : i32
        %scatter3A_909 = tpu.memref_slice %arg5[%rem3A_52, %scatter3A_907, %scatter3A_908] : memref<2x32x128xf32, #tpu.memory_space<vmem>> -> memref<1x32x128xf32, #tpu.memory_space<vmem>>
        %scatter3A_910 = tpu.memref_squeeze %scatter3A_909 : memref<1x32x128xf32, #tpu.memory_space<vmem>> -> memref<32x128xf32, #tpu.memory_space<vmem>>
        tpu.vector_store_idx %scatter3A_910[%add3A_882, %add3A_906], %gather3A_903 : memref<32x128xf32, #tpu.memory_space<vmem>>[vector<16xi32>, vector<16xi32>], vector<16xf32>,
        %add3A_911 = arith.constant 4 : i32
        %add3A_912 = vector.broadcast %add3A_911 : i32 to vector<16xi32>
        %add3A_913 = arith.addi %iota3A, %add3A_912 : vector<16xi32>
        %and3A_914 = arith.constant 15 : i32
        %and3A_915 = vector.broadcast %and3A_914 : i32 to vector<16xi32>
        %and3A_916 = arith.andi %add3A_913, %and3A_915 : vector<16xi32>
        %add3A_917 = vector.broadcast %mul3A_747 : i32 to vector<16xi32>
        %add3A_918 = arith.addi %and3A_916, %add3A_917 : vector<16xi32>
        %shift_right_logical3A_919 = arith.constant 2 : i32
        %shift_right_logical3A_920 = vector.broadcast %shift_right_logical3A_919 : i32 to vector<16xi32>
        %shift_right_logical3A_921 = arith.shrui %and3A_916, %shift_right_logical3A_920 : vector<16xi32>
        %add3A_922 = arith.addi %broadcast_in_dim3A_750, %shift_right_logical3A_921 : vector<16xi32>
        %and3A_923 = arith.constant 3 : i32
        %and3A_924 = vector.broadcast %and3A_923 : i32 to vector<16xi32>
        %and3A_925 = arith.andi %and3A_916, %and3A_924 : vector<16xi32>
        %shift_left3A_926 = arith.constant 5 : i32
        %shift_left3A_927 = vector.broadcast %shift_left3A_926 : i32 to vector<16xi32>
        %shift_left3A_928 = arith.shli %and3A_925, %shift_left3A_927 : vector<16xi32>
        %add3A_929 = arith.addi %shift_left3A_928, %iota3A : vector<16xi32>
        %gather3A_930 = arith.constant 0 : i32
        %gather3A_931 = arith.constant 0 : i32
        %gather3A_932 = tpu.memref_slice %arg4[%rem3A_52, %gather3A_930, %gather3A_931] : memref<2x32x128xf32, #tpu.memory_space<vmem>> -> memref<1x32x128xf32, #tpu.memory_space<vmem>>
        %gather3A_933 = tpu.memref_squeeze %gather3A_932 : memref<1x32x128xf32, #tpu.memory_space<vmem>> -> memref<32x128xf32, #tpu.memory_space<vmem>>
        %gather3A_934 = tpu.vector_load_idx %gather3A_933[%iota3A, %add3A_918] : memref<32x128xf32, #tpu.memory_space<vmem>>[vector<16xi32>, vector<16xi32>], vector<16xf32>,
        %scatter3A_935 = arith.constant 0 : i32
        %scatter3A_936 = arith.constant 0 : i32
        %scatter3A_937 = tpu.memref_slice %arg5[%rem3A_52, %scatter3A_935, %scatter3A_936] : memref<2x32x128xf32, #tpu.memory_space<vmem>> -> memref<1x32x128xf32, #tpu.memory_space<vmem>>
        %scatter3A_938 = tpu.memref_squeeze %scatter3A_937 : memref<1x32x128xf32, #tpu.memory_space<vmem>> -> memref<32x128xf32, #tpu.memory_space<vmem>>
        tpu.vector_store_idx %scatter3A_938[%add3A_922, %add3A_929], %gather3A_934 : memref<32x128xf32, #tpu.memory_space<vmem>>[vector<16xi32>, vector<16xi32>], vector<16xf32>,
        %gather3A_939 = arith.constant 0 : i32
        %gather3A_940 = arith.constant 0 : i32
        %gather3A_941 = tpu.memref_slice %arg4[%rem3A_52, %gather3A_939, %gather3A_940] : memref<2x32x128xf32, #tpu.memory_space<vmem>> -> memref<1x32x128xf32, #tpu.memory_space<vmem>>
        %gather3A_942 = tpu.memref_squeeze %gather3A_941 : memref<1x32x128xf32, #tpu.memory_space<vmem>> -> memref<32x128xf32, #tpu.memory_space<vmem>>
        %gather3A_943 = tpu.vector_load_idx %gather3A_942[%add3A_11, %add3A_918] : memref<32x128xf32, #tpu.memory_space<vmem>>[vector<16xi32>, vector<16xi32>], vector<16xf32>,
        %add3A_944 = arith.constant 16 : i32
        %add3A_945 = vector.broadcast %add3A_944 : i32 to vector<16xi32>
        %add3A_946 = arith.addi %add3A_929, %add3A_945 : vector<16xi32>
        %scatter3A_947 = arith.constant 0 : i32
        %scatter3A_948 = arith.constant 0 : i32
        %scatter3A_949 = tpu.memref_slice %arg5[%rem3A_52, %scatter3A_947, %scatter3A_948] : memref<2x32x128xf32, #tpu.memory_space<vmem>> -> memref<1x32x128xf32, #tpu.memory_space<vmem>>
        %scatter3A_950 = tpu.memref_squeeze %scatter3A_949 : memref<1x32x128xf32, #tpu.memory_space<vmem>> -> memref<32x128xf32, #tpu.memory_space<vmem>>
        tpu.vector_store_idx %scatter3A_950[%add3A_922, %add3A_946], %gather3A_943 : memref<32x128xf32, #tpu.memory_space<vmem>>[vector<16xi32>, vector<16xi32>], vector<16xf32>,
        %add3A_951 = arith.constant 5 : i32
        %add3A_952 = vector.broadcast %add3A_951 : i32 to vector<16xi32>
        %add3A_953 = arith.addi %iota3A, %add3A_952 : vector<16xi32>
        %and3A_954 = arith.constant 15 : i32
        %and3A_955 = vector.broadcast %and3A_954 : i32 to vector<16xi32>
        %and3A_956 = arith.andi %add3A_953, %and3A_955 : vector<16xi32>
        %add3A_957 = vector.broadcast %mul3A_747 : i32 to vector<16xi32>
        %add3A_958 = arith.addi %and3A_956, %add3A_957 : vector<16xi32>
        %shift_right_logical3A_959 = arith.constant 2 : i32
        %shift_right_logical3A_960 = vector.broadcast %shift_right_logical3A_959 : i32 to vector<16xi32>
        %shift_right_logical3A_961 = arith.shrui %and3A_956, %shift_right_logical3A_960 : vector<16xi32>
        %add3A_962 = arith.addi %broadcast_in_dim3A_750, %shift_right_logical3A_961 : vector<16xi32>
        %and3A_963 = arith.constant 3 : i32
        %and3A_964 = vector.broadcast %and3A_963 : i32 to vector<16xi32>
        %and3A_965 = arith.andi %and3A_956, %and3A_964 : vector<16xi32>
        %shift_left3A_966 = arith.constant 5 : i32
        %shift_left3A_967 = vector.broadcast %shift_left3A_966 : i32 to vector<16xi32>
        %shift_left3A_968 = arith.shli %and3A_965, %shift_left3A_967 : vector<16xi32>
        %add3A_969 = arith.addi %shift_left3A_968, %iota3A : vector<16xi32>
        %gather3A_970 = arith.constant 0 : i32
        %gather3A_971 = arith.constant 0 : i32
        %gather3A_972 = tpu.memref_slice %arg4[%rem3A_52, %gather3A_970, %gather3A_971] : memref<2x32x128xf32, #tpu.memory_space<vmem>> -> memref<1x32x128xf32, #tpu.memory_space<vmem>>
        %gather3A_973 = tpu.memref_squeeze %gather3A_972 : memref<1x32x128xf32, #tpu.memory_space<vmem>> -> memref<32x128xf32, #tpu.memory_space<vmem>>
        %gather3A_974 = tpu.vector_load_idx %gather3A_973[%iota3A, %add3A_958] : memref<32x128xf32, #tpu.memory_space<vmem>>[vector<16xi32>, vector<16xi32>], vector<16xf32>,
        %scatter3A_975 = arith.constant 0 : i32
        %scatter3A_976 = arith.constant 0 : i32
        %scatter3A_977 = tpu.memref_slice %arg5[%rem3A_52, %scatter3A_975, %scatter3A_976] : memref<2x32x128xf32, #tpu.memory_space<vmem>> -> memref<1x32x128xf32, #tpu.memory_space<vmem>>
        %scatter3A_978 = tpu.memref_squeeze %scatter3A_977 : memref<1x32x128xf32, #tpu.memory_space<vmem>> -> memref<32x128xf32, #tpu.memory_space<vmem>>
        tpu.vector_store_idx %scatter3A_978[%add3A_962, %add3A_969], %gather3A_974 : memref<32x128xf32, #tpu.memory_space<vmem>>[vector<16xi32>, vector<16xi32>], vector<16xf32>,
        %gather3A_979 = arith.constant 0 : i32
        %gather3A_980 = arith.constant 0 : i32
        %gather3A_981 = tpu.memref_slice %arg4[%rem3A_52, %gather3A_979, %gather3A_980] : memref<2x32x128xf32, #tpu.memory_space<vmem>> -> memref<1x32x128xf32, #tpu.memory_space<vmem>>
        %gather3A_982 = tpu.memref_squeeze %gather3A_981 : memref<1x32x128xf32, #tpu.memory_space<vmem>> -> memref<32x128xf32, #tpu.memory_space<vmem>>
        %gather3A_983 = tpu.vector_load_idx %gather3A_982[%add3A_11, %add3A_958] : memref<32x128xf32, #tpu.memory_space<vmem>>[vector<16xi32>, vector<16xi32>], vector<16xf32>,
        %add3A_984 = arith.constant 16 : i32
        %add3A_985 = vector.broadcast %add3A_984 : i32 to vector<16xi32>
        %add3A_986 = arith.addi %add3A_969, %add3A_985 : vector<16xi32>
        %scatter3A_987 = arith.constant 0 : i32
        %scatter3A_988 = arith.constant 0 : i32
        %scatter3A_989 = tpu.memref_slice %arg5[%rem3A_52, %scatter3A_987, %scatter3A_988] : memref<2x32x128xf32, #tpu.memory_space<vmem>> -> memref<1x32x128xf32, #tpu.memory_space<vmem>>
        %scatter3A_990 = tpu.memref_squeeze %scatter3A_989 : memref<1x32x128xf32, #tpu.memory_space<vmem>> -> memref<32x128xf32, #tpu.memory_space<vmem>>
        tpu.vector_store_idx %scatter3A_990[%add3A_962, %add3A_986], %gather3A_983 : memref<32x128xf32, #tpu.memory_space<vmem>>[vector<16xi32>, vector<16xi32>], vector<16xf32>,
        %add3A_991 = arith.constant 6 : i32
        %add3A_992 = vector.broadcast %add3A_991 : i32 to vector<16xi32>
        %add3A_993 = arith.addi %iota3A, %add3A_992 : vector<16xi32>
        %and3A_994 = arith.constant 15 : i32
        %and3A_995 = vector.broadcast %and3A_994 : i32 to vector<16xi32>
        %and3A_996 = arith.andi %add3A_993, %and3A_995 : vector<16xi32>
        %add3A_997 = vector.broadcast %mul3A_747 : i32 to vector<16xi32>
        %add3A_998 = arith.addi %and3A_996, %add3A_997 : vector<16xi32>
        %shift_right_logical3A_999 = arith.constant 2 : i32
        %shift_right_logical3A_1000 = vector.broadcast %shift_right_logical3A_999 : i32 to vector<16xi32>
        %shift_right_logical3A_1001 = arith.shrui %and3A_996, %shift_right_logical3A_1000 : vector<16xi32>
        %add3A_1002 = arith.addi %broadcast_in_dim3A_750, %shift_right_logical3A_1001 : vector<16xi32>
        %and3A_1003 = arith.constant 3 : i32
        %and3A_1004 = vector.broadcast %and3A_1003 : i32 to vector<16xi32>
        %and3A_1005 = arith.andi %and3A_996, %and3A_1004 : vector<16xi32>
        %shift_left3A_1006 = arith.constant 5 : i32
        %shift_left3A_1007 = vector.broadcast %shift_left3A_1006 : i32 to vector<16xi32>
        %shift_left3A_1008 = arith.shli %and3A_1005, %shift_left3A_1007 : vector<16xi32>
        %add3A_1009 = arith.addi %shift_left3A_1008, %iota3A : vector<16xi32>
        %gather3A_1010 = arith.constant 0 : i32
        %gather3A_1011 = arith.constant 0 : i32
        %gather3A_1012 = tpu.memref_slice %arg4[%rem3A_52, %gather3A_1010, %gather3A_1011] : memref<2x32x128xf32, #tpu.memory_space<vmem>> -> memref<1x32x128xf32, #tpu.memory_space<vmem>>
        %gather3A_1013 = tpu.memref_squeeze %gather3A_1012 : memref<1x32x128xf32, #tpu.memory_space<vmem>> -> memref<32x128xf32, #tpu.memory_space<vmem>>
        %gather3A_1014 = tpu.vector_load_idx %gather3A_1013[%iota3A, %add3A_998] : memref<32x128xf32, #tpu.memory_space<vmem>>[vector<16xi32>, vector<16xi32>], vector<16xf32>,
        %scatter3A_1015 = arith.constant 0 : i32
        %scatter3A_1016 = arith.constant 0 : i32
        %scatter3A_1017 = tpu.memref_slice %arg5[%rem3A_52, %scatter3A_1015, %scatter3A_1016] : memref<2x32x128xf32, #tpu.memory_space<vmem>> -> memref<1x32x128xf32, #tpu.memory_space<vmem>>
        %scatter3A_1018 = tpu.memref_squeeze %scatter3A_1017 : memref<1x32x128xf32, #tpu.memory_space<vmem>> -> memref<32x128xf32, #tpu.memory_space<vmem>>
        tpu.vector_store_idx %scatter3A_1018[%add3A_1002, %add3A_1009], %gather3A_1014 : memref<32x128xf32, #tpu.memory_space<vmem>>[vector<16xi32>, vector<16xi32>], vector<16xf32>,
        %gather3A_1019 = arith.constant 0 : i32
        %gather3A_1020 = arith.constant 0 : i32
        %gather3A_1021 = tpu.memref_slice %arg4[%rem3A_52, %gather3A_1019, %gather3A_1020] : memref<2x32x128xf32, #tpu.memory_space<vmem>> -> memref<1x32x128xf32, #tpu.memory_space<vmem>>
        %gather3A_1022 = tpu.memref_squeeze %gather3A_1021 : memref<1x32x128xf32, #tpu.memory_space<vmem>> -> memref<32x128xf32, #tpu.memory_space<vmem>>
        %gather3A_1023 = tpu.vector_load_idx %gather3A_1022[%add3A_11, %add3A_998] : memref<32x128xf32, #tpu.memory_space<vmem>>[vector<16xi32>, vector<16xi32>], vector<16xf32>,
        %add3A_1024 = arith.constant 16 : i32
        %add3A_1025 = vector.broadcast %add3A_1024 : i32 to vector<16xi32>
        %add3A_1026 = arith.addi %add3A_1009, %add3A_1025 : vector<16xi32>
        %scatter3A_1027 = arith.constant 0 : i32
        %scatter3A_1028 = arith.constant 0 : i32
        %scatter3A_1029 = tpu.memref_slice %arg5[%rem3A_52, %scatter3A_1027, %scatter3A_1028] : memref<2x32x128xf32, #tpu.memory_space<vmem>> -> memref<1x32x128xf32, #tpu.memory_space<vmem>>
        %scatter3A_1030 = tpu.memref_squeeze %scatter3A_1029 : memref<1x32x128xf32, #tpu.memory_space<vmem>> -> memref<32x128xf32, #tpu.memory_space<vmem>>
        tpu.vector_store_idx %scatter3A_1030[%add3A_1002, %add3A_1026], %gather3A_1023 : memref<32x128xf32, #tpu.memory_space<vmem>>[vector<16xi32>, vector<16xi32>], vector<16xf32>,
        %add3A_1031 = arith.constant 7 : i32
        %add3A_1032 = vector.broadcast %add3A_1031 : i32 to vector<16xi32>
        %add3A_1033 = arith.addi %iota3A, %add3A_1032 : vector<16xi32>
        %and3A_1034 = arith.constant 15 : i32
        %and3A_1035 = vector.broadcast %and3A_1034 : i32 to vector<16xi32>
        %and3A_1036 = arith.andi %add3A_1033, %and3A_1035 : vector<16xi32>
        %add3A_1037 = vector.broadcast %mul3A_747 : i32 to vector<16xi32>
        %add3A_1038 = arith.addi %and3A_1036, %add3A_1037 : vector<16xi32>
        %shift_right_logical3A_1039 = arith.constant 2 : i32
        %shift_right_logical3A_1040 = vector.broadcast %shift_right_logical3A_1039 : i32 to vector<16xi32>
        %shift_right_logical3A_1041 = arith.shrui %and3A_1036, %shift_right_logical3A_1040 : vector<16xi32>
        %add3A_1042 = arith.addi %broadcast_in_dim3A_750, %shift_right_logical3A_1041 : vector<16xi32>
        %and3A_1043 = arith.constant 3 : i32
        %and3A_1044 = vector.broadcast %and3A_1043 : i32 to vector<16xi32>
        %and3A_1045 = arith.andi %and3A_1036, %and3A_1044 : vector<16xi32>
        %shift_left3A_1046 = arith.constant 5 : i32
        %shift_left3A_1047 = vector.broadcast %shift_left3A_1046 : i32 to vector<16xi32>
        %shift_left3A_1048 = arith.shli %and3A_1045, %shift_left3A_1047 : vector<16xi32>
        %add3A_1049 = arith.addi %shift_left3A_1048, %iota3A : vector<16xi32>
        %gather3A_1050 = arith.constant 0 : i32
        %gather3A_1051 = arith.constant 0 : i32
        %gather3A_1052 = tpu.memref_slice %arg4[%rem3A_52, %gather3A_1050, %gather3A_1051] : memref<2x32x128xf32, #tpu.memory_space<vmem>> -> memref<1x32x128xf32, #tpu.memory_space<vmem>>
        %gather3A_1053 = tpu.memref_squeeze %gather3A_1052 : memref<1x32x128xf32, #tpu.memory_space<vmem>> -> memref<32x128xf32, #tpu.memory_space<vmem>>
        %gather3A_1054 = tpu.vector_load_idx %gather3A_1053[%iota3A, %add3A_1038] : memref<32x128xf32, #tpu.memory_space<vmem>>[vector<16xi32>, vector<16xi32>], vector<16xf32>,
        %scatter3A_1055 = arith.constant 0 : i32
        %scatter3A_1056 = arith.constant 0 : i32
        %scatter3A_1057 = tpu.memref_slice %arg5[%rem3A_52, %scatter3A_1055, %scatter3A_1056] : memref<2x32x128xf32, #tpu.memory_space<vmem>> -> memref<1x32x128xf32, #tpu.memory_space<vmem>>
        %scatter3A_1058 = tpu.memref_squeeze %scatter3A_1057 : memref<1x32x128xf32, #tpu.memory_space<vmem>> -> memref<32x128xf32, #tpu.memory_space<vmem>>
        tpu.vector_store_idx %scatter3A_1058[%add3A_1042, %add3A_1049], %gather3A_1054 : memref<32x128xf32, #tpu.memory_space<vmem>>[vector<16xi32>, vector<16xi32>], vector<16xf32>,
        %gather3A_1059 = arith.constant 0 : i32
        %gather3A_1060 = arith.constant 0 : i32
        %gather3A_1061 = tpu.memref_slice %arg4[%rem3A_52, %gather3A_1059, %gather3A_1060] : memref<2x32x128xf32, #tpu.memory_space<vmem>> -> memref<1x32x128xf32, #tpu.memory_space<vmem>>
        %gather3A_1062 = tpu.memref_squeeze %gather3A_1061 : memref<1x32x128xf32, #tpu.memory_space<vmem>> -> memref<32x128xf32, #tpu.memory_space<vmem>>
        %gather3A_1063 = tpu.vector_load_idx %gather3A_1062[%add3A_11, %add3A_1038] : memref<32x128xf32, #tpu.memory_space<vmem>>[vector<16xi32>, vector<16xi32>], vector<16xf32>,
        %add3A_1064 = arith.constant 16 : i32
        %add3A_1065 = vector.broadcast %add3A_1064 : i32 to vector<16xi32>
        %add3A_1066 = arith.addi %add3A_1049, %add3A_1065 : vector<16xi32>
        %scatter3A_1067 = arith.constant 0 : i32
        %scatter3A_1068 = arith.constant 0 : i32
        %scatter3A_1069 = tpu.memref_slice %arg5[%rem3A_52, %scatter3A_1067, %scatter3A_1068] : memref<2x32x128xf32, #tpu.memory_space<vmem>> -> memref<1x32x128xf32, #tpu.memory_space<vmem>>
        %scatter3A_1070 = tpu.memref_squeeze %scatter3A_1069 : memref<1x32x128xf32, #tpu.memory_space<vmem>> -> memref<32x128xf32, #tpu.memory_space<vmem>>
        tpu.vector_store_idx %scatter3A_1070[%add3A_1042, %add3A_1066], %gather3A_1063 : memref<32x128xf32, #tpu.memory_space<vmem>>[vector<16xi32>, vector<16xi32>], vector<16xf32>,
        %add3A_1071 = arith.constant 8 : i32
        %add3A_1072 = vector.broadcast %add3A_1071 : i32 to vector<16xi32>
        %add3A_1073 = arith.addi %iota3A, %add3A_1072 : vector<16xi32>
        %and3A_1074 = arith.constant 15 : i32
        %and3A_1075 = vector.broadcast %and3A_1074 : i32 to vector<16xi32>
        %and3A_1076 = arith.andi %add3A_1073, %and3A_1075 : vector<16xi32>
        %add3A_1077 = vector.broadcast %mul3A_747 : i32 to vector<16xi32>
        %add3A_1078 = arith.addi %and3A_1076, %add3A_1077 : vector<16xi32>
        %shift_right_logical3A_1079 = arith.constant 2 : i32
        %shift_right_logical3A_1080 = vector.broadcast %shift_right_logical3A_1079 : i32 to vector<16xi32>
        %shift_right_logical3A_1081 = arith.shrui %and3A_1076, %shift_right_logical3A_1080 : vector<16xi32>
        %add3A_1082 = arith.addi %broadcast_in_dim3A_750, %shift_right_logical3A_1081 : vector<16xi32>
        %and3A_1083 = arith.constant 3 : i32
        %and3A_1084 = vector.broadcast %and3A_1083 : i32 to vector<16xi32>
        %and3A_1085 = arith.andi %and3A_1076, %and3A_1084 : vector<16xi32>
        %shift_left3A_1086 = arith.constant 5 : i32
        %shift_left3A_1087 = vector.broadcast %shift_left3A_1086 : i32 to vector<16xi32>
        %shift_left3A_1088 = arith.shli %and3A_1085, %shift_left3A_1087 : vector<16xi32>
        %add3A_1089 = arith.addi %shift_left3A_1088, %iota3A : vector<16xi32>
        %gather3A_1090 = arith.constant 0 : i32
        %gather3A_1091 = arith.constant 0 : i32
        %gather3A_1092 = tpu.memref_slice %arg4[%rem3A_52, %gather3A_1090, %gather3A_1091] : memref<2x32x128xf32, #tpu.memory_space<vmem>> -> memref<1x32x128xf32, #tpu.memory_space<vmem>>
        %gather3A_1093 = tpu.memref_squeeze %gather3A_1092 : memref<1x32x128xf32, #tpu.memory_space<vmem>> -> memref<32x128xf32, #tpu.memory_space<vmem>>
        %gather3A_1094 = tpu.vector_load_idx %gather3A_1093[%iota3A, %add3A_1078] : memref<32x128xf32, #tpu.memory_space<vmem>>[vector<16xi32>, vector<16xi32>], vector<16xf32>,
        %scatter3A_1095 = arith.constant 0 : i32
        %scatter3A_1096 = arith.constant 0 : i32
        %scatter3A_1097 = tpu.memref_slice %arg5[%rem3A_52, %scatter3A_1095, %scatter3A_1096] : memref<2x32x128xf32, #tpu.memory_space<vmem>> -> memref<1x32x128xf32, #tpu.memory_space<vmem>>
        %scatter3A_1098 = tpu.memref_squeeze %scatter3A_1097 : memref<1x32x128xf32, #tpu.memory_space<vmem>> -> memref<32x128xf32, #tpu.memory_space<vmem>>
        tpu.vector_store_idx %scatter3A_1098[%add3A_1082, %add3A_1089], %gather3A_1094 : memref<32x128xf32, #tpu.memory_space<vmem>>[vector<16xi32>, vector<16xi32>], vector<16xf32>,
        %gather3A_1099 = arith.constant 0 : i32
        %gather3A_1100 = arith.constant 0 : i32
        %gather3A_1101 = tpu.memref_slice %arg4[%rem3A_52, %gather3A_1099, %gather3A_1100] : memref<2x32x128xf32, #tpu.memory_space<vmem>> -> memref<1x32x128xf32, #tpu.memory_space<vmem>>
        %gather3A_1102 = tpu.memref_squeeze %gather3A_1101 : memref<1x32x128xf32, #tpu.memory_space<vmem>> -> memref<32x128xf32, #tpu.memory_space<vmem>>
        %gather3A_1103 = tpu.vector_load_idx %gather3A_1102[%add3A_11, %add3A_1078] : memref<32x128xf32, #tpu.memory_space<vmem>>[vector<16xi32>, vector<16xi32>], vector<16xf32>,
        %add3A_1104 = arith.constant 16 : i32
        %add3A_1105 = vector.broadcast %add3A_1104 : i32 to vector<16xi32>
        %add3A_1106 = arith.addi %add3A_1089, %add3A_1105 : vector<16xi32>
        %scatter3A_1107 = arith.constant 0 : i32
        %scatter3A_1108 = arith.constant 0 : i32
        %scatter3A_1109 = tpu.memref_slice %arg5[%rem3A_52, %scatter3A_1107, %scatter3A_1108] : memref<2x32x128xf32, #tpu.memory_space<vmem>> -> memref<1x32x128xf32, #tpu.memory_space<vmem>>
        %scatter3A_1110 = tpu.memref_squeeze %scatter3A_1109 : memref<1x32x128xf32, #tpu.memory_space<vmem>> -> memref<32x128xf32, #tpu.memory_space<vmem>>
        tpu.vector_store_idx %scatter3A_1110[%add3A_1082, %add3A_1106], %gather3A_1103 : memref<32x128xf32, #tpu.memory_space<vmem>>[vector<16xi32>, vector<16xi32>], vector<16xf32>,
        %add3A_1111 = arith.constant 9 : i32
        %add3A_1112 = vector.broadcast %add3A_1111 : i32 to vector<16xi32>
        %add3A_1113 = arith.addi %iota3A, %add3A_1112 : vector<16xi32>
        %and3A_1114 = arith.constant 15 : i32
        %and3A_1115 = vector.broadcast %and3A_1114 : i32 to vector<16xi32>
        %and3A_1116 = arith.andi %add3A_1113, %and3A_1115 : vector<16xi32>
        %add3A_1117 = vector.broadcast %mul3A_747 : i32 to vector<16xi32>
        %add3A_1118 = arith.addi %and3A_1116, %add3A_1117 : vector<16xi32>
        %shift_right_logical3A_1119 = arith.constant 2 : i32
        %shift_right_logical3A_1120 = vector.broadcast %shift_right_logical3A_1119 : i32 to vector<16xi32>
        %shift_right_logical3A_1121 = arith.shrui %and3A_1116, %shift_right_logical3A_1120 : vector<16xi32>
        %add3A_1122 = arith.addi %broadcast_in_dim3A_750, %shift_right_logical3A_1121 : vector<16xi32>
        %and3A_1123 = arith.constant 3 : i32
        %and3A_1124 = vector.broadcast %and3A_1123 : i32 to vector<16xi32>
        %and3A_1125 = arith.andi %and3A_1116, %and3A_1124 : vector<16xi32>
        %shift_left3A_1126 = arith.constant 5 : i32
        %shift_left3A_1127 = vector.broadcast %shift_left3A_1126 : i32 to vector<16xi32>
        %shift_left3A_1128 = arith.shli %and3A_1125, %shift_left3A_1127 : vector<16xi32>
        %add3A_1129 = arith.addi %shift_left3A_1128, %iota3A : vector<16xi32>
        %gather3A_1130 = arith.constant 0 : i32
        %gather3A_1131 = arith.constant 0 : i32
        %gather3A_1132 = tpu.memref_slice %arg4[%rem3A_52, %gather3A_1130, %gather3A_1131] : memref<2x32x128xf32, #tpu.memory_space<vmem>> -> memref<1x32x128xf32, #tpu.memory_space<vmem>>
        %gather3A_1133 = tpu.memref_squeeze %gather3A_1132 : memref<1x32x128xf32, #tpu.memory_space<vmem>> -> memref<32x128xf32, #tpu.memory_space<vmem>>
        %gather3A_1134 = tpu.vector_load_idx %gather3A_1133[%iota3A, %add3A_1118] : memref<32x128xf32, #tpu.memory_space<vmem>>[vector<16xi32>, vector<16xi32>], vector<16xf32>,
        %scatter3A_1135 = arith.constant 0 : i32
        %scatter3A_1136 = arith.constant 0 : i32
        %scatter3A_1137 = tpu.memref_slice %arg5[%rem3A_52, %scatter3A_1135, %scatter3A_1136] : memref<2x32x128xf32, #tpu.memory_space<vmem>> -> memref<1x32x128xf32, #tpu.memory_space<vmem>>
        %scatter3A_1138 = tpu.memref_squeeze %scatter3A_1137 : memref<1x32x128xf32, #tpu.memory_space<vmem>> -> memref<32x128xf32, #tpu.memory_space<vmem>>
        tpu.vector_store_idx %scatter3A_1138[%add3A_1122, %add3A_1129], %gather3A_1134 : memref<32x128xf32, #tpu.memory_space<vmem>>[vector<16xi32>, vector<16xi32>], vector<16xf32>,
        %gather3A_1139 = arith.constant 0 : i32
        %gather3A_1140 = arith.constant 0 : i32
        %gather3A_1141 = tpu.memref_slice %arg4[%rem3A_52, %gather3A_1139, %gather3A_1140] : memref<2x32x128xf32, #tpu.memory_space<vmem>> -> memref<1x32x128xf32, #tpu.memory_space<vmem>>
        %gather3A_1142 = tpu.memref_squeeze %gather3A_1141 : memref<1x32x128xf32, #tpu.memory_space<vmem>> -> memref<32x128xf32, #tpu.memory_space<vmem>>
        %gather3A_1143 = tpu.vector_load_idx %gather3A_1142[%add3A_11, %add3A_1118] : memref<32x128xf32, #tpu.memory_space<vmem>>[vector<16xi32>, vector<16xi32>], vector<16xf32>,
        %add3A_1144 = arith.constant 16 : i32
        %add3A_1145 = vector.broadcast %add3A_1144 : i32 to vector<16xi32>
        %add3A_1146 = arith.addi %add3A_1129, %add3A_1145 : vector<16xi32>
        %scatter3A_1147 = arith.constant 0 : i32
        %scatter3A_1148 = arith.constant 0 : i32
        %scatter3A_1149 = tpu.memref_slice %arg5[%rem3A_52, %scatter3A_1147, %scatter3A_1148] : memref<2x32x128xf32, #tpu.memory_space<vmem>> -> memref<1x32x128xf32, #tpu.memory_space<vmem>>
        %scatter3A_1150 = tpu.memref_squeeze %scatter3A_1149 : memref<1x32x128xf32, #tpu.memory_space<vmem>> -> memref<32x128xf32, #tpu.memory_space<vmem>>
        tpu.vector_store_idx %scatter3A_1150[%add3A_1122, %add3A_1146], %gather3A_1143 : memref<32x128xf32, #tpu.memory_space<vmem>>[vector<16xi32>, vector<16xi32>], vector<16xf32>,
        %add3A_1151 = arith.constant 10 : i32
        %add3A_1152 = vector.broadcast %add3A_1151 : i32 to vector<16xi32>
        %add3A_1153 = arith.addi %iota3A, %add3A_1152 : vector<16xi32>
        %and3A_1154 = arith.constant 15 : i32
        %and3A_1155 = vector.broadcast %and3A_1154 : i32 to vector<16xi32>
        %and3A_1156 = arith.andi %add3A_1153, %and3A_1155 : vector<16xi32>
        %add3A_1157 = vector.broadcast %mul3A_747 : i32 to vector<16xi32>
        %add3A_1158 = arith.addi %and3A_1156, %add3A_1157 : vector<16xi32>
        %shift_right_logical3A_1159 = arith.constant 2 : i32
        %shift_right_logical3A_1160 = vector.broadcast %shift_right_logical3A_1159 : i32 to vector<16xi32>
        %shift_right_logical3A_1161 = arith.shrui %and3A_1156, %shift_right_logical3A_1160 : vector<16xi32>
        %add3A_1162 = arith.addi %broadcast_in_dim3A_750, %shift_right_logical3A_1161 : vector<16xi32>
        %and3A_1163 = arith.constant 3 : i32
        %and3A_1164 = vector.broadcast %and3A_1163 : i32 to vector<16xi32>
        %and3A_1165 = arith.andi %and3A_1156, %and3A_1164 : vector<16xi32>
        %shift_left3A_1166 = arith.constant 5 : i32
        %shift_left3A_1167 = vector.broadcast %shift_left3A_1166 : i32 to vector<16xi32>
        %shift_left3A_1168 = arith.shli %and3A_1165, %shift_left3A_1167 : vector<16xi32>
        %add3A_1169 = arith.addi %shift_left3A_1168, %iota3A : vector<16xi32>
        %gather3A_1170 = arith.constant 0 : i32
        %gather3A_1171 = arith.constant 0 : i32
        %gather3A_1172 = tpu.memref_slice %arg4[%rem3A_52, %gather3A_1170, %gather3A_1171] : memref<2x32x128xf32, #tpu.memory_space<vmem>> -> memref<1x32x128xf32, #tpu.memory_space<vmem>>
        %gather3A_1173 = tpu.memref_squeeze %gather3A_1172 : memref<1x32x128xf32, #tpu.memory_space<vmem>> -> memref<32x128xf32, #tpu.memory_space<vmem>>
        %gather3A_1174 = tpu.vector_load_idx %gather3A_1173[%iota3A, %add3A_1158] : memref<32x128xf32, #tpu.memory_space<vmem>>[vector<16xi32>, vector<16xi32>], vector<16xf32>,
        %scatter3A_1175 = arith.constant 0 : i32
        %scatter3A_1176 = arith.constant 0 : i32
        %scatter3A_1177 = tpu.memref_slice %arg5[%rem3A_52, %scatter3A_1175, %scatter3A_1176] : memref<2x32x128xf32, #tpu.memory_space<vmem>> -> memref<1x32x128xf32, #tpu.memory_space<vmem>>
        %scatter3A_1178 = tpu.memref_squeeze %scatter3A_1177 : memref<1x32x128xf32, #tpu.memory_space<vmem>> -> memref<32x128xf32, #tpu.memory_space<vmem>>
        tpu.vector_store_idx %scatter3A_1178[%add3A_1162, %add3A_1169], %gather3A_1174 : memref<32x128xf32, #tpu.memory_space<vmem>>[vector<16xi32>, vector<16xi32>], vector<16xf32>,
        %gather3A_1179 = arith.constant 0 : i32
        %gather3A_1180 = arith.constant 0 : i32
        %gather3A_1181 = tpu.memref_slice %arg4[%rem3A_52, %gather3A_1179, %gather3A_1180] : memref<2x32x128xf32, #tpu.memory_space<vmem>> -> memref<1x32x128xf32, #tpu.memory_space<vmem>>
        %gather3A_1182 = tpu.memref_squeeze %gather3A_1181 : memref<1x32x128xf32, #tpu.memory_space<vmem>> -> memref<32x128xf32, #tpu.memory_space<vmem>>
        %gather3A_1183 = tpu.vector_load_idx %gather3A_1182[%add3A_11, %add3A_1158] : memref<32x128xf32, #tpu.memory_space<vmem>>[vector<16xi32>, vector<16xi32>], vector<16xf32>,
        %add3A_1184 = arith.constant 16 : i32
        %add3A_1185 = vector.broadcast %add3A_1184 : i32 to vector<16xi32>
        %add3A_1186 = arith.addi %add3A_1169, %add3A_1185 : vector<16xi32>
        %scatter3A_1187 = arith.constant 0 : i32
        %scatter3A_1188 = arith.constant 0 : i32
        %scatter3A_1189 = tpu.memref_slice %arg5[%rem3A_52, %scatter3A_1187, %scatter3A_1188] : memref<2x32x128xf32, #tpu.memory_space<vmem>> -> memref<1x32x128xf32, #tpu.memory_space<vmem>>
        %scatter3A_1190 = tpu.memref_squeeze %scatter3A_1189 : memref<1x32x128xf32, #tpu.memory_space<vmem>> -> memref<32x128xf32, #tpu.memory_space<vmem>>
        tpu.vector_store_idx %scatter3A_1190[%add3A_1162, %add3A_1186], %gather3A_1183 : memref<32x128xf32, #tpu.memory_space<vmem>>[vector<16xi32>, vector<16xi32>], vector<16xf32>,
        %add3A_1191 = arith.constant 11 : i32
        %add3A_1192 = vector.broadcast %add3A_1191 : i32 to vector<16xi32>
        %add3A_1193 = arith.addi %iota3A, %add3A_1192 : vector<16xi32>
        %and3A_1194 = arith.constant 15 : i32
        %and3A_1195 = vector.broadcast %and3A_1194 : i32 to vector<16xi32>
        %and3A_1196 = arith.andi %add3A_1193, %and3A_1195 : vector<16xi32>
        %add3A_1197 = vector.broadcast %mul3A_747 : i32 to vector<16xi32>
        %add3A_1198 = arith.addi %and3A_1196, %add3A_1197 : vector<16xi32>
        %shift_right_logical3A_1199 = arith.constant 2 : i32
        %shift_right_logical3A_1200 = vector.broadcast %shift_right_logical3A_1199 : i32 to vector<16xi32>
        %shift_right_logical3A_1201 = arith.shrui %and3A_1196, %shift_right_logical3A_1200 : vector<16xi32>
        %add3A_1202 = arith.addi %broadcast_in_dim3A_750, %shift_right_logical3A_1201 : vector<16xi32>
        %and3A_1203 = arith.constant 3 : i32
        %and3A_1204 = vector.broadcast %and3A_1203 : i32 to vector<16xi32>
        %and3A_1205 = arith.andi %and3A_1196, %and3A_1204 : vector<16xi32>
        %shift_left3A_1206 = arith.constant 5 : i32
        %shift_left3A_1207 = vector.broadcast %shift_left3A_1206 : i32 to vector<16xi32>
        %shift_left3A_1208 = arith.shli %and3A_1205, %shift_left3A_1207 : vector<16xi32>
        %add3A_1209 = arith.addi %shift_left3A_1208, %iota3A : vector<16xi32>
        %gather3A_1210 = arith.constant 0 : i32
        %gather3A_1211 = arith.constant 0 : i32
        %gather3A_1212 = tpu.memref_slice %arg4[%rem3A_52, %gather3A_1210, %gather3A_1211] : memref<2x32x128xf32, #tpu.memory_space<vmem>> -> memref<1x32x128xf32, #tpu.memory_space<vmem>>
        %gather3A_1213 = tpu.memref_squeeze %gather3A_1212 : memref<1x32x128xf32, #tpu.memory_space<vmem>> -> memref<32x128xf32, #tpu.memory_space<vmem>>
        %gather3A_1214 = tpu.vector_load_idx %gather3A_1213[%iota3A, %add3A_1198] : memref<32x128xf32, #tpu.memory_space<vmem>>[vector<16xi32>, vector<16xi32>], vector<16xf32>,
        %scatter3A_1215 = arith.constant 0 : i32
        %scatter3A_1216 = arith.constant 0 : i32
        %scatter3A_1217 = tpu.memref_slice %arg5[%rem3A_52, %scatter3A_1215, %scatter3A_1216] : memref<2x32x128xf32, #tpu.memory_space<vmem>> -> memref<1x32x128xf32, #tpu.memory_space<vmem>>
        %scatter3A_1218 = tpu.memref_squeeze %scatter3A_1217 : memref<1x32x128xf32, #tpu.memory_space<vmem>> -> memref<32x128xf32, #tpu.memory_space<vmem>>
        tpu.vector_store_idx %scatter3A_1218[%add3A_1202, %add3A_1209], %gather3A_1214 : memref<32x128xf32, #tpu.memory_space<vmem>>[vector<16xi32>, vector<16xi32>], vector<16xf32>,
        %gather3A_1219 = arith.constant 0 : i32
        %gather3A_1220 = arith.constant 0 : i32
        %gather3A_1221 = tpu.memref_slice %arg4[%rem3A_52, %gather3A_1219, %gather3A_1220] : memref<2x32x128xf32, #tpu.memory_space<vmem>> -> memref<1x32x128xf32, #tpu.memory_space<vmem>>
        %gather3A_1222 = tpu.memref_squeeze %gather3A_1221 : memref<1x32x128xf32, #tpu.memory_space<vmem>> -> memref<32x128xf32, #tpu.memory_space<vmem>>
        %gather3A_1223 = tpu.vector_load_idx %gather3A_1222[%add3A_11, %add3A_1198] : memref<32x128xf32, #tpu.memory_space<vmem>>[vector<16xi32>, vector<16xi32>], vector<16xf32>,
        %add3A_1224 = arith.constant 16 : i32
        %add3A_1225 = vector.broadcast %add3A_1224 : i32 to vector<16xi32>
        %add3A_1226 = arith.addi %add3A_1209, %add3A_1225 : vector<16xi32>
        %scatter3A_1227 = arith.constant 0 : i32
        %scatter3A_1228 = arith.constant 0 : i32
        %scatter3A_1229 = tpu.memref_slice %arg5[%rem3A_52, %scatter3A_1227, %scatter3A_1228] : memref<2x32x128xf32, #tpu.memory_space<vmem>> -> memref<1x32x128xf32, #tpu.memory_space<vmem>>
        %scatter3A_1230 = tpu.memref_squeeze %scatter3A_1229 : memref<1x32x128xf32, #tpu.memory_space<vmem>> -> memref<32x128xf32, #tpu.memory_space<vmem>>
        tpu.vector_store_idx %scatter3A_1230[%add3A_1202, %add3A_1226], %gather3A_1223 : memref<32x128xf32, #tpu.memory_space<vmem>>[vector<16xi32>, vector<16xi32>], vector<16xf32>,
        %add3A_1231 = arith.constant 12 : i32
        %add3A_1232 = vector.broadcast %add3A_1231 : i32 to vector<16xi32>
        %add3A_1233 = arith.addi %iota3A, %add3A_1232 : vector<16xi32>
        %and3A_1234 = arith.constant 15 : i32
        %and3A_1235 = vector.broadcast %and3A_1234 : i32 to vector<16xi32>
        %and3A_1236 = arith.andi %add3A_1233, %and3A_1235 : vector<16xi32>
        %add3A_1237 = vector.broadcast %mul3A_747 : i32 to vector<16xi32>
        %add3A_1238 = arith.addi %and3A_1236, %add3A_1237 : vector<16xi32>
        %shift_right_logical3A_1239 = arith.constant 2 : i32
        %shift_right_logical3A_1240 = vector.broadcast %shift_right_logical3A_1239 : i32 to vector<16xi32>
        %shift_right_logical3A_1241 = arith.shrui %and3A_1236, %shift_right_logical3A_1240 : vector<16xi32>
        %add3A_1242 = arith.addi %broadcast_in_dim3A_750, %shift_right_logical3A_1241 : vector<16xi32>
        %and3A_1243 = arith.constant 3 : i32
        %and3A_1244 = vector.broadcast %and3A_1243 : i32 to vector<16xi32>
        %and3A_1245 = arith.andi %and3A_1236, %and3A_1244 : vector<16xi32>
        %shift_left3A_1246 = arith.constant 5 : i32
        %shift_left3A_1247 = vector.broadcast %shift_left3A_1246 : i32 to vector<16xi32>
        %shift_left3A_1248 = arith.shli %and3A_1245, %shift_left3A_1247 : vector<16xi32>
        %add3A_1249 = arith.addi %shift_left3A_1248, %iota3A : vector<16xi32>
        %gather3A_1250 = arith.constant 0 : i32
        %gather3A_1251 = arith.constant 0 : i32
        %gather3A_1252 = tpu.memref_slice %arg4[%rem3A_52, %gather3A_1250, %gather3A_1251] : memref<2x32x128xf32, #tpu.memory_space<vmem>> -> memref<1x32x128xf32, #tpu.memory_space<vmem>>
        %gather3A_1253 = tpu.memref_squeeze %gather3A_1252 : memref<1x32x128xf32, #tpu.memory_space<vmem>> -> memref<32x128xf32, #tpu.memory_space<vmem>>
        %gather3A_1254 = tpu.vector_load_idx %gather3A_1253[%iota3A, %add3A_1238] : memref<32x128xf32, #tpu.memory_space<vmem>>[vector<16xi32>, vector<16xi32>], vector<16xf32>,
        %scatter3A_1255 = arith.constant 0 : i32
        %scatter3A_1256 = arith.constant 0 : i32
        %scatter3A_1257 = tpu.memref_slice %arg5[%rem3A_52, %scatter3A_1255, %scatter3A_1256] : memref<2x32x128xf32, #tpu.memory_space<vmem>> -> memref<1x32x128xf32, #tpu.memory_space<vmem>>
        %scatter3A_1258 = tpu.memref_squeeze %scatter3A_1257 : memref<1x32x128xf32, #tpu.memory_space<vmem>> -> memref<32x128xf32, #tpu.memory_space<vmem>>
        tpu.vector_store_idx %scatter3A_1258[%add3A_1242, %add3A_1249], %gather3A_1254 : memref<32x128xf32, #tpu.memory_space<vmem>>[vector<16xi32>, vector<16xi32>], vector<16xf32>,
        %gather3A_1259 = arith.constant 0 : i32
        %gather3A_1260 = arith.constant 0 : i32
        %gather3A_1261 = tpu.memref_slice %arg4[%rem3A_52, %gather3A_1259, %gather3A_1260] : memref<2x32x128xf32, #tpu.memory_space<vmem>> -> memref<1x32x128xf32, #tpu.memory_space<vmem>>
        %gather3A_1262 = tpu.memref_squeeze %gather3A_1261 : memref<1x32x128xf32, #tpu.memory_space<vmem>> -> memref<32x128xf32, #tpu.memory_space<vmem>>
        %gather3A_1263 = tpu.vector_load_idx %gather3A_1262[%add3A_11, %add3A_1238] : memref<32x128xf32, #tpu.memory_space<vmem>>[vector<16xi32>, vector<16xi32>], vector<16xf32>,
        %add3A_1264 = arith.constant 16 : i32
        %add3A_1265 = vector.broadcast %add3A_1264 : i32 to vector<16xi32>
        %add3A_1266 = arith.addi %add3A_1249, %add3A_1265 : vector<16xi32>
        %scatter3A_1267 = arith.constant 0 : i32
        %scatter3A_1268 = arith.constant 0 : i32
        %scatter3A_1269 = tpu.memref_slice %arg5[%rem3A_52, %scatter3A_1267, %scatter3A_1268] : memref<2x32x128xf32, #tpu.memory_space<vmem>> -> memref<1x32x128xf32, #tpu.memory_space<vmem>>
        %scatter3A_1270 = tpu.memref_squeeze %scatter3A_1269 : memref<1x32x128xf32, #tpu.memory_space<vmem>> -> memref<32x128xf32, #tpu.memory_space<vmem>>
        tpu.vector_store_idx %scatter3A_1270[%add3A_1242, %add3A_1266], %gather3A_1263 : memref<32x128xf32, #tpu.memory_space<vmem>>[vector<16xi32>, vector<16xi32>], vector<16xf32>,
        %add3A_1271 = arith.constant 13 : i32
        %add3A_1272 = vector.broadcast %add3A_1271 : i32 to vector<16xi32>
        %add3A_1273 = arith.addi %iota3A, %add3A_1272 : vector<16xi32>
        %and3A_1274 = arith.constant 15 : i32
        %and3A_1275 = vector.broadcast %and3A_1274 : i32 to vector<16xi32>
        %and3A_1276 = arith.andi %add3A_1273, %and3A_1275 : vector<16xi32>
        %add3A_1277 = vector.broadcast %mul3A_747 : i32 to vector<16xi32>
        %add3A_1278 = arith.addi %and3A_1276, %add3A_1277 : vector<16xi32>
        %shift_right_logical3A_1279 = arith.constant 2 : i32
        %shift_right_logical3A_1280 = vector.broadcast %shift_right_logical3A_1279 : i32 to vector<16xi32>
        %shift_right_logical3A_1281 = arith.shrui %and3A_1276, %shift_right_logical3A_1280 : vector<16xi32>
        %add3A_1282 = arith.addi %broadcast_in_dim3A_750, %shift_right_logical3A_1281 : vector<16xi32>
        %and3A_1283 = arith.constant 3 : i32
        %and3A_1284 = vector.broadcast %and3A_1283 : i32 to vector<16xi32>
        %and3A_1285 = arith.andi %and3A_1276, %and3A_1284 : vector<16xi32>
        %shift_left3A_1286 = arith.constant 5 : i32
        %shift_left3A_1287 = vector.broadcast %shift_left3A_1286 : i32 to vector<16xi32>
        %shift_left3A_1288 = arith.shli %and3A_1285, %shift_left3A_1287 : vector<16xi32>
        %add3A_1289 = arith.addi %shift_left3A_1288, %iota3A : vector<16xi32>
        %gather3A_1290 = arith.constant 0 : i32
        %gather3A_1291 = arith.constant 0 : i32
        %gather3A_1292 = tpu.memref_slice %arg4[%rem3A_52, %gather3A_1290, %gather3A_1291] : memref<2x32x128xf32, #tpu.memory_space<vmem>> -> memref<1x32x128xf32, #tpu.memory_space<vmem>>
        %gather3A_1293 = tpu.memref_squeeze %gather3A_1292 : memref<1x32x128xf32, #tpu.memory_space<vmem>> -> memref<32x128xf32, #tpu.memory_space<vmem>>
        %gather3A_1294 = tpu.vector_load_idx %gather3A_1293[%iota3A, %add3A_1278] : memref<32x128xf32, #tpu.memory_space<vmem>>[vector<16xi32>, vector<16xi32>], vector<16xf32>,
        %scatter3A_1295 = arith.constant 0 : i32
        %scatter3A_1296 = arith.constant 0 : i32
        %scatter3A_1297 = tpu.memref_slice %arg5[%rem3A_52, %scatter3A_1295, %scatter3A_1296] : memref<2x32x128xf32, #tpu.memory_space<vmem>> -> memref<1x32x128xf32, #tpu.memory_space<vmem>>
        %scatter3A_1298 = tpu.memref_squeeze %scatter3A_1297 : memref<1x32x128xf32, #tpu.memory_space<vmem>> -> memref<32x128xf32, #tpu.memory_space<vmem>>
        tpu.vector_store_idx %scatter3A_1298[%add3A_1282, %add3A_1289], %gather3A_1294 : memref<32x128xf32, #tpu.memory_space<vmem>>[vector<16xi32>, vector<16xi32>], vector<16xf32>,
        %gather3A_1299 = arith.constant 0 : i32
        %gather3A_1300 = arith.constant 0 : i32
        %gather3A_1301 = tpu.memref_slice %arg4[%rem3A_52, %gather3A_1299, %gather3A_1300] : memref<2x32x128xf32, #tpu.memory_space<vmem>> -> memref<1x32x128xf32, #tpu.memory_space<vmem>>
        %gather3A_1302 = tpu.memref_squeeze %gather3A_1301 : memref<1x32x128xf32, #tpu.memory_space<vmem>> -> memref<32x128xf32, #tpu.memory_space<vmem>>
        %gather3A_1303 = tpu.vector_load_idx %gather3A_1302[%add3A_11, %add3A_1278] : memref<32x128xf32, #tpu.memory_space<vmem>>[vector<16xi32>, vector<16xi32>], vector<16xf32>,
        %add3A_1304 = arith.constant 16 : i32
        %add3A_1305 = vector.broadcast %add3A_1304 : i32 to vector<16xi32>
        %add3A_1306 = arith.addi %add3A_1289, %add3A_1305 : vector<16xi32>
        %scatter3A_1307 = arith.constant 0 : i32
        %scatter3A_1308 = arith.constant 0 : i32
        %scatter3A_1309 = tpu.memref_slice %arg5[%rem3A_52, %scatter3A_1307, %scatter3A_1308] : memref<2x32x128xf32, #tpu.memory_space<vmem>> -> memref<1x32x128xf32, #tpu.memory_space<vmem>>
        %scatter3A_1310 = tpu.memref_squeeze %scatter3A_1309 : memref<1x32x128xf32, #tpu.memory_space<vmem>> -> memref<32x128xf32, #tpu.memory_space<vmem>>
        tpu.vector_store_idx %scatter3A_1310[%add3A_1282, %add3A_1306], %gather3A_1303 : memref<32x128xf32, #tpu.memory_space<vmem>>[vector<16xi32>, vector<16xi32>], vector<16xf32>,
        %add3A_1311 = arith.constant 14 : i32
        %add3A_1312 = vector.broadcast %add3A_1311 : i32 to vector<16xi32>
        %add3A_1313 = arith.addi %iota3A, %add3A_1312 : vector<16xi32>
        %and3A_1314 = arith.constant 15 : i32
        %and3A_1315 = vector.broadcast %and3A_1314 : i32 to vector<16xi32>
        %and3A_1316 = arith.andi %add3A_1313, %and3A_1315 : vector<16xi32>
        %add3A_1317 = vector.broadcast %mul3A_747 : i32 to vector<16xi32>
        %add3A_1318 = arith.addi %and3A_1316, %add3A_1317 : vector<16xi32>
        %shift_right_logical3A_1319 = arith.constant 2 : i32
        %shift_right_logical3A_1320 = vector.broadcast %shift_right_logical3A_1319 : i32 to vector<16xi32>
        %shift_right_logical3A_1321 = arith.shrui %and3A_1316, %shift_right_logical3A_1320 : vector<16xi32>
        %add3A_1322 = arith.addi %broadcast_in_dim3A_750, %shift_right_logical3A_1321 : vector<16xi32>
        %and3A_1323 = arith.constant 3 : i32
        %and3A_1324 = vector.broadcast %and3A_1323 : i32 to vector<16xi32>
        %and3A_1325 = arith.andi %and3A_1316, %and3A_1324 : vector<16xi32>
        %shift_left3A_1326 = arith.constant 5 : i32
        %shift_left3A_1327 = vector.broadcast %shift_left3A_1326 : i32 to vector<16xi32>
        %shift_left3A_1328 = arith.shli %and3A_1325, %shift_left3A_1327 : vector<16xi32>
        %add3A_1329 = arith.addi %shift_left3A_1328, %iota3A : vector<16xi32>
        %gather3A_1330 = arith.constant 0 : i32
        %gather3A_1331 = arith.constant 0 : i32
        %gather3A_1332 = tpu.memref_slice %arg4[%rem3A_52, %gather3A_1330, %gather3A_1331] : memref<2x32x128xf32, #tpu.memory_space<vmem>> -> memref<1x32x128xf32, #tpu.memory_space<vmem>>
        %gather3A_1333 = tpu.memref_squeeze %gather3A_1332 : memref<1x32x128xf32, #tpu.memory_space<vmem>> -> memref<32x128xf32, #tpu.memory_space<vmem>>
        %gather3A_1334 = tpu.vector_load_idx %gather3A_1333[%iota3A, %add3A_1318] : memref<32x128xf32, #tpu.memory_space<vmem>>[vector<16xi32>, vector<16xi32>], vector<16xf32>,
        %scatter3A_1335 = arith.constant 0 : i32
        %scatter3A_1336 = arith.constant 0 : i32
        %scatter3A_1337 = tpu.memref_slice %arg5[%rem3A_52, %scatter3A_1335, %scatter3A_1336] : memref<2x32x128xf32, #tpu.memory_space<vmem>> -> memref<1x32x128xf32, #tpu.memory_space<vmem>>
        %scatter3A_1338 = tpu.memref_squeeze %scatter3A_1337 : memref<1x32x128xf32, #tpu.memory_space<vmem>> -> memref<32x128xf32, #tpu.memory_space<vmem>>
        tpu.vector_store_idx %scatter3A_1338[%add3A_1322, %add3A_1329], %gather3A_1334 : memref<32x128xf32, #tpu.memory_space<vmem>>[vector<16xi32>, vector<16xi32>], vector<16xf32>,
        %gather3A_1339 = arith.constant 0 : i32
        %gather3A_1340 = arith.constant 0 : i32
        %gather3A_1341 = tpu.memref_slice %arg4[%rem3A_52, %gather3A_1339, %gather3A_1340] : memref<2x32x128xf32, #tpu.memory_space<vmem>> -> memref<1x32x128xf32, #tpu.memory_space<vmem>>
        %gather3A_1342 = tpu.memref_squeeze %gather3A_1341 : memref<1x32x128xf32, #tpu.memory_space<vmem>> -> memref<32x128xf32, #tpu.memory_space<vmem>>
        %gather3A_1343 = tpu.vector_load_idx %gather3A_1342[%add3A_11, %add3A_1318] : memref<32x128xf32, #tpu.memory_space<vmem>>[vector<16xi32>, vector<16xi32>], vector<16xf32>,
        %add3A_1344 = arith.constant 16 : i32
        %add3A_1345 = vector.broadcast %add3A_1344 : i32 to vector<16xi32>
        %add3A_1346 = arith.addi %add3A_1329, %add3A_1345 : vector<16xi32>
        %scatter3A_1347 = arith.constant 0 : i32
        %scatter3A_1348 = arith.constant 0 : i32
        %scatter3A_1349 = tpu.memref_slice %arg5[%rem3A_52, %scatter3A_1347, %scatter3A_1348] : memref<2x32x128xf32, #tpu.memory_space<vmem>> -> memref<1x32x128xf32, #tpu.memory_space<vmem>>
        %scatter3A_1350 = tpu.memref_squeeze %scatter3A_1349 : memref<1x32x128xf32, #tpu.memory_space<vmem>> -> memref<32x128xf32, #tpu.memory_space<vmem>>
        tpu.vector_store_idx %scatter3A_1350[%add3A_1322, %add3A_1346], %gather3A_1343 : memref<32x128xf32, #tpu.memory_space<vmem>>[vector<16xi32>, vector<16xi32>], vector<16xf32>,
        %add3A_1351 = arith.constant 15 : i32
        %add3A_1352 = vector.broadcast %add3A_1351 : i32 to vector<16xi32>
        %add3A_1353 = arith.addi %iota3A, %add3A_1352 : vector<16xi32>
        %and3A_1354 = arith.constant 15 : i32
        %and3A_1355 = vector.broadcast %and3A_1354 : i32 to vector<16xi32>
        %and3A_1356 = arith.andi %add3A_1353, %and3A_1355 : vector<16xi32>
        %add3A_1357 = vector.broadcast %mul3A_747 : i32 to vector<16xi32>
        %add3A_1358 = arith.addi %and3A_1356, %add3A_1357 : vector<16xi32>
        %shift_right_logical3A_1359 = arith.constant 2 : i32
        %shift_right_logical3A_1360 = vector.broadcast %shift_right_logical3A_1359 : i32 to vector<16xi32>
        %shift_right_logical3A_1361 = arith.shrui %and3A_1356, %shift_right_logical3A_1360 : vector<16xi32>
        %add3A_1362 = arith.addi %broadcast_in_dim3A_750, %shift_right_logical3A_1361 : vector<16xi32>
        %and3A_1363 = arith.constant 3 : i32
        %and3A_1364 = vector.broadcast %and3A_1363 : i32 to vector<16xi32>
        %and3A_1365 = arith.andi %and3A_1356, %and3A_1364 : vector<16xi32>
        %shift_left3A_1366 = arith.constant 5 : i32
        %shift_left3A_1367 = vector.broadcast %shift_left3A_1366 : i32 to vector<16xi32>
        %shift_left3A_1368 = arith.shli %and3A_1365, %shift_left3A_1367 : vector<16xi32>
        %add3A_1369 = arith.addi %shift_left3A_1368, %iota3A : vector<16xi32>
        %gather3A_1370 = arith.constant 0 : i32
        %gather3A_1371 = arith.constant 0 : i32
        %gather3A_1372 = tpu.memref_slice %arg4[%rem3A_52, %gather3A_1370, %gather3A_1371] : memref<2x32x128xf32, #tpu.memory_space<vmem>> -> memref<1x32x128xf32, #tpu.memory_space<vmem>>
        %gather3A_1373 = tpu.memref_squeeze %gather3A_1372 : memref<1x32x128xf32, #tpu.memory_space<vmem>> -> memref<32x128xf32, #tpu.memory_space<vmem>>
        %gather3A_1374 = tpu.vector_load_idx %gather3A_1373[%iota3A, %add3A_1358] : memref<32x128xf32, #tpu.memory_space<vmem>>[vector<16xi32>, vector<16xi32>], vector<16xf32>,
        %scatter3A_1375 = arith.constant 0 : i32
        %scatter3A_1376 = arith.constant 0 : i32
        %scatter3A_1377 = tpu.memref_slice %arg5[%rem3A_52, %scatter3A_1375, %scatter3A_1376] : memref<2x32x128xf32, #tpu.memory_space<vmem>> -> memref<1x32x128xf32, #tpu.memory_space<vmem>>
        %scatter3A_1378 = tpu.memref_squeeze %scatter3A_1377 : memref<1x32x128xf32, #tpu.memory_space<vmem>> -> memref<32x128xf32, #tpu.memory_space<vmem>>
        tpu.vector_store_idx %scatter3A_1378[%add3A_1362, %add3A_1369], %gather3A_1374 : memref<32x128xf32, #tpu.memory_space<vmem>>[vector<16xi32>, vector<16xi32>], vector<16xf32>,
        %gather3A_1379 = arith.constant 0 : i32
        %gather3A_1380 = arith.constant 0 : i32
        %gather3A_1381 = tpu.memref_slice %arg4[%rem3A_52, %gather3A_1379, %gather3A_1380] : memref<2x32x128xf32, #tpu.memory_space<vmem>> -> memref<1x32x128xf32, #tpu.memory_space<vmem>>
        %gather3A_1382 = tpu.memref_squeeze %gather3A_1381 : memref<1x32x128xf32, #tpu.memory_space<vmem>> -> memref<32x128xf32, #tpu.memory_space<vmem>>
        %gather3A_1383 = tpu.vector_load_idx %gather3A_1382[%add3A_11, %add3A_1358] : memref<32x128xf32, #tpu.memory_space<vmem>>[vector<16xi32>, vector<16xi32>], vector<16xf32>,
        %add3A_1384 = arith.constant 16 : i32
        %add3A_1385 = vector.broadcast %add3A_1384 : i32 to vector<16xi32>
        %add3A_1386 = arith.addi %add3A_1369, %add3A_1385 : vector<16xi32>
        %scatter3A_1387 = arith.constant 0 : i32
        %scatter3A_1388 = arith.constant 0 : i32
        %scatter3A_1389 = tpu.memref_slice %arg5[%rem3A_52, %scatter3A_1387, %scatter3A_1388] : memref<2x32x128xf32, #tpu.memory_space<vmem>> -> memref<1x32x128xf32, #tpu.memory_space<vmem>>
        %scatter3A_1390 = tpu.memref_squeeze %scatter3A_1389 : memref<1x32x128xf32, #tpu.memory_space<vmem>> -> memref<32x128xf32, #tpu.memory_space<vmem>>
        tpu.vector_store_idx %scatter3A_1390[%add3A_1362, %add3A_1386], %gather3A_1383 : memref<32x128xf32, #tpu.memory_space<vmem>>[vector<16xi32>, vector<16xi32>], vector<16xf32>,
      }
      %scan3A_80 = arith.constant 8 : i32
      %add3A_81 = arith.addi %add3A_4, %add3A_51 : i32
      %mul3A_82 = arith.constant 32 : i32
      %mul3A_83 = arith.muli %add3A_81, %mul3A_82 : i32
      %dma_start3A_84 = arith.constant 0 : i32
      %dma_start3A_85 = arith.constant 0 : i32
      %dma_start3A_86 = tpu.memref_slice %arg5[%rem3A_52, %dma_start3A_84, %dma_start3A_85] : memref<2x32x128xf32, #tpu.memory_space<vmem>> -> memref<1x32x128xf32, #tpu.memory_space<vmem>>
      %dma_start3A_87 = tpu.memref_squeeze %dma_start3A_86 : memref<1x32x128xf32, #tpu.memory_space<vmem>> -> memref<32x128xf32, #tpu.memory_space<vmem>>
      %dma_start3A_88 = arith.constant 0 : i32
      %dma_start3A_89 = tpu.memref_slice %arg3[%mul3A_83, %dma_start3A_88] : memref<250000x128xf32, #tpu.memory_space<hbm>> -> memref<32x128xf32, #tpu.memory_space<hbm>>
      %dma_start3A_90 = arith.constant 0 : i32
      %dma_start3A_91 = tpu.memref_slice %arg3[%mul3A_83, %dma_start3A_90] : memref<250000x128xf32, #tpu.memory_space<hbm>> -> memref<32x128xf32, #tpu.memory_space<hbm>>
      %dma_start3A_92 = arith.constant 0 : i32
      %dma_start3A_93 = arith.constant 0 : i32
      %dma_start3A_94 = tpu.memref_slice %arg5[%rem3A_52, %dma_start3A_92, %dma_start3A_93] : memref<2x32x128xf32, #tpu.memory_space<vmem>> -> memref<1x32x128xf32, #tpu.memory_space<vmem>>
      %dma_start3A_95 = tpu.memref_squeeze %dma_start3A_94 : memref<1x32x128xf32, #tpu.memory_space<vmem>> -> memref<32x128xf32, #tpu.memory_space<vmem>>
      tpu.enqueue_dma source(%dma_start3A_95 : memref<32x128xf32, #tpu.memory_space<vmem>>) target(%dma_start3A_91 : memref<32x128xf32, #tpu.memory_space<hbm>>) target_semaphore(%arg7 : memref<!tpu.dma_semaphore, #tpu.memory_space<semaphore_mem>>)
    }
    %while3A_41 = arith.constant 1 : i32
    scf.for %while3A_49 = %while3A_39 to %while3A_35 step %while3A_41  : i32 {
      %mul3A_50 = arith.muli %while3A_49, %while3A : i32
      %add3A_51 = arith.addi %while3A_32, %mul3A_50 : i32
      %rem3A = arith.constant 2 : i32
      %rem3A_52 = arith.remsi %add3A_51, %rem3A : i32
      %add3A_53 = arith.constant 1 : i32
      %add3A_54 = arith.addi %add3A_51, %add3A_53 : i32
      %lt3A_55 = arith.cmpi slt, %add3A_54, %add3A_8 : i32
      %convert_element_type3A_56 = arith.extui %lt3A_55 : i1 to i32
      %cond3A_57 = arith.constant 0 : i32
      %cond3A_58 = arith.cmpi ne, %convert_element_type3A_56, %cond3A_57 : i32
      scf.if %cond3A_58 {
        %add3A_96 = arith.addi %add3A_4, %add3A_51 : i32
        %add3A_97 = arith.constant 1 : i32
        %add3A_98 = arith.addi %add3A_96, %add3A_97 : i32
        %mul3A_99 = arith.constant 128 : i32
        %mul3A_100 = arith.muli %add3A_98, %mul3A_99 : i32
        %sub3A_101 = arith.constant 1 : i32
        %sub3A_102 = arith.subi %sub3A_101, %rem3A_52 : i32
        %dma_start3A_103 = arith.constant 0 : i32
        %dma_start3A_104 = arith.constant 0 : i32
        %dma_start3A_105 = tpu.memref_slice %arg4[%sub3A_102, %dma_start3A_103, %dma_start3A_104] : memref<2x32x128xf32, #tpu.memory_space<vmem>> -> memref<1x32x128xf32, #tpu.memory_space<vmem>>
        %dma_start3A_106 = tpu.memref_squeeze %dma_start3A_105 : memref<1x32x128xf32, #tpu.memory_space<vmem>> -> memref<32x128xf32, #tpu.memory_space<vmem>>
        %dma_start3A_107 = arith.constant 0 : i32
        %dma_start3A_108 = tpu.memref_slice %arg2[%dma_start3A_107, %mul3A_100] : memref<32x1000000xf32, #tpu.memory_space<hbm>> -> memref<32x128xf32, #tpu.memory_space<hbm>>
        %dma_start3A_109 = arith.constant 0 : i32
        %dma_start3A_110 = arith.constant 0 : i32
        %dma_start3A_111 = tpu.memref_slice %arg4[%sub3A_102, %dma_start3A_109, %dma_start3A_110] : memref<2x32x128xf32, #tpu.memory_space<vmem>> -> memref<1x32x128xf32, #tpu.memory_space<vmem>>
        %dma_start3A_112 = tpu.memref_squeeze %dma_start3A_111 : memref<1x32x128xf32, #tpu.memory_space<vmem>> -> memref<32x128xf32, #tpu.memory_space<vmem>>
        %dma_start3A_113 = arith.constant 0 : i32
        %dma_start3A_114 = tpu.memref_slice %arg2[%dma_start3A_113, %mul3A_100] : memref<32x1000000xf32, #tpu.memory_space<hbm>> -> memref<32x128xf32, #tpu.memory_space<hbm>>
        tpu.enqueue_dma source(%dma_start3A_114 : memref<32x128xf32, #tpu.memory_space<hbm>>) target(%dma_start3A_112 : memref<32x128xf32, #tpu.memory_space<vmem>>) target_semaphore(%arg6 : memref<!tpu.dma_semaphore, #tpu.memory_space<semaphore_mem>>)
      } else {
      }
      %mul3A_59 = arith.constant 128 : i32
      %mul3A_60 = arith.muli %add3A_4, %mul3A_59 : i32
      %dma_wait3A = arith.constant 0 : i32
      %dma_wait3A_61 = arith.constant 0 : i32
      %dma_wait3A_62 = tpu.memref_slice %arg4[%rem3A_52, %dma_wait3A, %dma_wait3A_61] : memref<2x32x128xf32, #tpu.memory_space<vmem>> -> memref<1x32x128xf32, #tpu.memory_space<vmem>>
      %dma_wait3A_63 = tpu.memref_squeeze %dma_wait3A_62 : memref<1x32x128xf32, #tpu.memory_space<vmem>> -> memref<32x128xf32, #tpu.memory_space<vmem>>
      %dma_wait3A_64 = arith.constant 0 : i32
      %dma_wait3A_65 = tpu.memref_slice %arg2[%dma_wait3A_64, %mul3A_60] : memref<32x1000000xf32, #tpu.memory_space<hbm>> -> memref<32x128xf32, #tpu.memory_space<hbm>>
      %dma_wait3A_66 = arith.constant 0 : i32
      %dma_wait3A_67 = arith.constant 0 : i32
      %dma_wait3A_68 = tpu.memref_slice %arg4[%rem3A_52, %dma_wait3A_66, %dma_wait3A_67] : memref<2x32x128xf32, #tpu.memory_space<vmem>> -> memref<1x32x128xf32, #tpu.memory_space<vmem>>
      %dma_wait3A_69 = tpu.memref_squeeze %dma_wait3A_68 : memref<1x32x128xf32, #tpu.memory_space<vmem>> -> memref<32x128xf32, #tpu.memory_space<vmem>>
      %dma_wait3A_70 = arith.constant 0 : i32
      %dma_wait3A_71 = tpu.memref_slice %arg2[%dma_wait3A_70, %mul3A_60] : memref<32x1000000xf32, #tpu.memory_space<hbm>> -> memref<32x128xf32, #tpu.memory_space<hbm>>
      tpu.wait_dma2 semaphore(%arg6 : memref<!tpu.dma_semaphore, #tpu.memory_space<semaphore_mem>>) src(%dma_wait3A_71 : memref<32x128xf32, #tpu.memory_space<hbm>>) dst(%dma_wait3A_69 : memref<32x128xf32, #tpu.memory_space<vmem>>)
      %ge3A_72 = arith.constant 2 : i32
      %ge3A_73 = arith.cmpi sge, %add3A_51, %ge3A_72 : i32
      %convert_element_type3A_74 = arith.extui %ge3A_73 : i1 to i32
      %cond3A_75 = arith.constant 0 : i32
      %cond3A_76 = arith.cmpi ne, %convert_element_type3A_74, %cond3A_75 : i32
      scf.if %cond3A_76 {
        %dma_wait3A_96 = arith.constant 0 : i32
        %dma_wait3A_97 = arith.constant 0 : i32
        %dma_wait3A_98 = tpu.memref_slice %arg5[%rem3A_52, %dma_wait3A_96, %dma_wait3A_97] : memref<2x32x128xf32, #tpu.memory_space<vmem>> -> memref<1x32x128xf32, #tpu.memory_space<vmem>>
        %dma_wait3A_99 = tpu.memref_squeeze %dma_wait3A_98 : memref<1x32x128xf32, #tpu.memory_space<vmem>> -> memref<32x128xf32, #tpu.memory_space<vmem>>
        %dma_wait3A_100 = arith.constant 0 : i32
        %dma_wait3A_101 = arith.constant 0 : i32
        %dma_wait3A_102 = tpu.memref_slice %arg3[%dma_wait3A_100, %dma_wait3A_101] : memref<250000x128xf32, #tpu.memory_space<hbm>> -> memref<32x128xf32, #tpu.memory_space<hbm>>
        %dma_wait3A_103 = arith.constant 0 : i32
        %dma_wait3A_104 = arith.constant 0 : i32
        %dma_wait3A_105 = tpu.memref_slice %arg3[%dma_wait3A_103, %dma_wait3A_104] : memref<250000x128xf32, #tpu.memory_space<hbm>> -> memref<32x128xf32, #tpu.memory_space<hbm>>
        %dma_wait3A_106 = arith.constant 0 : i32
        %dma_wait3A_107 = arith.constant 0 : i32
        %dma_wait3A_108 = tpu.memref_slice %arg5[%rem3A_52, %dma_wait3A_106, %dma_wait3A_107] : memref<2x32x128xf32, #tpu.memory_space<vmem>> -> memref<1x32x128xf32, #tpu.memory_space<vmem>>
        %dma_wait3A_109 = tpu.memref_squeeze %dma_wait3A_108 : memref<1x32x128xf32, #tpu.memory_space<vmem>> -> memref<32x128xf32, #tpu.memory_space<vmem>>
        tpu.wait_dma2 semaphore(%arg7 : memref<!tpu.dma_semaphore, #tpu.memory_space<semaphore_mem>>) src(%dma_wait3A_109 : memref<32x128xf32, #tpu.memory_space<vmem>>) dst(%dma_wait3A_105 : memref<32x128xf32, #tpu.memory_space<hbm>>)
      } else {
      }
      %scan3A = arith.constant 0 : i32
      %scan3A_77 = arith.constant 8 : i32
      %scan3A_78 = arith.addi %scan3A, %scan3A_77 : i32
      %scan3A_79 = arith.constant 2 : i32
      scf.for %scan3A_96 = %scan3A to %scan3A_78 step %scan3A_79  : i32 {
        %mul3A_97 = arith.constant 1 : i32
        %mul3A_98 = arith.muli %scan3A_96, %mul3A_97 : i32
        %add3A_99 = arith.constant 0 : i32
        %add3A_100 = arith.addi %add3A_99, %mul3A_98 : i32
        %mul3A_101 = arith.constant 16 : i32
        %mul3A_102 = arith.muli %add3A_100, %mul3A_101 : i32
        %mul3A_103 = arith.constant 4 : i32
        %mul3A_104 = arith.muli %add3A_100, %mul3A_103 : i32
        %broadcast_in_dim3A = vector.broadcast %mul3A_104 : i32 to vector<16xi32>
        %add3A_105 = arith.constant 0 : i32
        %add3A_106 = vector.broadcast %add3A_105 : i32 to vector<16xi32>
        %add3A_107 = arith.addi %iota3A, %add3A_106 : vector<16xi32>
        %and3A = arith.constant 15 : i32
        %and3A_108 = vector.broadcast %and3A : i32 to vector<16xi32>
        %and3A_109 = arith.andi %add3A_107, %and3A_108 : vector<16xi32>
        %add3A_110 = vector.broadcast %mul3A_102 : i32 to vector<16xi32>
        %add3A_111 = arith.addi %and3A_109, %add3A_110 : vector<16xi32>
        %shift_right_logical3A = arith.constant 2 : i32
        %shift_right_logical3A_112 = vector.broadcast %shift_right_logical3A : i32 to vector<16xi32>
        %shift_right_logical3A_113 = arith.shrui %and3A_109, %shift_right_logical3A_112 : vector<16xi32>
        %add3A_114 = arith.addi %broadcast_in_dim3A, %shift_right_logical3A_113 : vector<16xi32>
        %and3A_115 = arith.constant 3 : i32
        %and3A_116 = vector.broadcast %and3A_115 : i32 to vector<16xi32>
        %and3A_117 = arith.andi %and3A_109, %and3A_116 : vector<16xi32>
        %shift_left3A = arith.constant 5 : i32
        %shift_left3A_118 = vector.broadcast %shift_left3A : i32 to vector<16xi32>
        %shift_left3A_119 = arith.shli %and3A_117, %shift_left3A_118 : vector<16xi32>
        %add3A_120 = arith.addi %shift_left3A_119, %iota3A : vector<16xi32>
        %gather3A = arith.constant 0 : i32
        %gather3A_121 = arith.constant 0 : i32
        %gather3A_122 = tpu.memref_slice %arg4[%rem3A_52, %gather3A, %gather3A_121] : memref<2x32x128xf32, #tpu.memory_space<vmem>> -> memref<1x32x128xf32, #tpu.memory_space<vmem>>
        %gather3A_123 = tpu.memref_squeeze %gather3A_122 : memref<1x32x128xf32, #tpu.memory_space<vmem>> -> memref<32x128xf32, #tpu.memory_space<vmem>>
        %gather3A_124 = tpu.vector_load_idx %gather3A_123[%iota3A, %add3A_111] : memref<32x128xf32, #tpu.memory_space<vmem>>[vector<16xi32>, vector<16xi32>], vector<16xf32>,
        %scatter3A = arith.constant 0 : i32
        %scatter3A_125 = arith.constant 0 : i32
        %scatter3A_126 = tpu.memref_slice %arg5[%rem3A_52, %scatter3A, %scatter3A_125] : memref<2x32x128xf32, #tpu.memory_space<vmem>> -> memref<1x32x128xf32, #tpu.memory_space<vmem>>
        %scatter3A_127 = tpu.memref_squeeze %scatter3A_126 : memref<1x32x128xf32, #tpu.memory_space<vmem>> -> memref<32x128xf32, #tpu.memory_space<vmem>>
        tpu.vector_store_idx %scatter3A_127[%add3A_114, %add3A_120], %gather3A_124 : memref<32x128xf32, #tpu.memory_space<vmem>>[vector<16xi32>, vector<16xi32>], vector<16xf32>,
        %gather3A_128 = arith.constant 0 : i32
        %gather3A_129 = arith.constant 0 : i32
        %gather3A_130 = tpu.memref_slice %arg4[%rem3A_52, %gather3A_128, %gather3A_129] : memref<2x32x128xf32, #tpu.memory_space<vmem>> -> memref<1x32x128xf32, #tpu.memory_space<vmem>>
        %gather3A_131 = tpu.memref_squeeze %gather3A_130 : memref<1x32x128xf32, #tpu.memory_space<vmem>> -> memref<32x128xf32, #tpu.memory_space<vmem>>
        %gather3A_132 = tpu.vector_load_idx %gather3A_131[%add3A_11, %add3A_111] : memref<32x128xf32, #tpu.memory_space<vmem>>[vector<16xi32>, vector<16xi32>], vector<16xf32>,
        %add3A_133 = arith.constant 16 : i32
        %add3A_134 = vector.broadcast %add3A_133 : i32 to vector<16xi32>
        %add3A_135 = arith.addi %add3A_120, %add3A_134 : vector<16xi32>
        %scatter3A_136 = arith.constant 0 : i32
        %scatter3A_137 = arith.constant 0 : i32
        %scatter3A_138 = tpu.memref_slice %arg5[%rem3A_52, %scatter3A_136, %scatter3A_137] : memref<2x32x128xf32, #tpu.memory_space<vmem>> -> memref<1x32x128xf32, #tpu.memory_space<vmem>>
        %scatter3A_139 = tpu.memref_squeeze %scatter3A_138 : memref<1x32x128xf32, #tpu.memory_space<vmem>> -> memref<32x128xf32, #tpu.memory_space<vmem>>
        tpu.vector_store_idx %scatter3A_139[%add3A_114, %add3A_135], %gather3A_132 : memref<32x128xf32, #tpu.memory_space<vmem>>[vector<16xi32>, vector<16xi32>], vector<16xf32>,
        %add3A_140 = arith.constant 1 : i32
        %add3A_141 = vector.broadcast %add3A_140 : i32 to vector<16xi32>
        %add3A_142 = arith.addi %iota3A, %add3A_141 : vector<16xi32>
        %and3A_143 = arith.constant 15 : i32
        %and3A_144 = vector.broadcast %and3A_143 : i32 to vector<16xi32>
        %and3A_145 = arith.andi %add3A_142, %and3A_144 : vector<16xi32>
        %add3A_146 = vector.broadcast %mul3A_102 : i32 to vector<16xi32>
        %add3A_147 = arith.addi %and3A_145, %add3A_146 : vector<16xi32>
        %shift_right_logical3A_148 = arith.constant 2 : i32
        %shift_right_logical3A_149 = vector.broadcast %shift_right_logical3A_148 : i32 to vector<16xi32>
        %shift_right_logical3A_150 = arith.shrui %and3A_145, %shift_right_logical3A_149 : vector<16xi32>
        %add3A_151 = arith.addi %broadcast_in_dim3A, %shift_right_logical3A_150 : vector<16xi32>
        %and3A_152 = arith.constant 3 : i32
        %and3A_153 = vector.broadcast %and3A_152 : i32 to vector<16xi32>
        %and3A_154 = arith.andi %and3A_145, %and3A_153 : vector<16xi32>
        %shift_left3A_155 = arith.constant 5 : i32
        %shift_left3A_156 = vector.broadcast %shift_left3A_155 : i32 to vector<16xi32>
        %shift_left3A_157 = arith.shli %and3A_154, %shift_left3A_156 : vector<16xi32>
        %add3A_158 = arith.addi %shift_left3A_157, %iota3A : vector<16xi32>
        %gather3A_159 = arith.constant 0 : i32
        %gather3A_160 = arith.constant 0 : i32
        %gather3A_161 = tpu.memref_slice %arg4[%rem3A_52, %gather3A_159, %gather3A_160] : memref<2x32x128xf32, #tpu.memory_space<vmem>> -> memref<1x32x128xf32, #tpu.memory_space<vmem>>
        %gather3A_162 = tpu.memref_squeeze %gather3A_161 : memref<1x32x128xf32, #tpu.memory_space<vmem>> -> memref<32x128xf32, #tpu.memory_space<vmem>>
        %gather3A_163 = tpu.vector_load_idx %gather3A_162[%iota3A, %add3A_147] : memref<32x128xf32, #tpu.memory_space<vmem>>[vector<16xi32>, vector<16xi32>], vector<16xf32>,
        %scatter3A_164 = arith.constant 0 : i32
        %scatter3A_165 = arith.constant 0 : i32
        %scatter3A_166 = tpu.memref_slice %arg5[%rem3A_52, %scatter3A_164, %scatter3A_165] : memref<2x32x128xf32, #tpu.memory_space<vmem>> -> memref<1x32x128xf32, #tpu.memory_space<vmem>>
        %scatter3A_167 = tpu.memref_squeeze %scatter3A_166 : memref<1x32x128xf32, #tpu.memory_space<vmem>> -> memref<32x128xf32, #tpu.memory_space<vmem>>
        tpu.vector_store_idx %scatter3A_167[%add3A_151, %add3A_158], %gather3A_163 : memref<32x128xf32, #tpu.memory_space<vmem>>[vector<16xi32>, vector<16xi32>], vector<16xf32>,
        %gather3A_168 = arith.constant 0 : i32
        %gather3A_169 = arith.constant 0 : i32
        %gather3A_170 = tpu.memref_slice %arg4[%rem3A_52, %gather3A_168, %gather3A_169] : memref<2x32x128xf32, #tpu.memory_space<vmem>> -> memref<1x32x128xf32, #tpu.memory_space<vmem>>
        %gather3A_171 = tpu.memref_squeeze %gather3A_170 : memref<1x32x128xf32, #tpu.memory_space<vmem>> -> memref<32x128xf32, #tpu.memory_space<vmem>>
        %gather3A_172 = tpu.vector_load_idx %gather3A_171[%add3A_11, %add3A_147] : memref<32x128xf32, #tpu.memory_space<vmem>>[vector<16xi32>, vector<16xi32>], vector<16xf32>,
        %add3A_173 = arith.constant 16 : i32
        %add3A_174 = vector.broadcast %add3A_173 : i32 to vector<16xi32>
        %add3A_175 = arith.addi %add3A_158, %add3A_174 : vector<16xi32>
        %scatter3A_176 = arith.constant 0 : i32
        %scatter3A_177 = arith.constant 0 : i32
        %scatter3A_178 = tpu.memref_slice %arg5[%rem3A_52, %scatter3A_176, %scatter3A_177] : memref<2x32x128xf32, #tpu.memory_space<vmem>> -> memref<1x32x128xf32, #tpu.memory_space<vmem>>
        %scatter3A_179 = tpu.memref_squeeze %scatter3A_178 : memref<1x32x128xf32, #tpu.memory_space<vmem>> -> memref<32x128xf32, #tpu.memory_space<vmem>>
        tpu.vector_store_idx %scatter3A_179[%add3A_151, %add3A_175], %gather3A_172 : memref<32x128xf32, #tpu.memory_space<vmem>>[vector<16xi32>, vector<16xi32>], vector<16xf32>,
        %add3A_180 = arith.constant 2 : i32
        %add3A_181 = vector.broadcast %add3A_180 : i32 to vector<16xi32>
        %add3A_182 = arith.addi %iota3A, %add3A_181 : vector<16xi32>
        %and3A_183 = arith.constant 15 : i32
        %and3A_184 = vector.broadcast %and3A_183 : i32 to vector<16xi32>
        %and3A_185 = arith.andi %add3A_182, %and3A_184 : vector<16xi32>
        %add3A_186 = vector.broadcast %mul3A_102 : i32 to vector<16xi32>
        %add3A_187 = arith.addi %and3A_185, %add3A_186 : vector<16xi32>
        %shift_right_logical3A_188 = arith.constant 2 : i32
        %shift_right_logical3A_189 = vector.broadcast %shift_right_logical3A_188 : i32 to vector<16xi32>
        %shift_right_logical3A_190 = arith.shrui %and3A_185, %shift_right_logical3A_189 : vector<16xi32>
        %add3A_191 = arith.addi %broadcast_in_dim3A, %shift_right_logical3A_190 : vector<16xi32>
        %and3A_192 = arith.constant 3 : i32
        %and3A_193 = vector.broadcast %and3A_192 : i32 to vector<16xi32>
        %and3A_194 = arith.andi %and3A_185, %and3A_193 : vector<16xi32>
        %shift_left3A_195 = arith.constant 5 : i32
        %shift_left3A_196 = vector.broadcast %shift_left3A_195 : i32 to vector<16xi32>
        %shift_left3A_197 = arith.shli %and3A_194, %shift_left3A_196 : vector<16xi32>
        %add3A_198 = arith.addi %shift_left3A_197, %iota3A : vector<16xi32>
        %gather3A_199 = arith.constant 0 : i32
        %gather3A_200 = arith.constant 0 : i32
        %gather3A_201 = tpu.memref_slice %arg4[%rem3A_52, %gather3A_199, %gather3A_200] : memref<2x32x128xf32, #tpu.memory_space<vmem>> -> memref<1x32x128xf32, #tpu.memory_space<vmem>>
        %gather3A_202 = tpu.memref_squeeze %gather3A_201 : memref<1x32x128xf32, #tpu.memory_space<vmem>> -> memref<32x128xf32, #tpu.memory_space<vmem>>
        %gather3A_203 = tpu.vector_load_idx %gather3A_202[%iota3A, %add3A_187] : memref<32x128xf32, #tpu.memory_space<vmem>>[vector<16xi32>, vector<16xi32>], vector<16xf32>,
        %scatter3A_204 = arith.constant 0 : i32
        %scatter3A_205 = arith.constant 0 : i32
        %scatter3A_206 = tpu.memref_slice %arg5[%rem3A_52, %scatter3A_204, %scatter3A_205] : memref<2x32x128xf32, #tpu.memory_space<vmem>> -> memref<1x32x128xf32, #tpu.memory_space<vmem>>
        %scatter3A_207 = tpu.memref_squeeze %scatter3A_206 : memref<1x32x128xf32, #tpu.memory_space<vmem>> -> memref<32x128xf32, #tpu.memory_space<vmem>>
        tpu.vector_store_idx %scatter3A_207[%add3A_191, %add3A_198], %gather3A_203 : memref<32x128xf32, #tpu.memory_space<vmem>>[vector<16xi32>, vector<16xi32>], vector<16xf32>,
        %gather3A_208 = arith.constant 0 : i32
        %gather3A_209 = arith.constant 0 : i32
        %gather3A_210 = tpu.memref_slice %arg4[%rem3A_52, %gather3A_208, %gather3A_209] : memref<2x32x128xf32, #tpu.memory_space<vmem>> -> memref<1x32x128xf32, #tpu.memory_space<vmem>>
        %gather3A_211 = tpu.memref_squeeze %gather3A_210 : memref<1x32x128xf32, #tpu.memory_space<vmem>> -> memref<32x128xf32, #tpu.memory_space<vmem>>
        %gather3A_212 = tpu.vector_load_idx %gather3A_211[%add3A_11, %add3A_187] : memref<32x128xf32, #tpu.memory_space<vmem>>[vector<16xi32>, vector<16xi32>], vector<16xf32>,
        %add3A_213 = arith.constant 16 : i32
        %add3A_214 = vector.broadcast %add3A_213 : i32 to vector<16xi32>
        %add3A_215 = arith.addi %add3A_198, %add3A_214 : vector<16xi32>
        %scatter3A_216 = arith.constant 0 : i32
        %scatter3A_217 = arith.constant 0 : i32
        %scatter3A_218 = tpu.memref_slice %arg5[%rem3A_52, %scatter3A_216, %scatter3A_217] : memref<2x32x128xf32, #tpu.memory_space<vmem>> -> memref<1x32x128xf32, #tpu.memory_space<vmem>>
        %scatter3A_219 = tpu.memref_squeeze %scatter3A_218 : memref<1x32x128xf32, #tpu.memory_space<vmem>> -> memref<32x128xf32, #tpu.memory_space<vmem>>
        tpu.vector_store_idx %scatter3A_219[%add3A_191, %add3A_215], %gather3A_212 : memref<32x128xf32, #tpu.memory_space<vmem>>[vector<16xi32>, vector<16xi32>], vector<16xf32>,
        %add3A_220 = arith.constant 3 : i32
        %add3A_221 = vector.broadcast %add3A_220 : i32 to vector<16xi32>
        %add3A_222 = arith.addi %iota3A, %add3A_221 : vector<16xi32>
        %and3A_223 = arith.constant 15 : i32
        %and3A_224 = vector.broadcast %and3A_223 : i32 to vector<16xi32>
        %and3A_225 = arith.andi %add3A_222, %and3A_224 : vector<16xi32>
        %add3A_226 = vector.broadcast %mul3A_102 : i32 to vector<16xi32>
        %add3A_227 = arith.addi %and3A_225, %add3A_226 : vector<16xi32>
        %shift_right_logical3A_228 = arith.constant 2 : i32
        %shift_right_logical3A_229 = vector.broadcast %shift_right_logical3A_228 : i32 to vector<16xi32>
        %shift_right_logical3A_230 = arith.shrui %and3A_225, %shift_right_logical3A_229 : vector<16xi32>
        %add3A_231 = arith.addi %broadcast_in_dim3A, %shift_right_logical3A_230 : vector<16xi32>
        %and3A_232 = arith.constant 3 : i32
        %and3A_233 = vector.broadcast %and3A_232 : i32 to vector<16xi32>
        %and3A_234 = arith.andi %and3A_225, %and3A_233 : vector<16xi32>
        %shift_left3A_235 = arith.constant 5 : i32
        %shift_left3A_236 = vector.broadcast %shift_left3A_235 : i32 to vector<16xi32>
        %shift_left3A_237 = arith.shli %and3A_234, %shift_left3A_236 : vector<16xi32>
        %add3A_238 = arith.addi %shift_left3A_237, %iota3A : vector<16xi32>
        %gather3A_239 = arith.constant 0 : i32
        %gather3A_240 = arith.constant 0 : i32
        %gather3A_241 = tpu.memref_slice %arg4[%rem3A_52, %gather3A_239, %gather3A_240] : memref<2x32x128xf32, #tpu.memory_space<vmem>> -> memref<1x32x128xf32, #tpu.memory_space<vmem>>
        %gather3A_242 = tpu.memref_squeeze %gather3A_241 : memref<1x32x128xf32, #tpu.memory_space<vmem>> -> memref<32x128xf32, #tpu.memory_space<vmem>>
        %gather3A_243 = tpu.vector_load_idx %gather3A_242[%iota3A, %add3A_227] : memref<32x128xf32, #tpu.memory_space<vmem>>[vector<16xi32>, vector<16xi32>], vector<16xf32>,
        %scatter3A_244 = arith.constant 0 : i32
        %scatter3A_245 = arith.constant 0 : i32
        %scatter3A_246 = tpu.memref_slice %arg5[%rem3A_52, %scatter3A_244, %scatter3A_245] : memref<2x32x128xf32, #tpu.memory_space<vmem>> -> memref<1x32x128xf32, #tpu.memory_space<vmem>>
        %scatter3A_247 = tpu.memref_squeeze %scatter3A_246 : memref<1x32x128xf32, #tpu.memory_space<vmem>> -> memref<32x128xf32, #tpu.memory_space<vmem>>
        tpu.vector_store_idx %scatter3A_247[%add3A_231, %add3A_238], %gather3A_243 : memref<32x128xf32, #tpu.memory_space<vmem>>[vector<16xi32>, vector<16xi32>], vector<16xf32>,
        %gather3A_248 = arith.constant 0 : i32
        %gather3A_249 = arith.constant 0 : i32
        %gather3A_250 = tpu.memref_slice %arg4[%rem3A_52, %gather3A_248, %gather3A_249] : memref<2x32x128xf32, #tpu.memory_space<vmem>> -> memref<1x32x128xf32, #tpu.memory_space<vmem>>
        %gather3A_251 = tpu.memref_squeeze %gather3A_250 : memref<1x32x128xf32, #tpu.memory_space<vmem>> -> memref<32x128xf32, #tpu.memory_space<vmem>>
        %gather3A_252 = tpu.vector_load_idx %gather3A_251[%add3A_11, %add3A_227] : memref<32x128xf32, #tpu.memory_space<vmem>>[vector<16xi32>, vector<16xi32>], vector<16xf32>,
        %add3A_253 = arith.constant 16 : i32
        %add3A_254 = vector.broadcast %add3A_253 : i32 to vector<16xi32>
        %add3A_255 = arith.addi %add3A_238, %add3A_254 : vector<16xi32>
        %scatter3A_256 = arith.constant 0 : i32
        %scatter3A_257 = arith.constant 0 : i32
        %scatter3A_258 = tpu.memref_slice %arg5[%rem3A_52, %scatter3A_256, %scatter3A_257] : memref<2x32x128xf32, #tpu.memory_space<vmem>> -> memref<1x32x128xf32, #tpu.memory_space<vmem>>
        %scatter3A_259 = tpu.memref_squeeze %scatter3A_258 : memref<1x32x128xf32, #tpu.memory_space<vmem>> -> memref<32x128xf32, #tpu.memory_space<vmem>>
        tpu.vector_store_idx %scatter3A_259[%add3A_231, %add3A_255], %gather3A_252 : memref<32x128xf32, #tpu.memory_space<vmem>>[vector<16xi32>, vector<16xi32>], vector<16xf32>,
        %add3A_260 = arith.constant 4 : i32
        %add3A_261 = vector.broadcast %add3A_260 : i32 to vector<16xi32>
        %add3A_262 = arith.addi %iota3A, %add3A_261 : vector<16xi32>
        %and3A_263 = arith.constant 15 : i32
        %and3A_264 = vector.broadcast %and3A_263 : i32 to vector<16xi32>
        %and3A_265 = arith.andi %add3A_262, %and3A_264 : vector<16xi32>
        %add3A_266 = vector.broadcast %mul3A_102 : i32 to vector<16xi32>
        %add3A_267 = arith.addi %and3A_265, %add3A_266 : vector<16xi32>
        %shift_right_logical3A_268 = arith.constant 2 : i32
        %shift_right_logical3A_269 = vector.broadcast %shift_right_logical3A_268 : i32 to vector<16xi32>
        %shift_right_logical3A_270 = arith.shrui %and3A_265, %shift_right_logical3A_269 : vector<16xi32>
        %add3A_271 = arith.addi %broadcast_in_dim3A, %shift_right_logical3A_270 : vector<16xi32>
        %and3A_272 = arith.constant 3 : i32
        %and3A_273 = vector.broadcast %and3A_272 : i32 to vector<16xi32>
        %and3A_274 = arith.andi %and3A_265, %and3A_273 : vector<16xi32>
        %shift_left3A_275 = arith.constant 5 : i32
        %shift_left3A_276 = vector.broadcast %shift_left3A_275 : i32 to vector<16xi32>
        %shift_left3A_277 = arith.shli %and3A_274, %shift_left3A_276 : vector<16xi32>
        %add3A_278 = arith.addi %shift_left3A_277, %iota3A : vector<16xi32>
        %gather3A_279 = arith.constant 0 : i32
        %gather3A_280 = arith.constant 0 : i32
        %gather3A_281 = tpu.memref_slice %arg4[%rem3A_52, %gather3A_279, %gather3A_280] : memref<2x32x128xf32, #tpu.memory_space<vmem>> -> memref<1x32x128xf32, #tpu.memory_space<vmem>>
        %gather3A_282 = tpu.memref_squeeze %gather3A_281 : memref<1x32x128xf32, #tpu.memory_space<vmem>> -> memref<32x128xf32, #tpu.memory_space<vmem>>
        %gather3A_283 = tpu.vector_load_idx %gather3A_282[%iota3A, %add3A_267] : memref<32x128xf32, #tpu.memory_space<vmem>>[vector<16xi32>, vector<16xi32>], vector<16xf32>,
        %scatter3A_284 = arith.constant 0 : i32
        %scatter3A_285 = arith.constant 0 : i32
        %scatter3A_286 = tpu.memref_slice %arg5[%rem3A_52, %scatter3A_284, %scatter3A_285] : memref<2x32x128xf32, #tpu.memory_space<vmem>> -> memref<1x32x128xf32, #tpu.memory_space<vmem>>
        %scatter3A_287 = tpu.memref_squeeze %scatter3A_286 : memref<1x32x128xf32, #tpu.memory_space<vmem>> -> memref<32x128xf32, #tpu.memory_space<vmem>>
        tpu.vector_store_idx %scatter3A_287[%add3A_271, %add3A_278], %gather3A_283 : memref<32x128xf32, #tpu.memory_space<vmem>>[vector<16xi32>, vector<16xi32>], vector<16xf32>,
        %gather3A_288 = arith.constant 0 : i32
        %gather3A_289 = arith.constant 0 : i32
        %gather3A_290 = tpu.memref_slice %arg4[%rem3A_52, %gather3A_288, %gather3A_289] : memref<2x32x128xf32, #tpu.memory_space<vmem>> -> memref<1x32x128xf32, #tpu.memory_space<vmem>>
        %gather3A_291 = tpu.memref_squeeze %gather3A_290 : memref<1x32x128xf32, #tpu.memory_space<vmem>> -> memref<32x128xf32, #tpu.memory_space<vmem>>
        %gather3A_292 = tpu.vector_load_idx %gather3A_291[%add3A_11, %add3A_267] : memref<32x128xf32, #tpu.memory_space<vmem>>[vector<16xi32>, vector<16xi32>], vector<16xf32>,
        %add3A_293 = arith.constant 16 : i32
        %add3A_294 = vector.broadcast %add3A_293 : i32 to vector<16xi32>
        %add3A_295 = arith.addi %add3A_278, %add3A_294 : vector<16xi32>
        %scatter3A_296 = arith.constant 0 : i32
        %scatter3A_297 = arith.constant 0 : i32
        %scatter3A_298 = tpu.memref_slice %arg5[%rem3A_52, %scatter3A_296, %scatter3A_297] : memref<2x32x128xf32, #tpu.memory_space<vmem>> -> memref<1x32x128xf32, #tpu.memory_space<vmem>>
        %scatter3A_299 = tpu.memref_squeeze %scatter3A_298 : memref<1x32x128xf32, #tpu.memory_space<vmem>> -> memref<32x128xf32, #tpu.memory_space<vmem>>
        tpu.vector_store_idx %scatter3A_299[%add3A_271, %add3A_295], %gather3A_292 : memref<32x128xf32, #tpu.memory_space<vmem>>[vector<16xi32>, vector<16xi32>], vector<16xf32>,
        %add3A_300 = arith.constant 5 : i32
        %add3A_301 = vector.broadcast %add3A_300 : i32 to vector<16xi32>
        %add3A_302 = arith.addi %iota3A, %add3A_301 : vector<16xi32>
        %and3A_303 = arith.constant 15 : i32
        %and3A_304 = vector.broadcast %and3A_303 : i32 to vector<16xi32>
        %and3A_305 = arith.andi %add3A_302, %and3A_304 : vector<16xi32>
        %add3A_306 = vector.broadcast %mul3A_102 : i32 to vector<16xi32>
        %add3A_307 = arith.addi %and3A_305, %add3A_306 : vector<16xi32>
        %shift_right_logical3A_308 = arith.constant 2 : i32
        %shift_right_logical3A_309 = vector.broadcast %shift_right_logical3A_308 : i32 to vector<16xi32>
        %shift_right_logical3A_310 = arith.shrui %and3A_305, %shift_right_logical3A_309 : vector<16xi32>
        %add3A_311 = arith.addi %broadcast_in_dim3A, %shift_right_logical3A_310 : vector<16xi32>
        %and3A_312 = arith.constant 3 : i32
        %and3A_313 = vector.broadcast %and3A_312 : i32 to vector<16xi32>
        %and3A_314 = arith.andi %and3A_305, %and3A_313 : vector<16xi32>
        %shift_left3A_315 = arith.constant 5 : i32
        %shift_left3A_316 = vector.broadcast %shift_left3A_315 : i32 to vector<16xi32>
        %shift_left3A_317 = arith.shli %and3A_314, %shift_left3A_316 : vector<16xi32>
        %add3A_318 = arith.addi %shift_left3A_317, %iota3A : vector<16xi32>
        %gather3A_319 = arith.constant 0 : i32
        %gather3A_320 = arith.constant 0 : i32
        %gather3A_321 = tpu.memref_slice %arg4[%rem3A_52, %gather3A_319, %gather3A_320] : memref<2x32x128xf32, #tpu.memory_space<vmem>> -> memref<1x32x128xf32, #tpu.memory_space<vmem>>
        %gather3A_322 = tpu.memref_squeeze %gather3A_321 : memref<1x32x128xf32, #tpu.memory_space<vmem>> -> memref<32x128xf32, #tpu.memory_space<vmem>>
        %gather3A_323 = tpu.vector_load_idx %gather3A_322[%iota3A, %add3A_307] : memref<32x128xf32, #tpu.memory_space<vmem>>[vector<16xi32>, vector<16xi32>], vector<16xf32>,
        %scatter3A_324 = arith.constant 0 : i32
        %scatter3A_325 = arith.constant 0 : i32
        %scatter3A_326 = tpu.memref_slice %arg5[%rem3A_52, %scatter3A_324, %scatter3A_325] : memref<2x32x128xf32, #tpu.memory_space<vmem>> -> memref<1x32x128xf32, #tpu.memory_space<vmem>>
        %scatter3A_327 = tpu.memref_squeeze %scatter3A_326 : memref<1x32x128xf32, #tpu.memory_space<vmem>> -> memref<32x128xf32, #tpu.memory_space<vmem>>
        tpu.vector_store_idx %scatter3A_327[%add3A_311, %add3A_318], %gather3A_323 : memref<32x128xf32, #tpu.memory_space<vmem>>[vector<16xi32>, vector<16xi32>], vector<16xf32>,
        %gather3A_328 = arith.constant 0 : i32
        %gather3A_329 = arith.constant 0 : i32
        %gather3A_330 = tpu.memref_slice %arg4[%rem3A_52, %gather3A_328, %gather3A_329] : memref<2x32x128xf32, #tpu.memory_space<vmem>> -> memref<1x32x128xf32, #tpu.memory_space<vmem>>
        %gather3A_331 = tpu.memref_squeeze %gather3A_330 : memref<1x32x128xf32, #tpu.memory_space<vmem>> -> memref<32x128xf32, #tpu.memory_space<vmem>>
        %gather3A_332 = tpu.vector_load_idx %gather3A_331[%add3A_11, %add3A_307] : memref<32x128xf32, #tpu.memory_space<vmem>>[vector<16xi32>, vector<16xi32>], vector<16xf32>,
        %add3A_333 = arith.constant 16 : i32
        %add3A_334 = vector.broadcast %add3A_333 : i32 to vector<16xi32>
        %add3A_335 = arith.addi %add3A_318, %add3A_334 : vector<16xi32>
        %scatter3A_336 = arith.constant 0 : i32
        %scatter3A_337 = arith.constant 0 : i32
        %scatter3A_338 = tpu.memref_slice %arg5[%rem3A_52, %scatter3A_336, %scatter3A_337] : memref<2x32x128xf32, #tpu.memory_space<vmem>> -> memref<1x32x128xf32, #tpu.memory_space<vmem>>
        %scatter3A_339 = tpu.memref_squeeze %scatter3A_338 : memref<1x32x128xf32, #tpu.memory_space<vmem>> -> memref<32x128xf32, #tpu.memory_space<vmem>>
        tpu.vector_store_idx %scatter3A_339[%add3A_311, %add3A_335], %gather3A_332 : memref<32x128xf32, #tpu.memory_space<vmem>>[vector<16xi32>, vector<16xi32>], vector<16xf32>,
        %add3A_340 = arith.constant 6 : i32
        %add3A_341 = vector.broadcast %add3A_340 : i32 to vector<16xi32>
        %add3A_342 = arith.addi %iota3A, %add3A_341 : vector<16xi32>
        %and3A_343 = arith.constant 15 : i32
        %and3A_344 = vector.broadcast %and3A_343 : i32 to vector<16xi32>
        %and3A_345 = arith.andi %add3A_342, %and3A_344 : vector<16xi32>
        %add3A_346 = vector.broadcast %mul3A_102 : i32 to vector<16xi32>
        %add3A_347 = arith.addi %and3A_345, %add3A_346 : vector<16xi32>
        %shift_right_logical3A_348 = arith.constant 2 : i32
        %shift_right_logical3A_349 = vector.broadcast %shift_right_logical3A_348 : i32 to vector<16xi32>
        %shift_right_logical3A_350 = arith.shrui %and3A_345, %shift_right_logical3A_349 : vector<16xi32>
        %add3A_351 = arith.addi %broadcast_in_dim3A, %shift_right_logical3A_350 : vector<16xi32>
        %and3A_352 = arith.constant 3 : i32
        %and3A_353 = vector.broadcast %and3A_352 : i32 to vector<16xi32>
        %and3A_354 = arith.andi %and3A_345, %and3A_353 : vector<16xi32>
        %shift_left3A_355 = arith.constant 5 : i32
        %shift_left3A_356 = vector.broadcast %shift_left3A_355 : i32 to vector<16xi32>
        %shift_left3A_357 = arith.shli %and3A_354, %shift_left3A_356 : vector<16xi32>
        %add3A_358 = arith.addi %shift_left3A_357, %iota3A : vector<16xi32>
        %gather3A_359 = arith.constant 0 : i32
        %gather3A_360 = arith.constant 0 : i32
        %gather3A_361 = tpu.memref_slice %arg4[%rem3A_52, %gather3A_359, %gather3A_360] : memref<2x32x128xf32, #tpu.memory_space<vmem>> -> memref<1x32x128xf32, #tpu.memory_space<vmem>>
        %gather3A_362 = tpu.memref_squeeze %gather3A_361 : memref<1x32x128xf32, #tpu.memory_space<vmem>> -> memref<32x128xf32, #tpu.memory_space<vmem>>
        %gather3A_363 = tpu.vector_load_idx %gather3A_362[%iota3A, %add3A_347] : memref<32x128xf32, #tpu.memory_space<vmem>>[vector<16xi32>, vector<16xi32>], vector<16xf32>,
        %scatter3A_364 = arith.constant 0 : i32
        %scatter3A_365 = arith.constant 0 : i32
        %scatter3A_366 = tpu.memref_slice %arg5[%rem3A_52, %scatter3A_364, %scatter3A_365] : memref<2x32x128xf32, #tpu.memory_space<vmem>> -> memref<1x32x128xf32, #tpu.memory_space<vmem>>
        %scatter3A_367 = tpu.memref_squeeze %scatter3A_366 : memref<1x32x128xf32, #tpu.memory_space<vmem>> -> memref<32x128xf32, #tpu.memory_space<vmem>>
        tpu.vector_store_idx %scatter3A_367[%add3A_351, %add3A_358], %gather3A_363 : memref<32x128xf32, #tpu.memory_space<vmem>>[vector<16xi32>, vector<16xi32>], vector<16xf32>,
        %gather3A_368 = arith.constant 0 : i32
        %gather3A_369 = arith.constant 0 : i32
        %gather3A_370 = tpu.memref_slice %arg4[%rem3A_52, %gather3A_368, %gather3A_369] : memref<2x32x128xf32, #tpu.memory_space<vmem>> -> memref<1x32x128xf32, #tpu.memory_space<vmem>>
        %gather3A_371 = tpu.memref_squeeze %gather3A_370 : memref<1x32x128xf32, #tpu.memory_space<vmem>> -> memref<32x128xf32, #tpu.memory_space<vmem>>
        %gather3A_372 = tpu.vector_load_idx %gather3A_371[%add3A_11, %add3A_347] : memref<32x128xf32, #tpu.memory_space<vmem>>[vector<16xi32>, vector<16xi32>], vector<16xf32>,
        %add3A_373 = arith.constant 16 : i32
        %add3A_374 = vector.broadcast %add3A_373 : i32 to vector<16xi32>
        %add3A_375 = arith.addi %add3A_358, %add3A_374 : vector<16xi32>
        %scatter3A_376 = arith.constant 0 : i32
        %scatter3A_377 = arith.constant 0 : i32
        %scatter3A_378 = tpu.memref_slice %arg5[%rem3A_52, %scatter3A_376, %scatter3A_377] : memref<2x32x128xf32, #tpu.memory_space<vmem>> -> memref<1x32x128xf32, #tpu.memory_space<vmem>>
        %scatter3A_379 = tpu.memref_squeeze %scatter3A_378 : memref<1x32x128xf32, #tpu.memory_space<vmem>> -> memref<32x128xf32, #tpu.memory_space<vmem>>
        tpu.vector_store_idx %scatter3A_379[%add3A_351, %add3A_375], %gather3A_372 : memref<32x128xf32, #tpu.memory_space<vmem>>[vector<16xi32>, vector<16xi32>], vector<16xf32>,
        %add3A_380 = arith.constant 7 : i32
        %add3A_381 = vector.broadcast %add3A_380 : i32 to vector<16xi32>
        %add3A_382 = arith.addi %iota3A, %add3A_381 : vector<16xi32>
        %and3A_383 = arith.constant 15 : i32
        %and3A_384 = vector.broadcast %and3A_383 : i32 to vector<16xi32>
        %and3A_385 = arith.andi %add3A_382, %and3A_384 : vector<16xi32>
        %add3A_386 = vector.broadcast %mul3A_102 : i32 to vector<16xi32>
        %add3A_387 = arith.addi %and3A_385, %add3A_386 : vector<16xi32>
        %shift_right_logical3A_388 = arith.constant 2 : i32
        %shift_right_logical3A_389 = vector.broadcast %shift_right_logical3A_388 : i32 to vector<16xi32>
        %shift_right_logical3A_390 = arith.shrui %and3A_385, %shift_right_logical3A_389 : vector<16xi32>
        %add3A_391 = arith.addi %broadcast_in_dim3A, %shift_right_logical3A_390 : vector<16xi32>
        %and3A_392 = arith.constant 3 : i32
        %and3A_393 = vector.broadcast %and3A_392 : i32 to vector<16xi32>
        %and3A_394 = arith.andi %and3A_385, %and3A_393 : vector<16xi32>
        %shift_left3A_395 = arith.constant 5 : i32
        %shift_left3A_396 = vector.broadcast %shift_left3A_395 : i32 to vector<16xi32>
        %shift_left3A_397 = arith.shli %and3A_394, %shift_left3A_396 : vector<16xi32>
        %add3A_398 = arith.addi %shift_left3A_397, %iota3A : vector<16xi32>
        %gather3A_399 = arith.constant 0 : i32
        %gather3A_400 = arith.constant 0 : i32
        %gather3A_401 = tpu.memref_slice %arg4[%rem3A_52, %gather3A_399, %gather3A_400] : memref<2x32x128xf32, #tpu.memory_space<vmem>> -> memref<1x32x128xf32, #tpu.memory_space<vmem>>
        %gather3A_402 = tpu.memref_squeeze %gather3A_401 : memref<1x32x128xf32, #tpu.memory_space<vmem>> -> memref<32x128xf32, #tpu.memory_space<vmem>>
        %gather3A_403 = tpu.vector_load_idx %gather3A_402[%iota3A, %add3A_387] : memref<32x128xf32, #tpu.memory_space<vmem>>[vector<16xi32>, vector<16xi32>], vector<16xf32>,
        %scatter3A_404 = arith.constant 0 : i32
        %scatter3A_405 = arith.constant 0 : i32
        %scatter3A_406 = tpu.memref_slice %arg5[%rem3A_52, %scatter3A_404, %scatter3A_405] : memref<2x32x128xf32, #tpu.memory_space<vmem>> -> memref<1x32x128xf32, #tpu.memory_space<vmem>>
        %scatter3A_407 = tpu.memref_squeeze %scatter3A_406 : memref<1x32x128xf32, #tpu.memory_space<vmem>> -> memref<32x128xf32, #tpu.memory_space<vmem>>
        tpu.vector_store_idx %scatter3A_407[%add3A_391, %add3A_398], %gather3A_403 : memref<32x128xf32, #tpu.memory_space<vmem>>[vector<16xi32>, vector<16xi32>], vector<16xf32>,
        %gather3A_408 = arith.constant 0 : i32
        %gather3A_409 = arith.constant 0 : i32
        %gather3A_410 = tpu.memref_slice %arg4[%rem3A_52, %gather3A_408, %gather3A_409] : memref<2x32x128xf32, #tpu.memory_space<vmem>> -> memref<1x32x128xf32, #tpu.memory_space<vmem>>
        %gather3A_411 = tpu.memref_squeeze %gather3A_410 : memref<1x32x128xf32, #tpu.memory_space<vmem>> -> memref<32x128xf32, #tpu.memory_space<vmem>>
        %gather3A_412 = tpu.vector_load_idx %gather3A_411[%add3A_11, %add3A_387] : memref<32x128xf32, #tpu.memory_space<vmem>>[vector<16xi32>, vector<16xi32>], vector<16xf32>,
        %add3A_413 = arith.constant 16 : i32
        %add3A_414 = vector.broadcast %add3A_413 : i32 to vector<16xi32>
        %add3A_415 = arith.addi %add3A_398, %add3A_414 : vector<16xi32>
        %scatter3A_416 = arith.constant 0 : i32
        %scatter3A_417 = arith.constant 0 : i32
        %scatter3A_418 = tpu.memref_slice %arg5[%rem3A_52, %scatter3A_416, %scatter3A_417] : memref<2x32x128xf32, #tpu.memory_space<vmem>> -> memref<1x32x128xf32, #tpu.memory_space<vmem>>
        %scatter3A_419 = tpu.memref_squeeze %scatter3A_418 : memref<1x32x128xf32, #tpu.memory_space<vmem>> -> memref<32x128xf32, #tpu.memory_space<vmem>>
        tpu.vector_store_idx %scatter3A_419[%add3A_391, %add3A_415], %gather3A_412 : memref<32x128xf32, #tpu.memory_space<vmem>>[vector<16xi32>, vector<16xi32>], vector<16xf32>,
        %add3A_420 = arith.constant 8 : i32
        %add3A_421 = vector.broadcast %add3A_420 : i32 to vector<16xi32>
        %add3A_422 = arith.addi %iota3A, %add3A_421 : vector<16xi32>
        %and3A_423 = arith.constant 15 : i32
        %and3A_424 = vector.broadcast %and3A_423 : i32 to vector<16xi32>
        %and3A_425 = arith.andi %add3A_422, %and3A_424 : vector<16xi32>
        %add3A_426 = vector.broadcast %mul3A_102 : i32 to vector<16xi32>
        %add3A_427 = arith.addi %and3A_425, %add3A_426 : vector<16xi32>
        %shift_right_logical3A_428 = arith.constant 2 : i32
        %shift_right_logical3A_429 = vector.broadcast %shift_right_logical3A_428 : i32 to vector<16xi32>
        %shift_right_logical3A_430 = arith.shrui %and3A_425, %shift_right_logical3A_429 : vector<16xi32>
        %add3A_431 = arith.addi %broadcast_in_dim3A, %shift_right_logical3A_430 : vector<16xi32>
        %and3A_432 = arith.constant 3 : i32
        %and3A_433 = vector.broadcast %and3A_432 : i32 to vector<16xi32>
        %and3A_434 = arith.andi %and3A_425, %and3A_433 : vector<16xi32>
        %shift_left3A_435 = arith.constant 5 : i32
        %shift_left3A_436 = vector.broadcast %shift_left3A_435 : i32 to vector<16xi32>
        %shift_left3A_437 = arith.shli %and3A_434, %shift_left3A_436 : vector<16xi32>
        %add3A_438 = arith.addi %shift_left3A_437, %iota3A : vector<16xi32>
        %gather3A_439 = arith.constant 0 : i32
        %gather3A_440 = arith.constant 0 : i32
        %gather3A_441 = tpu.memref_slice %arg4[%rem3A_52, %gather3A_439, %gather3A_440] : memref<2x32x128xf32, #tpu.memory_space<vmem>> -> memref<1x32x128xf32, #tpu.memory_space<vmem>>
        %gather3A_442 = tpu.memref_squeeze %gather3A_441 : memref<1x32x128xf32, #tpu.memory_space<vmem>> -> memref<32x128xf32, #tpu.memory_space<vmem>>
        %gather3A_443 = tpu.vector_load_idx %gather3A_442[%iota3A, %add3A_427] : memref<32x128xf32, #tpu.memory_space<vmem>>[vector<16xi32>, vector<16xi32>], vector<16xf32>,
        %scatter3A_444 = arith.constant 0 : i32
        %scatter3A_445 = arith.constant 0 : i32
        %scatter3A_446 = tpu.memref_slice %arg5[%rem3A_52, %scatter3A_444, %scatter3A_445] : memref<2x32x128xf32, #tpu.memory_space<vmem>> -> memref<1x32x128xf32, #tpu.memory_space<vmem>>
        %scatter3A_447 = tpu.memref_squeeze %scatter3A_446 : memref<1x32x128xf32, #tpu.memory_space<vmem>> -> memref<32x128xf32, #tpu.memory_space<vmem>>
        tpu.vector_store_idx %scatter3A_447[%add3A_431, %add3A_438], %gather3A_443 : memref<32x128xf32, #tpu.memory_space<vmem>>[vector<16xi32>, vector<16xi32>], vector<16xf32>,
        %gather3A_448 = arith.constant 0 : i32
        %gather3A_449 = arith.constant 0 : i32
        %gather3A_450 = tpu.memref_slice %arg4[%rem3A_52, %gather3A_448, %gather3A_449] : memref<2x32x128xf32, #tpu.memory_space<vmem>> -> memref<1x32x128xf32, #tpu.memory_space<vmem>>
        %gather3A_451 = tpu.memref_squeeze %gather3A_450 : memref<1x32x128xf32, #tpu.memory_space<vmem>> -> memref<32x128xf32, #tpu.memory_space<vmem>>
        %gather3A_452 = tpu.vector_load_idx %gather3A_451[%add3A_11, %add3A_427] : memref<32x128xf32, #tpu.memory_space<vmem>>[vector<16xi32>, vector<16xi32>], vector<16xf32>,
        %add3A_453 = arith.constant 16 : i32
        %add3A_454 = vector.broadcast %add3A_453 : i32 to vector<16xi32>
        %add3A_455 = arith.addi %add3A_438, %add3A_454 : vector<16xi32>
        %scatter3A_456 = arith.constant 0 : i32
        %scatter3A_457 = arith.constant 0 : i32
        %scatter3A_458 = tpu.memref_slice %arg5[%rem3A_52, %scatter3A_456, %scatter3A_457] : memref<2x32x128xf32, #tpu.memory_space<vmem>> -> memref<1x32x128xf32, #tpu.memory_space<vmem>>
        %scatter3A_459 = tpu.memref_squeeze %scatter3A_458 : memref<1x32x128xf32, #tpu.memory_space<vmem>> -> memref<32x128xf32, #tpu.memory_space<vmem>>
        tpu.vector_store_idx %scatter3A_459[%add3A_431, %add3A_455], %gather3A_452 : memref<32x128xf32, #tpu.memory_space<vmem>>[vector<16xi32>, vector<16xi32>], vector<16xf32>,
        %add3A_460 = arith.constant 9 : i32
        %add3A_461 = vector.broadcast %add3A_460 : i32 to vector<16xi32>
        %add3A_462 = arith.addi %iota3A, %add3A_461 : vector<16xi32>
        %and3A_463 = arith.constant 15 : i32
        %and3A_464 = vector.broadcast %and3A_463 : i32 to vector<16xi32>
        %and3A_465 = arith.andi %add3A_462, %and3A_464 : vector<16xi32>
        %add3A_466 = vector.broadcast %mul3A_102 : i32 to vector<16xi32>
        %add3A_467 = arith.addi %and3A_465, %add3A_466 : vector<16xi32>
        %shift_right_logical3A_468 = arith.constant 2 : i32
        %shift_right_logical3A_469 = vector.broadcast %shift_right_logical3A_468 : i32 to vector<16xi32>
        %shift_right_logical3A_470 = arith.shrui %and3A_465, %shift_right_logical3A_469 : vector<16xi32>
        %add3A_471 = arith.addi %broadcast_in_dim3A, %shift_right_logical3A_470 : vector<16xi32>
        %and3A_472 = arith.constant 3 : i32
        %and3A_473 = vector.broadcast %and3A_472 : i32 to vector<16xi32>
        %and3A_474 = arith.andi %and3A_465, %and3A_473 : vector<16xi32>
        %shift_left3A_475 = arith.constant 5 : i32
        %shift_left3A_476 = vector.broadcast %shift_left3A_475 : i32 to vector<16xi32>
        %shift_left3A_477 = arith.shli %and3A_474, %shift_left3A_476 : vector<16xi32>
        %add3A_478 = arith.addi %shift_left3A_477, %iota3A : vector<16xi32>
        %gather3A_479 = arith.constant 0 : i32
        %gather3A_480 = arith.constant 0 : i32
        %gather3A_481 = tpu.memref_slice %arg4[%rem3A_52, %gather3A_479, %gather3A_480] : memref<2x32x128xf32, #tpu.memory_space<vmem>> -> memref<1x32x128xf32, #tpu.memory_space<vmem>>
        %gather3A_482 = tpu.memref_squeeze %gather3A_481 : memref<1x32x128xf32, #tpu.memory_space<vmem>> -> memref<32x128xf32, #tpu.memory_space<vmem>>
        %gather3A_483 = tpu.vector_load_idx %gather3A_482[%iota3A, %add3A_467] : memref<32x128xf32, #tpu.memory_space<vmem>>[vector<16xi32>, vector<16xi32>], vector<16xf32>,
        %scatter3A_484 = arith.constant 0 : i32
        %scatter3A_485 = arith.constant 0 : i32
        %scatter3A_486 = tpu.memref_slice %arg5[%rem3A_52, %scatter3A_484, %scatter3A_485] : memref<2x32x128xf32, #tpu.memory_space<vmem>> -> memref<1x32x128xf32, #tpu.memory_space<vmem>>
        %scatter3A_487 = tpu.memref_squeeze %scatter3A_486 : memref<1x32x128xf32, #tpu.memory_space<vmem>> -> memref<32x128xf32, #tpu.memory_space<vmem>>
        tpu.vector_store_idx %scatter3A_487[%add3A_471, %add3A_478], %gather3A_483 : memref<32x128xf32, #tpu.memory_space<vmem>>[vector<16xi32>, vector<16xi32>], vector<16xf32>,
        %gather3A_488 = arith.constant 0 : i32
        %gather3A_489 = arith.constant 0 : i32
        %gather3A_490 = tpu.memref_slice %arg4[%rem3A_52, %gather3A_488, %gather3A_489] : memref<2x32x128xf32, #tpu.memory_space<vmem>> -> memref<1x32x128xf32, #tpu.memory_space<vmem>>
        %gather3A_491 = tpu.memref_squeeze %gather3A_490 : memref<1x32x128xf32, #tpu.memory_space<vmem>> -> memref<32x128xf32, #tpu.memory_space<vmem>>
        %gather3A_492 = tpu.vector_load_idx %gather3A_491[%add3A_11, %add3A_467] : memref<32x128xf32, #tpu.memory_space<vmem>>[vector<16xi32>, vector<16xi32>], vector<16xf32>,
        %add3A_493 = arith.constant 16 : i32
        %add3A_494 = vector.broadcast %add3A_493 : i32 to vector<16xi32>
        %add3A_495 = arith.addi %add3A_478, %add3A_494 : vector<16xi32>
        %scatter3A_496 = arith.constant 0 : i32
        %scatter3A_497 = arith.constant 0 : i32
        %scatter3A_498 = tpu.memref_slice %arg5[%rem3A_52, %scatter3A_496, %scatter3A_497] : memref<2x32x128xf32, #tpu.memory_space<vmem>> -> memref<1x32x128xf32, #tpu.memory_space<vmem>>
        %scatter3A_499 = tpu.memref_squeeze %scatter3A_498 : memref<1x32x128xf32, #tpu.memory_space<vmem>> -> memref<32x128xf32, #tpu.memory_space<vmem>>
        tpu.vector_store_idx %scatter3A_499[%add3A_471, %add3A_495], %gather3A_492 : memref<32x128xf32, #tpu.memory_space<vmem>>[vector<16xi32>, vector<16xi32>], vector<16xf32>,
        %add3A_500 = arith.constant 10 : i32
        %add3A_501 = vector.broadcast %add3A_500 : i32 to vector<16xi32>
        %add3A_502 = arith.addi %iota3A, %add3A_501 : vector<16xi32>
        %and3A_503 = arith.constant 15 : i32
        %and3A_504 = vector.broadcast %and3A_503 : i32 to vector<16xi32>
        %and3A_505 = arith.andi %add3A_502, %and3A_504 : vector<16xi32>
        %add3A_506 = vector.broadcast %mul3A_102 : i32 to vector<16xi32>
        %add3A_507 = arith.addi %and3A_505, %add3A_506 : vector<16xi32>
        %shift_right_logical3A_508 = arith.constant 2 : i32
        %shift_right_logical3A_509 = vector.broadcast %shift_right_logical3A_508 : i32 to vector<16xi32>
        %shift_right_logical3A_510 = arith.shrui %and3A_505, %shift_right_logical3A_509 : vector<16xi32>
        %add3A_511 = arith.addi %broadcast_in_dim3A, %shift_right_logical3A_510 : vector<16xi32>
        %and3A_512 = arith.constant 3 : i32
        %and3A_513 = vector.broadcast %and3A_512 : i32 to vector<16xi32>
        %and3A_514 = arith.andi %and3A_505, %and3A_513 : vector<16xi32>
        %shift_left3A_515 = arith.constant 5 : i32
        %shift_left3A_516 = vector.broadcast %shift_left3A_515 : i32 to vector<16xi32>
        %shift_left3A_517 = arith.shli %and3A_514, %shift_left3A_516 : vector<16xi32>
        %add3A_518 = arith.addi %shift_left3A_517, %iota3A : vector<16xi32>
        %gather3A_519 = arith.constant 0 : i32
        %gather3A_520 = arith.constant 0 : i32
        %gather3A_521 = tpu.memref_slice %arg4[%rem3A_52, %gather3A_519, %gather3A_520] : memref<2x32x128xf32, #tpu.memory_space<vmem>> -> memref<1x32x128xf32, #tpu.memory_space<vmem>>
        %gather3A_522 = tpu.memref_squeeze %gather3A_521 : memref<1x32x128xf32, #tpu.memory_space<vmem>> -> memref<32x128xf32, #tpu.memory_space<vmem>>
        %gather3A_523 = tpu.vector_load_idx %gather3A_522[%iota3A, %add3A_507] : memref<32x128xf32, #tpu.memory_space<vmem>>[vector<16xi32>, vector<16xi32>], vector<16xf32>,
        %scatter3A_524 = arith.constant 0 : i32
        %scatter3A_525 = arith.constant 0 : i32
        %scatter3A_526 = tpu.memref_slice %arg5[%rem3A_52, %scatter3A_524, %scatter3A_525] : memref<2x32x128xf32, #tpu.memory_space<vmem>> -> memref<1x32x128xf32, #tpu.memory_space<vmem>>
        %scatter3A_527 = tpu.memref_squeeze %scatter3A_526 : memref<1x32x128xf32, #tpu.memory_space<vmem>> -> memref<32x128xf32, #tpu.memory_space<vmem>>
        tpu.vector_store_idx %scatter3A_527[%add3A_511, %add3A_518], %gather3A_523 : memref<32x128xf32, #tpu.memory_space<vmem>>[vector<16xi32>, vector<16xi32>], vector<16xf32>,
        %gather3A_528 = arith.constant 0 : i32
        %gather3A_529 = arith.constant 0 : i32
        %gather3A_530 = tpu.memref_slice %arg4[%rem3A_52, %gather3A_528, %gather3A_529] : memref<2x32x128xf32, #tpu.memory_space<vmem>> -> memref<1x32x128xf32, #tpu.memory_space<vmem>>
        %gather3A_531 = tpu.memref_squeeze %gather3A_530 : memref<1x32x128xf32, #tpu.memory_space<vmem>> -> memref<32x128xf32, #tpu.memory_space<vmem>>
        %gather3A_532 = tpu.vector_load_idx %gather3A_531[%add3A_11, %add3A_507] : memref<32x128xf32, #tpu.memory_space<vmem>>[vector<16xi32>, vector<16xi32>], vector<16xf32>,
        %add3A_533 = arith.constant 16 : i32
        %add3A_534 = vector.broadcast %add3A_533 : i32 to vector<16xi32>
        %add3A_535 = arith.addi %add3A_518, %add3A_534 : vector<16xi32>
        %scatter3A_536 = arith.constant 0 : i32
        %scatter3A_537 = arith.constant 0 : i32
        %scatter3A_538 = tpu.memref_slice %arg5[%rem3A_52, %scatter3A_536, %scatter3A_537] : memref<2x32x128xf32, #tpu.memory_space<vmem>> -> memref<1x32x128xf32, #tpu.memory_space<vmem>>
        %scatter3A_539 = tpu.memref_squeeze %scatter3A_538 : memref<1x32x128xf32, #tpu.memory_space<vmem>> -> memref<32x128xf32, #tpu.memory_space<vmem>>
        tpu.vector_store_idx %scatter3A_539[%add3A_511, %add3A_535], %gather3A_532 : memref<32x128xf32, #tpu.memory_space<vmem>>[vector<16xi32>, vector<16xi32>], vector<16xf32>,
        %add3A_540 = arith.constant 11 : i32
        %add3A_541 = vector.broadcast %add3A_540 : i32 to vector<16xi32>
        %add3A_542 = arith.addi %iota3A, %add3A_541 : vector<16xi32>
        %and3A_543 = arith.constant 15 : i32
        %and3A_544 = vector.broadcast %and3A_543 : i32 to vector<16xi32>
        %and3A_545 = arith.andi %add3A_542, %and3A_544 : vector<16xi32>
        %add3A_546 = vector.broadcast %mul3A_102 : i32 to vector<16xi32>
        %add3A_547 = arith.addi %and3A_545, %add3A_546 : vector<16xi32>
        %shift_right_logical3A_548 = arith.constant 2 : i32
        %shift_right_logical3A_549 = vector.broadcast %shift_right_logical3A_548 : i32 to vector<16xi32>
        %shift_right_logical3A_550 = arith.shrui %and3A_545, %shift_right_logical3A_549 : vector<16xi32>
        %add3A_551 = arith.addi %broadcast_in_dim3A, %shift_right_logical3A_550 : vector<16xi32>
        %and3A_552 = arith.constant 3 : i32
        %and3A_553 = vector.broadcast %and3A_552 : i32 to vector<16xi32>
        %and3A_554 = arith.andi %and3A_545, %and3A_553 : vector<16xi32>
        %shift_left3A_555 = arith.constant 5 : i32
        %shift_left3A_556 = vector.broadcast %shift_left3A_555 : i32 to vector<16xi32>
        %shift_left3A_557 = arith.shli %and3A_554, %shift_left3A_556 : vector<16xi32>
        %add3A_558 = arith.addi %shift_left3A_557, %iota3A : vector<16xi32>
        %gather3A_559 = arith.constant 0 : i32
        %gather3A_560 = arith.constant 0 : i32
        %gather3A_561 = tpu.memref_slice %arg4[%rem3A_52, %gather3A_559, %gather3A_560] : memref<2x32x128xf32, #tpu.memory_space<vmem>> -> memref<1x32x128xf32, #tpu.memory_space<vmem>>
        %gather3A_562 = tpu.memref_squeeze %gather3A_561 : memref<1x32x128xf32, #tpu.memory_space<vmem>> -> memref<32x128xf32, #tpu.memory_space<vmem>>
        %gather3A_563 = tpu.vector_load_idx %gather3A_562[%iota3A, %add3A_547] : memref<32x128xf32, #tpu.memory_space<vmem>>[vector<16xi32>, vector<16xi32>], vector<16xf32>,
        %scatter3A_564 = arith.constant 0 : i32
        %scatter3A_565 = arith.constant 0 : i32
        %scatter3A_566 = tpu.memref_slice %arg5[%rem3A_52, %scatter3A_564, %scatter3A_565] : memref<2x32x128xf32, #tpu.memory_space<vmem>> -> memref<1x32x128xf32, #tpu.memory_space<vmem>>
        %scatter3A_567 = tpu.memref_squeeze %scatter3A_566 : memref<1x32x128xf32, #tpu.memory_space<vmem>> -> memref<32x128xf32, #tpu.memory_space<vmem>>
        tpu.vector_store_idx %scatter3A_567[%add3A_551, %add3A_558], %gather3A_563 : memref<32x128xf32, #tpu.memory_space<vmem>>[vector<16xi32>, vector<16xi32>], vector<16xf32>,
        %gather3A_568 = arith.constant 0 : i32
        %gather3A_569 = arith.constant 0 : i32
        %gather3A_570 = tpu.memref_slice %arg4[%rem3A_52, %gather3A_568, %gather3A_569] : memref<2x32x128xf32, #tpu.memory_space<vmem>> -> memref<1x32x128xf32, #tpu.memory_space<vmem>>
        %gather3A_571 = tpu.memref_squeeze %gather3A_570 : memref<1x32x128xf32, #tpu.memory_space<vmem>> -> memref<32x128xf32, #tpu.memory_space<vmem>>
        %gather3A_572 = tpu.vector_load_idx %gather3A_571[%add3A_11, %add3A_547] : memref<32x128xf32, #tpu.memory_space<vmem>>[vector<16xi32>, vector<16xi32>], vector<16xf32>,
        %add3A_573 = arith.constant 16 : i32
        %add3A_574 = vector.broadcast %add3A_573 : i32 to vector<16xi32>
        %add3A_575 = arith.addi %add3A_558, %add3A_574 : vector<16xi32>
        %scatter3A_576 = arith.constant 0 : i32
        %scatter3A_577 = arith.constant 0 : i32
        %scatter3A_578 = tpu.memref_slice %arg5[%rem3A_52, %scatter3A_576, %scatter3A_577] : memref<2x32x128xf32, #tpu.memory_space<vmem>> -> memref<1x32x128xf32, #tpu.memory_space<vmem>>
        %scatter3A_579 = tpu.memref_squeeze %scatter3A_578 : memref<1x32x128xf32, #tpu.memory_space<vmem>> -> memref<32x128xf32, #tpu.memory_space<vmem>>
        tpu.vector_store_idx %scatter3A_579[%add3A_551, %add3A_575], %gather3A_572 : memref<32x128xf32, #tpu.memory_space<vmem>>[vector<16xi32>, vector<16xi32>], vector<16xf32>,
        %add3A_580 = arith.constant 12 : i32
        %add3A_581 = vector.broadcast %add3A_580 : i32 to vector<16xi32>
        %add3A_582 = arith.addi %iota3A, %add3A_581 : vector<16xi32>
        %and3A_583 = arith.constant 15 : i32
        %and3A_584 = vector.broadcast %and3A_583 : i32 to vector<16xi32>
        %and3A_585 = arith.andi %add3A_582, %and3A_584 : vector<16xi32>
        %add3A_586 = vector.broadcast %mul3A_102 : i32 to vector<16xi32>
        %add3A_587 = arith.addi %and3A_585, %add3A_586 : vector<16xi32>
        %shift_right_logical3A_588 = arith.constant 2 : i32
        %shift_right_logical3A_589 = vector.broadcast %shift_right_logical3A_588 : i32 to vector<16xi32>
        %shift_right_logical3A_590 = arith.shrui %and3A_585, %shift_right_logical3A_589 : vector<16xi32>
        %add3A_591 = arith.addi %broadcast_in_dim3A, %shift_right_logical3A_590 : vector<16xi32>
        %and3A_592 = arith.constant 3 : i32
        %and3A_593 = vector.broadcast %and3A_592 : i32 to vector<16xi32>
        %and3A_594 = arith.andi %and3A_585, %and3A_593 : vector<16xi32>
        %shift_left3A_595 = arith.constant 5 : i32
        %shift_left3A_596 = vector.broadcast %shift_left3A_595 : i32 to vector<16xi32>
        %shift_left3A_597 = arith.shli %and3A_594, %shift_left3A_596 : vector<16xi32>
        %add3A_598 = arith.addi %shift_left3A_597, %iota3A : vector<16xi32>
        %gather3A_599 = arith.constant 0 : i32
        %gather3A_600 = arith.constant 0 : i32
        %gather3A_601 = tpu.memref_slice %arg4[%rem3A_52, %gather3A_599, %gather3A_600] : memref<2x32x128xf32, #tpu.memory_space<vmem>> -> memref<1x32x128xf32, #tpu.memory_space<vmem>>
        %gather3A_602 = tpu.memref_squeeze %gather3A_601 : memref<1x32x128xf32, #tpu.memory_space<vmem>> -> memref<32x128xf32, #tpu.memory_space<vmem>>
        %gather3A_603 = tpu.vector_load_idx %gather3A_602[%iota3A, %add3A_587] : memref<32x128xf32, #tpu.memory_space<vmem>>[vector<16xi32>, vector<16xi32>], vector<16xf32>,
        %scatter3A_604 = arith.constant 0 : i32
        %scatter3A_605 = arith.constant 0 : i32
        %scatter3A_606 = tpu.memref_slice %arg5[%rem3A_52, %scatter3A_604, %scatter3A_605] : memref<2x32x128xf32, #tpu.memory_space<vmem>> -> memref<1x32x128xf32, #tpu.memory_space<vmem>>
        %scatter3A_607 = tpu.memref_squeeze %scatter3A_606 : memref<1x32x128xf32, #tpu.memory_space<vmem>> -> memref<32x128xf32, #tpu.memory_space<vmem>>
        tpu.vector_store_idx %scatter3A_607[%add3A_591, %add3A_598], %gather3A_603 : memref<32x128xf32, #tpu.memory_space<vmem>>[vector<16xi32>, vector<16xi32>], vector<16xf32>,
        %gather3A_608 = arith.constant 0 : i32
        %gather3A_609 = arith.constant 0 : i32
        %gather3A_610 = tpu.memref_slice %arg4[%rem3A_52, %gather3A_608, %gather3A_609] : memref<2x32x128xf32, #tpu.memory_space<vmem>> -> memref<1x32x128xf32, #tpu.memory_space<vmem>>
        %gather3A_611 = tpu.memref_squeeze %gather3A_610 : memref<1x32x128xf32, #tpu.memory_space<vmem>> -> memref<32x128xf32, #tpu.memory_space<vmem>>
        %gather3A_612 = tpu.vector_load_idx %gather3A_611[%add3A_11, %add3A_587] : memref<32x128xf32, #tpu.memory_space<vmem>>[vector<16xi32>, vector<16xi32>], vector<16xf32>,
        %add3A_613 = arith.constant 16 : i32
        %add3A_614 = vector.broadcast %add3A_613 : i32 to vector<16xi32>
        %add3A_615 = arith.addi %add3A_598, %add3A_614 : vector<16xi32>
        %scatter3A_616 = arith.constant 0 : i32
        %scatter3A_617 = arith.constant 0 : i32
        %scatter3A_618 = tpu.memref_slice %arg5[%rem3A_52, %scatter3A_616, %scatter3A_617] : memref<2x32x128xf32, #tpu.memory_space<vmem>> -> memref<1x32x128xf32, #tpu.memory_space<vmem>>
        %scatter3A_619 = tpu.memref_squeeze %scatter3A_618 : memref<1x32x128xf32, #tpu.memory_space<vmem>> -> memref<32x128xf32, #tpu.memory_space<vmem>>
        tpu.vector_store_idx %scatter3A_619[%add3A_591, %add3A_615], %gather3A_612 : memref<32x128xf32, #tpu.memory_space<vmem>>[vector<16xi32>, vector<16xi32>], vector<16xf32>,
        %add3A_620 = arith.constant 13 : i32
        %add3A_621 = vector.broadcast %add3A_620 : i32 to vector<16xi32>
        %add3A_622 = arith.addi %iota3A, %add3A_621 : vector<16xi32>
        %and3A_623 = arith.constant 15 : i32
        %and3A_624 = vector.broadcast %and3A_623 : i32 to vector<16xi32>
        %and3A_625 = arith.andi %add3A_622, %and3A_624 : vector<16xi32>
        %add3A_626 = vector.broadcast %mul3A_102 : i32 to vector<16xi32>
        %add3A_627 = arith.addi %and3A_625, %add3A_626 : vector<16xi32>
        %shift_right_logical3A_628 = arith.constant 2 : i32
        %shift_right_logical3A_629 = vector.broadcast %shift_right_logical3A_628 : i32 to vector<16xi32>
        %shift_right_logical3A_630 = arith.shrui %and3A_625, %shift_right_logical3A_629 : vector<16xi32>
        %add3A_631 = arith.addi %broadcast_in_dim3A, %shift_right_logical3A_630 : vector<16xi32>
        %and3A_632 = arith.constant 3 : i32
        %and3A_633 = vector.broadcast %and3A_632 : i32 to vector<16xi32>
        %and3A_634 = arith.andi %and3A_625, %and3A_633 : vector<16xi32>
        %shift_left3A_635 = arith.constant 5 : i32
        %shift_left3A_636 = vector.broadcast %shift_left3A_635 : i32 to vector<16xi32>
        %shift_left3A_637 = arith.shli %and3A_634, %shift_left3A_636 : vector<16xi32>
        %add3A_638 = arith.addi %shift_left3A_637, %iota3A : vector<16xi32>
        %gather3A_639 = arith.constant 0 : i32
        %gather3A_640 = arith.constant 0 : i32
        %gather3A_641 = tpu.memref_slice %arg4[%rem3A_52, %gather3A_639, %gather3A_640] : memref<2x32x128xf32, #tpu.memory_space<vmem>> -> memref<1x32x128xf32, #tpu.memory_space<vmem>>
        %gather3A_642 = tpu.memref_squeeze %gather3A_641 : memref<1x32x128xf32, #tpu.memory_space<vmem>> -> memref<32x128xf32, #tpu.memory_space<vmem>>
        %gather3A_643 = tpu.vector_load_idx %gather3A_642[%iota3A, %add3A_627] : memref<32x128xf32, #tpu.memory_space<vmem>>[vector<16xi32>, vector<16xi32>], vector<16xf32>,
        %scatter3A_644 = arith.constant 0 : i32
        %scatter3A_645 = arith.constant 0 : i32
        %scatter3A_646 = tpu.memref_slice %arg5[%rem3A_52, %scatter3A_644, %scatter3A_645] : memref<2x32x128xf32, #tpu.memory_space<vmem>> -> memref<1x32x128xf32, #tpu.memory_space<vmem>>
        %scatter3A_647 = tpu.memref_squeeze %scatter3A_646 : memref<1x32x128xf32, #tpu.memory_space<vmem>> -> memref<32x128xf32, #tpu.memory_space<vmem>>
        tpu.vector_store_idx %scatter3A_647[%add3A_631, %add3A_638], %gather3A_643 : memref<32x128xf32, #tpu.memory_space<vmem>>[vector<16xi32>, vector<16xi32>], vector<16xf32>,
        %gather3A_648 = arith.constant 0 : i32
        %gather3A_649 = arith.constant 0 : i32
        %gather3A_650 = tpu.memref_slice %arg4[%rem3A_52, %gather3A_648, %gather3A_649] : memref<2x32x128xf32, #tpu.memory_space<vmem>> -> memref<1x32x128xf32, #tpu.memory_space<vmem>>
        %gather3A_651 = tpu.memref_squeeze %gather3A_650 : memref<1x32x128xf32, #tpu.memory_space<vmem>> -> memref<32x128xf32, #tpu.memory_space<vmem>>
        %gather3A_652 = tpu.vector_load_idx %gather3A_651[%add3A_11, %add3A_627] : memref<32x128xf32, #tpu.memory_space<vmem>>[vector<16xi32>, vector<16xi32>], vector<16xf32>,
        %add3A_653 = arith.constant 16 : i32
        %add3A_654 = vector.broadcast %add3A_653 : i32 to vector<16xi32>
        %add3A_655 = arith.addi %add3A_638, %add3A_654 : vector<16xi32>
        %scatter3A_656 = arith.constant 0 : i32
        %scatter3A_657 = arith.constant 0 : i32
        %scatter3A_658 = tpu.memref_slice %arg5[%rem3A_52, %scatter3A_656, %scatter3A_657] : memref<2x32x128xf32, #tpu.memory_space<vmem>> -> memref<1x32x128xf32, #tpu.memory_space<vmem>>
        %scatter3A_659 = tpu.memref_squeeze %scatter3A_658 : memref<1x32x128xf32, #tpu.memory_space<vmem>> -> memref<32x128xf32, #tpu.memory_space<vmem>>
        tpu.vector_store_idx %scatter3A_659[%add3A_631, %add3A_655], %gather3A_652 : memref<32x128xf32, #tpu.memory_space<vmem>>[vector<16xi32>, vector<16xi32>], vector<16xf32>,
        %add3A_660 = arith.constant 14 : i32
        %add3A_661 = vector.broadcast %add3A_660 : i32 to vector<16xi32>
        %add3A_662 = arith.addi %iota3A, %add3A_661 : vector<16xi32>
        %and3A_663 = arith.constant 15 : i32
        %and3A_664 = vector.broadcast %and3A_663 : i32 to vector<16xi32>
        %and3A_665 = arith.andi %add3A_662, %and3A_664 : vector<16xi32>
        %add3A_666 = vector.broadcast %mul3A_102 : i32 to vector<16xi32>
        %add3A_667 = arith.addi %and3A_665, %add3A_666 : vector<16xi32>
        %shift_right_logical3A_668 = arith.constant 2 : i32
        %shift_right_logical3A_669 = vector.broadcast %shift_right_logical3A_668 : i32 to vector<16xi32>
        %shift_right_logical3A_670 = arith.shrui %and3A_665, %shift_right_logical3A_669 : vector<16xi32>
        %add3A_671 = arith.addi %broadcast_in_dim3A, %shift_right_logical3A_670 : vector<16xi32>
        %and3A_672 = arith.constant 3 : i32
        %and3A_673 = vector.broadcast %and3A_672 : i32 to vector<16xi32>
        %and3A_674 = arith.andi %and3A_665, %and3A_673 : vector<16xi32>
        %shift_left3A_675 = arith.constant 5 : i32
        %shift_left3A_676 = vector.broadcast %shift_left3A_675 : i32 to vector<16xi32>
        %shift_left3A_677 = arith.shli %and3A_674, %shift_left3A_676 : vector<16xi32>
        %add3A_678 = arith.addi %shift_left3A_677, %iota3A : vector<16xi32>
        %gather3A_679 = arith.constant 0 : i32
        %gather3A_680 = arith.constant 0 : i32
        %gather3A_681 = tpu.memref_slice %arg4[%rem3A_52, %gather3A_679, %gather3A_680] : memref<2x32x128xf32, #tpu.memory_space<vmem>> -> memref<1x32x128xf32, #tpu.memory_space<vmem>>
        %gather3A_682 = tpu.memref_squeeze %gather3A_681 : memref<1x32x128xf32, #tpu.memory_space<vmem>> -> memref<32x128xf32, #tpu.memory_space<vmem>>
        %gather3A_683 = tpu.vector_load_idx %gather3A_682[%iota3A, %add3A_667] : memref<32x128xf32, #tpu.memory_space<vmem>>[vector<16xi32>, vector<16xi32>], vector<16xf32>,
        %scatter3A_684 = arith.constant 0 : i32
        %scatter3A_685 = arith.constant 0 : i32
        %scatter3A_686 = tpu.memref_slice %arg5[%rem3A_52, %scatter3A_684, %scatter3A_685] : memref<2x32x128xf32, #tpu.memory_space<vmem>> -> memref<1x32x128xf32, #tpu.memory_space<vmem>>
        %scatter3A_687 = tpu.memref_squeeze %scatter3A_686 : memref<1x32x128xf32, #tpu.memory_space<vmem>> -> memref<32x128xf32, #tpu.memory_space<vmem>>
        tpu.vector_store_idx %scatter3A_687[%add3A_671, %add3A_678], %gather3A_683 : memref<32x128xf32, #tpu.memory_space<vmem>>[vector<16xi32>, vector<16xi32>], vector<16xf32>,
        %gather3A_688 = arith.constant 0 : i32
        %gather3A_689 = arith.constant 0 : i32
        %gather3A_690 = tpu.memref_slice %arg4[%rem3A_52, %gather3A_688, %gather3A_689] : memref<2x32x128xf32, #tpu.memory_space<vmem>> -> memref<1x32x128xf32, #tpu.memory_space<vmem>>
        %gather3A_691 = tpu.memref_squeeze %gather3A_690 : memref<1x32x128xf32, #tpu.memory_space<vmem>> -> memref<32x128xf32, #tpu.memory_space<vmem>>
        %gather3A_692 = tpu.vector_load_idx %gather3A_691[%add3A_11, %add3A_667] : memref<32x128xf32, #tpu.memory_space<vmem>>[vector<16xi32>, vector<16xi32>], vector<16xf32>,
        %add3A_693 = arith.constant 16 : i32
        %add3A_694 = vector.broadcast %add3A_693 : i32 to vector<16xi32>
        %add3A_695 = arith.addi %add3A_678, %add3A_694 : vector<16xi32>
        %scatter3A_696 = arith.constant 0 : i32
        %scatter3A_697 = arith.constant 0 : i32
        %scatter3A_698 = tpu.memref_slice %arg5[%rem3A_52, %scatter3A_696, %scatter3A_697] : memref<2x32x128xf32, #tpu.memory_space<vmem>> -> memref<1x32x128xf32, #tpu.memory_space<vmem>>
        %scatter3A_699 = tpu.memref_squeeze %scatter3A_698 : memref<1x32x128xf32, #tpu.memory_space<vmem>> -> memref<32x128xf32, #tpu.memory_space<vmem>>
        tpu.vector_store_idx %scatter3A_699[%add3A_671, %add3A_695], %gather3A_692 : memref<32x128xf32, #tpu.memory_space<vmem>>[vector<16xi32>, vector<16xi32>], vector<16xf32>,
        %add3A_700 = arith.constant 15 : i32
        %add3A_701 = vector.broadcast %add3A_700 : i32 to vector<16xi32>
        %add3A_702 = arith.addi %iota3A, %add3A_701 : vector<16xi32>
        %and3A_703 = arith.constant 15 : i32
        %and3A_704 = vector.broadcast %and3A_703 : i32 to vector<16xi32>
        %and3A_705 = arith.andi %add3A_702, %and3A_704 : vector<16xi32>
        %add3A_706 = vector.broadcast %mul3A_102 : i32 to vector<16xi32>
        %add3A_707 = arith.addi %and3A_705, %add3A_706 : vector<16xi32>
        %shift_right_logical3A_708 = arith.constant 2 : i32
        %shift_right_logical3A_709 = vector.broadcast %shift_right_logical3A_708 : i32 to vector<16xi32>
        %shift_right_logical3A_710 = arith.shrui %and3A_705, %shift_right_logical3A_709 : vector<16xi32>
        %add3A_711 = arith.addi %broadcast_in_dim3A, %shift_right_logical3A_710 : vector<16xi32>
        %and3A_712 = arith.constant 3 : i32
        %and3A_713 = vector.broadcast %and3A_712 : i32 to vector<16xi32>
        %and3A_714 = arith.andi %and3A_705, %and3A_713 : vector<16xi32>
        %shift_left3A_715 = arith.constant 5 : i32
        %shift_left3A_716 = vector.broadcast %shift_left3A_715 : i32 to vector<16xi32>
        %shift_left3A_717 = arith.shli %and3A_714, %shift_left3A_716 : vector<16xi32>
        %add3A_718 = arith.addi %shift_left3A_717, %iota3A : vector<16xi32>
        %gather3A_719 = arith.constant 0 : i32
        %gather3A_720 = arith.constant 0 : i32
        %gather3A_721 = tpu.memref_slice %arg4[%rem3A_52, %gather3A_719, %gather3A_720] : memref<2x32x128xf32, #tpu.memory_space<vmem>> -> memref<1x32x128xf32, #tpu.memory_space<vmem>>
        %gather3A_722 = tpu.memref_squeeze %gather3A_721 : memref<1x32x128xf32, #tpu.memory_space<vmem>> -> memref<32x128xf32, #tpu.memory_space<vmem>>
        %gather3A_723 = tpu.vector_load_idx %gather3A_722[%iota3A, %add3A_707] : memref<32x128xf32, #tpu.memory_space<vmem>>[vector<16xi32>, vector<16xi32>], vector<16xf32>,
        %scatter3A_724 = arith.constant 0 : i32
        %scatter3A_725 = arith.constant 0 : i32
        %scatter3A_726 = tpu.memref_slice %arg5[%rem3A_52, %scatter3A_724, %scatter3A_725] : memref<2x32x128xf32, #tpu.memory_space<vmem>> -> memref<1x32x128xf32, #tpu.memory_space<vmem>>
        %scatter3A_727 = tpu.memref_squeeze %scatter3A_726 : memref<1x32x128xf32, #tpu.memory_space<vmem>> -> memref<32x128xf32, #tpu.memory_space<vmem>>
        tpu.vector_store_idx %scatter3A_727[%add3A_711, %add3A_718], %gather3A_723 : memref<32x128xf32, #tpu.memory_space<vmem>>[vector<16xi32>, vector<16xi32>], vector<16xf32>,
        %gather3A_728 = arith.constant 0 : i32
        %gather3A_729 = arith.constant 0 : i32
        %gather3A_730 = tpu.memref_slice %arg4[%rem3A_52, %gather3A_728, %gather3A_729] : memref<2x32x128xf32, #tpu.memory_space<vmem>> -> memref<1x32x128xf32, #tpu.memory_space<vmem>>
        %gather3A_731 = tpu.memref_squeeze %gather3A_730 : memref<1x32x128xf32, #tpu.memory_space<vmem>> -> memref<32x128xf32, #tpu.memory_space<vmem>>
        %gather3A_732 = tpu.vector_load_idx %gather3A_731[%add3A_11, %add3A_707] : memref<32x128xf32, #tpu.memory_space<vmem>>[vector<16xi32>, vector<16xi32>], vector<16xf32>,
        %add3A_733 = arith.constant 16 : i32
        %add3A_734 = vector.broadcast %add3A_733 : i32 to vector<16xi32>
        %add3A_735 = arith.addi %add3A_718, %add3A_734 : vector<16xi32>
        %scatter3A_736 = arith.constant 0 : i32
        %scatter3A_737 = arith.constant 0 : i32
        %scatter3A_738 = tpu.memref_slice %arg5[%rem3A_52, %scatter3A_736, %scatter3A_737] : memref<2x32x128xf32, #tpu.memory_space<vmem>> -> memref<1x32x128xf32, #tpu.memory_space<vmem>>
        %scatter3A_739 = tpu.memref_squeeze %scatter3A_738 : memref<1x32x128xf32, #tpu.memory_space<vmem>> -> memref<32x128xf32, #tpu.memory_space<vmem>>
        tpu.vector_store_idx %scatter3A_739[%add3A_711, %add3A_735], %gather3A_732 : memref<32x128xf32, #tpu.memory_space<vmem>>[vector<16xi32>, vector<16xi32>], vector<16xf32>,
        %scan3A_740 = arith.constant 1 : i32
        %scan3A_741 = arith.addi %scan3A_96, %scan3A_740 : i32
        %mul3A_742 = arith.constant 1 : i32
        %mul3A_743 = arith.muli %scan3A_741, %mul3A_742 : i32
        %add3A_744 = arith.constant 0 : i32
        %add3A_745 = arith.addi %add3A_744, %mul3A_743 : i32
        %mul3A_746 = arith.constant 16 : i32
        %mul3A_747 = arith.muli %add3A_745, %mul3A_746 : i32
        %mul3A_748 = arith.constant 4 : i32
        %mul3A_749 = arith.muli %add3A_745, %mul3A_748 : i32
        %broadcast_in_dim3A_750 = vector.broadcast %mul3A_749 : i32 to vector<16xi32>
        %add3A_751 = arith.constant 0 : i32
        %add3A_752 = vector.broadcast %add3A_751 : i32 to vector<16xi32>
        %add3A_753 = arith.addi %iota3A, %add3A_752 : vector<16xi32>
        %and3A_754 = arith.constant 15 : i32
        %and3A_755 = vector.broadcast %and3A_754 : i32 to vector<16xi32>
        %and3A_756 = arith.andi %add3A_753, %and3A_755 : vector<16xi32>
        %add3A_757 = vector.broadcast %mul3A_747 : i32 to vector<16xi32>
        %add3A_758 = arith.addi %and3A_756, %add3A_757 : vector<16xi32>
        %shift_right_logical3A_759 = arith.constant 2 : i32
        %shift_right_logical3A_760 = vector.broadcast %shift_right_logical3A_759 : i32 to vector<16xi32>
        %shift_right_logical3A_761 = arith.shrui %and3A_756, %shift_right_logical3A_760 : vector<16xi32>
        %add3A_762 = arith.addi %broadcast_in_dim3A_750, %shift_right_logical3A_761 : vector<16xi32>
        %and3A_763 = arith.constant 3 : i32
        %and3A_764 = vector.broadcast %and3A_763 : i32 to vector<16xi32>
        %and3A_765 = arith.andi %and3A_756, %and3A_764 : vector<16xi32>
        %shift_left3A_766 = arith.constant 5 : i32
        %shift_left3A_767 = vector.broadcast %shift_left3A_766 : i32 to vector<16xi32>
        %shift_left3A_768 = arith.shli %and3A_765, %shift_left3A_767 : vector<16xi32>
        %add3A_769 = arith.addi %shift_left3A_768, %iota3A : vector<16xi32>
        %gather3A_770 = arith.constant 0 : i32
        %gather3A_771 = arith.constant 0 : i32
        %gather3A_772 = tpu.memref_slice %arg4[%rem3A_52, %gather3A_770, %gather3A_771] : memref<2x32x128xf32, #tpu.memory_space<vmem>> -> memref<1x32x128xf32, #tpu.memory_space<vmem>>
        %gather3A_773 = tpu.memref_squeeze %gather3A_772 : memref<1x32x128xf32, #tpu.memory_space<vmem>> -> memref<32x128xf32, #tpu.memory_space<vmem>>
        %gather3A_774 = tpu.vector_load_idx %gather3A_773[%iota3A, %add3A_758] : memref<32x128xf32, #tpu.memory_space<vmem>>[vector<16xi32>, vector<16xi32>], vector<16xf32>,
        %scatter3A_775 = arith.constant 0 : i32
        %scatter3A_776 = arith.constant 0 : i32
        %scatter3A_777 = tpu.memref_slice %arg5[%rem3A_52, %scatter3A_775, %scatter3A_776] : memref<2x32x128xf32, #tpu.memory_space<vmem>> -> memref<1x32x128xf32, #tpu.memory_space<vmem>>
        %scatter3A_778 = tpu.memref_squeeze %scatter3A_777 : memref<1x32x128xf32, #tpu.memory_space<vmem>> -> memref<32x128xf32, #tpu.memory_space<vmem>>
        tpu.vector_store_idx %scatter3A_778[%add3A_762, %add3A_769], %gather3A_774 : memref<32x128xf32, #tpu.memory_space<vmem>>[vector<16xi32>, vector<16xi32>], vector<16xf32>,
        %gather3A_779 = arith.constant 0 : i32
        %gather3A_780 = arith.constant 0 : i32
        %gather3A_781 = tpu.memref_slice %arg4[%rem3A_52, %gather3A_779, %gather3A_780] : memref<2x32x128xf32, #tpu.memory_space<vmem>> -> memref<1x32x128xf32, #tpu.memory_space<vmem>>
        %gather3A_782 = tpu.memref_squeeze %gather3A_781 : memref<1x32x128xf32, #tpu.memory_space<vmem>> -> memref<32x128xf32, #tpu.memory_space<vmem>>
        %gather3A_783 = tpu.vector_load_idx %gather3A_782[%add3A_11, %add3A_758] : memref<32x128xf32, #tpu.memory_space<vmem>>[vector<16xi32>, vector<16xi32>], vector<16xf32>,
        %add3A_784 = arith.constant 16 : i32
        %add3A_785 = vector.broadcast %add3A_784 : i32 to vector<16xi32>
        %add3A_786 = arith.addi %add3A_769, %add3A_785 : vector<16xi32>
        %scatter3A_787 = arith.constant 0 : i32
        %scatter3A_788 = arith.constant 0 : i32
        %scatter3A_789 = tpu.memref_slice %arg5[%rem3A_52, %scatter3A_787, %scatter3A_788] : memref<2x32x128xf32, #tpu.memory_space<vmem>> -> memref<1x32x128xf32, #tpu.memory_space<vmem>>
        %scatter3A_790 = tpu.memref_squeeze %scatter3A_789 : memref<1x32x128xf32, #tpu.memory_space<vmem>> -> memref<32x128xf32, #tpu.memory_space<vmem>>
        tpu.vector_store_idx %scatter3A_790[%add3A_762, %add3A_786], %gather3A_783 : memref<32x128xf32, #tpu.memory_space<vmem>>[vector<16xi32>, vector<16xi32>], vector<16xf32>,
        %add3A_791 = arith.constant 1 : i32
        %add3A_792 = vector.broadcast %add3A_791 : i32 to vector<16xi32>
        %add3A_793 = arith.addi %iota3A, %add3A_792 : vector<16xi32>
        %and3A_794 = arith.constant 15 : i32
        %and3A_795 = vector.broadcast %and3A_794 : i32 to vector<16xi32>
        %and3A_796 = arith.andi %add3A_793, %and3A_795 : vector<16xi32>
        %add3A_797 = vector.broadcast %mul3A_747 : i32 to vector<16xi32>
        %add3A_798 = arith.addi %and3A_796, %add3A_797 : vector<16xi32>
        %shift_right_logical3A_799 = arith.constant 2 : i32
        %shift_right_logical3A_800 = vector.broadcast %shift_right_logical3A_799 : i32 to vector<16xi32>
        %shift_right_logical3A_801 = arith.shrui %and3A_796, %shift_right_logical3A_800 : vector<16xi32>
        %add3A_802 = arith.addi %broadcast_in_dim3A_750, %shift_right_logical3A_801 : vector<16xi32>
        %and3A_803 = arith.constant 3 : i32
        %and3A_804 = vector.broadcast %and3A_803 : i32 to vector<16xi32>
        %and3A_805 = arith.andi %and3A_796, %and3A_804 : vector<16xi32>
        %shift_left3A_806 = arith.constant 5 : i32
        %shift_left3A_807 = vector.broadcast %shift_left3A_806 : i32 to vector<16xi32>
        %shift_left3A_808 = arith.shli %and3A_805, %shift_left3A_807 : vector<16xi32>
        %add3A_809 = arith.addi %shift_left3A_808, %iota3A : vector<16xi32>
        %gather3A_810 = arith.constant 0 : i32
        %gather3A_811 = arith.constant 0 : i32
        %gather3A_812 = tpu.memref_slice %arg4[%rem3A_52, %gather3A_810, %gather3A_811] : memref<2x32x128xf32, #tpu.memory_space<vmem>> -> memref<1x32x128xf32, #tpu.memory_space<vmem>>
        %gather3A_813 = tpu.memref_squeeze %gather3A_812 : memref<1x32x128xf32, #tpu.memory_space<vmem>> -> memref<32x128xf32, #tpu.memory_space<vmem>>
        %gather3A_814 = tpu.vector_load_idx %gather3A_813[%iota3A, %add3A_798] : memref<32x128xf32, #tpu.memory_space<vmem>>[vector<16xi32>, vector<16xi32>], vector<16xf32>,
        %scatter3A_815 = arith.constant 0 : i32
        %scatter3A_816 = arith.constant 0 : i32
        %scatter3A_817 = tpu.memref_slice %arg5[%rem3A_52, %scatter3A_815, %scatter3A_816] : memref<2x32x128xf32, #tpu.memory_space<vmem>> -> memref<1x32x128xf32, #tpu.memory_space<vmem>>
        %scatter3A_818 = tpu.memref_squeeze %scatter3A_817 : memref<1x32x128xf32, #tpu.memory_space<vmem>> -> memref<32x128xf32, #tpu.memory_space<vmem>>
        tpu.vector_store_idx %scatter3A_818[%add3A_802, %add3A_809], %gather3A_814 : memref<32x128xf32, #tpu.memory_space<vmem>>[vector<16xi32>, vector<16xi32>], vector<16xf32>,
        %gather3A_819 = arith.constant 0 : i32
        %gather3A_820 = arith.constant 0 : i32
        %gather3A_821 = tpu.memref_slice %arg4[%rem3A_52, %gather3A_819, %gather3A_820] : memref<2x32x128xf32, #tpu.memory_space<vmem>> -> memref<1x32x128xf32, #tpu.memory_space<vmem>>
        %gather3A_822 = tpu.memref_squeeze %gather3A_821 : memref<1x32x128xf32, #tpu.memory_space<vmem>> -> memref<32x128xf32, #tpu.memory_space<vmem>>
        %gather3A_823 = tpu.vector_load_idx %gather3A_822[%add3A_11, %add3A_798] : memref<32x128xf32, #tpu.memory_space<vmem>>[vector<16xi32>, vector<16xi32>], vector<16xf32>,
        %add3A_824 = arith.constant 16 : i32
        %add3A_825 = vector.broadcast %add3A_824 : i32 to vector<16xi32>
        %add3A_826 = arith.addi %add3A_809, %add3A_825 : vector<16xi32>
        %scatter3A_827 = arith.constant 0 : i32
        %scatter3A_828 = arith.constant 0 : i32
        %scatter3A_829 = tpu.memref_slice %arg5[%rem3A_52, %scatter3A_827, %scatter3A_828] : memref<2x32x128xf32, #tpu.memory_space<vmem>> -> memref<1x32x128xf32, #tpu.memory_space<vmem>>
        %scatter3A_830 = tpu.memref_squeeze %scatter3A_829 : memref<1x32x128xf32, #tpu.memory_space<vmem>> -> memref<32x128xf32, #tpu.memory_space<vmem>>
        tpu.vector_store_idx %scatter3A_830[%add3A_802, %add3A_826], %gather3A_823 : memref<32x128xf32, #tpu.memory_space<vmem>>[vector<16xi32>, vector<16xi32>], vector<16xf32>,
        %add3A_831 = arith.constant 2 : i32
        %add3A_832 = vector.broadcast %add3A_831 : i32 to vector<16xi32>
        %add3A_833 = arith.addi %iota3A, %add3A_832 : vector<16xi32>
        %and3A_834 = arith.constant 15 : i32
        %and3A_835 = vector.broadcast %and3A_834 : i32 to vector<16xi32>
        %and3A_836 = arith.andi %add3A_833, %and3A_835 : vector<16xi32>
        %add3A_837 = vector.broadcast %mul3A_747 : i32 to vector<16xi32>
        %add3A_838 = arith.addi %and3A_836, %add3A_837 : vector<16xi32>
        %shift_right_logical3A_839 = arith.constant 2 : i32
        %shift_right_logical3A_840 = vector.broadcast %shift_right_logical3A_839 : i32 to vector<16xi32>
        %shift_right_logical3A_841 = arith.shrui %and3A_836, %shift_right_logical3A_840 : vector<16xi32>
        %add3A_842 = arith.addi %broadcast_in_dim3A_750, %shift_right_logical3A_841 : vector<16xi32>
        %and3A_843 = arith.constant 3 : i32
        %and3A_844 = vector.broadcast %and3A_843 : i32 to vector<16xi32>
        %and3A_845 = arith.andi %and3A_836, %and3A_844 : vector<16xi32>
        %shift_left3A_846 = arith.constant 5 : i32
        %shift_left3A_847 = vector.broadcast %shift_left3A_846 : i32 to vector<16xi32>
        %shift_left3A_848 = arith.shli %and3A_845, %shift_left3A_847 : vector<16xi32>
        %add3A_849 = arith.addi %shift_left3A_848, %iota3A : vector<16xi32>
        %gather3A_850 = arith.constant 0 : i32
        %gather3A_851 = arith.constant 0 : i32
        %gather3A_852 = tpu.memref_slice %arg4[%rem3A_52, %gather3A_850, %gather3A_851] : memref<2x32x128xf32, #tpu.memory_space<vmem>> -> memref<1x32x128xf32, #tpu.memory_space<vmem>>
        %gather3A_853 = tpu.memref_squeeze %gather3A_852 : memref<1x32x128xf32, #tpu.memory_space<vmem>> -> memref<32x128xf32, #tpu.memory_space<vmem>>
        %gather3A_854 = tpu.vector_load_idx %gather3A_853[%iota3A, %add3A_838] : memref<32x128xf32, #tpu.memory_space<vmem>>[vector<16xi32>, vector<16xi32>], vector<16xf32>,
        %scatter3A_855 = arith.constant 0 : i32
        %scatter3A_856 = arith.constant 0 : i32
        %scatter3A_857 = tpu.memref_slice %arg5[%rem3A_52, %scatter3A_855, %scatter3A_856] : memref<2x32x128xf32, #tpu.memory_space<vmem>> -> memref<1x32x128xf32, #tpu.memory_space<vmem>>
        %scatter3A_858 = tpu.memref_squeeze %scatter3A_857 : memref<1x32x128xf32, #tpu.memory_space<vmem>> -> memref<32x128xf32, #tpu.memory_space<vmem>>
        tpu.vector_store_idx %scatter3A_858[%add3A_842, %add3A_849], %gather3A_854 : memref<32x128xf32, #tpu.memory_space<vmem>>[vector<16xi32>, vector<16xi32>], vector<16xf32>,
        %gather3A_859 = arith.constant 0 : i32
        %gather3A_860 = arith.constant 0 : i32
        %gather3A_861 = tpu.memref_slice %arg4[%rem3A_52, %gather3A_859, %gather3A_860] : memref<2x32x128xf32, #tpu.memory_space<vmem>> -> memref<1x32x128xf32, #tpu.memory_space<vmem>>
        %gather3A_862 = tpu.memref_squeeze %gather3A_861 : memref<1x32x128xf32, #tpu.memory_space<vmem>> -> memref<32x128xf32, #tpu.memory_space<vmem>>
        %gather3A_863 = tpu.vector_load_idx %gather3A_862[%add3A_11, %add3A_838] : memref<32x128xf32, #tpu.memory_space<vmem>>[vector<16xi32>, vector<16xi32>], vector<16xf32>,
        %add3A_864 = arith.constant 16 : i32
        %add3A_865 = vector.broadcast %add3A_864 : i32 to vector<16xi32>
        %add3A_866 = arith.addi %add3A_849, %add3A_865 : vector<16xi32>
        %scatter3A_867 = arith.constant 0 : i32
        %scatter3A_868 = arith.constant 0 : i32
        %scatter3A_869 = tpu.memref_slice %arg5[%rem3A_52, %scatter3A_867, %scatter3A_868] : memref<2x32x128xf32, #tpu.memory_space<vmem>> -> memref<1x32x128xf32, #tpu.memory_space<vmem>>
        %scatter3A_870 = tpu.memref_squeeze %scatter3A_869 : memref<1x32x128xf32, #tpu.memory_space<vmem>> -> memref<32x128xf32, #tpu.memory_space<vmem>>
        tpu.vector_store_idx %scatter3A_870[%add3A_842, %add3A_866], %gather3A_863 : memref<32x128xf32, #tpu.memory_space<vmem>>[vector<16xi32>, vector<16xi32>], vector<16xf32>,
        %add3A_871 = arith.constant 3 : i32
        %add3A_872 = vector.broadcast %add3A_871 : i32 to vector<16xi32>
        %add3A_873 = arith.addi %iota3A, %add3A_872 : vector<16xi32>
        %and3A_874 = arith.constant 15 : i32
        %and3A_875 = vector.broadcast %and3A_874 : i32 to vector<16xi32>
        %and3A_876 = arith.andi %add3A_873, %and3A_875 : vector<16xi32>
        %add3A_877 = vector.broadcast %mul3A_747 : i32 to vector<16xi32>
        %add3A_878 = arith.addi %and3A_876, %add3A_877 : vector<16xi32>
        %shift_right_logical3A_879 = arith.constant 2 : i32
        %shift_right_logical3A_880 = vector.broadcast %shift_right_logical3A_879 : i32 to vector<16xi32>
        %shift_right_logical3A_881 = arith.shrui %and3A_876, %shift_right_logical3A_880 : vector<16xi32>
        %add3A_882 = arith.addi %broadcast_in_dim3A_750, %shift_right_logical3A_881 : vector<16xi32>
        %and3A_883 = arith.constant 3 : i32
        %and3A_884 = vector.broadcast %and3A_883 : i32 to vector<16xi32>
        %and3A_885 = arith.andi %and3A_876, %and3A_884 : vector<16xi32>
        %shift_left3A_886 = arith.constant 5 : i32
        %shift_left3A_887 = vector.broadcast %shift_left3A_886 : i32 to vector<16xi32>
        %shift_left3A_888 = arith.shli %and3A_885, %shift_left3A_887 : vector<16xi32>
        %add3A_889 = arith.addi %shift_left3A_888, %iota3A : vector<16xi32>
        %gather3A_890 = arith.constant 0 : i32
        %gather3A_891 = arith.constant 0 : i32
        %gather3A_892 = tpu.memref_slice %arg4[%rem3A_52, %gather3A_890, %gather3A_891] : memref<2x32x128xf32, #tpu.memory_space<vmem>> -> memref<1x32x128xf32, #tpu.memory_space<vmem>>
        %gather3A_893 = tpu.memref_squeeze %gather3A_892 : memref<1x32x128xf32, #tpu.memory_space<vmem>> -> memref<32x128xf32, #tpu.memory_space<vmem>>
        %gather3A_894 = tpu.vector_load_idx %gather3A_893[%iota3A, %add3A_878] : memref<32x128xf32, #tpu.memory_space<vmem>>[vector<16xi32>, vector<16xi32>], vector<16xf32>,
        %scatter3A_895 = arith.constant 0 : i32
        %scatter3A_896 = arith.constant 0 : i32
        %scatter3A_897 = tpu.memref_slice %arg5[%rem3A_52, %scatter3A_895, %scatter3A_896] : memref<2x32x128xf32, #tpu.memory_space<vmem>> -> memref<1x32x128xf32, #tpu.memory_space<vmem>>
        %scatter3A_898 = tpu.memref_squeeze %scatter3A_897 : memref<1x32x128xf32, #tpu.memory_space<vmem>> -> memref<32x128xf32, #tpu.memory_space<vmem>>
        tpu.vector_store_idx %scatter3A_898[%add3A_882, %add3A_889], %gather3A_894 : memref<32x128xf32, #tpu.memory_space<vmem>>[vector<16xi32>, vector<16xi32>], vector<16xf32>,
        %gather3A_899 = arith.constant 0 : i32
        %gather3A_900 = arith.constant 0 : i32
        %gather3A_901 = tpu.memref_slice %arg4[%rem3A_52, %gather3A_899, %gather3A_900] : memref<2x32x128xf32, #tpu.memory_space<vmem>> -> memref<1x32x128xf32, #tpu.memory_space<vmem>>
        %gather3A_902 = tpu.memref_squeeze %gather3A_901 : memref<1x32x128xf32, #tpu.memory_space<vmem>> -> memref<32x128xf32, #tpu.memory_space<vmem>>
        %gather3A_903 = tpu.vector_load_idx %gather3A_902[%add3A_11, %add3A_878] : memref<32x128xf32, #tpu.memory_space<vmem>>[vector<16xi32>, vector<16xi32>], vector<16xf32>,
        %add3A_904 = arith.constant 16 : i32
        %add3A_905 = vector.broadcast %add3A_904 : i32 to vector<16xi32>
        %add3A_906 = arith.addi %add3A_889, %add3A_905 : vector<16xi32>
        %scatter3A_907 = arith.constant 0 : i32
        %scatter3A_908 = arith.constant 0 : i32
        %scatter3A_909 = tpu.memref_slice %arg5[%rem3A_52, %scatter3A_907, %scatter3A_908] : memref<2x32x128xf32, #tpu.memory_space<vmem>> -> memref<1x32x128xf32, #tpu.memory_space<vmem>>
        %scatter3A_910 = tpu.memref_squeeze %scatter3A_909 : memref<1x32x128xf32, #tpu.memory_space<vmem>> -> memref<32x128xf32, #tpu.memory_space<vmem>>
        tpu.vector_store_idx %scatter3A_910[%add3A_882, %add3A_906], %gather3A_903 : memref<32x128xf32, #tpu.memory_space<vmem>>[vector<16xi32>, vector<16xi32>], vector<16xf32>,
        %add3A_911 = arith.constant 4 : i32
        %add3A_912 = vector.broadcast %add3A_911 : i32 to vector<16xi32>
        %add3A_913 = arith.addi %iota3A, %add3A_912 : vector<16xi32>
        %and3A_914 = arith.constant 15 : i32
        %and3A_915 = vector.broadcast %and3A_914 : i32 to vector<16xi32>
        %and3A_916 = arith.andi %add3A_913, %and3A_915 : vector<16xi32>
        %add3A_917 = vector.broadcast %mul3A_747 : i32 to vector<16xi32>
        %add3A_918 = arith.addi %and3A_916, %add3A_917 : vector<16xi32>
        %shift_right_logical3A_919 = arith.constant 2 : i32
        %shift_right_logical3A_920 = vector.broadcast %shift_right_logical3A_919 : i32 to vector<16xi32>
        %shift_right_logical3A_921 = arith.shrui %and3A_916, %shift_right_logical3A_920 : vector<16xi32>
        %add3A_922 = arith.addi %broadcast_in_dim3A_750, %shift_right_logical3A_921 : vector<16xi32>
        %and3A_923 = arith.constant 3 : i32
        %and3A_924 = vector.broadcast %and3A_923 : i32 to vector<16xi32>
        %and3A_925 = arith.andi %and3A_916, %and3A_924 : vector<16xi32>
        %shift_left3A_926 = arith.constant 5 : i32
        %shift_left3A_927 = vector.broadcast %shift_left3A_926 : i32 to vector<16xi32>
        %shift_left3A_928 = arith.shli %and3A_925, %shift_left3A_927 : vector<16xi32>
        %add3A_929 = arith.addi %shift_left3A_928, %iota3A : vector<16xi32>
        %gather3A_930 = arith.constant 0 : i32
        %gather3A_931 = arith.constant 0 : i32
        %gather3A_932 = tpu.memref_slice %arg4[%rem3A_52, %gather3A_930, %gather3A_931] : memref<2x32x128xf32, #tpu.memory_space<vmem>> -> memref<1x32x128xf32, #tpu.memory_space<vmem>>
        %gather3A_933 = tpu.memref_squeeze %gather3A_932 : memref<1x32x128xf32, #tpu.memory_space<vmem>> -> memref<32x128xf32, #tpu.memory_space<vmem>>
        %gather3A_934 = tpu.vector_load_idx %gather3A_933[%iota3A, %add3A_918] : memref<32x128xf32, #tpu.memory_space<vmem>>[vector<16xi32>, vector<16xi32>], vector<16xf32>,
        %scatter3A_935 = arith.constant 0 : i32
        %scatter3A_936 = arith.constant 0 : i32
        %scatter3A_937 = tpu.memref_slice %arg5[%rem3A_52, %scatter3A_935, %scatter3A_936] : memref<2x32x128xf32, #tpu.memory_space<vmem>> -> memref<1x32x128xf32, #tpu.memory_space<vmem>>
        %scatter3A_938 = tpu.memref_squeeze %scatter3A_937 : memref<1x32x128xf32, #tpu.memory_space<vmem>> -> memref<32x128xf32, #tpu.memory_space<vmem>>
        tpu.vector_store_idx %scatter3A_938[%add3A_922, %add3A_929], %gather3A_934 : memref<32x128xf32, #tpu.memory_space<vmem>>[vector<16xi32>, vector<16xi32>], vector<16xf32>,
        %gather3A_939 = arith.constant 0 : i32
        %gather3A_940 = arith.constant 0 : i32
        %gather3A_941 = tpu.memref_slice %arg4[%rem3A_52, %gather3A_939, %gather3A_940] : memref<2x32x128xf32, #tpu.memory_space<vmem>> -> memref<1x32x128xf32, #tpu.memory_space<vmem>>
        %gather3A_942 = tpu.memref_squeeze %gather3A_941 : memref<1x32x128xf32, #tpu.memory_space<vmem>> -> memref<32x128xf32, #tpu.memory_space<vmem>>
        %gather3A_943 = tpu.vector_load_idx %gather3A_942[%add3A_11, %add3A_918] : memref<32x128xf32, #tpu.memory_space<vmem>>[vector<16xi32>, vector<16xi32>], vector<16xf32>,
        %add3A_944 = arith.constant 16 : i32
        %add3A_945 = vector.broadcast %add3A_944 : i32 to vector<16xi32>
        %add3A_946 = arith.addi %add3A_929, %add3A_945 : vector<16xi32>
        %scatter3A_947 = arith.constant 0 : i32
        %scatter3A_948 = arith.constant 0 : i32
        %scatter3A_949 = tpu.memref_slice %arg5[%rem3A_52, %scatter3A_947, %scatter3A_948] : memref<2x32x128xf32, #tpu.memory_space<vmem>> -> memref<1x32x128xf32, #tpu.memory_space<vmem>>
        %scatter3A_950 = tpu.memref_squeeze %scatter3A_949 : memref<1x32x128xf32, #tpu.memory_space<vmem>> -> memref<32x128xf32, #tpu.memory_space<vmem>>
        tpu.vector_store_idx %scatter3A_950[%add3A_922, %add3A_946], %gather3A_943 : memref<32x128xf32, #tpu.memory_space<vmem>>[vector<16xi32>, vector<16xi32>], vector<16xf32>,
        %add3A_951 = arith.constant 5 : i32
        %add3A_952 = vector.broadcast %add3A_951 : i32 to vector<16xi32>
        %add3A_953 = arith.addi %iota3A, %add3A_952 : vector<16xi32>
        %and3A_954 = arith.constant 15 : i32
        %and3A_955 = vector.broadcast %and3A_954 : i32 to vector<16xi32>
        %and3A_956 = arith.andi %add3A_953, %and3A_955 : vector<16xi32>
        %add3A_957 = vector.broadcast %mul3A_747 : i32 to vector<16xi32>
        %add3A_958 = arith.addi %and3A_956, %add3A_957 : vector<16xi32>
        %shift_right_logical3A_959 = arith.constant 2 : i32
        %shift_right_logical3A_960 = vector.broadcast %shift_right_logical3A_959 : i32 to vector<16xi32>
        %shift_right_logical3A_961 = arith.shrui %and3A_956, %shift_right_logical3A_960 : vector<16xi32>
        %add3A_962 = arith.addi %broadcast_in_dim3A_750, %shift_right_logical3A_961 : vector<16xi32>
        %and3A_963 = arith.constant 3 : i32
        %and3A_964 = vector.broadcast %and3A_963 : i32 to vector<16xi32>
        %and3A_965 = arith.andi %and3A_956, %and3A_964 : vector<16xi32>
        %shift_left3A_966 = arith.constant 5 : i32
        %shift_left3A_967 = vector.broadcast %shift_left3A_966 : i32 to vector<16xi32>
        %shift_left3A_968 = arith.shli %and3A_965, %shift_left3A_967 : vector<16xi32>
        %add3A_969 = arith.addi %shift_left3A_968, %iota3A : vector<16xi32>
        %gather3A_970 = arith.constant 0 : i32
        %gather3A_971 = arith.constant 0 : i32
        %gather3A_972 = tpu.memref_slice %arg4[%rem3A_52, %gather3A_970, %gather3A_971] : memref<2x32x128xf32, #tpu.memory_space<vmem>> -> memref<1x32x128xf32, #tpu.memory_space<vmem>>
        %gather3A_973 = tpu.memref_squeeze %gather3A_972 : memref<1x32x128xf32, #tpu.memory_space<vmem>> -> memref<32x128xf32, #tpu.memory_space<vmem>>
        %gather3A_974 = tpu.vector_load_idx %gather3A_973[%iota3A, %add3A_958] : memref<32x128xf32, #tpu.memory_space<vmem>>[vector<16xi32>, vector<16xi32>], vector<16xf32>,
        %scatter3A_975 = arith.constant 0 : i32
        %scatter3A_976 = arith.constant 0 : i32
        %scatter3A_977 = tpu.memref_slice %arg5[%rem3A_52, %scatter3A_975, %scatter3A_976] : memref<2x32x128xf32, #tpu.memory_space<vmem>> -> memref<1x32x128xf32, #tpu.memory_space<vmem>>
        %scatter3A_978 = tpu.memref_squeeze %scatter3A_977 : memref<1x32x128xf32, #tpu.memory_space<vmem>> -> memref<32x128xf32, #tpu.memory_space<vmem>>
        tpu.vector_store_idx %scatter3A_978[%add3A_962, %add3A_969], %gather3A_974 : memref<32x128xf32, #tpu.memory_space<vmem>>[vector<16xi32>, vector<16xi32>], vector<16xf32>,
        %gather3A_979 = arith.constant 0 : i32
        %gather3A_980 = arith.constant 0 : i32
        %gather3A_981 = tpu.memref_slice %arg4[%rem3A_52, %gather3A_979, %gather3A_980] : memref<2x32x128xf32, #tpu.memory_space<vmem>> -> memref<1x32x128xf32, #tpu.memory_space<vmem>>
        %gather3A_982 = tpu.memref_squeeze %gather3A_981 : memref<1x32x128xf32, #tpu.memory_space<vmem>> -> memref<32x128xf32, #tpu.memory_space<vmem>>
        %gather3A_983 = tpu.vector_load_idx %gather3A_982[%add3A_11, %add3A_958] : memref<32x128xf32, #tpu.memory_space<vmem>>[vector<16xi32>, vector<16xi32>], vector<16xf32>,
        %add3A_984 = arith.constant 16 : i32
        %add3A_985 = vector.broadcast %add3A_984 : i32 to vector<16xi32>
        %add3A_986 = arith.addi %add3A_969, %add3A_985 : vector<16xi32>
        %scatter3A_987 = arith.constant 0 : i32
        %scatter3A_988 = arith.constant 0 : i32
        %scatter3A_989 = tpu.memref_slice %arg5[%rem3A_52, %scatter3A_987, %scatter3A_988] : memref<2x32x128xf32, #tpu.memory_space<vmem>> -> memref<1x32x128xf32, #tpu.memory_space<vmem>>
        %scatter3A_990 = tpu.memref_squeeze %scatter3A_989 : memref<1x32x128xf32, #tpu.memory_space<vmem>> -> memref<32x128xf32, #tpu.memory_space<vmem>>
        tpu.vector_store_idx %scatter3A_990[%add3A_962, %add3A_986], %gather3A_983 : memref<32x128xf32, #tpu.memory_space<vmem>>[vector<16xi32>, vector<16xi32>], vector<16xf32>,
        %add3A_991 = arith.constant 6 : i32
        %add3A_992 = vector.broadcast %add3A_991 : i32 to vector<16xi32>
        %add3A_993 = arith.addi %iota3A, %add3A_992 : vector<16xi32>
        %and3A_994 = arith.constant 15 : i32
        %and3A_995 = vector.broadcast %and3A_994 : i32 to vector<16xi32>
        %and3A_996 = arith.andi %add3A_993, %and3A_995 : vector<16xi32>
        %add3A_997 = vector.broadcast %mul3A_747 : i32 to vector<16xi32>
        %add3A_998 = arith.addi %and3A_996, %add3A_997 : vector<16xi32>
        %shift_right_logical3A_999 = arith.constant 2 : i32
        %shift_right_logical3A_1000 = vector.broadcast %shift_right_logical3A_999 : i32 to vector<16xi32>
        %shift_right_logical3A_1001 = arith.shrui %and3A_996, %shift_right_logical3A_1000 : vector<16xi32>
        %add3A_1002 = arith.addi %broadcast_in_dim3A_750, %shift_right_logical3A_1001 : vector<16xi32>
        %and3A_1003 = arith.constant 3 : i32
        %and3A_1004 = vector.broadcast %and3A_1003 : i32 to vector<16xi32>
        %and3A_1005 = arith.andi %and3A_996, %and3A_1004 : vector<16xi32>
        %shift_left3A_1006 = arith.constant 5 : i32
        %shift_left3A_1007 = vector.broadcast %shift_left3A_1006 : i32 to vector<16xi32>
        %shift_left3A_1008 = arith.shli %and3A_1005, %shift_left3A_1007 : vector<16xi32>
        %add3A_1009 = arith.addi %shift_left3A_1008, %iota3A : vector<16xi32>
        %gather3A_1010 = arith.constant 0 : i32
        %gather3A_1011 = arith.constant 0 : i32
        %gather3A_1012 = tpu.memref_slice %arg4[%rem3A_52, %gather3A_1010, %gather3A_1011] : memref<2x32x128xf32, #tpu.memory_space<vmem>> -> memref<1x32x128xf32, #tpu.memory_space<vmem>>
        %gather3A_1013 = tpu.memref_squeeze %gather3A_1012 : memref<1x32x128xf32, #tpu.memory_space<vmem>> -> memref<32x128xf32, #tpu.memory_space<vmem>>
        %gather3A_1014 = tpu.vector_load_idx %gather3A_1013[%iota3A, %add3A_998] : memref<32x128xf32, #tpu.memory_space<vmem>>[vector<16xi32>, vector<16xi32>], vector<16xf32>,
        %scatter3A_1015 = arith.constant 0 : i32
        %scatter3A_1016 = arith.constant 0 : i32
        %scatter3A_1017 = tpu.memref_slice %arg5[%rem3A_52, %scatter3A_1015, %scatter3A_1016] : memref<2x32x128xf32, #tpu.memory_space<vmem>> -> memref<1x32x128xf32, #tpu.memory_space<vmem>>
        %scatter3A_1018 = tpu.memref_squeeze %scatter3A_1017 : memref<1x32x128xf32, #tpu.memory_space<vmem>> -> memref<32x128xf32, #tpu.memory_space<vmem>>
        tpu.vector_store_idx %scatter3A_1018[%add3A_1002, %add3A_1009], %gather3A_1014 : memref<32x128xf32, #tpu.memory_space<vmem>>[vector<16xi32>, vector<16xi32>], vector<16xf32>,
        %gather3A_1019 = arith.constant 0 : i32
        %gather3A_1020 = arith.constant 0 : i32
        %gather3A_1021 = tpu.memref_slice %arg4[%rem3A_52, %gather3A_1019, %gather3A_1020] : memref<2x32x128xf32, #tpu.memory_space<vmem>> -> memref<1x32x128xf32, #tpu.memory_space<vmem>>
        %gather3A_1022 = tpu.memref_squeeze %gather3A_1021 : memref<1x32x128xf32, #tpu.memory_space<vmem>> -> memref<32x128xf32, #tpu.memory_space<vmem>>
        %gather3A_1023 = tpu.vector_load_idx %gather3A_1022[%add3A_11, %add3A_998] : memref<32x128xf32, #tpu.memory_space<vmem>>[vector<16xi32>, vector<16xi32>], vector<16xf32>,
        %add3A_1024 = arith.constant 16 : i32
        %add3A_1025 = vector.broadcast %add3A_1024 : i32 to vector<16xi32>
        %add3A_1026 = arith.addi %add3A_1009, %add3A_1025 : vector<16xi32>
        %scatter3A_1027 = arith.constant 0 : i32
        %scatter3A_1028 = arith.constant 0 : i32
        %scatter3A_1029 = tpu.memref_slice %arg5[%rem3A_52, %scatter3A_1027, %scatter3A_1028] : memref<2x32x128xf32, #tpu.memory_space<vmem>> -> memref<1x32x128xf32, #tpu.memory_space<vmem>>
        %scatter3A_1030 = tpu.memref_squeeze %scatter3A_1029 : memref<1x32x128xf32, #tpu.memory_space<vmem>> -> memref<32x128xf32, #tpu.memory_space<vmem>>
        tpu.vector_store_idx %scatter3A_1030[%add3A_1002, %add3A_1026], %gather3A_1023 : memref<32x128xf32, #tpu.memory_space<vmem>>[vector<16xi32>, vector<16xi32>], vector<16xf32>,
        %add3A_1031 = arith.constant 7 : i32
        %add3A_1032 = vector.broadcast %add3A_1031 : i32 to vector<16xi32>
        %add3A_1033 = arith.addi %iota3A, %add3A_1032 : vector<16xi32>
        %and3A_1034 = arith.constant 15 : i32
        %and3A_1035 = vector.broadcast %and3A_1034 : i32 to vector<16xi32>
        %and3A_1036 = arith.andi %add3A_1033, %and3A_1035 : vector<16xi32>
        %add3A_1037 = vector.broadcast %mul3A_747 : i32 to vector<16xi32>
        %add3A_1038 = arith.addi %and3A_1036, %add3A_1037 : vector<16xi32>
        %shift_right_logical3A_1039 = arith.constant 2 : i32
        %shift_right_logical3A_1040 = vector.broadcast %shift_right_logical3A_1039 : i32 to vector<16xi32>
        %shift_right_logical3A_1041 = arith.shrui %and3A_1036, %shift_right_logical3A_1040 : vector<16xi32>
        %add3A_1042 = arith.addi %broadcast_in_dim3A_750, %shift_right_logical3A_1041 : vector<16xi32>
        %and3A_1043 = arith.constant 3 : i32
        %and3A_1044 = vector.broadcast %and3A_1043 : i32 to vector<16xi32>
        %and3A_1045 = arith.andi %and3A_1036, %and3A_1044 : vector<16xi32>
        %shift_left3A_1046 = arith.constant 5 : i32
        %shift_left3A_1047 = vector.broadcast %shift_left3A_1046 : i32 to vector<16xi32>
        %shift_left3A_1048 = arith.shli %and3A_1045, %shift_left3A_1047 : vector<16xi32>
        %add3A_1049 = arith.addi %shift_left3A_1048, %iota3A : vector<16xi32>
        %gather3A_1050 = arith.constant 0 : i32
        %gather3A_1051 = arith.constant 0 : i32
        %gather3A_1052 = tpu.memref_slice %arg4[%rem3A_52, %gather3A_1050, %gather3A_1051] : memref<2x32x128xf32, #tpu.memory_space<vmem>> -> memref<1x32x128xf32, #tpu.memory_space<vmem>>
        %gather3A_1053 = tpu.memref_squeeze %gather3A_1052 : memref<1x32x128xf32, #tpu.memory_space<vmem>> -> memref<32x128xf32, #tpu.memory_space<vmem>>
        %gather3A_1054 = tpu.vector_load_idx %gather3A_1053[%iota3A, %add3A_1038] : memref<32x128xf32, #tpu.memory_space<vmem>>[vector<16xi32>, vector<16xi32>], vector<16xf32>,
        %scatter3A_1055 = arith.constant 0 : i32
        %scatter3A_1056 = arith.constant 0 : i32
        %scatter3A_1057 = tpu.memref_slice %arg5[%rem3A_52, %scatter3A_1055, %scatter3A_1056] : memref<2x32x128xf32, #tpu.memory_space<vmem>> -> memref<1x32x128xf32, #tpu.memory_space<vmem>>
        %scatter3A_1058 = tpu.memref_squeeze %scatter3A_1057 : memref<1x32x128xf32, #tpu.memory_space<vmem>> -> memref<32x128xf32, #tpu.memory_space<vmem>>
        tpu.vector_store_idx %scatter3A_1058[%add3A_1042, %add3A_1049], %gather3A_1054 : memref<32x128xf32, #tpu.memory_space<vmem>>[vector<16xi32>, vector<16xi32>], vector<16xf32>,
        %gather3A_1059 = arith.constant 0 : i32
        %gather3A_1060 = arith.constant 0 : i32
        %gather3A_1061 = tpu.memref_slice %arg4[%rem3A_52, %gather3A_1059, %gather3A_1060] : memref<2x32x128xf32, #tpu.memory_space<vmem>> -> memref<1x32x128xf32, #tpu.memory_space<vmem>>
        %gather3A_1062 = tpu.memref_squeeze %gather3A_1061 : memref<1x32x128xf32, #tpu.memory_space<vmem>> -> memref<32x128xf32, #tpu.memory_space<vmem>>
        %gather3A_1063 = tpu.vector_load_idx %gather3A_1062[%add3A_11, %add3A_1038] : memref<32x128xf32, #tpu.memory_space<vmem>>[vector<16xi32>, vector<16xi32>], vector<16xf32>,
        %add3A_1064 = arith.constant 16 : i32
        %add3A_1065 = vector.broadcast %add3A_1064 : i32 to vector<16xi32>
        %add3A_1066 = arith.addi %add3A_1049, %add3A_1065 : vector<16xi32>
        %scatter3A_1067 = arith.constant 0 : i32
        %scatter3A_1068 = arith.constant 0 : i32
        %scatter3A_1069 = tpu.memref_slice %arg5[%rem3A_52, %scatter3A_1067, %scatter3A_1068] : memref<2x32x128xf32, #tpu.memory_space<vmem>> -> memref<1x32x128xf32, #tpu.memory_space<vmem>>
        %scatter3A_1070 = tpu.memref_squeeze %scatter3A_1069 : memref<1x32x128xf32, #tpu.memory_space<vmem>> -> memref<32x128xf32, #tpu.memory_space<vmem>>
        tpu.vector_store_idx %scatter3A_1070[%add3A_1042, %add3A_1066], %gather3A_1063 : memref<32x128xf32, #tpu.memory_space<vmem>>[vector<16xi32>, vector<16xi32>], vector<16xf32>,
        %add3A_1071 = arith.constant 8 : i32
        %add3A_1072 = vector.broadcast %add3A_1071 : i32 to vector<16xi32>
        %add3A_1073 = arith.addi %iota3A, %add3A_1072 : vector<16xi32>
        %and3A_1074 = arith.constant 15 : i32
        %and3A_1075 = vector.broadcast %and3A_1074 : i32 to vector<16xi32>
        %and3A_1076 = arith.andi %add3A_1073, %and3A_1075 : vector<16xi32>
        %add3A_1077 = vector.broadcast %mul3A_747 : i32 to vector<16xi32>
        %add3A_1078 = arith.addi %and3A_1076, %add3A_1077 : vector<16xi32>
        %shift_right_logical3A_1079 = arith.constant 2 : i32
        %shift_right_logical3A_1080 = vector.broadcast %shift_right_logical3A_1079 : i32 to vector<16xi32>
        %shift_right_logical3A_1081 = arith.shrui %and3A_1076, %shift_right_logical3A_1080 : vector<16xi32>
        %add3A_1082 = arith.addi %broadcast_in_dim3A_750, %shift_right_logical3A_1081 : vector<16xi32>
        %and3A_1083 = arith.constant 3 : i32
        %and3A_1084 = vector.broadcast %and3A_1083 : i32 to vector<16xi32>
        %and3A_1085 = arith.andi %and3A_1076, %and3A_1084 : vector<16xi32>
        %shift_left3A_1086 = arith.constant 5 : i32
        %shift_left3A_1087 = vector.broadcast %shift_left3A_1086 : i32 to vector<16xi32>
        %shift_left3A_1088 = arith.shli %and3A_1085, %shift_left3A_1087 : vector<16xi32>
        %add3A_1089 = arith.addi %shift_left3A_1088, %iota3A : vector<16xi32>
        %gather3A_1090 = arith.constant 0 : i32
        %gather3A_1091 = arith.constant 0 : i32
        %gather3A_1092 = tpu.memref_slice %arg4[%rem3A_52, %gather3A_1090, %gather3A_1091] : memref<2x32x128xf32, #tpu.memory_space<vmem>> -> memref<1x32x128xf32, #tpu.memory_space<vmem>>
        %gather3A_1093 = tpu.memref_squeeze %gather3A_1092 : memref<1x32x128xf32, #tpu.memory_space<vmem>> -> memref<32x128xf32, #tpu.memory_space<vmem>>
        %gather3A_1094 = tpu.vector_load_idx %gather3A_1093[%iota3A, %add3A_1078] : memref<32x128xf32, #tpu.memory_space<vmem>>[vector<16xi32>, vector<16xi32>], vector<16xf32>,
        %scatter3A_1095 = arith.constant 0 : i32
        %scatter3A_1096 = arith.constant 0 : i32
        %scatter3A_1097 = tpu.memref_slice %arg5[%rem3A_52, %scatter3A_1095, %scatter3A_1096] : memref<2x32x128xf32, #tpu.memory_space<vmem>> -> memref<1x32x128xf32, #tpu.memory_space<vmem>>
        %scatter3A_1098 = tpu.memref_squeeze %scatter3A_1097 : memref<1x32x128xf32, #tpu.memory_space<vmem>> -> memref<32x128xf32, #tpu.memory_space<vmem>>
        tpu.vector_store_idx %scatter3A_1098[%add3A_1082, %add3A_1089], %gather3A_1094 : memref<32x128xf32, #tpu.memory_space<vmem>>[vector<16xi32>, vector<16xi32>], vector<16xf32>,
        %gather3A_1099 = arith.constant 0 : i32
        %gather3A_1100 = arith.constant 0 : i32
        %gather3A_1101 = tpu.memref_slice %arg4[%rem3A_52, %gather3A_1099, %gather3A_1100] : memref<2x32x128xf32, #tpu.memory_space<vmem>> -> memref<1x32x128xf32, #tpu.memory_space<vmem>>
        %gather3A_1102 = tpu.memref_squeeze %gather3A_1101 : memref<1x32x128xf32, #tpu.memory_space<vmem>> -> memref<32x128xf32, #tpu.memory_space<vmem>>
        %gather3A_1103 = tpu.vector_load_idx %gather3A_1102[%add3A_11, %add3A_1078] : memref<32x128xf32, #tpu.memory_space<vmem>>[vector<16xi32>, vector<16xi32>], vector<16xf32>,
        %add3A_1104 = arith.constant 16 : i32
        %add3A_1105 = vector.broadcast %add3A_1104 : i32 to vector<16xi32>
        %add3A_1106 = arith.addi %add3A_1089, %add3A_1105 : vector<16xi32>
        %scatter3A_1107 = arith.constant 0 : i32
        %scatter3A_1108 = arith.constant 0 : i32
        %scatter3A_1109 = tpu.memref_slice %arg5[%rem3A_52, %scatter3A_1107, %scatter3A_1108] : memref<2x32x128xf32, #tpu.memory_space<vmem>> -> memref<1x32x128xf32, #tpu.memory_space<vmem>>
        %scatter3A_1110 = tpu.memref_squeeze %scatter3A_1109 : memref<1x32x128xf32, #tpu.memory_space<vmem>> -> memref<32x128xf32, #tpu.memory_space<vmem>>
        tpu.vector_store_idx %scatter3A_1110[%add3A_1082, %add3A_1106], %gather3A_1103 : memref<32x128xf32, #tpu.memory_space<vmem>>[vector<16xi32>, vector<16xi32>], vector<16xf32>,
        %add3A_1111 = arith.constant 9 : i32
        %add3A_1112 = vector.broadcast %add3A_1111 : i32 to vector<16xi32>
        %add3A_1113 = arith.addi %iota3A, %add3A_1112 : vector<16xi32>
        %and3A_1114 = arith.constant 15 : i32
        %and3A_1115 = vector.broadcast %and3A_1114 : i32 to vector<16xi32>
        %and3A_1116 = arith.andi %add3A_1113, %and3A_1115 : vector<16xi32>
        %add3A_1117 = vector.broadcast %mul3A_747 : i32 to vector<16xi32>
        %add3A_1118 = arith.addi %and3A_1116, %add3A_1117 : vector<16xi32>
        %shift_right_logical3A_1119 = arith.constant 2 : i32
        %shift_right_logical3A_1120 = vector.broadcast %shift_right_logical3A_1119 : i32 to vector<16xi32>
        %shift_right_logical3A_1121 = arith.shrui %and3A_1116, %shift_right_logical3A_1120 : vector<16xi32>
        %add3A_1122 = arith.addi %broadcast_in_dim3A_750, %shift_right_logical3A_1121 : vector<16xi32>
        %and3A_1123 = arith.constant 3 : i32
        %and3A_1124 = vector.broadcast %and3A_1123 : i32 to vector<16xi32>
        %and3A_1125 = arith.andi %and3A_1116, %and3A_1124 : vector<16xi32>
        %shift_left3A_1126 = arith.constant 5 : i32
        %shift_left3A_1127 = vector.broadcast %shift_left3A_1126 : i32 to vector<16xi32>
        %shift_left3A_1128 = arith.shli %and3A_1125, %shift_left3A_1127 : vector<16xi32>
        %add3A_1129 = arith.addi %shift_left3A_1128, %iota3A : vector<16xi32>
        %gather3A_1130 = arith.constant 0 : i32
        %gather3A_1131 = arith.constant 0 : i32
        %gather3A_1132 = tpu.memref_slice %arg4[%rem3A_52, %gather3A_1130, %gather3A_1131] : memref<2x32x128xf32, #tpu.memory_space<vmem>> -> memref<1x32x128xf32, #tpu.memory_space<vmem>>
        %gather3A_1133 = tpu.memref_squeeze %gather3A_1132 : memref<1x32x128xf32, #tpu.memory_space<vmem>> -> memref<32x128xf32, #tpu.memory_space<vmem>>
        %gather3A_1134 = tpu.vector_load_idx %gather3A_1133[%iota3A, %add3A_1118] : memref<32x128xf32, #tpu.memory_space<vmem>>[vector<16xi32>, vector<16xi32>], vector<16xf32>,
        %scatter3A_1135 = arith.constant 0 : i32
        %scatter3A_1136 = arith.constant 0 : i32
        %scatter3A_1137 = tpu.memref_slice %arg5[%rem3A_52, %scatter3A_1135, %scatter3A_1136] : memref<2x32x128xf32, #tpu.memory_space<vmem>> -> memref<1x32x128xf32, #tpu.memory_space<vmem>>
        %scatter3A_1138 = tpu.memref_squeeze %scatter3A_1137 : memref<1x32x128xf32, #tpu.memory_space<vmem>> -> memref<32x128xf32, #tpu.memory_space<vmem>>
        tpu.vector_store_idx %scatter3A_1138[%add3A_1122, %add3A_1129], %gather3A_1134 : memref<32x128xf32, #tpu.memory_space<vmem>>[vector<16xi32>, vector<16xi32>], vector<16xf32>,
        %gather3A_1139 = arith.constant 0 : i32
        %gather3A_1140 = arith.constant 0 : i32
        %gather3A_1141 = tpu.memref_slice %arg4[%rem3A_52, %gather3A_1139, %gather3A_1140] : memref<2x32x128xf32, #tpu.memory_space<vmem>> -> memref<1x32x128xf32, #tpu.memory_space<vmem>>
        %gather3A_1142 = tpu.memref_squeeze %gather3A_1141 : memref<1x32x128xf32, #tpu.memory_space<vmem>> -> memref<32x128xf32, #tpu.memory_space<vmem>>
        %gather3A_1143 = tpu.vector_load_idx %gather3A_1142[%add3A_11, %add3A_1118] : memref<32x128xf32, #tpu.memory_space<vmem>>[vector<16xi32>, vector<16xi32>], vector<16xf32>,
        %add3A_1144 = arith.constant 16 : i32
        %add3A_1145 = vector.broadcast %add3A_1144 : i32 to vector<16xi32>
        %add3A_1146 = arith.addi %add3A_1129, %add3A_1145 : vector<16xi32>
        %scatter3A_1147 = arith.constant 0 : i32
        %scatter3A_1148 = arith.constant 0 : i32
        %scatter3A_1149 = tpu.memref_slice %arg5[%rem3A_52, %scatter3A_1147, %scatter3A_1148] : memref<2x32x128xf32, #tpu.memory_space<vmem>> -> memref<1x32x128xf32, #tpu.memory_space<vmem>>
        %scatter3A_1150 = tpu.memref_squeeze %scatter3A_1149 : memref<1x32x128xf32, #tpu.memory_space<vmem>> -> memref<32x128xf32, #tpu.memory_space<vmem>>
        tpu.vector_store_idx %scatter3A_1150[%add3A_1122, %add3A_1146], %gather3A_1143 : memref<32x128xf32, #tpu.memory_space<vmem>>[vector<16xi32>, vector<16xi32>], vector<16xf32>,
        %add3A_1151 = arith.constant 10 : i32
        %add3A_1152 = vector.broadcast %add3A_1151 : i32 to vector<16xi32>
        %add3A_1153 = arith.addi %iota3A, %add3A_1152 : vector<16xi32>
        %and3A_1154 = arith.constant 15 : i32
        %and3A_1155 = vector.broadcast %and3A_1154 : i32 to vector<16xi32>
        %and3A_1156 = arith.andi %add3A_1153, %and3A_1155 : vector<16xi32>
        %add3A_1157 = vector.broadcast %mul3A_747 : i32 to vector<16xi32>
        %add3A_1158 = arith.addi %and3A_1156, %add3A_1157 : vector<16xi32>
        %shift_right_logical3A_1159 = arith.constant 2 : i32
        %shift_right_logical3A_1160 = vector.broadcast %shift_right_logical3A_1159 : i32 to vector<16xi32>
        %shift_right_logical3A_1161 = arith.shrui %and3A_1156, %shift_right_logical3A_1160 : vector<16xi32>
        %add3A_1162 = arith.addi %broadcast_in_dim3A_750, %shift_right_logical3A_1161 : vector<16xi32>
        %and3A_1163 = arith.constant 3 : i32
        %and3A_1164 = vector.broadcast %and3A_1163 : i32 to vector<16xi32>
        %and3A_1165 = arith.andi %and3A_1156, %and3A_1164 : vector<16xi32>
        %shift_left3A_1166 = arith.constant 5 : i32
        %shift_left3A_1167 = vector.broadcast %shift_left3A_1166 : i32 to vector<16xi32>
        %shift_left3A_1168 = arith.shli %and3A_1165, %shift_left3A_1167 : vector<16xi32>
        %add3A_1169 = arith.addi %shift_left3A_1168, %iota3A : vector<16xi32>
        %gather3A_1170 = arith.constant 0 : i32
        %gather3A_1171 = arith.constant 0 : i32
        %gather3A_1172 = tpu.memref_slice %arg4[%rem3A_52, %gather3A_1170, %gather3A_1171] : memref<2x32x128xf32, #tpu.memory_space<vmem>> -> memref<1x32x128xf32, #tpu.memory_space<vmem>>
        %gather3A_1173 = tpu.memref_squeeze %gather3A_1172 : memref<1x32x128xf32, #tpu.memory_space<vmem>> -> memref<32x128xf32, #tpu.memory_space<vmem>>
        %gather3A_1174 = tpu.vector_load_idx %gather3A_1173[%iota3A, %add3A_1158] : memref<32x128xf32, #tpu.memory_space<vmem>>[vector<16xi32>, vector<16xi32>], vector<16xf32>,
        %scatter3A_1175 = arith.constant 0 : i32
        %scatter3A_1176 = arith.constant 0 : i32
        %scatter3A_1177 = tpu.memref_slice %arg5[%rem3A_52, %scatter3A_1175, %scatter3A_1176] : memref<2x32x128xf32, #tpu.memory_space<vmem>> -> memref<1x32x128xf32, #tpu.memory_space<vmem>>
        %scatter3A_1178 = tpu.memref_squeeze %scatter3A_1177 : memref<1x32x128xf32, #tpu.memory_space<vmem>> -> memref<32x128xf32, #tpu.memory_space<vmem>>
        tpu.vector_store_idx %scatter3A_1178[%add3A_1162, %add3A_1169], %gather3A_1174 : memref<32x128xf32, #tpu.memory_space<vmem>>[vector<16xi32>, vector<16xi32>], vector<16xf32>,
        %gather3A_1179 = arith.constant 0 : i32
        %gather3A_1180 = arith.constant 0 : i32
        %gather3A_1181 = tpu.memref_slice %arg4[%rem3A_52, %gather3A_1179, %gather3A_1180] : memref<2x32x128xf32, #tpu.memory_space<vmem>> -> memref<1x32x128xf32, #tpu.memory_space<vmem>>
        %gather3A_1182 = tpu.memref_squeeze %gather3A_1181 : memref<1x32x128xf32, #tpu.memory_space<vmem>> -> memref<32x128xf32, #tpu.memory_space<vmem>>
        %gather3A_1183 = tpu.vector_load_idx %gather3A_1182[%add3A_11, %add3A_1158] : memref<32x128xf32, #tpu.memory_space<vmem>>[vector<16xi32>, vector<16xi32>], vector<16xf32>,
        %add3A_1184 = arith.constant 16 : i32
        %add3A_1185 = vector.broadcast %add3A_1184 : i32 to vector<16xi32>
        %add3A_1186 = arith.addi %add3A_1169, %add3A_1185 : vector<16xi32>
        %scatter3A_1187 = arith.constant 0 : i32
        %scatter3A_1188 = arith.constant 0 : i32
        %scatter3A_1189 = tpu.memref_slice %arg5[%rem3A_52, %scatter3A_1187, %scatter3A_1188] : memref<2x32x128xf32, #tpu.memory_space<vmem>> -> memref<1x32x128xf32, #tpu.memory_space<vmem>>
        %scatter3A_1190 = tpu.memref_squeeze %scatter3A_1189 : memref<1x32x128xf32, #tpu.memory_space<vmem>> -> memref<32x128xf32, #tpu.memory_space<vmem>>
        tpu.vector_store_idx %scatter3A_1190[%add3A_1162, %add3A_1186], %gather3A_1183 : memref<32x128xf32, #tpu.memory_space<vmem>>[vector<16xi32>, vector<16xi32>], vector<16xf32>,
        %add3A_1191 = arith.constant 11 : i32
        %add3A_1192 = vector.broadcast %add3A_1191 : i32 to vector<16xi32>
        %add3A_1193 = arith.addi %iota3A, %add3A_1192 : vector<16xi32>
        %and3A_1194 = arith.constant 15 : i32
        %and3A_1195 = vector.broadcast %and3A_1194 : i32 to vector<16xi32>
        %and3A_1196 = arith.andi %add3A_1193, %and3A_1195 : vector<16xi32>
        %add3A_1197 = vector.broadcast %mul3A_747 : i32 to vector<16xi32>
        %add3A_1198 = arith.addi %and3A_1196, %add3A_1197 : vector<16xi32>
        %shift_right_logical3A_1199 = arith.constant 2 : i32
        %shift_right_logical3A_1200 = vector.broadcast %shift_right_logical3A_1199 : i32 to vector<16xi32>
        %shift_right_logical3A_1201 = arith.shrui %and3A_1196, %shift_right_logical3A_1200 : vector<16xi32>
        %add3A_1202 = arith.addi %broadcast_in_dim3A_750, %shift_right_logical3A_1201 : vector<16xi32>
        %and3A_1203 = arith.constant 3 : i32
        %and3A_1204 = vector.broadcast %and3A_1203 : i32 to vector<16xi32>
        %and3A_1205 = arith.andi %and3A_1196, %and3A_1204 : vector<16xi32>
        %shift_left3A_1206 = arith.constant 5 : i32
        %shift_left3A_1207 = vector.broadcast %shift_left3A_1206 : i32 to vector<16xi32>
        %shift_left3A_1208 = arith.shli %and3A_1205, %shift_left3A_1207 : vector<16xi32>
        %add3A_1209 = arith.addi %shift_left3A_1208, %iota3A : vector<16xi32>
        %gather3A_1210 = arith.constant 0 : i32
        %gather3A_1211 = arith.constant 0 : i32
        %gather3A_1212 = tpu.memref_slice %arg4[%rem3A_52, %gather3A_1210, %gather3A_1211] : memref<2x32x128xf32, #tpu.memory_space<vmem>> -> memref<1x32x128xf32, #tpu.memory_space<vmem>>
        %gather3A_1213 = tpu.memref_squeeze %gather3A_1212 : memref<1x32x128xf32, #tpu.memory_space<vmem>> -> memref<32x128xf32, #tpu.memory_space<vmem>>
        %gather3A_1214 = tpu.vector_load_idx %gather3A_1213[%iota3A, %add3A_1198] : memref<32x128xf32, #tpu.memory_space<vmem>>[vector<16xi32>, vector<16xi32>], vector<16xf32>,
        %scatter3A_1215 = arith.constant 0 : i32
        %scatter3A_1216 = arith.constant 0 : i32
        %scatter3A_1217 = tpu.memref_slice %arg5[%rem3A_52, %scatter3A_1215, %scatter3A_1216] : memref<2x32x128xf32, #tpu.memory_space<vmem>> -> memref<1x32x128xf32, #tpu.memory_space<vmem>>
        %scatter3A_1218 = tpu.memref_squeeze %scatter3A_1217 : memref<1x32x128xf32, #tpu.memory_space<vmem>> -> memref<32x128xf32, #tpu.memory_space<vmem>>
        tpu.vector_store_idx %scatter3A_1218[%add3A_1202, %add3A_1209], %gather3A_1214 : memref<32x128xf32, #tpu.memory_space<vmem>>[vector<16xi32>, vector<16xi32>], vector<16xf32>,
        %gather3A_1219 = arith.constant 0 : i32
        %gather3A_1220 = arith.constant 0 : i32
        %gather3A_1221 = tpu.memref_slice %arg4[%rem3A_52, %gather3A_1219, %gather3A_1220] : memref<2x32x128xf32, #tpu.memory_space<vmem>> -> memref<1x32x128xf32, #tpu.memory_space<vmem>>
        %gather3A_1222 = tpu.memref_squeeze %gather3A_1221 : memref<1x32x128xf32, #tpu.memory_space<vmem>> -> memref<32x128xf32, #tpu.memory_space<vmem>>
        %gather3A_1223 = tpu.vector_load_idx %gather3A_1222[%add3A_11, %add3A_1198] : memref<32x128xf32, #tpu.memory_space<vmem>>[vector<16xi32>, vector<16xi32>], vector<16xf32>,
        %add3A_1224 = arith.constant 16 : i32
        %add3A_1225 = vector.broadcast %add3A_1224 : i32 to vector<16xi32>
        %add3A_1226 = arith.addi %add3A_1209, %add3A_1225 : vector<16xi32>
        %scatter3A_1227 = arith.constant 0 : i32
        %scatter3A_1228 = arith.constant 0 : i32
        %scatter3A_1229 = tpu.memref_slice %arg5[%rem3A_52, %scatter3A_1227, %scatter3A_1228] : memref<2x32x128xf32, #tpu.memory_space<vmem>> -> memref<1x32x128xf32, #tpu.memory_space<vmem>>
        %scatter3A_1230 = tpu.memref_squeeze %scatter3A_1229 : memref<1x32x128xf32, #tpu.memory_space<vmem>> -> memref<32x128xf32, #tpu.memory_space<vmem>>
        tpu.vector_store_idx %scatter3A_1230[%add3A_1202, %add3A_1226], %gather3A_1223 : memref<32x128xf32, #tpu.memory_space<vmem>>[vector<16xi32>, vector<16xi32>], vector<16xf32>,
        %add3A_1231 = arith.constant 12 : i32
        %add3A_1232 = vector.broadcast %add3A_1231 : i32 to vector<16xi32>
        %add3A_1233 = arith.addi %iota3A, %add3A_1232 : vector<16xi32>
        %and3A_1234 = arith.constant 15 : i32
        %and3A_1235 = vector.broadcast %and3A_1234 : i32 to vector<16xi32>
        %and3A_1236 = arith.andi %add3A_1233, %and3A_1235 : vector<16xi32>
        %add3A_1237 = vector.broadcast %mul3A_747 : i32 to vector<16xi32>
        %add3A_1238 = arith.addi %and3A_1236, %add3A_1237 : vector<16xi32>
        %shift_right_logical3A_1239 = arith.constant 2 : i32
        %shift_right_logical3A_1240 = vector.broadcast %shift_right_logical3A_1239 : i32 to vector<16xi32>
        %shift_right_logical3A_1241 = arith.shrui %and3A_1236, %shift_right_logical3A_1240 : vector<16xi32>
        %add3A_1242 = arith.addi %broadcast_in_dim3A_750, %shift_right_logical3A_1241 : vector<16xi32>
        %and3A_1243 = arith.constant 3 : i32
        %and3A_1244 = vector.broadcast %and3A_1243 : i32 to vector<16xi32>
        %and3A_1245 = arith.andi %and3A_1236, %and3A_1244 : vector<16xi32>
        %shift_left3A_1246 = arith.constant 5 : i32
        %shift_left3A_1247 = vector.broadcast %shift_left3A_1246 : i32 to vector<16xi32>
        %shift_left3A_1248 = arith.shli %and3A_1245, %shift_left3A_1247 : vector<16xi32>
        %add3A_1249 = arith.addi %shift_left3A_1248, %iota3A : vector<16xi32>
        %gather3A_1250 = arith.constant 0 : i32
        %gather3A_1251 = arith.constant 0 : i32
        %gather3A_1252 = tpu.memref_slice %arg4[%rem3A_52, %gather3A_1250, %gather3A_1251] : memref<2x32x128xf32, #tpu.memory_space<vmem>> -> memref<1x32x128xf32, #tpu.memory_space<vmem>>
        %gather3A_1253 = tpu.memref_squeeze %gather3A_1252 : memref<1x32x128xf32, #tpu.memory_space<vmem>> -> memref<32x128xf32, #tpu.memory_space<vmem>>
        %gather3A_1254 = tpu.vector_load_idx %gather3A_1253[%iota3A, %add3A_1238] : memref<32x128xf32, #tpu.memory_space<vmem>>[vector<16xi32>, vector<16xi32>], vector<16xf32>,
        %scatter3A_1255 = arith.constant 0 : i32
        %scatter3A_1256 = arith.constant 0 : i32
        %scatter3A_1257 = tpu.memref_slice %arg5[%rem3A_52, %scatter3A_1255, %scatter3A_1256] : memref<2x32x128xf32, #tpu.memory_space<vmem>> -> memref<1x32x128xf32, #tpu.memory_space<vmem>>
        %scatter3A_1258 = tpu.memref_squeeze %scatter3A_1257 : memref<1x32x128xf32, #tpu.memory_space<vmem>> -> memref<32x128xf32, #tpu.memory_space<vmem>>
        tpu.vector_store_idx %scatter3A_1258[%add3A_1242, %add3A_1249], %gather3A_1254 : memref<32x128xf32, #tpu.memory_space<vmem>>[vector<16xi32>, vector<16xi32>], vector<16xf32>,
        %gather3A_1259 = arith.constant 0 : i32
        %gather3A_1260 = arith.constant 0 : i32
        %gather3A_1261 = tpu.memref_slice %arg4[%rem3A_52, %gather3A_1259, %gather3A_1260] : memref<2x32x128xf32, #tpu.memory_space<vmem>> -> memref<1x32x128xf32, #tpu.memory_space<vmem>>
        %gather3A_1262 = tpu.memref_squeeze %gather3A_1261 : memref<1x32x128xf32, #tpu.memory_space<vmem>> -> memref<32x128xf32, #tpu.memory_space<vmem>>
        %gather3A_1263 = tpu.vector_load_idx %gather3A_1262[%add3A_11, %add3A_1238] : memref<32x128xf32, #tpu.memory_space<vmem>>[vector<16xi32>, vector<16xi32>], vector<16xf32>,
        %add3A_1264 = arith.constant 16 : i32
        %add3A_1265 = vector.broadcast %add3A_1264 : i32 to vector<16xi32>
        %add3A_1266 = arith.addi %add3A_1249, %add3A_1265 : vector<16xi32>
        %scatter3A_1267 = arith.constant 0 : i32
        %scatter3A_1268 = arith.constant 0 : i32
        %scatter3A_1269 = tpu.memref_slice %arg5[%rem3A_52, %scatter3A_1267, %scatter3A_1268] : memref<2x32x128xf32, #tpu.memory_space<vmem>> -> memref<1x32x128xf32, #tpu.memory_space<vmem>>
        %scatter3A_1270 = tpu.memref_squeeze %scatter3A_1269 : memref<1x32x128xf32, #tpu.memory_space<vmem>> -> memref<32x128xf32, #tpu.memory_space<vmem>>
        tpu.vector_store_idx %scatter3A_1270[%add3A_1242, %add3A_1266], %gather3A_1263 : memref<32x128xf32, #tpu.memory_space<vmem>>[vector<16xi32>, vector<16xi32>], vector<16xf32>,
        %add3A_1271 = arith.constant 13 : i32
        %add3A_1272 = vector.broadcast %add3A_1271 : i32 to vector<16xi32>
        %add3A_1273 = arith.addi %iota3A, %add3A_1272 : vector<16xi32>
        %and3A_1274 = arith.constant 15 : i32
        %and3A_1275 = vector.broadcast %and3A_1274 : i32 to vector<16xi32>
        %and3A_1276 = arith.andi %add3A_1273, %and3A_1275 : vector<16xi32>
        %add3A_1277 = vector.broadcast %mul3A_747 : i32 to vector<16xi32>
        %add3A_1278 = arith.addi %and3A_1276, %add3A_1277 : vector<16xi32>
        %shift_right_logical3A_1279 = arith.constant 2 : i32
        %shift_right_logical3A_1280 = vector.broadcast %shift_right_logical3A_1279 : i32 to vector<16xi32>
        %shift_right_logical3A_1281 = arith.shrui %and3A_1276, %shift_right_logical3A_1280 : vector<16xi32>
        %add3A_1282 = arith.addi %broadcast_in_dim3A_750, %shift_right_logical3A_1281 : vector<16xi32>
        %and3A_1283 = arith.constant 3 : i32
        %and3A_1284 = vector.broadcast %and3A_1283 : i32 to vector<16xi32>
        %and3A_1285 = arith.andi %and3A_1276, %and3A_1284 : vector<16xi32>
        %shift_left3A_1286 = arith.constant 5 : i32
        %shift_left3A_1287 = vector.broadcast %shift_left3A_1286 : i32 to vector<16xi32>
        %shift_left3A_1288 = arith.shli %and3A_1285, %shift_left3A_1287 : vector<16xi32>
        %add3A_1289 = arith.addi %shift_left3A_1288, %iota3A : vector<16xi32>
        %gather3A_1290 = arith.constant 0 : i32
        %gather3A_1291 = arith.constant 0 : i32
        %gather3A_1292 = tpu.memref_slice %arg4[%rem3A_52, %gather3A_1290, %gather3A_1291] : memref<2x32x128xf32, #tpu.memory_space<vmem>> -> memref<1x32x128xf32, #tpu.memory_space<vmem>>
        %gather3A_1293 = tpu.memref_squeeze %gather3A_1292 : memref<1x32x128xf32, #tpu.memory_space<vmem>> -> memref<32x128xf32, #tpu.memory_space<vmem>>
        %gather3A_1294 = tpu.vector_load_idx %gather3A_1293[%iota3A, %add3A_1278] : memref<32x128xf32, #tpu.memory_space<vmem>>[vector<16xi32>, vector<16xi32>], vector<16xf32>,
        %scatter3A_1295 = arith.constant 0 : i32
        %scatter3A_1296 = arith.constant 0 : i32
        %scatter3A_1297 = tpu.memref_slice %arg5[%rem3A_52, %scatter3A_1295, %scatter3A_1296] : memref<2x32x128xf32, #tpu.memory_space<vmem>> -> memref<1x32x128xf32, #tpu.memory_space<vmem>>
        %scatter3A_1298 = tpu.memref_squeeze %scatter3A_1297 : memref<1x32x128xf32, #tpu.memory_space<vmem>> -> memref<32x128xf32, #tpu.memory_space<vmem>>
        tpu.vector_store_idx %scatter3A_1298[%add3A_1282, %add3A_1289], %gather3A_1294 : memref<32x128xf32, #tpu.memory_space<vmem>>[vector<16xi32>, vector<16xi32>], vector<16xf32>,
        %gather3A_1299 = arith.constant 0 : i32
        %gather3A_1300 = arith.constant 0 : i32
        %gather3A_1301 = tpu.memref_slice %arg4[%rem3A_52, %gather3A_1299, %gather3A_1300] : memref<2x32x128xf32, #tpu.memory_space<vmem>> -> memref<1x32x128xf32, #tpu.memory_space<vmem>>
        %gather3A_1302 = tpu.memref_squeeze %gather3A_1301 : memref<1x32x128xf32, #tpu.memory_space<vmem>> -> memref<32x128xf32, #tpu.memory_space<vmem>>
        %gather3A_1303 = tpu.vector_load_idx %gather3A_1302[%add3A_11, %add3A_1278] : memref<32x128xf32, #tpu.memory_space<vmem>>[vector<16xi32>, vector<16xi32>], vector<16xf32>,
        %add3A_1304 = arith.constant 16 : i32
        %add3A_1305 = vector.broadcast %add3A_1304 : i32 to vector<16xi32>
        %add3A_1306 = arith.addi %add3A_1289, %add3A_1305 : vector<16xi32>
        %scatter3A_1307 = arith.constant 0 : i32
        %scatter3A_1308 = arith.constant 0 : i32
        %scatter3A_1309 = tpu.memref_slice %arg5[%rem3A_52, %scatter3A_1307, %scatter3A_1308] : memref<2x32x128xf32, #tpu.memory_space<vmem>> -> memref<1x32x128xf32, #tpu.memory_space<vmem>>
        %scatter3A_1310 = tpu.memref_squeeze %scatter3A_1309 : memref<1x32x128xf32, #tpu.memory_space<vmem>> -> memref<32x128xf32, #tpu.memory_space<vmem>>
        tpu.vector_store_idx %scatter3A_1310[%add3A_1282, %add3A_1306], %gather3A_1303 : memref<32x128xf32, #tpu.memory_space<vmem>>[vector<16xi32>, vector<16xi32>], vector<16xf32>,
        %add3A_1311 = arith.constant 14 : i32
        %add3A_1312 = vector.broadcast %add3A_1311 : i32 to vector<16xi32>
        %add3A_1313 = arith.addi %iota3A, %add3A_1312 : vector<16xi32>
        %and3A_1314 = arith.constant 15 : i32
        %and3A_1315 = vector.broadcast %and3A_1314 : i32 to vector<16xi32>
        %and3A_1316 = arith.andi %add3A_1313, %and3A_1315 : vector<16xi32>
        %add3A_1317 = vector.broadcast %mul3A_747 : i32 to vector<16xi32>
        %add3A_1318 = arith.addi %and3A_1316, %add3A_1317 : vector<16xi32>
        %shift_right_logical3A_1319 = arith.constant 2 : i32
        %shift_right_logical3A_1320 = vector.broadcast %shift_right_logical3A_1319 : i32 to vector<16xi32>
        %shift_right_logical3A_1321 = arith.shrui %and3A_1316, %shift_right_logical3A_1320 : vector<16xi32>
        %add3A_1322 = arith.addi %broadcast_in_dim3A_750, %shift_right_logical3A_1321 : vector<16xi32>
        %and3A_1323 = arith.constant 3 : i32
        %and3A_1324 = vector.broadcast %and3A_1323 : i32 to vector<16xi32>
        %and3A_1325 = arith.andi %and3A_1316, %and3A_1324 : vector<16xi32>
        %shift_left3A_1326 = arith.constant 5 : i32
        %shift_left3A_1327 = vector.broadcast %shift_left3A_1326 : i32 to vector<16xi32>
        %shift_left3A_1328 = arith.shli %and3A_1325, %shift_left3A_1327 : vector<16xi32>
        %add3A_1329 = arith.addi %shift_left3A_1328, %iota3A : vector<16xi32>
        %gather3A_1330 = arith.constant 0 : i32
        %gather3A_1331 = arith.constant 0 : i32
        %gather3A_1332 = tpu.memref_slice %arg4[%rem3A_52, %gather3A_1330, %gather3A_1331] : memref<2x32x128xf32, #tpu.memory_space<vmem>> -> memref<1x32x128xf32, #tpu.memory_space<vmem>>
        %gather3A_1333 = tpu.memref_squeeze %gather3A_1332 : memref<1x32x128xf32, #tpu.memory_space<vmem>> -> memref<32x128xf32, #tpu.memory_space<vmem>>
        %gather3A_1334 = tpu.vector_load_idx %gather3A_1333[%iota3A, %add3A_1318] : memref<32x128xf32, #tpu.memory_space<vmem>>[vector<16xi32>, vector<16xi32>], vector<16xf32>,
        %scatter3A_1335 = arith.constant 0 : i32
        %scatter3A_1336 = arith.constant 0 : i32
        %scatter3A_1337 = tpu.memref_slice %arg5[%rem3A_52, %scatter3A_1335, %scatter3A_1336] : memref<2x32x128xf32, #tpu.memory_space<vmem>> -> memref<1x32x128xf32, #tpu.memory_space<vmem>>
        %scatter3A_1338 = tpu.memref_squeeze %scatter3A_1337 : memref<1x32x128xf32, #tpu.memory_space<vmem>> -> memref<32x128xf32, #tpu.memory_space<vmem>>
        tpu.vector_store_idx %scatter3A_1338[%add3A_1322, %add3A_1329], %gather3A_1334 : memref<32x128xf32, #tpu.memory_space<vmem>>[vector<16xi32>, vector<16xi32>], vector<16xf32>,
        %gather3A_1339 = arith.constant 0 : i32
        %gather3A_1340 = arith.constant 0 : i32
        %gather3A_1341 = tpu.memref_slice %arg4[%rem3A_52, %gather3A_1339, %gather3A_1340] : memref<2x32x128xf32, #tpu.memory_space<vmem>> -> memref<1x32x128xf32, #tpu.memory_space<vmem>>
        %gather3A_1342 = tpu.memref_squeeze %gather3A_1341 : memref<1x32x128xf32, #tpu.memory_space<vmem>> -> memref<32x128xf32, #tpu.memory_space<vmem>>
        %gather3A_1343 = tpu.vector_load_idx %gather3A_1342[%add3A_11, %add3A_1318] : memref<32x128xf32, #tpu.memory_space<vmem>>[vector<16xi32>, vector<16xi32>], vector<16xf32>,
        %add3A_1344 = arith.constant 16 : i32
        %add3A_1345 = vector.broadcast %add3A_1344 : i32 to vector<16xi32>
        %add3A_1346 = arith.addi %add3A_1329, %add3A_1345 : vector<16xi32>
        %scatter3A_1347 = arith.constant 0 : i32
        %scatter3A_1348 = arith.constant 0 : i32
        %scatter3A_1349 = tpu.memref_slice %arg5[%rem3A_52, %scatter3A_1347, %scatter3A_1348] : memref<2x32x128xf32, #tpu.memory_space<vmem>> -> memref<1x32x128xf32, #tpu.memory_space<vmem>>
        %scatter3A_1350 = tpu.memref_squeeze %scatter3A_1349 : memref<1x32x128xf32, #tpu.memory_space<vmem>> -> memref<32x128xf32, #tpu.memory_space<vmem>>
        tpu.vector_store_idx %scatter3A_1350[%add3A_1322, %add3A_1346], %gather3A_1343 : memref<32x128xf32, #tpu.memory_space<vmem>>[vector<16xi32>, vector<16xi32>], vector<16xf32>,
        %add3A_1351 = arith.constant 15 : i32
        %add3A_1352 = vector.broadcast %add3A_1351 : i32 to vector<16xi32>
        %add3A_1353 = arith.addi %iota3A, %add3A_1352 : vector<16xi32>
        %and3A_1354 = arith.constant 15 : i32
        %and3A_1355 = vector.broadcast %and3A_1354 : i32 to vector<16xi32>
        %and3A_1356 = arith.andi %add3A_1353, %and3A_1355 : vector<16xi32>
        %add3A_1357 = vector.broadcast %mul3A_747 : i32 to vector<16xi32>
        %add3A_1358 = arith.addi %and3A_1356, %add3A_1357 : vector<16xi32>
        %shift_right_logical3A_1359 = arith.constant 2 : i32
        %shift_right_logical3A_1360 = vector.broadcast %shift_right_logical3A_1359 : i32 to vector<16xi32>
        %shift_right_logical3A_1361 = arith.shrui %and3A_1356, %shift_right_logical3A_1360 : vector<16xi32>
        %add3A_1362 = arith.addi %broadcast_in_dim3A_750, %shift_right_logical3A_1361 : vector<16xi32>
        %and3A_1363 = arith.constant 3 : i32
        %and3A_1364 = vector.broadcast %and3A_1363 : i32 to vector<16xi32>
        %and3A_1365 = arith.andi %and3A_1356, %and3A_1364 : vector<16xi32>
        %shift_left3A_1366 = arith.constant 5 : i32
        %shift_left3A_1367 = vector.broadcast %shift_left3A_1366 : i32 to vector<16xi32>
        %shift_left3A_1368 = arith.shli %and3A_1365, %shift_left3A_1367 : vector<16xi32>
        %add3A_1369 = arith.addi %shift_left3A_1368, %iota3A : vector<16xi32>
        %gather3A_1370 = arith.constant 0 : i32
        %gather3A_1371 = arith.constant 0 : i32
        %gather3A_1372 = tpu.memref_slice %arg4[%rem3A_52, %gather3A_1370, %gather3A_1371] : memref<2x32x128xf32, #tpu.memory_space<vmem>> -> memref<1x32x128xf32, #tpu.memory_space<vmem>>
        %gather3A_1373 = tpu.memref_squeeze %gather3A_1372 : memref<1x32x128xf32, #tpu.memory_space<vmem>> -> memref<32x128xf32, #tpu.memory_space<vmem>>
        %gather3A_1374 = tpu.vector_load_idx %gather3A_1373[%iota3A, %add3A_1358] : memref<32x128xf32, #tpu.memory_space<vmem>>[vector<16xi32>, vector<16xi32>], vector<16xf32>,
        %scatter3A_1375 = arith.constant 0 : i32
        %scatter3A_1376 = arith.constant 0 : i32
        %scatter3A_1377 = tpu.memref_slice %arg5[%rem3A_52, %scatter3A_1375, %scatter3A_1376] : memref<2x32x128xf32, #tpu.memory_space<vmem>> -> memref<1x32x128xf32, #tpu.memory_space<vmem>>
        %scatter3A_1378 = tpu.memref_squeeze %scatter3A_1377 : memref<1x32x128xf32, #tpu.memory_space<vmem>> -> memref<32x128xf32, #tpu.memory_space<vmem>>
        tpu.vector_store_idx %scatter3A_1378[%add3A_1362, %add3A_1369], %gather3A_1374 : memref<32x128xf32, #tpu.memory_space<vmem>>[vector<16xi32>, vector<16xi32>], vector<16xf32>,
        %gather3A_1379 = arith.constant 0 : i32
        %gather3A_1380 = arith.constant 0 : i32
        %gather3A_1381 = tpu.memref_slice %arg4[%rem3A_52, %gather3A_1379, %gather3A_1380] : memref<2x32x128xf32, #tpu.memory_space<vmem>> -> memref<1x32x128xf32, #tpu.memory_space<vmem>>
        %gather3A_1382 = tpu.memref_squeeze %gather3A_1381 : memref<1x32x128xf32, #tpu.memory_space<vmem>> -> memref<32x128xf32, #tpu.memory_space<vmem>>
        %gather3A_1383 = tpu.vector_load_idx %gather3A_1382[%add3A_11, %add3A_1358] : memref<32x128xf32, #tpu.memory_space<vmem>>[vector<16xi32>, vector<16xi32>], vector<16xf32>,
        %add3A_1384 = arith.constant 16 : i32
        %add3A_1385 = vector.broadcast %add3A_1384 : i32 to vector<16xi32>
        %add3A_1386 = arith.addi %add3A_1369, %add3A_1385 : vector<16xi32>
        %scatter3A_1387 = arith.constant 0 : i32
        %scatter3A_1388 = arith.constant 0 : i32
        %scatter3A_1389 = tpu.memref_slice %arg5[%rem3A_52, %scatter3A_1387, %scatter3A_1388] : memref<2x32x128xf32, #tpu.memory_space<vmem>> -> memref<1x32x128xf32, #tpu.memory_space<vmem>>
        %scatter3A_1390 = tpu.memref_squeeze %scatter3A_1389 : memref<1x32x128xf32, #tpu.memory_space<vmem>> -> memref<32x128xf32, #tpu.memory_space<vmem>>
        tpu.vector_store_idx %scatter3A_1390[%add3A_1362, %add3A_1386], %gather3A_1383 : memref<32x128xf32, #tpu.memory_space<vmem>>[vector<16xi32>, vector<16xi32>], vector<16xf32>,
      }
      %scan3A_80 = arith.constant 8 : i32
      %add3A_81 = arith.addi %add3A_4, %add3A_51 : i32
      %mul3A_82 = arith.constant 32 : i32
      %mul3A_83 = arith.muli %add3A_81, %mul3A_82 : i32
      %dma_start3A_84 = arith.constant 0 : i32
      %dma_start3A_85 = arith.constant 0 : i32
      %dma_start3A_86 = tpu.memref_slice %arg5[%rem3A_52, %dma_start3A_84, %dma_start3A_85] : memref<2x32x128xf32, #tpu.memory_space<vmem>> -> memref<1x32x128xf32, #tpu.memory_space<vmem>>
      %dma_start3A_87 = tpu.memref_squeeze %dma_start3A_86 : memref<1x32x128xf32, #tpu.memory_space<vmem>> -> memref<32x128xf32, #tpu.memory_space<vmem>>
      %dma_start3A_88 = arith.constant 0 : i32
      %dma_start3A_89 = tpu.memref_slice %arg3[%mul3A_83, %dma_start3A_88] : memref<250000x128xf32, #tpu.memory_space<hbm>> -> memref<32x128xf32, #tpu.memory_space<hbm>>
      %dma_start3A_90 = arith.constant 0 : i32
      %dma_start3A_91 = tpu.memref_slice %arg3[%mul3A_83, %dma_start3A_90] : memref<250000x128xf32, #tpu.memory_space<hbm>> -> memref<32x128xf32, #tpu.memory_space<hbm>>
      %dma_start3A_92 = arith.constant 0 : i32
      %dma_start3A_93 = arith.constant 0 : i32
      %dma_start3A_94 = tpu.memref_slice %arg5[%rem3A_52, %dma_start3A_92, %dma_start3A_93] : memref<2x32x128xf32, #tpu.memory_space<vmem>> -> memref<1x32x128xf32, #tpu.memory_space<vmem>>
      %dma_start3A_95 = tpu.memref_squeeze %dma_start3A_94 : memref<1x32x128xf32, #tpu.memory_space<vmem>> -> memref<32x128xf32, #tpu.memory_space<vmem>>
      tpu.enqueue_dma source(%dma_start3A_95 : memref<32x128xf32, #tpu.memory_space<vmem>>) target(%dma_start3A_91 : memref<32x128xf32, #tpu.memory_space<hbm>>) target_semaphore(%arg7 : memref<!tpu.dma_semaphore, #tpu.memory_space<semaphore_mem>>)
    }
    %ge3A = arith.constant 2 : i32
    %ge3A_42 = arith.cmpi sge, %add3A_8, %ge3A : i32
    %convert_element_type3A = arith.extui %ge3A_42 : i1 to i32
    %cond3A = arith.constant 0 : i32
    %cond3A_43 = arith.cmpi ne, %convert_element_type3A, %cond3A : i32
    scf.if %cond3A_43 {
      %dma_wait3A = arith.constant 0 : i32
      %dma_wait3A_49 = arith.constant 0 : i32
      %dma_wait3A_50 = arith.constant 0 : i32
      %dma_wait3A_51 = tpu.memref_slice %arg5[%dma_wait3A, %dma_wait3A_49, %dma_wait3A_50] : memref<2x32x128xf32, #tpu.memory_space<vmem>> -> memref<1x32x128xf32, #tpu.memory_space<vmem>>
      %dma_wait3A_52 = tpu.memref_squeeze %dma_wait3A_51 : memref<1x32x128xf32, #tpu.memory_space<vmem>> -> memref<32x128xf32, #tpu.memory_space<vmem>>
      %dma_wait3A_53 = arith.constant 0 : i32
      %dma_wait3A_54 = arith.constant 0 : i32
      %dma_wait3A_55 = tpu.memref_slice %arg3[%dma_wait3A_53, %dma_wait3A_54] : memref<250000x128xf32, #tpu.memory_space<hbm>> -> memref<32x128xf32, #tpu.memory_space<hbm>>
      %dma_wait3A_56 = arith.constant 0 : i32
      %dma_wait3A_57 = arith.constant 0 : i32
      %dma_wait3A_58 = tpu.memref_slice %arg3[%dma_wait3A_56, %dma_wait3A_57] : memref<250000x128xf32, #tpu.memory_space<hbm>> -> memref<32x128xf32, #tpu.memory_space<hbm>>
      %dma_wait3A_59 = arith.constant 0 : i32
      %dma_wait3A_60 = arith.constant 0 : i32
      %dma_wait3A_61 = tpu.memref_slice %arg5[%dma_wait3A, %dma_wait3A_59, %dma_wait3A_60] : memref<2x32x128xf32, #tpu.memory_space<vmem>> -> memref<1x32x128xf32, #tpu.memory_space<vmem>>
      %dma_wait3A_62 = tpu.memref_squeeze %dma_wait3A_61 : memref<1x32x128xf32, #tpu.memory_space<vmem>> -> memref<32x128xf32, #tpu.memory_space<vmem>>
      tpu.wait_dma2 semaphore(%arg7 : memref<!tpu.dma_semaphore, #tpu.memory_space<semaphore_mem>>) src(%dma_wait3A_62 : memref<32x128xf32, #tpu.memory_space<vmem>>) dst(%dma_wait3A_58 : memref<32x128xf32, #tpu.memory_space<hbm>>)
    } else {
    }
    %ge3A_44 = arith.constant 1 : i32
    %ge3A_45 = arith.cmpi sge, %add3A_8, %ge3A_44 : i32
    %convert_element_type3A_46 = arith.extui %ge3A_45 : i1 to i32
    %cond3A_47 = arith.constant 0 : i32
    %cond3A_48 = arith.cmpi ne, %convert_element_type3A_46, %cond3A_47 : i32
    scf.if %cond3A_48 {
      %dma_wait3A = arith.constant 1 : i32
      %dma_wait3A_49 = arith.constant 0 : i32
      %dma_wait3A_50 = arith.constant 0 : i32
      %dma_wait3A_51 = tpu.memref_slice %arg5[%dma_wait3A, %dma_wait3A_49, %dma_wait3A_50] : memref<2x32x128xf32, #tpu.memory_space<vmem>> -> memref<1x32x128xf32, #tpu.memory_space<vmem>>
      %dma_wait3A_52 = tpu.memref_squeeze %dma_wait3A_51 : memref<1x32x128xf32, #tpu.memory_space<vmem>> -> memref<32x128xf32, #tpu.memory_space<vmem>>
      %dma_wait3A_53 = arith.constant 0 : i32
      %dma_wait3A_54 = arith.constant 0 : i32
      %dma_wait3A_55 = tpu.memref_slice %arg3[%dma_wait3A_53, %dma_wait3A_54] : memref<250000x128xf32, #tpu.memory_space<hbm>> -> memref<32x128xf32, #tpu.memory_space<hbm>>
      %dma_wait3A_56 = arith.constant 0 : i32
      %dma_wait3A_57 = arith.constant 0 : i32
      %dma_wait3A_58 = tpu.memref_slice %arg3[%dma_wait3A_56, %dma_wait3A_57] : memref<250000x128xf32, #tpu.memory_space<hbm>> -> memref<32x128xf32, #tpu.memory_space<hbm>>
      %dma_wait3A_59 = arith.constant 0 : i32
      %dma_wait3A_60 = arith.constant 0 : i32
      %dma_wait3A_61 = tpu.memref_slice %arg5[%dma_wait3A, %dma_wait3A_59, %dma_wait3A_60] : memref<2x32x128xf32, #tpu.memory_space<vmem>> -> memref<1x32x128xf32, #tpu.memory_space<vmem>>
      %dma_wait3A_62 = tpu.memref_squeeze %dma_wait3A_61 : memref<1x32x128xf32, #tpu.memory_space<vmem>> -> memref<32x128xf32, #tpu.memory_space<vmem>>
      tpu.wait_dma2 semaphore(%arg7 : memref<!tpu.dma_semaphore, #tpu.memory_space<semaphore_mem>>) src(%dma_wait3A_62 : memref<32x128xf32, #tpu.memory_space<vmem>>) dst(%dma_wait3A_58 : memref<32x128xf32, #tpu.memory_space<hbm>>)
    } else {
    }
    return
  }
}

</mosaic_0001>

<sc_bundles>
// kernel: _detile.3.cloned.1.call-start
scs
__scs_entry_jumppad:
0x0: {  	(pc) =	sbr.rel $0x88, $3  }
0x1: {  	(tag) =	ssettag $0x0;
	lr =	simm.s32 $0x1  }
0x2: {  	[smem:$0x3FA0] =	sst lr;
	_ =	strace $0xD0000000  }
0x3: {  	_ = 	snop  }
0x4: {  	_ = 	snop  }
0x5: {  	_ = 	snop  }
0x6: {  	_ = 	snop  }
0x7: {  	_ = 	snop  }
__scs_overlays_trampoline_lowered:
0x8: {  	[smem:$0x3FAF] =	sst s0  }
0x9: {  	[smem:$0x3FB0] =	sst s1  }
0xa: {  	[smem:$0x3FB1] =	sst s2  }
0xb: {  	[smem:$0x3FB2] =	sst s3  }
0xc: {  	[smem:$0x3FB3] =	sst s4  }
0xd: {  	[smem:$0x3FB4] =	sst s5  }
0xe: {  	[smem:$0x3FB5] =	sst s6  }
0xf: {  	[smem:$0x3FB6] =	sst s7  }
0x10: {  	[smem:$0x3FB7] =	sst s8  }
0x11: {  	[smem:$0x3FB8] =	sst s9;
	s0 =	simm.s32 @!p0 $0x0  }
0x12: {  	s1 =	sld [smem:$0x3F9E];
	s0 =	simm.s32 @p0 $0x1  }
0x13: {  	[smem:$0x3FB9] =	sst s0;
	s0 =	simm.s32 @!p1 $0x0  }
0x14: {  	s2 =	sld [smem:$0x3F9D];
	s0 =	simm.s32 @p1 $0x1  }
0x15: {  	[smem:$0x3FBA] =	sst s0;
	s0 =	simm.s32 @!p2 $0x0  }
0x16: {  	s3 =	sld [smem:$0x3FDB];
	s0 =	simm.s32 @p2 $0x1  }
0x17: {  	s4 =	simm.s32 $0x1BF5;
	[smem:$0x3FBC] =	sst s0  }
0x18: {  	s0 =	sld [smem:$0x3F9F];
	_ =	swait.ge [sflag:s4], $0x0  }
0x19: {  	s7 =	sld [smem:$0x3FA0]  }
0x1a: {  	s8 =	sadd.s32 $0xFFFFE003, lr  }
0x1b: {  	s9 =	sadd.s32 $0xFFFFFEF7, lr;
	s5 =	simm.s32 $0xFFFFFFFF;
	p2 =	slt.u32 s8, $0xFFFFF086  }
0x1c: {  	p1 =	slt.u32 s9, $0xF7A;
	s5 =	simm.s32 @!p2 $0x0  }
0x1d: {  	s5 =	simm.s32 @p1 $0x1;
	p0 =	seq.s32 s7, s2  }
0x1e: {  	s7 =	smul.u32 @!p0 $0xF7A, s2;
	p2 =	seq.s32 @!p0 s5, $0x0  }
0x1f: {  	s9 =	smul.u32 $0xF7A, s1;
	s8 =	simm.s32 @!p0 $0x1BF5;
	p2 =	por !p2, p0  }
0x20: {  	[sflag:s8] =	ssyncset.s32 @!p0 $0xFFFFF086;
	s6 =	sadd.s32 @!p0 s3, s7;
	s7 =	simm.s32 @!p0 $0x108  }
0x21: {  	s3 =	sadd.s32 s3, s9;
	s6 =	sadd.s32 @!p0 $0x88, s6;
	s7 =	simm.s32 @p2 $0x1082  }
0x22: {  	[simem:s7], [sflag:s8] =	dma.local @!p0 [hbm:s6], $0xF7A  }
0x23: {  	s9 =	sor.u32 $0xD0000000, s2;
	s6 =	simm.s32 $0x108;
	_ =	swait.ge @!p0 [sflag:s8], $0x0  }
0x24: {  	s3 =	sadd.s32 $0x88, s3;
	s6 =	simm.s32 @!p1 $0x1082;
	[sflag:s4] =	ssyncset.s32 $0xFFFFF086  }
0x25: {  	[simem:s6], [sflag:s4] =	dma.local [hbm:s3], $0xF7A  }
0x26: {  	[smem:$0x3FA0] =	sst s1;
	(tag) =	ssettag s2;
	_ =	strace s9  }
0x27: {  	s1 =	sld [smem:$0x3FB0]  }
0x28: {  	s2 =	sld [smem:$0x3FB1]  }
0x29: {  	s4 =	sld [smem:$0x3FB3]  }
0x2a: {  	p0 =	seq.s32 s5, $0x0;
	s5 =	sld [smem:$0x3FB4]  }
0x2b: {  	s6 =	sld [smem:$0x3FB5]  }
0x2c: {  	s7 =	sld [smem:$0x3FB6]  }
0x2d: {  	s3 =	simm.s32 $0x108;
	s8 =	sld [smem:$0x3FB7]  }
0x2e: {  	s3 =	simm.s32 @!p0 $0x1082;
	s9 =	sld [smem:$0x3FB8]  }
0x2f: {  	lr =	sadd.s32 s0, s3;
	s0 =	sld [smem:$0x3FAF]  }
0x30: {  	s3 =	sld [smem:$0x3FB2]  }
0x31: {  	[smem:$0x3FBB] =	sst s10  }
0x32: {  	s10 =	sld [smem:$0x3FB9];
	_ =	sdelay $0x3  }
0x33: {  	p0 =	seq.s32 s10, $0x1;
	s10 =	sld [smem:$0x3FBB];
	_ =	sdelay $0x3  }
0x34: {  	[smem:$0x3FBB] =	sst s10  }
0x35: {  	s10 =	sld [smem:$0x3FBA];
	_ =	sdelay $0x3  }
0x36: {  	p1 =	seq.s32 s10, $0x1;
	s10 =	sld [smem:$0x3FBB];
	_ =	sdelay $0x3  }
0x37: {  	[smem:$0x3FBB] =	sst s10  }
0x38: {  	s10 =	sld [smem:$0x3FBC]  }
0x39: {  	_ = 	snop;
	(pc) =	sbr.ind lr, $3  }
0x3a: {  	_ = 	snop  }
0x3b: {  	_ = 	snop  }
0x3c: {  	p2 =	seq.s32 s10, $0x1;
	s10 =	sld [smem:$0x3FBB]  }
0x3d: {  	_ =	shalt  }
0x3e: {  	_ =	shalt  }
0x3f: {  	_ =	shalt  }
0x40: {  	_ =	shalt  }
0x41: {  	_ =	shalt  }
0x42: {  	_ =	shalt  }
0x43: {  	_ =	shalt  }
0x44: {  	_ =	shalt  }
0x45: {  	_ =	shalt  }
0x46: {  	_ =	shalt  }
0x47: {  	_ =	shalt  }
0x48: {  	_ =	shalt  }
0x49: {  	_ =	shalt  }
0x4a: {  	_ =	shalt  }
0x4b: {  	_ =	shalt  }
0x4c: {  	_ =	shalt  }
0x4d: {  	_ =	shalt  }
0x4e: {  	_ =	shalt  }
0x4f: {  	_ =	shalt  }
0x50: {  	_ =	shalt  }
0x51: {  	_ =	shalt  }
0x52: {  	_ =	shalt  }
0x53: {  	_ =	shalt  }
0x54: {  	_ =	shalt  }
0x55: {  	_ =	shalt  }
0x56: {  	_ =	shalt  }
0x57: {  	_ =	shalt  }
0x58: {  	_ =	shalt  }
0x59: {  	_ =	shalt  }
0x5a: {  	_ =	shalt  }
0x5b: {  	_ =	shalt  }
0x5c: {  	_ =	shalt  }
0x5d: {  	_ =	shalt  }
0x5e: {  	_ =	shalt  }
0x5f: {  	_ =	shalt  }
0x60: {  	_ =	shalt  }
0x61: {  	_ =	shalt  }
0x62: {  	_ =	shalt  }
0x63: {  	_ =	shalt  }
0x64: {  	_ =	shalt  }
0x65: {  	_ =	shalt  }
0x66: {  	_ =	shalt  }
0x67: {  	_ =	shalt  }
0x68: {  	_ =	shalt  }
0x69: {  	_ =	shalt  }
0x6a: {  	_ =	shalt  }
0x6b: {  	_ =	shalt  }
0x6c: {  	_ =	shalt  }
0x6d: {  	_ =	shalt  }
0x6e: {  	_ =	shalt  }
0x6f: {  	_ =	shalt  }
0x70: {  	_ =	shalt  }
0x71: {  	_ =	shalt  }
0x72: {  	_ =	shalt  }
0x73: {  	_ =	shalt  }
0x74: {  	_ =	shalt  }
0x75: {  	_ =	shalt  }
0x76: {  	_ =	shalt  }
0x77: {  	_ =	shalt  }
0x78: {  	_ =	shalt  }
0x79: {  	_ =	shalt  }
0x7a: {  	_ =	shalt  }
0x7b: {  	_ =	shalt  }
0x7c: {  	_ =	shalt  }
0x7d: {  	_ =	shalt  }
0x7e: {  	_ =	shalt  }
0x7f: {  	_ =	shalt  }
0x80: {  	_ =	shalt  }
0x81: {  	_ =	shalt  }
0x82: {  	_ =	shalt  }
0x83: {  	_ =	shalt  }
0x84: {  	_ =	shalt  }
0x85: {  	_ =	shalt  }
0x86: {  	_ =	shalt  }
0x87: {  	_ =	shalt  }
.Lfunc_end0:
.L_simem_size_0:
called_computation_lowered:
.L_overlay_start_0:
0x88: {  	s2 =	sld [smem:$0x3FD9]  }
0x89: {  	s3 =	sld [smem:$0x3FFE];
	_ =	sdelay $0x1  }
0x8a: {  	s1 =	srdreg.scid  }
0x8b: {  	s0 =	sand.u32 $0x1, s1  }
0x8c: {  	s18 =	sshll.u32 s0, $0xA;
	s2 =	sadd.s32 s3, s2  }
0x8d: {  	s2 =	sadd.s32 s2, s18  }
0x8e: {  	[smem:$0x3FC7] =	sst s2  }
0x8f: {  	_ = 	snop  }
0x90: {  	s2 =	sld [smem:$0x3FC9]  }
0x91: {  	s19 =	sld [smem:$0x3FD0];
	(tm) =	ssettm $0x1  }
0x92: {  	s4 =	sld [smem:$0x3FFB];
	_ =	sdelay $0x3  }
0x93: {  	_ =	strace s4  }
0x94: {  	s4 =	sld [smem:$0x3FFC];
	_ =	sdelay $0x3  }
0x95: {  	_ =	strace s4  }
0x96: {  	s4 =	sld [smem:$0x3FFD];
	_ =	sdelay $0x3  }
0x97: {  	_ =	strace s4  }
0x98: {  	_ =	strace $0x8FFFFFFF  }
0x99: {  	s20 =	sld [smem:$0x3FDB];
	_ =	sdelay $0x1  }
0x9a: {  	s5 =	simm.s32 $_scs_section_size  }
0x9b: {  	s6 =	simm.s32 $_size__tile_overlayer_lowered;
	s7 =	simm.s32 $_tile_overlayer_lowered  }
0x9c: {  	s23 =	simm.s32 $0x1BFF;
	s22 =	sshll.u32 s7, $0x1;
	s4 =	sadd.s32 s5, s20  }
0x9d: {  	s8 =	simm.s32 $0x0;
	s21 =	sshll.u32 s6, $0x1;
	s6 =	sadd.s32 s22, s4  }
0x9e: {  	[timem:s8], [sflag:s23] =	dma.local [hbm:s6], s21  }
0x9f: {  	_ =	swait.ge [sflag:s23], s21  }
0xa0: {  	s5 =	ssub.s32 $0x0, s21;
	[sflag:s23] =	ssyncset.done $0x0  }
0xa1: {  	[sflag:s23] =	ssyncadd.s32 s5;
	_ =	sdelay $0x1  }
0xa2: {  	s24 =	simm.s32 $0x1B8B  }
0xa3: {  	_ =	swait.ge [sflag:s24], $0x1  }
0xa4: {  	[sflag:s24] =	ssyncset.done $0x0  }
0xa5: {  	s25 =	simm.s32 $0x1B8E;
	[sflag:s24] =	ssyncadd.s32 $0xFFFFFFFF  }
0xa6: {  	s26 =	simm.s32 $execute0_lowered;
	[smem:$0x3FD2] =	sst s25  }
0xa7: {  	s5 =	sshll.u32 s26, $0x1;
	_ =	strace $0x80000046;
	[dreg:$0x1] =	wrdreg $0xFFFFFFFF  }
0xa8: {  	s28 =	simm.s32 $_size_execute0_lowered;
	s4 =	sadd.s32 s4, s5;
	[dreg:$0x0] =	wrdreg $0x0  }
0xa9: {  	s5 =	sshll.u32 s28, $0x1;
	[dreg:$0x2] =	wrdreg s4  }
0xaa: {  	[dreg:$0x3] =	wrdreg s5  }
0xab: {  	[dreg:$0x4] =	wrdreg $0xC0  }
0xac: {  	_ =	task [dreg:s8], $0x5FFFF  }
0xad: {  	[dreg:$0x1] =	wrdreg $0xFFFFFFFF  }
0xae: {  	[dreg:$0x0] =	wrdreg $0x60  }
0xaf: {  	[dreg:$0x2] =	wrdreg s2  }
0xb0: {  	[dreg:$0x3] =	wrdreg s19  }
0xb1: {  	[dreg:$0x4] =	wrdreg $0x9  }
0xb2: {  	_ =	task.clear_ibuf [dreg:s8], $0x5FFFF;
	_ =	strace $0x90000046  }
0xb3: {  	s29 =	simm.s32 $0x9;
	_ =	strace $0x80000048  }
0xb4: {  	_ =	swait.ge [sflag:s29], $0x1  }
0xb5: {  	[sflag:s29] =	ssyncadd.s32 $0xFFFFFFFF  }
0xb6: {  	_ =	strace $0x90000048  }
0xb7: {  	_ =	sfence  }
0xb8: {  	s30 =	sld [smem:$0x0];
	_ =	sdelay $0x2  }
0xb9: {  	s31 =	sshll.u32 s1, $0xD;
	s1 =	sshrl.u32 s1, $0x2  }
0xba: {  	s3 =	sand.u32 $0x4000, s31;
	s1 =	sadd.s32 s1, s30  }
0xbb: {  	s0 =	sor.u32 s3, s0;
	s1 =	sshll.u32 s1, $0x11  }
0xbc: {  	s0 =	sor.u32 s1, s0  }
0xbd: {  	s0 =	sadd.s32 $0x8F2B, s0  }
0xbe: {  	[sflag:s0] =	ssyncadd.remote.s32 $0x1  }
0xbf: {  	_ =	sfence.sel $0xFFFF  }
0xc0: {  	[dreg:$0x0] =	wrdreg $0xFFFFFFFF;
	(pc) =	sbr.abs _section_cstart, $3  }
0xc1: {  	[dreg:$0x1] =	wrdreg $0xFFFFFFFF  }
0xc2: {  	_ =	task.clear_ibuf [dreg:s8], $0x2FFFF;
	_ =	strace $0x9FFFFFFF  }
0xc3: {  	(tm) =	ssettm $0x7FFFFFFF  }
tec
execute0_lowered:
.L_overlay_start_1:
0x0: {  	(tag) =	ssettag $0x1  }
0x1: {  	v14 =	vlaneseq.u32  }
0x2: {  	v1 =	vimm.s32 $0x180;
	vm5 =	vcmask $0x1304;
	vm3 =	vcmask $0x2314  }
0x3: {  	vm2 =	vcmask $0x1708;
	vm4 =	vcmask $0x2718;
	vm7 =	vcmask $0x3324  }
0x4: {  	vm6 =	vcmask $0x1B0C;
	vm0 =	vcmask $0x3728;
	vm8 =	vcmask $0x2B1C  }
0x5: {  	vm1 =	vcmask $0x3B2C;
	v6 =	vimm.s32 $0x100;
	vm9 =	vcmask $0xF00  }
0x6: {  	vm15 =	vcmask $0x1F10;
	vm10 =	vcmask $0x2F20;
	v11 =	vimm.s32 $0x80  }
0x7: {  	v15 =	vimm.s32 $0x0;
	v17 =	vimm.s32 $0x6B4A2908;
	v19 =	vimm.s32 $0x63422100  }
0x8: {  	v20 =	vimm.s32 $0x67462504;
	vm11 =	vcmask $0x704;
	v22 =	vimm.s32 $0x73523110  }
0x9: {  	vm12 =	vcmask $0xB08;
	vm13 =	vcmask $0xF0C;
	v23 =	vimm.s32 $0x77563514  }
0xa: {  	vm14 =	vcmask $0x1310;
	v24 =	vimm.s32 $0x3624120;
	v25 =	vimm.s32 $0x7664524  }
0xb: {  	v26 =	vimm.s32 $0x781;
	v27 =	vimm.s32 $0xF81;
	v28 =	vimm.s32 $0x17765534  }
0xc: {  	v29 =	vimm.s32 $0x27066544;
	v30 =	vimm.s32 $0x782;
	v31 =	vimm.s32 $0xF82  }
0xd: {  	v32 =	vimm.s32 $0x37167554;
	v54 =	vimm.s32 $0x43220160;
	v33 =	vimm.s32 $0x47260564  }
0xe: {  	v34 =	vimm.s32 $0x5B3A1978;
	v35 =	vimm.s32 $0x5F3E1D7C;
	v36 =	vimm.s32 $0x53321170  }
0xf: {  	v37 =	vimm.s32 $0x57361574;
	v58 =	vimm.s32 $0x783;
	v59 =	vimm.s32 $0xF83  }
0x10: {  	v60 =	vimm.s32 $0x784;
	v61 =	vimm.s32 $0xF84;
	v62 =	vimm.s32 $0x785  }
0x11: {  	v63 =	vimm.s32 $0xF85;
	v38 =	vimm.s32 $0x786;
	v39 =	vimm.s32 $0xF86  }
0x12: {  	v40 =	vimm.s32 $0x787;
	v41 =	vimm.s32 $0xF87;
	v42 =	vimm.s32 $0x788  }
0x13: {  	v43 =	vimm.s32 $0xF88;
	v44 =	vimm.s32 $0x789;
	v45 =	vimm.s32 $0xF89  }
0x14: {  	v46 =	vimm.s32 $0x78A;
	v47 =	vimm.s32 $0xF8A;
	v48 =	vimm.s32 $0x78B  }
0x15: {  	v49 =	vimm.s32 $0xF8B;
	v50 =	vimm.s32 $0x78C;
	v51 =	vimm.s32 $0xF8C  }
0x16: {  	v52 =	vimm.s32 $0x78D;
	v53 =	vimm.s32 $0xF8D;
	v0 =	vmul.u32 $0x81, v14  }
0x17: {  	v2 =	vsel vm5, $0x0, v1;
	v3 =	vsel vm2, $0x0, v1;
	v4 =	vsel vm6, $0x0, v1  }
0x18: {  	v5 =	vsel vm5, $0x180, v6;
	v7 =	vsel vm2, $0x180, v6;
	v8 =	vsel vm6, $0x180, v6  }
0x19: {  	v9 =	vsel vm5, $0x100, v11;
	v10 =	vsel vm2, $0x100, v11;
	v12 =	vsel vm9, $0x80, v15  }
0x1a: {  	v13 =	vsel vm5, $0x80, v15;
	v16 =	vsel vm2, $0x80, v15;
	v15 =	vsel vm6, $0x80, v15  }
0x1b: {  	v18 =	vshrl.u32 v14, $0x2;
	v17 =	vunpack.c.0.s8.s32 v17;
	v14 =	vimm.s32 $0x6F4E2D0C  }
0x1c: {  	v19 =	vunpack.c.0.s8.s32 v19;
	v20 =	vunpack.c.0.s8.s32 v20;
	v22 =	vunpack.c.0.s8.s32 v22  }
0x1d: {  	v23 =	vunpack.c.0.s8.s32 v23;
	vm5 =	vcmask $0x2724;
	vm2 =	vcmask $0x3330  }
0x1e: {  	v24 =	vunpack.c.0.s8.s32 v24;
	v25 =	vunpack.c.0.s8.s32 v25;
	v28 =	vunpack.c.0.s8.s32 v28  }
0x1f: {  	v29 =	vunpack.c.0.s8.s32 v29;
	v32 =	vunpack.c.0.s8.s32 v32;
	v33 =	vunpack.c.0.s8.s32 v33  }
0x20: {  	v34 =	vunpack.c.0.s8.s32 v34;
	v35 =	vunpack.c.0.s8.s32 v35;
	v36 =	vunpack.c.0.s8.s32 v36  }
0x21: {  	v37 =	vunpack.c.0.s8.s32 v37;
	v2 =	vsel vm3, $0x80, v2;
	v3 =	vsel vm4, $0x80, v3  }
0x22: {  	v5 =	vsel vm3, $0x0, v5;
	v7 =	vsel vm4, $0x0, v7;
	v9 =	vsel vm3, $0x180, v9  }
0x23: {  	v10 =	vsel vm4, $0x180, v10;
	v12 =	vsel vm15, $0x100, v12;
	v13 =	vsel vm3, $0x100, v13  }
0x24: {  	v16 =	vsel vm4, $0x100, v16;
	v15 =	vsel vm8, $0x100, v15;
	v21 =	vunpack.c.0.s8.s32 v14  }
0x25: {  	vm4 =	vcmask $0x2B28;
	vm3 =	vcmask $0x2F2C;
	v1 =	vsel vm7, $0x100, v2  }
0x26: {  	v2 =	vsel vm0, $0x100, v3;
	v3 =	vsel vm8, $0x80, v4;
	v4 =	vsel vm9, $0x180, v6  }
0x27: {  	v5 =	vsel vm7, $0x80, v5;
	v6 =	vsel vm0, $0x80, v7;
	v7 =	vsel vm8, $0x0, v8  }
0x28: {  	v8 =	vsel vm9, $0x100, v11;
	v9 =	vsel vm7, $0x0, v9;
	v10 =	vsel vm0, $0x0, v10  }
0x29: {  	v11 =	vsel vm6, $0x100, v11;
	v12 =	vsel vm10, $0x180, v12;
	v13 =	vsel vm7, $0x180, v13  }
0x2a: {  	v14 =	vsel vm0, $0x180, v16;
	v15 =	vsel vm1, $0x180, v15;
	v16 =	vmul.u32 $0x80, v18  }
0x2b: {  	v18 =	vsel vm15, v20, v19;
	v19 =	vimm.s32 $0x7B5A3918;
	v20 =	vimm.s32 $0x7F5E3D1C  }
0x2c: {  	vm9 =	vcmask $0x1714;
	vm7 =	vcmask $0x1F1C;
	vm6 =	vcmask $0x2320  }
0x2d: {  	vm0 =	vcmask $0x3734;
	v24 =	vsel vm15, v25, v24;
	v56 =	vsel vm15, v35, v34  }
0x2e: {  	v57 =	vsel vm15, v37, v36;
	v3 =	vsel vm1, $0x100, v3;
	v4 =	vsel vm15, $0x0, v4  }
0x2f: {  	v7 =	vsel vm1, $0x80, v7;
	v8 =	vsel vm15, $0x180, v8;
	v11 =	vsel vm8, $0x180, v11  }
0x30: {  	v17 =	vsel vm15, v21, v17;
	v19 =	vunpack.c.0.s8.s32 v19;
	v21 =	vimm.s32 $0x780  }
0x31: {  	v20 =	vunpack.c.0.s8.s32 v20;
	vm8 =	vcmask $0x1B18;
	v4 =	vsel vm10, $0x80, v4  }
0x32: {  	v8 =	vsel vm10, $0x0, v8;
	v11 =	vsel vm1, $0x0, v11;
	v17 =	vcombine.low v18, v17  }
0x33: {  	v18 =	vor.u32 $0x800, v0;
	vm10 =	vcmask $0x300;
	vm1 =	vcmask $0x3B38  }
0x34: {  	v21 =	vsel vm10, $0x1, v21;
	v19 =	vsel vm15, v20, v19;
	v26 =	vsel vm10, $0x2, v26  }
0x35: {  	v27 =	vsel vm10, $0x802, v27;
	v30 =	vsel vm10, $0x3, v30;
	v31 =	vsel vm10, $0x803, v31  }
0x36: {  	v34 =	vsel vm10, $0x5, v60;
	v35 =	vsel vm10, $0x805, v61;
	v36 =	vsel vm10, $0x6, v62  }
0x37: {  	v37 =	vsel vm10, $0x806, v63;
	v38 =	vsel vm10, $0x7, v38;
	v39 =	vsel vm10, $0x807, v39  }
0x38: {  	v40 =	vsel vm10, $0x8, v40;
	v41 =	vsel vm10, $0x808, v41;
	v42 =	vsel vm10, $0x9, v42  }
0x39: {  	v43 =	vsel vm10, $0x809, v43;
	v44 =	vsel vm10, $0xA, v44;
	v45 =	vsel vm10, $0x80A, v45  }
0x3a: {  	v46 =	vsel vm10, $0xB, v46;
	v47 =	vsel vm10, $0x80B, v47;
	v48 =	vsel vm10, $0xC, v48  }
0x3b: {  	v49 =	vsel vm10, $0x80C, v49;
	v50 =	vsel vm10, $0xD, v50;
	v51 =	vsel vm10, $0x80D, v51  }
0x3c: {  	v52 =	vsel vm10, $0xE, v52;
	v53 =	vsel vm10, $0x80E, v53;
	v21 =	vsel vm11, $0x82, v21  }
0x3d: {  	v27 =	vsel vm11, $0x883, v27;
	v31 =	vsel vm11, $0x884, v31;
	v34 =	vsel vm11, $0x86, v34  }
0x3e: {  	v35 =	vsel vm11, $0x886, v35;
	v36 =	vsel vm11, $0x87, v36;
	v37 =	vsel vm11, $0x887, v37  }
0x3f: {  	v38 =	vsel vm11, $0x88, v38;
	v39 =	vsel vm11, $0x888, v39;
	v40 =	vsel vm11, $0x89, v40  }
0x40: {  	v41 =	vsel vm11, $0x889, v41;
	v42 =	vsel vm11, $0x8A, v42;
	v43 =	vsel vm11, $0x88A, v43  }
0x41: {  	v44 =	vsel vm11, $0x8B, v44;
	v45 =	vsel vm11, $0x88B, v45;
	v46 =	vsel vm11, $0x8C, v46  }
0x42: {  	v47 =	vsel vm11, $0x88C, v47;
	v48 =	vsel vm11, $0x8D, v48;
	v49 =	vsel vm11, $0x88D, v49  }
0x43: {  	v50 =	vsel vm11, $0x8E, v50;
	v51 =	vsel vm11, $0x88E, v51;
	v52 =	vsel vm11, $0x8F, v52  }
0x44: {  	v53 =	vsel vm11, $0x88F, v53;
	v21 =	vsel vm12, $0x103, v21;
	v27 =	vsel vm12, $0x904, v27  }
0x45: {  	v31 =	vsel vm12, $0x905, v31;
	v34 =	vsel vm12, $0x107, v34;
	v35 =	vsel vm12, $0x907, v35  }
0x46: {  	v36 =	vsel vm12, $0x108, v36;
	v37 =	vsel vm12, $0x908, v37;
	v38 =	vsel vm12, $0x109, v38  }
0x47: {  	v39 =	vsel vm12, $0x909, v39;
	v40 =	vsel vm12, $0x10A, v40;
	v41 =	vsel vm12, $0x90A, v41  }
0x48: {  	v42 =	vsel vm12, $0x10B, v42;
	v43 =	vsel vm12, $0x90B, v43;
	v44 =	vsel vm12, $0x10C, v44  }
0x49: {  	v45 =	vsel vm12, $0x90C, v45;
	v46 =	vsel vm12, $0x10D, v46;
	v47 =	vsel vm12, $0x90D, v47  }
0x4a: {  	v48 =	vsel vm12, $0x10E, v48;
	v49 =	vsel vm12, $0x90E, v49;
	v50 =	vsel vm12, $0x10F, v50  }
0x4b: {  	v51 =	vsel vm12, $0x90F, v51;
	v52 =	vsel vm12, $0x100, v52;
	v53 =	vsel vm12, $0x900, v53  }
0x4c: {  	v21 =	vsel vm13, $0x184, v21;
	v34 =	vsel vm13, $0x188, v34;
	v35 =	vsel vm13, $0x988, v35  }
0x4d: {  	v36 =	vsel vm13, $0x189, v36;
	v37 =	vsel vm13, $0x989, v37;
	v38 =	vsel vm13, $0x18A, v38  }
0x4e: {  	v39 =	vsel vm13, $0x98A, v39;
	v40 =	vsel vm13, $0x18B, v40;
	v41 =	vsel vm13, $0x98B, v41  }
0x4f: {  	v42 =	vsel vm13, $0x18C, v42;
	v43 =	vsel vm13, $0x98C, v43;
	v44 =	vsel vm13, $0x18D, v44  }
0x50: {  	v45 =	vsel vm13, $0x98D, v45;
	v46 =	vsel vm13, $0x18E, v46;
	v47 =	vsel vm13, $0x98E, v47  }
0x51: {  	v48 =	vsel vm13, $0x18F, v48;
	v49 =	vsel vm13, $0x98F, v49;
	v50 =	vsel vm13, $0x180, v50  }
0x52: {  	v51 =	vsel vm13, $0x980, v51;
	v52 =	vsel vm13, $0x181, v52;
	v53 =	vsel vm13, $0x981, v53  }
0x53: {  	v21 =	vsel vm14, $0x205, v21;
	v34 =	vsel vm14, $0x209, v34;
	v35 =	vsel vm14, $0xA09, v35  }
0x54: {  	v36 =	vsel vm14, $0x20A, v36;
	v37 =	vsel vm14, $0xA0A, v37;
	v38 =	vsel vm14, $0x20B, v38  }
0x55: {  	v39 =	vsel vm14, $0xA0B, v39;
	v40 =	vsel vm14, $0x20C, v40;
	v41 =	vsel vm14, $0xA0C, v41  }
0x56: {  	v42 =	vsel vm14, $0x20D, v42;
	v43 =	vsel vm14, $0xA0D, v43;
	v44 =	vsel vm14, $0x20E, v44  }
0x57: {  	v45 =	vsel vm14, $0xA0E, v45;
	v46 =	vsel vm14, $0x20F, v46;
	v47 =	vsel vm14, $0xA0F, v47  }
0x58: {  	v48 =	vsel vm14, $0x200, v48;
	v49 =	vsel vm14, $0xA00, v49;
	v50 =	vsel vm14, $0x201, v50  }
0x59: {  	v51 =	vsel vm14, $0xA01, v51;
	v52 =	vsel vm14, $0x202, v52;
	v53 =	vsel vm14, $0xA02, v53  }
0x5a: {  	v20 =	vsel vm9, $0x286, v21;
	v21 =	vsel vm15, v23, v22;
	v22 =	vimm.s32 $0xF80  }
0x5b: {  	v23 =	vimm.s32 $0xF6E4D2C;
	v34 =	vsel vm9, $0x28A, v34;
	v35 =	vsel vm9, $0xA8A, v35  }
0x5c: {  	v36 =	vsel vm9, $0x28B, v36;
	v37 =	vsel vm9, $0xA8B, v37;
	v38 =	vsel vm9, $0x28C, v38  }
0x5d: {  	v39 =	vsel vm9, $0xA8C, v39;
	v40 =	vsel vm9, $0x28D, v40;
	v41 =	vsel vm9, $0xA8D, v41  }
0x5e: {  	v42 =	vsel vm9, $0x28E, v42;
	v43 =	vsel vm9, $0xA8E, v43;
	v44 =	vsel vm9, $0x28F, v44  }
0x5f: {  	v45 =	vsel vm9, $0xA8F, v45;
	v46 =	vsel vm9, $0x280, v46;
	v47 =	vsel vm9, $0xA80, v47  }
0x60: {  	v48 =	vsel vm9, $0x281, v48;
	v49 =	vsel vm9, $0xA81, v49;
	v50 =	vsel vm9, $0x282, v50  }
0x61: {  	v51 =	vsel vm9, $0xA82, v51;
	v52 =	vsel vm9, $0x283, v52;
	v53 =	vsel vm9, $0xA83, v53  }
0x62: {  	v20 =	vsel vm8, $0x307, v20;
	v22 =	vsel vm10, $0x801, v22;
	v19 =	vcombine.low v21, v19  }
0x63: {  	v23 =	vunpack.c.0.s8.s32 v23;
	v34 =	vsel vm8, $0x30B, v34;
	v35 =	vsel vm8, $0xB0B, v35  }
0x64: {  	v36 =	vsel vm8, $0x30C, v36;
	v37 =	vsel vm8, $0xB0C, v37;
	v38 =	vsel vm8, $0x30D, v38  }
0x65: {  	v39 =	vsel vm8, $0xB0D, v39;
	v40 =	vsel vm8, $0x30E, v40;
	v41 =	vsel vm8, $0xB0E, v41  }
0x66: {  	v42 =	vsel vm8, $0x30F, v42;
	v43 =	vsel vm8, $0xB0F, v43;
	v44 =	vsel vm8, $0x300, v44  }
0x67: {  	v45 =	vsel vm8, $0xB00, v45;
	v46 =	vsel vm8, $0x301, v46;
	v47 =	vsel vm8, $0xB01, v47  }
0x68: {  	v48 =	vsel vm8, $0x302, v48;
	v49 =	vsel vm8, $0xB02, v49;
	v50 =	vsel vm8, $0x303, v50  }
0x69: {  	v51 =	vsel vm8, $0xB03, v51;
	v52 =	vsel vm8, $0x304, v52;
	v53 =	vsel vm8, $0xB04, v53  }
0x6a: {  	v20 =	vsel vm7, $0x388, v20;
	v22 =	vsel vm11, $0x882, v22;
	v34 =	vsel vm7, $0x38C, v34  }
0x6b: {  	v35 =	vsel vm7, $0xB8C, v35;
	v36 =	vsel vm7, $0x38D, v36;
	v37 =	vsel vm7, $0xB8D, v37  }
0x6c: {  	v38 =	vsel vm7, $0x38E, v38;
	v39 =	vsel vm7, $0xB8E, v39;
	v40 =	vsel vm7, $0x38F, v40  }
0x6d: {  	v41 =	vsel vm7, $0xB8F, v41;
	v42 =	vsel vm7, $0x380, v42;
	v43 =	vsel vm7, $0xB80, v43  }
0x6e: {  	v44 =	vsel vm7, $0x381, v44;
	v45 =	vsel vm7, $0xB81, v45;
	v46 =	vsel vm7, $0x382, v46  }
0x6f: {  	v47 =	vsel vm7, $0xB82, v47;
	v48 =	vsel vm7, $0x383, v48;
	v49 =	vsel vm7, $0xB83, v49  }
0x70: {  	v50 =	vsel vm7, $0x384, v50;
	v51 =	vsel vm7, $0xB84, v51;
	v52 =	vsel vm7, $0x385, v52  }
0x71: {  	v53 =	vsel vm7, $0xB85, v53;
	v20 =	vsel vm6, $0x409, v20;
	v22 =	vsel vm12, $0x903, v22  }
0x72: {  	v34 =	vsel vm6, $0x40D, v34;
	v35 =	vsel vm6, $0xC0D, v35;
	v36 =	vsel vm6, $0x40E, v36  }
0x73: {  	v37 =	vsel vm6, $0xC0E, v37;
	v38 =	vsel vm6, $0x40F, v38;
	v39 =	vsel vm6, $0xC0F, v39  }
0x74: {  	v40 =	vsel vm6, $0x400, v40;
	v41 =	vsel vm6, $0xC00, v41;
	v42 =	vsel vm6, $0x401, v42  }
0x75: {  	v43 =	vsel vm6, $0xC01, v43;
	v44 =	vsel vm6, $0x402, v44;
	v45 =	vsel vm6, $0xC02, v45  }
0x76: {  	v46 =	vsel vm6, $0x403, v46;
	v47 =	vsel vm6, $0xC03, v47;
	v48 =	vsel vm6, $0x404, v48  }
0x77: {  	v49 =	vsel vm6, $0xC04, v49;
	v50 =	vsel vm6, $0x405, v50;
	v51 =	vsel vm6, $0xC05, v51  }
0x78: {  	v52 =	vsel vm6, $0x406, v52;
	v53 =	vsel vm6, $0xC06, v53;
	v20 =	vsel vm5, $0x48A, v20  }
0x79: {  	v22 =	vsel vm13, $0x984, v22;
	v34 =	vsel vm5, $0x48E, v34;
	v35 =	vsel vm5, $0xC8E, v35  }
0x7a: {  	v36 =	vsel vm5, $0x48F, v36;
	v37 =	vsel vm5, $0xC8F, v37;
	v38 =	vsel vm5, $0x480, v38  }
0x7b: {  	v39 =	vsel vm5, $0xC80, v39;
	v40 =	vsel vm5, $0x481, v40;
	v41 =	vsel vm5, $0xC81, v41  }
0x7c: {  	v42 =	vsel vm5, $0x482, v42;
	v43 =	vsel vm5, $0xC82, v43;
	v44 =	vsel vm5, $0x483, v44  }
0x7d: {  	v45 =	vsel vm5, $0xC83, v45;
	v46 =	vsel vm5, $0x484, v46;
	v47 =	vsel vm5, $0xC84, v47  }
0x7e: {  	v48 =	vsel vm5, $0x485, v48;
	v49 =	vsel vm5, $0xC85, v49;
	v50 =	vsel vm5, $0x486, v50  }
0x7f: {  	v51 =	vsel vm5, $0xC86, v51;
	v52 =	vsel vm5, $0x487, v52;
	v53 =	vsel vm5, $0xC87, v53  }
0x80: {  	v20 =	vsel vm4, $0x50B, v20;
	v22 =	vsel vm14, $0xA05, v22;
	v34 =	vsel vm4, $0x50F, v34  }
0x81: {  	v35 =	vsel vm4, $0xD0F, v35;
	v36 =	vsel vm4, $0x500, v36;
	v37 =	vsel vm4, $0xD00, v37  }
0x82: {  	v38 =	vsel vm4, $0x501, v38;
	v39 =	vsel vm4, $0xD01, v39;
	v40 =	vsel vm4, $0x502, v40  }
0x83: {  	v41 =	vsel vm4, $0xD02, v41;
	v42 =	vsel vm4, $0x503, v42;
	v43 =	vsel vm4, $0xD03, v43  }
0x84: {  	v44 =	vsel vm4, $0x504, v44;
	v45 =	vsel vm4, $0xD04, v45;
	v46 =	vsel vm4, $0x505, v46  }
0x85: {  	v47 =	vsel vm4, $0xD05, v47;
	v48 =	vsel vm4, $0x506, v48;
	v49 =	vsel vm4, $0xD06, v49  }
0x86: {  	v50 =	vsel vm4, $0x507, v50;
	v51 =	vsel vm4, $0xD07, v51;
	v52 =	vsel vm4, $0x508, v52  }
0x87: {  	v53 =	vsel vm4, $0xD08, v53;
	v20 =	vsel vm3, $0x58C, v20;
	v21 =	vsel vm9, $0xA86, v22  }
0x88: {  	v22 =	vimm.s32 $0xB6A4928;
	v34 =	vsel vm3, $0x580, v34;
	v35 =	vsel vm3, $0xD80, v35  }
0x89: {  	v36 =	vsel vm3, $0x581, v36;
	v37 =	vsel vm3, $0xD81, v37;
	v38 =	vsel vm3, $0x582, v38  }
0x8a: {  	v39 =	vsel vm3, $0xD82, v39;
	v40 =	vsel vm3, $0x583, v40;
	v41 =	vsel vm3, $0xD83, v41  }
0x8b: {  	v42 =	vsel vm3, $0x584, v42;
	v43 =	vsel vm3, $0xD84, v43;
	v44 =	vsel vm3, $0x585, v44  }
0x8c: {  	v45 =	vsel vm3, $0xD85, v45;
	v46 =	vsel vm3, $0x586, v46;
	v47 =	vsel vm3, $0xD86, v47  }
0x8d: {  	v48 =	vsel vm3, $0x587, v48;
	v49 =	vsel vm3, $0xD87, v49;
	v50 =	vsel vm3, $0x588, v50  }
0x8e: {  	v51 =	vsel vm3, $0xD88, v51;
	v52 =	vsel vm3, $0x589, v52;
	v53 =	vsel vm3, $0xD89, v53  }
0x8f: {  	v20 =	vsel vm2, $0x60D, v20;
	v21 =	vsel vm8, $0xB07, v21;
	v22 =	vunpack.c.0.s8.s32 v22  }
0x90: {  	v34 =	vsel vm2, $0x601, v34;
	v35 =	vsel vm2, $0xE01, v35;
	v36 =	vsel vm2, $0x602, v36  }
0x91: {  	v37 =	vsel vm2, $0xE02, v37;
	v38 =	vsel vm2, $0x603, v38;
	v39 =	vsel vm2, $0xE03, v39  }
0x92: {  	v40 =	vsel vm2, $0x604, v40;
	v41 =	vsel vm2, $0xE04, v41;
	v42 =	vsel vm2, $0x605, v42  }
0x93: {  	v43 =	vsel vm2, $0xE05, v43;
	v44 =	vsel vm2, $0x606, v44;
	v45 =	vsel vm2, $0xE06, v45  }
0x94: {  	v46 =	vsel vm2, $0x607, v46;
	v47 =	vsel vm2, $0xE07, v47;
	v48 =	vsel vm2, $0x608, v48  }
0x95: {  	v49 =	vsel vm2, $0xE08, v49;
	v50 =	vsel vm2, $0x609, v50;
	v51 =	vsel vm2, $0xE09, v51  }
0x96: {  	v52 =	vsel vm2, $0x60A, v52;
	v53 =	vsel vm2, $0xE0A, v53;
	v20 =	vsel vm0, $0x68E, v20  }
0x97: {  	v21 =	vsel vm7, $0xB88, v21;
	v34 =	vsel vm0, $0x682, v34;
	v35 =	vsel vm0, $0xE82, v35  }
0x98: {  	v36 =	vsel vm0, $0x683, v36;
	v37 =	vsel vm0, $0xE83, v37;
	v38 =	vsel vm0, $0x684, v38  }
0x99: {  	v39 =	vsel vm0, $0xE84, v39;
	v40 =	vsel vm0, $0x685, v40;
	v41 =	vsel vm0, $0xE85, v41  }
0x9a: {  	v42 =	vsel vm0, $0x686, v42;
	v43 =	vsel vm0, $0xE86, v43;
	v44 =	vsel vm0, $0x687, v44  }
0x9b: {  	v45 =	vsel vm0, $0xE87, v45;
	v46 =	vsel vm0, $0x688, v46;
	v47 =	vsel vm0, $0xE88, v47  }
0x9c: {  	v48 =	vsel vm0, $0x689, v48;
	v49 =	vsel vm0, $0xE89, v49;
	v50 =	vsel vm0, $0x68A, v50  }
0x9d: {  	v51 =	vsel vm0, $0xE8A, v51;
	v52 =	vsel vm0, $0x68B, v52;
	v53 =	vsel vm0, $0xE8B, v53  }
0x9e: {  	v20 =	vsel vm1, $0x70F, v20;
	v21 =	vsel vm6, $0xC09, v21;
	v22 =	vsel vm15, v23, v22  }
0x9f: {  	v23 =	vsel vm11, $0x83, v26;
	v26 =	vimm.s32 $0x13725130;
	v34 =	vsel vm1, $0x703, v34  }
0xa0: {  	v35 =	vsel vm1, $0xF03, v35;
	v36 =	vsel vm1, $0x704, v36;
	v37 =	vsel vm1, $0xF04, v37  }
0xa1: {  	v38 =	vsel vm1, $0x705, v38;
	v39 =	vsel vm1, $0xF05, v39;
	v40 =	vsel vm1, $0x706, v40  }
0xa2: {  	v41 =	vsel vm1, $0xF06, v41;
	v42 =	vsel vm1, $0x707, v42;
	v43 =	vsel vm1, $0xF07, v43  }
0xa3: {  	v44 =	vsel vm1, $0x708, v44;
	v45 =	vsel vm1, $0xF08, v45;
	v46 =	vsel vm1, $0x709, v46  }
0xa4: {  	v47 =	vsel vm1, $0xF09, v47;
	v48 =	vsel vm1, $0x70A, v48;
	v49 =	vsel vm1, $0xF0A, v49  }
0xa5: {  	v50 =	vsel vm1, $0x70B, v50;
	v21 =	vsel vm5, $0xC8A, v21;
	v23 =	vsel vm12, $0x104, v23  }
0xa6: {  	v26 =	vunpack.c.0.s8.s32 v26;
	v21 =	vsel vm4, $0xD0B, v21;
	v23 =	vsel vm13, $0x185, v23  }
0xa7: {  	v51 =	vsel vm1, $0xF0B, v51;
	v21 =	vsel vm3, $0xD8C, v21;
	v23 =	vsel vm14, $0x206, v23  }
0xa8: {  	v26 =	vsel vm15, v28, v26;
	v21 =	vsel vm2, $0xE0D, v21;
	v23 =	vsel vm9, $0x287, v23  }
0xa9: {  	v28 =	vimm.s32 $0x23026140;
	v25 =	vsel vm0, $0xE8E, v21;
	v23 =	vsel vm8, $0x308, v23  }
0xaa: {  	v21 =	vcombine.low v24, v22;
	v24 =	vimm.s32 $0x1B7A5938;
	v23 =	vsel vm7, $0x389, v23  }
0xab: {  	v22 =	vsel vm1, $0xF0F, v25;
	v25 =	vimm.s32 $0x1F7E5D3C;
	v23 =	vsel vm6, $0x40A, v23  }
0xac: {  	v24 =	vunpack.c.0.s8.s32 v24;
	v25 =	vunpack.c.0.s8.s32 v25;
	v23 =	vsel vm5, $0x48B, v23  }
0xad: {  	v52 =	vsel vm1, $0x70C, v52;
	v28 =	vunpack.c.0.s8.s32 v28;
	v23 =	vsel vm4, $0x50C, v23  }
0xae: {  	v24 =	vsel vm15, v25, v24;
	v25 =	vsel vm13, $0x985, v27;
	v27 =	vsel vm3, $0x58D, v23  }
0xaf: {  	v25 =	vsel vm14, $0xA06, v25;
	v23 =	vcombine.low v26, v24;
	v26 =	vimm.s32 $0x2B0A6948  }
0xb0: {  	v24 =	vsel vm2, $0x60E, v27;
	v25 =	vsel vm9, $0xA87, v25;
	v27 =	vimm.s32 $0x2F0E6D4C  }
0xb1: {  	v26 =	vunpack.c.0.s8.s32 v26;
	v25 =	vsel vm8, $0xB08, v25;
	v27 =	vunpack.c.0.s8.s32 v27  }
0xb2: {  	v53 =	vsel vm1, $0xF0C, v53;
	v28 =	vsel vm15, v29, v28;
	v25 =	vsel vm7, $0xB89, v25  }
0xb3: {  	v25 =	vsel vm6, $0xC0A, v25;
	v26 =	vsel vm15, v27, v26;
	v27 =	vsel vm11, $0x84, v30  }
0xb4: {  	v30 =	vimm.s32 $0x33127150;
	v25 =	vsel vm5, $0xC8B, v25;
	v27 =	vsel vm12, $0x105, v27  }
0xb5: {  	v30 =	vunpack.c.0.s8.s32 v30;
	v25 =	vsel vm4, $0xD0C, v25;
	v27 =	vsel vm13, $0x186, v27  }
0xb6: {  	v24 =	vsel vm0, $0x68F, v24;
	v25 =	vsel vm3, $0xD8D, v25;
	v27 =	vsel vm14, $0x207, v27  }
0xb7: {  	v30 =	vsel vm15, v32, v30;
	v32 =	vunpack.c.0.s8.s32 v54;
	v54 =	vimm.s32 $0x78E  }
0xb8: {  	v25 =	vsel vm2, $0xE0E, v25;
	v27 =	vsel vm9, $0x288, v27;
	v54 =	vsel vm10, $0xF, v54  }
0xb9: {  	v29 =	vsel vm0, $0xE8F, v25;
	v25 =	vcombine.low v28, v26;
	v28 =	vimm.s32 $0x3B1A7958  }
0xba: {  	v27 =	vsel vm8, $0x309, v27;
	v54 =	vsel vm11, $0x80, v54;
	v26 =	vsel vm1, $0xF00, v29  }
0xbb: {  	v29 =	vimm.s32 $0x3F1E7D5C;
	v28 =	vunpack.c.0.s8.s32 v28;
	v27 =	vsel vm7, $0x38A, v27  }
0xbc: {  	v54 =	vsel vm12, $0x101, v54;
	v29 =	vunpack.c.0.s8.s32 v29;
	v27 =	vsel vm6, $0x40B, v27  }
0xbd: {  	v24 =	vsel vm1, $0x700, v24;
	v54 =	vsel vm13, $0x182, v54;
	v27 =	vsel vm5, $0x48C, v27  }
0xbe: {  	v54 =	vsel vm14, $0x203, v54;
	v28 =	vsel vm15, v29, v28;
	v27 =	vsel vm4, $0x50D, v27  }
0xbf: {  	v29 =	vsel vm13, $0x986, v31;
	v54 =	vsel vm9, $0x284, v54;
	v31 =	vsel vm3, $0x58E, v27  }
0xc0: {  	v29 =	vsel vm14, $0xA07, v29;
	v27 =	vcombine.low v30, v28;
	v30 =	vimm.s32 $0x4B2A0968  }
0xc1: {  	v54 =	vsel vm8, $0x305, v54;
	v28 =	vsel vm2, $0x60F, v31;
	v29 =	vsel vm9, $0xA88, v29  }
0xc2: {  	v30 =	vunpack.c.0.s8.s32 v30;
	v31 =	vimm.s32 $0x4F2E0D6C;
	v29 =	vsel vm8, $0xB09, v29  }
0xc3: {  	v54 =	vsel vm7, $0x386, v54;
	v28 =	vsel vm0, $0x680, v28;
	v29 =	vsel vm7, $0xB8A, v29  }
0xc4: {  	v31 =	vunpack.c.0.s8.s32 v31;
	v54 =	vsel vm6, $0x407, v54;
	v29 =	vsel vm6, $0xC0B, v29  }
0xc5: {  	v28 =	vsel vm1, $0x701, v28;
	v54 =	vsel vm5, $0x488, v54;
	v29 =	vsel vm5, $0xC8C, v29  }
0xc6: {  	v30 =	vsel vm15, v31, v30;
	v31 =	vsel vm15, v33, v32;
	v29 =	vsel vm4, $0xD0D, v29  }
0xc7: {  	v32 =	vsel vm10, $0x4, v58;
	v33 =	vsel vm10, $0x804, v59;
	v29 =	vsel vm3, $0xD8E, v29  }
0xc8: {  	v54 =	vsel vm4, $0x509, v54;
	v32 =	vsel vm11, $0x85, v32;
	v29 =	vsel vm2, $0xE0F, v29  }
0xc9: {  	v33 =	vsel vm11, $0x885, v33;
	v54 =	vsel vm3, $0x58A, v54;
	v55 =	vsel vm0, $0xE80, v29  }
0xca: {  	v29 =	vcombine.low v31, v30;
	v30 =	vsel vm1, $0xF01, v55;
	v55 =	vimm.s32 $0xF8E  }
0xcb: {  	v32 =	vsel vm12, $0x106, v32;
	v33 =	vsel vm12, $0x906, v33;
	v55 =	vsel vm10, $0x80F, v55  }
0xcc: {  	v54 =	vsel vm2, $0x60B, v54;
	v32 =	vsel vm13, $0x187, v32;
	v55 =	vsel vm11, $0x880, v55  }
0xcd: {  	v33 =	vsel vm13, $0x987, v33;
	v54 =	vsel vm0, $0x68C, v54;
	v55 =	vsel vm12, $0x901, v55  }
0xce: {  	v32 =	vsel vm14, $0x208, v32;
	v33 =	vsel vm14, $0xA08, v33;
	v55 =	vsel vm13, $0x982, v55  }
0xcf: {  	v54 =	vsel vm1, $0x70D, v54;
	v31 =	vcombine.low v57, v56;
	v55 =	vsel vm14, $0xA03, v55  }
0xd0: {  	s2 =	srdreg.scid;
	s1 =	rddreg [dreg:$0x0];
	v32 =	vsel vm9, $0x289, v32;
	v33 =	vsel vm9, $0xA89, v33;
	v55 =	vsel vm9, $0xA84, v55  }
0xd1: {  	s0 =	stileid.u32;
	s3 =	rddreg [dreg:$0x1];
	v32 =	vsel vm8, $0x30A, v32;
	v33 =	vsel vm8, $0xB0A, v33;
	v55 =	vsel vm8, $0xB05, v55  }
0xd2: {  	s4 =	simm.s32 $0x0;
	s10 =	simm.s32 $0x7A1400;
	s11 =	simm.s32 $0x1;
	v32 =	vsel vm7, $0x38B, v32;
	v33 =	vsel vm7, $0xB8B, v33;
	v55 =	vsel vm7, $0xB86, v55  }
0xd3: {  	s12 =	simm.s32 $0x2;
	s5 =	sand.u32 $0x1, s2;
	s30 =	sshll.u32 s0, $0x1;
	v32 =	vsel vm6, $0x40C, v32;
	v33 =	vsel vm6, $0xC0C, v33;
	v55 =	vsel vm6, $0xC07, v55  }
0xd4: {  	s13 =	simm.s32 $0x0;
	s2 =	rddreg [dreg:$0x2];
	s6 =	sor.u32 s5, s30;
	v32 =	vsel vm5, $0x48D, v32;
	v33 =	vsel vm5, $0xC8D, v33;
	v55 =	vsel vm5, $0xC88, v55  }
0xd5: {  	[smem:$0x7FF] =	sst s4;
	p0 =	slt.u32 s0, $0x2;
	s7 =	smul.u32 $0xF4, s6;
	v32 =	vsel vm4, $0x50E, v32;
	v33 =	vsel vm4, $0xD0E, v33;
	v55 =	vsel vm4, $0xD09, v55  }
0xd6: {  	s8 =	ssub.s32 $0x2, s5;
	_ =	strace $0x80000047;
	s31 =	smin.u32 s6, $0x4;
	v32 =	vsel vm3, $0x58F, v32;
	v33 =	vsel vm3, $0xD8F, v33;
	v55 =	vsel vm3, $0xD8A, v55  }
0xd7: {  	s9 =	sshrl.u32 s8, $0x1;
	s6 =	simm.s32 $0xF5;
	s5 =	sadd.s32 s31, s7;
	v32 =	vsel vm2, $0x600, v32;
	v33 =	vsel vm2, $0xE00, v33;
	v55 =	vsel vm2, $0xE0B, v55  }
0xd8: {  	s8 =	ssub.s32 s8, s9;
	s6 =	simm.s32 @!p0 $0xF4;
	s7 =	sshll.u32 s5, $0x7;
	v32 =	vsel vm0, $0x681, v32;
	v33 =	vsel vm0, $0xE81, v33;
	v55 =	vsel vm0, $0xE8C, v55  }
0xd9: {  	s9 =	simm.s32 $0x400;
	s8 =	smax.u32 s8, $0x1;
	s7 =	sadd.s32 s1, s7;
	v32 =	vsel vm1, $0x702, v32;
	v33 =	vsel vm1, $0xF02, v33;
	v55 =	vsel vm1, $0xF0D, v55  }
.LBB2_1:
0xda: {  	[tilespmem:s4], [sflag:$0x1] =	stream.strided.gather [hbm4b:s7+s9], $0x1000, s10, s9, $0x38;
	[tilespmem:$0x4000] =	vst v63  }
0xdb: {  	s15 =	simm.s32 $0x0  }
.LBB2_2:
0xdc: {  	s14 =	sadd.s32 $0x1, s15  }
0xdd: {  	p0 =	slt.u32 s14, s6  }
0xde: {  	s16 =	sadd.s32 @p0 s5, s15  }
0xdf: {  	s16 =	sshll.u32 @p0 s16, $0x7  }
0xe0: {  	s17 =	sand.u32 $0x1, s15;
	s16 =	sand.u32 @p0 $0x1FFFFF80, s16  }
0xe1: {  	s19 =	sshll.u32 @p0 s17, $0xC;
	s20 =	simm.s32 @p0 $0x400;
	s16 =	sadd.s32 @p0 s1, s16  }
0xe2: {  	s21 =	simm.s32 @p0 $0x7A1400;
	s18 =	sxor.u32 @p0 $0x1000, s19;
	s16 =	sadd.s32 @p0 $0x80, s16  }
0xe3: {  	[tilespmem:s18], [sflag:$0x1] =	stream.strided.gather @p0 [hbm4b:s16+s20], $0x1000, s21, s20, $0x38;
	[tilespmem:$0x4000] =	vst v63  }
0xe4: {  	s29 =	simm.s32 $0x0;
	_ =	swait.ge [sflag:s11], $0x1000  }
0xe5: {  	p1 =	slt.u32 s15, $0x2;
	v57 =	vor.u32 s29, v0;
	[sflag:s11] =	ssyncset.done $0x0  }
0xe6: {  	s30 =	simm.s32 $0x0;
	s20 =	simm.s32 @!p1 $0x2;
	[sflag:s11] =	ssyncadd.s32 $0xFFFFF000  }
0xe7: {  	v56 =	vmov s30;
	_ =	swait.ge @!p1 [sflag:s20], $0x1000  }
0xe8: {  	v56 =	vshll.u32 v56, $0x7;
	s16 =	sshll.u32 @!p0 s17, $0xC;
	[sflag:s20] =	ssyncset.done @!p1 $0x0  }
0xe9: {  	v58 =	vor.u32 v16, v56;
	s16 =	smov.u32 @p0 s19;
	[sflag:s20] =	ssyncadd.s32 @!p1 $0xFFFFF000  }
0xea: {  	v59 =	vor.u32 v17, v58;
	v57 =	vld.idx.msk [tilespmem:v57+s16+$0x0], $0xffff  }
0xeb: {  	v60 =	vor.u32 s29, v18;
	_ =	sdelay $0x2  }
0xec: {  	s17 =	sor.u32 $0x2000, s16  }
0xed: {  	[tilespmem:v59+s17+$0x0] =	vst.idx.msk $0xffff, v57  }
0xee: {  	v58 =	vor.u32 v19, v58;
	v57 =	vld.idx.msk [tilespmem:v60+s16+$0x0], $0xffff  }
0xef: {  	v63 =	vor.u32 s29, v20;
	_ =	sdelay $0x3  }
0xf0: {  	[tilespmem:v58+s17+$0x0] =	vst.idx.msk $0xffff, v57;
	v57 =	vor.u32 v15, v56  }
0xf1: {  	v58 =	vld.idx.msk [tilespmem:v63+s16+$0x0], $0xffff;
	v59 =	vor.u32 v21, v57  }
0xf2: {  	v60 =	vor.u32 s29, v22;
	_ =	sdelay $0x3  }
0xf3: {  	[tilespmem:v59+s17+$0x0] =	vst.idx.msk $0xffff, v58  }
0xf4: {  	v57 =	vor.u32 v23, v57;
	v58 =	vld.idx.msk [tilespmem:v60+s16+$0x0], $0xffff  }
0xf5: {  	v60 =	vor.u32 s29, v24;
	_ =	sdelay $0x3  }
0xf6: {  	[tilespmem:v57+s17+$0x0] =	vst.idx.msk $0xffff, v58;
	v57 =	vor.u32 v14, v56  }
0xf7: {  	v58 =	vld.idx.msk [tilespmem:v60+s16+$0x0], $0xffff;
	v59 =	vor.u32 v25, v57  }
0xf8: {  	v60 =	vor.u32 s29, v26;
	_ =	sdelay $0x3  }
0xf9: {  	[tilespmem:v59+s17+$0x0] =	vst.idx.msk $0xffff, v58  }
0xfa: {  	v57 =	vor.u32 v27, v57;
	v58 =	vld.idx.msk [tilespmem:v60+s16+$0x0], $0xffff  }
0xfb: {  	v61 =	vor.u32 s29, v28;
	_ =	sdelay $0x3  }
0xfc: {  	[tilespmem:v57+s17+$0x0] =	vst.idx.msk $0xffff, v58;
	v57 =	vor.u32 v13, v56  }
0xfd: {  	v58 =	vld.idx.msk [tilespmem:v61+s16+$0x0], $0xffff;
	v59 =	vor.u32 v29, v57  }
0xfe: {  	v60 =	vor.u32 s29, v30;
	_ =	sdelay $0x3  }
0xff: {  	[tilespmem:v59+s17+$0x0] =	vst.idx.msk $0xffff, v58  }
0x100: {  	v57 =	vor.u32 v31, v57;
	v58 =	vld.idx.msk [tilespmem:v60+s16+$0x0], $0xffff  }
0x101: {  	v62 =	vor.u32 s29, v32;
	_ =	sdelay $0x3  }
0x102: {  	[tilespmem:v57+s17+$0x0] =	vst.idx.msk $0xffff, v58;
	v57 =	vor.u32 v12, v56  }
0x103: {  	v58 =	vld.idx.msk [tilespmem:v62+s16+$0x0], $0xffff;
	v59 =	vor.u32 v17, v57  }
0x104: {  	v60 =	vor.u32 s29, v33;
	_ =	sdelay $0x3  }
0x105: {  	[tilespmem:v59+s17+$0x0] =	vst.idx.msk $0xffff, v58  }
0x106: {  	v57 =	vor.u32 v19, v57;
	v58 =	vld.idx.msk [tilespmem:v60+s16+$0x0], $0xffff  }
0x107: {  	v63 =	vor.u32 s29, v34;
	_ =	sdelay $0x3  }
0x108: {  	[tilespmem:v57+s17+$0x0] =	vst.idx.msk $0xffff, v58;
	v57 =	vor.u32 v11, v56  }
0x109: {  	v58 =	vld.idx.msk [tilespmem:v63+s16+$0x0], $0xffff;
	v59 =	vor.u32 v21, v57  }
0x10a: {  	v60 =	vor.u32 s29, v35;
	_ =	sdelay $0x3  }
0x10b: {  	[tilespmem:v59+s17+$0x0] =	vst.idx.msk $0xffff, v58  }
0x10c: {  	v57 =	vor.u32 v23, v57;
	v58 =	vld.idx.msk [tilespmem:v60+s16+$0x0], $0xffff  }
0x10d: {  	v60 =	vor.u32 s29, v36;
	_ =	sdelay $0x3  }
0x10e: {  	[tilespmem:v57+s17+$0x0] =	vst.idx.msk $0xffff, v58;
	v57 =	vor.u32 v10, v56  }
0x10f: {  	v58 =	vld.idx.msk [tilespmem:v60+s16+$0x0], $0xffff;
	v59 =	vor.u32 v25, v57  }
0x110: {  	v60 =	vor.u32 s29, v37;
	_ =	sdelay $0x3  }
0x111: {  	[tilespmem:v59+s17+$0x0] =	vst.idx.msk $0xffff, v58  }
0x112: {  	v57 =	vor.u32 v27, v57;
	v58 =	vld.idx.msk [tilespmem:v60+s16+$0x0], $0xffff  }
0x113: {  	v61 =	vor.u32 s29, v38;
	_ =	sdelay $0x3  }
0x114: {  	[tilespmem:v57+s17+$0x0] =	vst.idx.msk $0xffff, v58;
	v57 =	vor.u32 v9, v56  }
0x115: {  	v58 =	vld.idx.msk [tilespmem:v61+s16+$0x0], $0xffff;
	v59 =	vor.u32 v29, v57  }
0x116: {  	v60 =	vor.u32 s29, v39;
	_ =	sdelay $0x3  }
0x117: {  	[tilespmem:v59+s17+$0x0] =	vst.idx.msk $0xffff, v58  }
0x118: {  	v57 =	vor.u32 v31, v57;
	v58 =	vld.idx.msk [tilespmem:v60+s16+$0x0], $0xffff  }
0x119: {  	v62 =	vor.u32 s29, v40;
	_ =	sdelay $0x3  }
0x11a: {  	[tilespmem:v57+s17+$0x0] =	vst.idx.msk $0xffff, v58;
	v57 =	vor.u32 v8, v56  }
0x11b: {  	v58 =	vld.idx.msk [tilespmem:v62+s16+$0x0], $0xffff;
	v59 =	vor.u32 v17, v57  }
0x11c: {  	v60 =	vor.u32 s29, v41;
	_ =	sdelay $0x3  }
0x11d: {  	[tilespmem:v59+s17+$0x0] =	vst.idx.msk $0xffff, v58  }
0x11e: {  	v57 =	vor.u32 v19, v57;
	v58 =	vld.idx.msk [tilespmem:v60+s16+$0x0], $0xffff  }
0x11f: {  	v63 =	vor.u32 s29, v42;
	_ =	sdelay $0x3  }
0x120: {  	[tilespmem:v57+s17+$0x0] =	vst.idx.msk $0xffff, v58;
	v57 =	vor.u32 v7, v56  }
0x121: {  	v58 =	vld.idx.msk [tilespmem:v63+s16+$0x0], $0xffff;
	v59 =	vor.u32 v21, v57  }
0x122: {  	v60 =	vor.u32 s29, v43;
	_ =	sdelay $0x3  }
0x123: {  	[tilespmem:v59+s17+$0x0] =	vst.idx.msk $0xffff, v58  }
0x124: {  	v57 =	vor.u32 v23, v57;
	v58 =	vld.idx.msk [tilespmem:v60+s16+$0x0], $0xffff  }
0x125: {  	v60 =	vor.u32 s29, v44;
	_ =	sdelay $0x3  }
0x126: {  	[tilespmem:v57+s17+$0x0] =	vst.idx.msk $0xffff, v58;
	v57 =	vor.u32 v6, v56  }
0x127: {  	v58 =	vld.idx.msk [tilespmem:v60+s16+$0x0], $0xffff;
	v59 =	vor.u32 v25, v57  }
0x128: {  	v60 =	vor.u32 s29, v45;
	_ =	sdelay $0x3  }
0x129: {  	[tilespmem:v59+s17+$0x0] =	vst.idx.msk $0xffff, v58  }
0x12a: {  	v57 =	vor.u32 v27, v57;
	v58 =	vld.idx.msk [tilespmem:v60+s16+$0x0], $0xffff  }
0x12b: {  	v61 =	vor.u32 s29, v46;
	_ =	sdelay $0x3  }
0x12c: {  	[tilespmem:v57+s17+$0x0] =	vst.idx.msk $0xffff, v58;
	v57 =	vor.u32 v5, v56  }
0x12d: {  	v58 =	vld.idx.msk [tilespmem:v61+s16+$0x0], $0xffff;
	v59 =	vor.u32 v29, v57  }
0x12e: {  	v60 =	vor.u32 s29, v47;
	_ =	sdelay $0x3  }
0x12f: {  	[tilespmem:v59+s17+$0x0] =	vst.idx.msk $0xffff, v58  }
0x130: {  	v57 =	vor.u32 v31, v57;
	v58 =	vld.idx.msk [tilespmem:v60+s16+$0x0], $0xffff  }
0x131: {  	v62 =	vor.u32 s29, v48;
	_ =	sdelay $0x3  }
0x132: {  	[tilespmem:v57+s17+$0x0] =	vst.idx.msk $0xffff, v58;
	v57 =	vor.u32 v4, v56  }
0x133: {  	v58 =	vld.idx.msk [tilespmem:v62+s16+$0x0], $0xffff;
	v59 =	vor.u32 v17, v57  }
0x134: {  	v60 =	vor.u32 s29, v49;
	_ =	sdelay $0x3  }
0x135: {  	[tilespmem:v59+s17+$0x0] =	vst.idx.msk $0xffff, v58  }
0x136: {  	v57 =	vor.u32 v19, v57;
	v58 =	vld.idx.msk [tilespmem:v60+s16+$0x0], $0xffff  }
0x137: {  	v63 =	vor.u32 s29, v50;
	_ =	sdelay $0x3  }
0x138: {  	[tilespmem:v57+s17+$0x0] =	vst.idx.msk $0xffff, v58;
	v57 =	vor.u32 v3, v56  }
0x139: {  	v58 =	vld.idx.msk [tilespmem:v63+s16+$0x0], $0xffff;
	v59 =	vor.u32 v21, v57  }
0x13a: {  	v60 =	vor.u32 s29, v51;
	_ =	sdelay $0x3  }
0x13b: {  	[tilespmem:v59+s17+$0x0] =	vst.idx.msk $0xffff, v58  }
0x13c: {  	v57 =	vor.u32 v23, v57;
	v58 =	vld.idx.msk [tilespmem:v60+s16+$0x0], $0xffff  }
0x13d: {  	v60 =	vor.u32 s29, v52;
	_ =	sdelay $0x3  }
0x13e: {  	[tilespmem:v57+s17+$0x0] =	vst.idx.msk $0xffff, v58;
	v57 =	vor.u32 v2, v56  }
0x13f: {  	v58 =	vld.idx.msk [tilespmem:v60+s16+$0x0], $0xffff;
	v59 =	vor.u32 v25, v57  }
0x140: {  	v60 =	vor.u32 s29, v53;
	_ =	sdelay $0x3  }
0x141: {  	[tilespmem:v59+s17+$0x0] =	vst.idx.msk $0xffff, v58  }
0x142: {  	v57 =	vor.u32 v27, v57;
	v58 =	vld.idx.msk [tilespmem:v60+s16+$0x0], $0xffff  }
0x143: {  	v61 =	vor.u32 s29, v54;
	_ =	sdelay $0x3  }
0x144: {  	v56 =	vor.u32 v1, v56;
	[tilespmem:v57+s17+$0x0] =	vst.idx.msk $0xffff, v58  }
0x145: {  	v62 =	vor.u32 v29, v56;
	v57 =	vld.idx.msk [tilespmem:v61+s16+$0x0], $0xffff  }
0x146: {  	v63 =	vor.u32 s29, v55;
	_ =	sdelay $0x3  }
0x147: {  	[tilespmem:v62+s17+$0x0] =	vst.idx.msk $0xffff, v57  }
0x148: {  	s31 =	simm.s32 $0x10;
	v60 =	vor.u32 v31, v56;
	v57 =	vld.idx.msk [tilespmem:v63+s16+$0x0], $0xffff  }
0x149: {  	v61 =	vor.u32 s31, v0  }
0x14a: {  	s18 =	simm.s32 $0x4  }
0x14b: {  	v62 =	vmov s18  }
0x14c: {  	v56 =	vshll.u32 v62, $0x7  }
0x14d: {  	[tilespmem:v60+s17+$0x0] =	vst.idx.msk $0xffff, v57;
	v57 =	vor.u32 v16, v56  }
0x14e: {  	v58 =	vld.idx.msk [tilespmem:v61+s16+$0x0], $0xffff;
	v59 =	vor.u32 v17, v57  }
0x14f: {  	v60 =	vor.u32 s31, v18;
	_ =	sdelay $0x3  }
0x150: {  	[tilespmem:v59+s17+$0x0] =	vst.idx.msk $0xffff, v58  }
0x151: {  	v57 =	vor.u32 v19, v57;
	v58 =	vld.idx.msk [tilespmem:v60+s16+$0x0], $0xffff  }
0x152: {  	v63 =	vor.u32 s31, v20;
	_ =	sdelay $0x3  }
0x153: {  	[tilespmem:v57+s17+$0x0] =	vst.idx.msk $0xffff, v58;
	v57 =	vor.u32 v15, v56  }
0x154: {  	v58 =	vld.idx.msk [tilespmem:v63+s16+$0x0], $0xffff;
	v59 =	vor.u32 v21, v57  }
0x155: {  	v60 =	vor.u32 s31, v22;
	_ =	sdelay $0x3  }
0x156: {  	[tilespmem:v59+s17+$0x0] =	vst.idx.msk $0xffff, v58  }
0x157: {  	v57 =	vor.u32 v23, v57;
	v58 =	vld.idx.msk [tilespmem:v60+s16+$0x0], $0xffff  }
0x158: {  	v60 =	vor.u32 s31, v24;
	_ =	sdelay $0x3  }
0x159: {  	[tilespmem:v57+s17+$0x0] =	vst.idx.msk $0xffff, v58;
	v57 =	vor.u32 v14, v56  }
0x15a: {  	v58 =	vld.idx.msk [tilespmem:v60+s16+$0x0], $0xffff;
	v59 =	vor.u32 v25, v57  }
0x15b: {  	v60 =	vor.u32 s31, v26;
	_ =	sdelay $0x3  }
0x15c: {  	[tilespmem:v59+s17+$0x0] =	vst.idx.msk $0xffff, v58  }
0x15d: {  	v57 =	vor.u32 v27, v57;
	v58 =	vld.idx.msk [tilespmem:v60+s16+$0x0], $0xffff  }
0x15e: {  	v61 =	vor.u32 s31, v28;
	_ =	sdelay $0x3  }
0x15f: {  	[tilespmem:v57+s17+$0x0] =	vst.idx.msk $0xffff, v58;
	v57 =	vor.u32 v13, v56  }
0x160: {  	v58 =	vld.idx.msk [tilespmem:v61+s16+$0x0], $0xffff;
	v59 =	vor.u32 v29, v57  }
0x161: {  	v60 =	vor.u32 s31, v30;
	_ =	sdelay $0x3  }
0x162: {  	[tilespmem:v59+s17+$0x0] =	vst.idx.msk $0xffff, v58  }
0x163: {  	v57 =	vor.u32 v31, v57;
	v58 =	vld.idx.msk [tilespmem:v60+s16+$0x0], $0xffff  }
0x164: {  	v62 =	vor.u32 s31, v32;
	_ =	sdelay $0x3  }
0x165: {  	[tilespmem:v57+s17+$0x0] =	vst.idx.msk $0xffff, v58;
	v57 =	vor.u32 v12, v56  }
0x166: {  	v58 =	vld.idx.msk [tilespmem:v62+s16+$0x0], $0xffff;
	v59 =	vor.u32 v17, v57  }
0x167: {  	v60 =	vor.u32 s31, v33;
	_ =	sdelay $0x3  }
0x168: {  	[tilespmem:v59+s17+$0x0] =	vst.idx.msk $0xffff, v58  }
0x169: {  	v57 =	vor.u32 v19, v57;
	v58 =	vld.idx.msk [tilespmem:v60+s16+$0x0], $0xffff  }
0x16a: {  	v63 =	vor.u32 s31, v34;
	_ =	sdelay $0x3  }
0x16b: {  	[tilespmem:v57+s17+$0x0] =	vst.idx.msk $0xffff, v58;
	v57 =	vor.u32 v11, v56  }
0x16c: {  	v58 =	vld.idx.msk [tilespmem:v63+s16+$0x0], $0xffff;
	v59 =	vor.u32 v21, v57  }
0x16d: {  	v60 =	vor.u32 s31, v35;
	_ =	sdelay $0x3  }
0x16e: {  	[tilespmem:v59+s17+$0x0] =	vst.idx.msk $0xffff, v58  }
0x16f: {  	v57 =	vor.u32 v23, v57;
	v58 =	vld.idx.msk [tilespmem:v60+s16+$0x0], $0xffff  }
0x170: {  	v60 =	vor.u32 s31, v36;
	_ =	sdelay $0x3  }
0x171: {  	[tilespmem:v57+s17+$0x0] =	vst.idx.msk $0xffff, v58;
	v57 =	vor.u32 v10, v56  }
0x172: {  	v58 =	vld.idx.msk [tilespmem:v60+s16+$0x0], $0xffff;
	v59 =	vor.u32 v25, v57  }
0x173: {  	v60 =	vor.u32 s31, v37;
	_ =	sdelay $0x3  }
0x174: {  	[tilespmem:v59+s17+$0x0] =	vst.idx.msk $0xffff, v58  }
0x175: {  	v57 =	vor.u32 v27, v57;
	v58 =	vld.idx.msk [tilespmem:v60+s16+$0x0], $0xffff  }
0x176: {  	v61 =	vor.u32 s31, v38;
	_ =	sdelay $0x3  }
0x177: {  	[tilespmem:v57+s17+$0x0] =	vst.idx.msk $0xffff, v58;
	v57 =	vor.u32 v9, v56  }
0x178: {  	v58 =	vld.idx.msk [tilespmem:v61+s16+$0x0], $0xffff;
	v59 =	vor.u32 v29, v57  }
0x179: {  	v60 =	vor.u32 s31, v39;
	_ =	sdelay $0x3  }
0x17a: {  	[tilespmem:v59+s17+$0x0] =	vst.idx.msk $0xffff, v58  }
0x17b: {  	v57 =	vor.u32 v31, v57;
	v58 =	vld.idx.msk [tilespmem:v60+s16+$0x0], $0xffff  }
0x17c: {  	v62 =	vor.u32 s31, v40;
	_ =	sdelay $0x3  }
0x17d: {  	[tilespmem:v57+s17+$0x0] =	vst.idx.msk $0xffff, v58;
	v57 =	vor.u32 v8, v56  }
0x17e: {  	v58 =	vld.idx.msk [tilespmem:v62+s16+$0x0], $0xffff;
	v59 =	vor.u32 v17, v57  }
0x17f: {  	v60 =	vor.u32 s31, v41;
	_ =	sdelay $0x3  }
0x180: {  	[tilespmem:v59+s17+$0x0] =	vst.idx.msk $0xffff, v58  }
0x181: {  	v57 =	vor.u32 v19, v57;
	v58 =	vld.idx.msk [tilespmem:v60+s16+$0x0], $0xffff  }
0x182: {  	v63 =	vor.u32 s31, v42;
	_ =	sdelay $0x3  }
0x183: {  	[tilespmem:v57+s17+$0x0] =	vst.idx.msk $0xffff, v58;
	v57 =	vor.u32 v7, v56  }
0x184: {  	v58 =	vld.idx.msk [tilespmem:v63+s16+$0x0], $0xffff;
	v59 =	vor.u32 v21, v57  }
0x185: {  	v60 =	vor.u32 s31, v43;
	_ =	sdelay $0x3  }
0x186: {  	[tilespmem:v59+s17+$0x0] =	vst.idx.msk $0xffff, v58  }
0x187: {  	v57 =	vor.u32 v23, v57;
	v58 =	vld.idx.msk [tilespmem:v60+s16+$0x0], $0xffff  }
0x188: {  	v60 =	vor.u32 s31, v44;
	_ =	sdelay $0x3  }
0x189: {  	[tilespmem:v57+s17+$0x0] =	vst.idx.msk $0xffff, v58;
	v57 =	vor.u32 v6, v56  }
0x18a: {  	v58 =	vld.idx.msk [tilespmem:v60+s16+$0x0], $0xffff;
	v59 =	vor.u32 v25, v57  }
0x18b: {  	v60 =	vor.u32 s31, v45;
	_ =	sdelay $0x3  }
0x18c: {  	[tilespmem:v59+s17+$0x0] =	vst.idx.msk $0xffff, v58  }
0x18d: {  	v57 =	vor.u32 v27, v57;
	v58 =	vld.idx.msk [tilespmem:v60+s16+$0x0], $0xffff  }
0x18e: {  	v61 =	vor.u32 s31, v46;
	_ =	sdelay $0x3  }
0x18f: {  	[tilespmem:v57+s17+$0x0] =	vst.idx.msk $0xffff, v58;
	v57 =	vor.u32 v5, v56  }
0x190: {  	v58 =	vld.idx.msk [tilespmem:v61+s16+$0x0], $0xffff;
	v59 =	vor.u32 v29, v57  }
0x191: {  	v60 =	vor.u32 s31, v47;
	_ =	sdelay $0x3  }
0x192: {  	[tilespmem:v59+s17+$0x0] =	vst.idx.msk $0xffff, v58  }
0x193: {  	v57 =	vor.u32 v31, v57;
	v58 =	vld.idx.msk [tilespmem:v60+s16+$0x0], $0xffff  }
0x194: {  	v62 =	vor.u32 s31, v48;
	_ =	sdelay $0x3  }
0x195: {  	[tilespmem:v57+s17+$0x0] =	vst.idx.msk $0xffff, v58;
	v57 =	vor.u32 v4, v56  }
0x196: {  	v58 =	vld.idx.msk [tilespmem:v62+s16+$0x0], $0xffff;
	v59 =	vor.u32 v17, v57  }
0x197: {  	v60 =	vor.u32 s31, v49;
	_ =	sdelay $0x3  }
0x198: {  	[tilespmem:v59+s17+$0x0] =	vst.idx.msk $0xffff, v58  }
0x199: {  	v57 =	vor.u32 v19, v57;
	v58 =	vld.idx.msk [tilespmem:v60+s16+$0x0], $0xffff  }
0x19a: {  	v63 =	vor.u32 s31, v50;
	_ =	sdelay $0x3  }
0x19b: {  	[tilespmem:v57+s17+$0x0] =	vst.idx.msk $0xffff, v58;
	v57 =	vor.u32 v3, v56  }
0x19c: {  	v58 =	vld.idx.msk [tilespmem:v63+s16+$0x0], $0xffff;
	v59 =	vor.u32 v21, v57  }
0x19d: {  	v60 =	vor.u32 s31, v51;
	_ =	sdelay $0x3  }
0x19e: {  	[tilespmem:v59+s17+$0x0] =	vst.idx.msk $0xffff, v58  }
0x19f: {  	v57 =	vor.u32 v23, v57;
	v58 =	vld.idx.msk [tilespmem:v60+s16+$0x0], $0xffff  }
0x1a0: {  	v60 =	vor.u32 s31, v52;
	_ =	sdelay $0x3  }
0x1a1: {  	[tilespmem:v57+s17+$0x0] =	vst.idx.msk $0xffff, v58;
	v57 =	vor.u32 v2, v56  }
0x1a2: {  	v58 =	vld.idx.msk [tilespmem:v60+s16+$0x0], $0xffff;
	v59 =	vor.u32 v25, v57  }
0x1a3: {  	v60 =	vor.u32 s31, v53;
	_ =	sdelay $0x3  }
0x1a4: {  	[tilespmem:v59+s17+$0x0] =	vst.idx.msk $0xffff, v58  }
0x1a5: {  	v57 =	vor.u32 v27, v57;
	v58 =	vld.idx.msk [tilespmem:v60+s16+$0x0], $0xffff  }
0x1a6: {  	v61 =	vor.u32 s31, v54;
	_ =	sdelay $0x3  }
0x1a7: {  	v56 =	vor.u32 v1, v56;
	[tilespmem:v57+s17+$0x0] =	vst.idx.msk $0xffff, v58  }
0x1a8: {  	v62 =	vor.u32 v29, v56;
	v57 =	vld.idx.msk [tilespmem:v61+s16+$0x0], $0xffff  }
0x1a9: {  	v63 =	vor.u32 s31, v55;
	_ =	sdelay $0x3  }
0x1aa: {  	[tilespmem:v62+s17+$0x0] =	vst.idx.msk $0xffff, v57  }
0x1ab: {  	s19 =	simm.s32 $0x0;
	s20 =	simm.s32 $0x30;
	v57 =	vld.idx.msk [tilespmem:v63+s16+$0x0], $0xffff  }
.LBB2_3:
0x1ac: {  	s21 =	sadd.s32 $0xFFFFFFF0, s20;
	s19 =	sadd.s32 $0x2, s19;
	v58 =	vor.u32 v31, v56  }
0x1ad: {  	v59 =	vor.u32 s21, v0;
	p0 =	slt.u32 s19, $0x6  }
0x1ae: {  	s18 =	sadd.s32 $0x8, s18  }
0x1af: {  	s22 =	sadd.s32 $0xFFFFFFFC, s18  }
0x1b0: {  	v56 =	vmov s22  }
0x1b1: {  	v56 =	vshll.u32 v56, $0x7;
	[tilespmem:v58+s17+$0x0] =	vst.idx.msk $0xffff, v57  }
0x1b2: {  	v58 =	vor.u32 v16, v56;
	v57 =	vld.idx.msk [tilespmem:v59+s16+$0x0], $0xffff  }
0x1b3: {  	v59 =	vor.u32 v17, v58  }
0x1b4: {  	v60 =	vor.u32 s21, v18;
	_ =	sdelay $0x3  }
0x1b5: {  	[tilespmem:v59+s17+$0x0] =	vst.idx.msk $0xffff, v57  }
0x1b6: {  	v57 =	vld.idx.msk [tilespmem:v60+s16+$0x0], $0xffff  }
0x1b7: {  	v58 =	vor.u32 v19, v58  }
0x1b8: {  	v59 =	vor.u32 s21, v20;
	_ =	sdelay $0x3  }
0x1b9: {  	[tilespmem:v58+s17+$0x0] =	vst.idx.msk $0xffff, v57  }
0x1ba: {  	v58 =	vor.u32 v15, v56;
	v57 =	vld.idx.msk [tilespmem:v59+s16+$0x0], $0xffff  }
0x1bb: {  	v59 =	vor.u32 v21, v58  }
0x1bc: {  	v60 =	vor.u32 s21, v22;
	_ =	sdelay $0x3  }
0x1bd: {  	[tilespmem:v59+s17+$0x0] =	vst.idx.msk $0xffff, v57  }
0x1be: {  	v57 =	vld.idx.msk [tilespmem:v60+s16+$0x0], $0xffff  }
0x1bf: {  	v58 =	vor.u32 v23, v58  }
0x1c0: {  	v59 =	vor.u32 s21, v24;
	_ =	sdelay $0x3  }
0x1c1: {  	[tilespmem:v58+s17+$0x0] =	vst.idx.msk $0xffff, v57  }
0x1c2: {  	v58 =	vor.u32 v14, v56;
	v57 =	vld.idx.msk [tilespmem:v59+s16+$0x0], $0xffff  }
0x1c3: {  	v59 =	vor.u32 v25, v58  }
0x1c4: {  	v60 =	vor.u32 s21, v26;
	_ =	sdelay $0x3  }
0x1c5: {  	[tilespmem:v59+s17+$0x0] =	vst.idx.msk $0xffff, v57  }
0x1c6: {  	v57 =	vld.idx.msk [tilespmem:v60+s16+$0x0], $0xffff  }
0x1c7: {  	v58 =	vor.u32 v27, v58  }
0x1c8: {  	v59 =	vor.u32 s21, v28;
	_ =	sdelay $0x3  }
0x1c9: {  	[tilespmem:v58+s17+$0x0] =	vst.idx.msk $0xffff, v57  }
0x1ca: {  	v58 =	vor.u32 v13, v56;
	v57 =	vld.idx.msk [tilespmem:v59+s16+$0x0], $0xffff  }
0x1cb: {  	v59 =	vor.u32 v29, v58  }
0x1cc: {  	v60 =	vor.u32 s21, v30;
	_ =	sdelay $0x3  }
0x1cd: {  	[tilespmem:v59+s17+$0x0] =	vst.idx.msk $0xffff, v57  }
0x1ce: {  	v57 =	vld.idx.msk [tilespmem:v60+s16+$0x0], $0xffff  }
0x1cf: {  	v58 =	vor.u32 v31, v58  }
0x1d0: {  	v59 =	vor.u32 s21, v32;
	_ =	sdelay $0x3  }
0x1d1: {  	[tilespmem:v58+s17+$0x0] =	vst.idx.msk $0xffff, v57  }
0x1d2: {  	v58 =	vor.u32 v12, v56;
	v57 =	vld.idx.msk [tilespmem:v59+s16+$0x0], $0xffff  }
0x1d3: {  	v59 =	vor.u32 v17, v58  }
0x1d4: {  	v60 =	vor.u32 s21, v33;
	_ =	sdelay $0x3  }
0x1d5: {  	[tilespmem:v59+s17+$0x0] =	vst.idx.msk $0xffff, v57  }
0x1d6: {  	v57 =	vld.idx.msk [tilespmem:v60+s16+$0x0], $0xffff  }
0x1d7: {  	v58 =	vor.u32 v19, v58  }
0x1d8: {  	v59 =	vor.u32 s21, v34;
	_ =	sdelay $0x3  }
0x1d9: {  	[tilespmem:v58+s17+$0x0] =	vst.idx.msk $0xffff, v57  }
0x1da: {  	v58 =	vor.u32 v11, v56;
	v57 =	vld.idx.msk [tilespmem:v59+s16+$0x0], $0xffff  }
0x1db: {  	v59 =	vor.u32 v21, v58  }
0x1dc: {  	v60 =	vor.u32 s21, v35;
	_ =	sdelay $0x3  }
0x1dd: {  	[tilespmem:v59+s17+$0x0] =	vst.idx.msk $0xffff, v57  }
0x1de: {  	v57 =	vld.idx.msk [tilespmem:v60+s16+$0x0], $0xffff  }
0x1df: {  	v58 =	vor.u32 v23, v58  }
0x1e0: {  	v59 =	vor.u32 s21, v36;
	_ =	sdelay $0x3  }
0x1e1: {  	[tilespmem:v58+s17+$0x0] =	vst.idx.msk $0xffff, v57  }
0x1e2: {  	v58 =	vor.u32 v10, v56;
	v57 =	vld.idx.msk [tilespmem:v59+s16+$0x0], $0xffff  }
0x1e3: {  	v59 =	vor.u32 v25, v58  }
0x1e4: {  	v60 =	vor.u32 s21, v37;
	_ =	sdelay $0x3  }
0x1e5: {  	[tilespmem:v59+s17+$0x0] =	vst.idx.msk $0xffff, v57  }
0x1e6: {  	v57 =	vld.idx.msk [tilespmem:v60+s16+$0x0], $0xffff  }
0x1e7: {  	v58 =	vor.u32 v27, v58  }
0x1e8: {  	v59 =	vor.u32 s21, v38;
	_ =	sdelay $0x3  }
0x1e9: {  	[tilespmem:v58+s17+$0x0] =	vst.idx.msk $0xffff, v57  }
0x1ea: {  	v58 =	vor.u32 v9, v56;
	v57 =	vld.idx.msk [tilespmem:v59+s16+$0x0], $0xffff  }
0x1eb: {  	v59 =	vor.u32 v29, v58  }
0x1ec: {  	v60 =	vor.u32 s21, v39;
	_ =	sdelay $0x3  }
0x1ed: {  	[tilespmem:v59+s17+$0x0] =	vst.idx.msk $0xffff, v57  }
0x1ee: {  	v57 =	vld.idx.msk [tilespmem:v60+s16+$0x0], $0xffff  }
0x1ef: {  	v58 =	vor.u32 v31, v58  }
0x1f0: {  	v59 =	vor.u32 s21, v40;
	_ =	sdelay $0x3  }
0x1f1: {  	[tilespmem:v58+s17+$0x0] =	vst.idx.msk $0xffff, v57  }
0x1f2: {  	v58 =	vor.u32 v8, v56;
	v57 =	vld.idx.msk [tilespmem:v59+s16+$0x0], $0xffff  }
0x1f3: {  	v59 =	vor.u32 v17, v58  }
0x1f4: {  	v60 =	vor.u32 s21, v41;
	_ =	sdelay $0x3  }
0x1f5: {  	[tilespmem:v59+s17+$0x0] =	vst.idx.msk $0xffff, v57  }
0x1f6: {  	v57 =	vld.idx.msk [tilespmem:v60+s16+$0x0], $0xffff  }
0x1f7: {  	v58 =	vor.u32 v19, v58  }
0x1f8: {  	v59 =	vor.u32 s21, v42;
	_ =	sdelay $0x3  }
0x1f9: {  	[tilespmem:v58+s17+$0x0] =	vst.idx.msk $0xffff, v57  }
0x1fa: {  	v58 =	vor.u32 v7, v56;
	v57 =	vld.idx.msk [tilespmem:v59+s16+$0x0], $0xffff  }
0x1fb: {  	v59 =	vor.u32 v21, v58  }
0x1fc: {  	v60 =	vor.u32 s21, v43;
	_ =	sdelay $0x3  }
0x1fd: {  	[tilespmem:v59+s17+$0x0] =	vst.idx.msk $0xffff, v57  }
0x1fe: {  	v57 =	vld.idx.msk [tilespmem:v60+s16+$0x0], $0xffff  }
0x1ff: {  	v58 =	vor.u32 v23, v58  }
0x200: {  	v59 =	vor.u32 s21, v44;
	_ =	sdelay $0x3  }
0x201: {  	[tilespmem:v58+s17+$0x0] =	vst.idx.msk $0xffff, v57  }
0x202: {  	v58 =	vor.u32 v6, v56;
	v57 =	vld.idx.msk [tilespmem:v59+s16+$0x0], $0xffff  }
0x203: {  	v59 =	vor.u32 v25, v58  }
0x204: {  	v60 =	vor.u32 s21, v45;
	_ =	sdelay $0x3  }
0x205: {  	[tilespmem:v59+s17+$0x0] =	vst.idx.msk $0xffff, v57  }
0x206: {  	v57 =	vld.idx.msk [tilespmem:v60+s16+$0x0], $0xffff  }
0x207: {  	v58 =	vor.u32 v27, v58  }
0x208: {  	v59 =	vor.u32 s21, v46;
	_ =	sdelay $0x3  }
0x209: {  	[tilespmem:v58+s17+$0x0] =	vst.idx.msk $0xffff, v57  }
0x20a: {  	v58 =	vor.u32 v5, v56;
	v57 =	vld.idx.msk [tilespmem:v59+s16+$0x0], $0xffff  }
0x20b: {  	v59 =	vor.u32 v29, v58  }
0x20c: {  	v60 =	vor.u32 s21, v47;
	_ =	sdelay $0x3  }
0x20d: {  	[tilespmem:v59+s17+$0x0] =	vst.idx.msk $0xffff, v57  }
0x20e: {  	v57 =	vld.idx.msk [tilespmem:v60+s16+$0x0], $0xffff  }
0x20f: {  	v58 =	vor.u32 v31, v58  }
0x210: {  	v59 =	vor.u32 s21, v48;
	_ =	sdelay $0x3  }
0x211: {  	[tilespmem:v58+s17+$0x0] =	vst.idx.msk $0xffff, v57  }
0x212: {  	v58 =	vor.u32 v4, v56;
	v57 =	vld.idx.msk [tilespmem:v59+s16+$0x0], $0xffff  }
0x213: {  	v59 =	vor.u32 v17, v58  }
0x214: {  	v60 =	vor.u32 s21, v49;
	_ =	sdelay $0x3  }
0x215: {  	[tilespmem:v59+s17+$0x0] =	vst.idx.msk $0xffff, v57  }
0x216: {  	v57 =	vld.idx.msk [tilespmem:v60+s16+$0x0], $0xffff  }
0x217: {  	v58 =	vor.u32 v19, v58  }
0x218: {  	v59 =	vor.u32 s21, v50;
	_ =	sdelay $0x3  }
0x219: {  	[tilespmem:v58+s17+$0x0] =	vst.idx.msk $0xffff, v57  }
0x21a: {  	v58 =	vor.u32 v3, v56;
	v57 =	vld.idx.msk [tilespmem:v59+s16+$0x0], $0xffff  }
0x21b: {  	v59 =	vor.u32 v21, v58  }
0x21c: {  	v60 =	vor.u32 s21, v51;
	_ =	sdelay $0x3  }
0x21d: {  	[tilespmem:v59+s17+$0x0] =	vst.idx.msk $0xffff, v57  }
0x21e: {  	v57 =	vld.idx.msk [tilespmem:v60+s16+$0x0], $0xffff  }
0x21f: {  	v58 =	vor.u32 v23, v58  }
0x220: {  	v59 =	vor.u32 s21, v52;
	_ =	sdelay $0x3  }
0x221: {  	[tilespmem:v58+s17+$0x0] =	vst.idx.msk $0xffff, v57  }
0x222: {  	v58 =	vor.u32 v2, v56;
	v57 =	vld.idx.msk [tilespmem:v59+s16+$0x0], $0xffff  }
0x223: {  	v59 =	vor.u32 v25, v58  }
0x224: {  	v60 =	vor.u32 s21, v53;
	_ =	sdelay $0x3  }
0x225: {  	[tilespmem:v59+s17+$0x0] =	vst.idx.msk $0xffff, v57  }
0x226: {  	v57 =	vld.idx.msk [tilespmem:v60+s16+$0x0], $0xffff  }
0x227: {  	v58 =	vor.u32 v27, v58  }
0x228: {  	v59 =	vor.u32 s21, v54;
	_ =	sdelay $0x3  }
0x229: {  	[tilespmem:v58+s17+$0x0] =	vst.idx.msk $0xffff, v57  }
0x22a: {  	v56 =	vor.u32 v1, v56;
	v57 =	vld.idx.msk [tilespmem:v59+s16+$0x0], $0xffff  }
0x22b: {  	v58 =	vor.u32 v29, v56  }
0x22c: {  	v59 =	vor.u32 s21, v55;
	_ =	sdelay $0x3  }
0x22d: {  	[tilespmem:v58+s17+$0x0] =	vst.idx.msk $0xffff, v57  }
0x22e: {  	v57 =	vld.idx.msk [tilespmem:v59+s16+$0x0], $0xffff  }
0x22f: {  	v56 =	vor.u32 v31, v56  }
0x230: {  	v58 =	vor.u32 s20, v0;
	_ =	sdelay $0x2  }
0x231: {  	v59 =	vmov s18  }
0x232: {  	[tilespmem:v56+s17+$0x0] =	vst.idx.msk $0xffff, v57;
	v56 =	vshll.u32 v59, $0x7  }
0x233: {  	v57 =	vld.idx.msk [tilespmem:v58+s16+$0x0], $0xffff;
	v58 =	vor.u32 v16, v56  }
0x234: {  	v59 =	vor.u32 v17, v58  }
0x235: {  	v60 =	vor.u32 s20, v18;
	_ =	sdelay $0x3  }
0x236: {  	[tilespmem:v59+s17+$0x0] =	vst.idx.msk $0xffff, v57  }
0x237: {  	v57 =	vld.idx.msk [tilespmem:v60+s16+$0x0], $0xffff  }
0x238: {  	v58 =	vor.u32 v19, v58  }
0x239: {  	v59 =	vor.u32 s20, v20;
	_ =	sdelay $0x3  }
0x23a: {  	[tilespmem:v58+s17+$0x0] =	vst.idx.msk $0xffff, v57  }
0x23b: {  	v58 =	vor.u32 v15, v56;
	v57 =	vld.idx.msk [tilespmem:v59+s16+$0x0], $0xffff  }
0x23c: {  	v59 =	vor.u32 v21, v58  }
0x23d: {  	v60 =	vor.u32 s20, v22;
	_ =	sdelay $0x3  }
0x23e: {  	[tilespmem:v59+s17+$0x0] =	vst.idx.msk $0xffff, v57  }
0x23f: {  	v57 =	vld.idx.msk [tilespmem:v60+s16+$0x0], $0xffff  }
0x240: {  	v58 =	vor.u32 v23, v58  }
0x241: {  	v59 =	vor.u32 s20, v24;
	_ =	sdelay $0x3  }
0x242: {  	[tilespmem:v58+s17+$0x0] =	vst.idx.msk $0xffff, v57  }
0x243: {  	v58 =	vor.u32 v14, v56;
	v57 =	vld.idx.msk [tilespmem:v59+s16+$0x0], $0xffff  }
0x244: {  	v59 =	vor.u32 v25, v58  }
0x245: {  	v60 =	vor.u32 s20, v26;
	_ =	sdelay $0x3  }
0x246: {  	[tilespmem:v59+s17+$0x0] =	vst.idx.msk $0xffff, v57  }
0x247: {  	v57 =	vld.idx.msk [tilespmem:v60+s16+$0x0], $0xffff  }
0x248: {  	v58 =	vor.u32 v27, v58  }
0x249: {  	v59 =	vor.u32 s20, v28;
	_ =	sdelay $0x3  }
0x24a: {  	[tilespmem:v58+s17+$0x0] =	vst.idx.msk $0xffff, v57  }
0x24b: {  	v58 =	vor.u32 v13, v56;
	v57 =	vld.idx.msk [tilespmem:v59+s16+$0x0], $0xffff  }
0x24c: {  	v59 =	vor.u32 v29, v58  }
0x24d: {  	v60 =	vor.u32 s20, v30;
	_ =	sdelay $0x3  }
0x24e: {  	[tilespmem:v59+s17+$0x0] =	vst.idx.msk $0xffff, v57  }
0x24f: {  	v57 =	vld.idx.msk [tilespmem:v60+s16+$0x0], $0xffff  }
0x250: {  	v58 =	vor.u32 v31, v58  }
0x251: {  	v59 =	vor.u32 s20, v32;
	_ =	sdelay $0x3  }
0x252: {  	[tilespmem:v58+s17+$0x0] =	vst.idx.msk $0xffff, v57  }
0x253: {  	v58 =	vor.u32 v12, v56;
	v57 =	vld.idx.msk [tilespmem:v59+s16+$0x0], $0xffff  }
0x254: {  	v59 =	vor.u32 v17, v58  }
0x255: {  	v60 =	vor.u32 s20, v33;
	_ =	sdelay $0x3  }
0x256: {  	[tilespmem:v59+s17+$0x0] =	vst.idx.msk $0xffff, v57  }
0x257: {  	v57 =	vld.idx.msk [tilespmem:v60+s16+$0x0], $0xffff  }
0x258: {  	v58 =	vor.u32 v19, v58  }
0x259: {  	v59 =	vor.u32 s20, v34;
	_ =	sdelay $0x3  }
0x25a: {  	[tilespmem:v58+s17+$0x0] =	vst.idx.msk $0xffff, v57  }
0x25b: {  	v58 =	vor.u32 v11, v56;
	v57 =	vld.idx.msk [tilespmem:v59+s16+$0x0], $0xffff  }
0x25c: {  	v59 =	vor.u32 v21, v58  }
0x25d: {  	v60 =	vor.u32 s20, v35;
	_ =	sdelay $0x3  }
0x25e: {  	[tilespmem:v59+s17+$0x0] =	vst.idx.msk $0xffff, v57  }
0x25f: {  	v57 =	vld.idx.msk [tilespmem:v60+s16+$0x0], $0xffff  }
0x260: {  	v58 =	vor.u32 v23, v58  }
0x261: {  	v59 =	vor.u32 s20, v36;
	_ =	sdelay $0x3  }
0x262: {  	[tilespmem:v58+s17+$0x0] =	vst.idx.msk $0xffff, v57  }
0x263: {  	v58 =	vor.u32 v10, v56;
	v57 =	vld.idx.msk [tilespmem:v59+s16+$0x0], $0xffff  }
0x264: {  	v59 =	vor.u32 v25, v58  }
0x265: {  	v60 =	vor.u32 s20, v37;
	_ =	sdelay $0x3  }
0x266: {  	[tilespmem:v59+s17+$0x0] =	vst.idx.msk $0xffff, v57  }
0x267: {  	v57 =	vld.idx.msk [tilespmem:v60+s16+$0x0], $0xffff  }
0x268: {  	v58 =	vor.u32 v27, v58  }
0x269: {  	v59 =	vor.u32 s20, v38;
	_ =	sdelay $0x3  }
0x26a: {  	[tilespmem:v58+s17+$0x0] =	vst.idx.msk $0xffff, v57  }
0x26b: {  	v58 =	vor.u32 v9, v56;
	v57 =	vld.idx.msk [tilespmem:v59+s16+$0x0], $0xffff  }
0x26c: {  	v59 =	vor.u32 v29, v58  }
0x26d: {  	v60 =	vor.u32 s20, v39;
	_ =	sdelay $0x3  }
0x26e: {  	[tilespmem:v59+s17+$0x0] =	vst.idx.msk $0xffff, v57  }
0x26f: {  	v57 =	vld.idx.msk [tilespmem:v60+s16+$0x0], $0xffff  }
0x270: {  	v58 =	vor.u32 v31, v58  }
0x271: {  	v59 =	vor.u32 s20, v40;
	_ =	sdelay $0x3  }
0x272: {  	[tilespmem:v58+s17+$0x0] =	vst.idx.msk $0xffff, v57  }
0x273: {  	v58 =	vor.u32 v8, v56;
	v57 =	vld.idx.msk [tilespmem:v59+s16+$0x0], $0xffff  }
0x274: {  	v59 =	vor.u32 v17, v58  }
0x275: {  	v60 =	vor.u32 s20, v41;
	_ =	sdelay $0x3  }
0x276: {  	[tilespmem:v59+s17+$0x0] =	vst.idx.msk $0xffff, v57  }
0x277: {  	v57 =	vld.idx.msk [tilespmem:v60+s16+$0x0], $0xffff  }
0x278: {  	v58 =	vor.u32 v19, v58  }
0x279: {  	v59 =	vor.u32 s20, v42;
	_ =	sdelay $0x3  }
0x27a: {  	[tilespmem:v58+s17+$0x0] =	vst.idx.msk $0xffff, v57  }
0x27b: {  	v58 =	vor.u32 v7, v56;
	v57 =	vld.idx.msk [tilespmem:v59+s16+$0x0], $0xffff  }
0x27c: {  	v59 =	vor.u32 v21, v58  }
0x27d: {  	v60 =	vor.u32 s20, v43;
	_ =	sdelay $0x3  }
0x27e: {  	[tilespmem:v59+s17+$0x0] =	vst.idx.msk $0xffff, v57  }
0x27f: {  	v57 =	vld.idx.msk [tilespmem:v60+s16+$0x0], $0xffff  }
0x280: {  	v58 =	vor.u32 v23, v58  }
0x281: {  	v59 =	vor.u32 s20, v44;
	_ =	sdelay $0x3  }
0x282: {  	[tilespmem:v58+s17+$0x0] =	vst.idx.msk $0xffff, v57  }
0x283: {  	v58 =	vor.u32 v6, v56;
	v57 =	vld.idx.msk [tilespmem:v59+s16+$0x0], $0xffff  }
0x284: {  	v59 =	vor.u32 v25, v58  }
0x285: {  	v60 =	vor.u32 s20, v45;
	_ =	sdelay $0x3  }
0x286: {  	[tilespmem:v59+s17+$0x0] =	vst.idx.msk $0xffff, v57  }
0x287: {  	v57 =	vld.idx.msk [tilespmem:v60+s16+$0x0], $0xffff  }
0x288: {  	v58 =	vor.u32 v27, v58  }
0x289: {  	v59 =	vor.u32 s20, v46;
	_ =	sdelay $0x3  }
0x28a: {  	[tilespmem:v58+s17+$0x0] =	vst.idx.msk $0xffff, v57  }
0x28b: {  	v58 =	vor.u32 v5, v56;
	v57 =	vld.idx.msk [tilespmem:v59+s16+$0x0], $0xffff  }
0x28c: {  	v59 =	vor.u32 v29, v58  }
0x28d: {  	v60 =	vor.u32 s20, v47;
	_ =	sdelay $0x3  }
0x28e: {  	[tilespmem:v59+s17+$0x0] =	vst.idx.msk $0xffff, v57  }
0x28f: {  	v57 =	vld.idx.msk [tilespmem:v60+s16+$0x0], $0xffff  }
0x290: {  	v58 =	vor.u32 v31, v58  }
0x291: {  	v59 =	vor.u32 s20, v48;
	_ =	sdelay $0x3  }
0x292: {  	[tilespmem:v58+s17+$0x0] =	vst.idx.msk $0xffff, v57  }
0x293: {  	v58 =	vor.u32 v4, v56;
	v57 =	vld.idx.msk [tilespmem:v59+s16+$0x0], $0xffff  }
0x294: {  	v59 =	vor.u32 v17, v58  }
0x295: {  	v60 =	vor.u32 s20, v49;
	_ =	sdelay $0x3  }
0x296: {  	[tilespmem:v59+s17+$0x0] =	vst.idx.msk $0xffff, v57  }
0x297: {  	v57 =	vld.idx.msk [tilespmem:v60+s16+$0x0], $0xffff  }
0x298: {  	v58 =	vor.u32 v19, v58  }
0x299: {  	v59 =	vor.u32 s20, v50;
	_ =	sdelay $0x3  }
0x29a: {  	[tilespmem:v58+s17+$0x0] =	vst.idx.msk $0xffff, v57  }
0x29b: {  	v58 =	vor.u32 v3, v56;
	v57 =	vld.idx.msk [tilespmem:v59+s16+$0x0], $0xffff  }
0x29c: {  	v59 =	vor.u32 v21, v58  }
0x29d: {  	v60 =	vor.u32 s20, v51;
	_ =	sdelay $0x3  }
0x29e: {  	[tilespmem:v59+s17+$0x0] =	vst.idx.msk $0xffff, v57  }
0x29f: {  	v57 =	vld.idx.msk [tilespmem:v60+s16+$0x0], $0xffff  }
0x2a0: {  	v58 =	vor.u32 v23, v58  }
0x2a1: {  	v59 =	vor.u32 s20, v52;
	_ =	sdelay $0x3  }
0x2a2: {  	[tilespmem:v58+s17+$0x0] =	vst.idx.msk $0xffff, v57  }
0x2a3: {  	v58 =	vor.u32 v2, v56;
	v57 =	vld.idx.msk [tilespmem:v59+s16+$0x0], $0xffff  }
0x2a4: {  	v59 =	vor.u32 v25, v58  }
0x2a5: {  	v60 =	vor.u32 s20, v53;
	_ =	sdelay $0x3  }
0x2a6: {  	[tilespmem:v59+s17+$0x0] =	vst.idx.msk $0xffff, v57  }
0x2a7: {  	v57 =	vld.idx.msk [tilespmem:v60+s16+$0x0], $0xffff  }
0x2a8: {  	v58 =	vor.u32 v27, v58  }
0x2a9: {  	v59 =	vor.u32 s20, v54;
	_ =	sdelay $0x3  }
0x2aa: {  	[tilespmem:v58+s17+$0x0] =	vst.idx.msk $0xffff, v57  }
0x2ab: {  	v56 =	vor.u32 v1, v56;
	v57 =	vld.idx.msk [tilespmem:v59+s16+$0x0], $0xffff  }
0x2ac: {  	v58 =	vor.u32 v29, v56  }
0x2ad: {  	v59 =	vor.u32 s20, v55  }
.Ltmp0:
0x2ae: {  	(pc) =	sbr.rel @p0 .LBB2_3-.Ltmp0, $3  }
0x2af: {  	_ =	sdelay $0x1  }
0x2b0: {  	[tilespmem:v58+s17+$0x0] =	vst.idx.msk $0xffff, v57  }
0x2b1: {  	s20 =	sadd.s32 $0x20, s20;
	v57 =	vld.idx.msk [tilespmem:v59+s16+$0x0], $0xffff  }
0x2b2: {  	v56 =	vor.u32 v31, v56;
	_ =	sdelay $0x1  }
0x2b3: {  	s15 =	sadd.s32 s5, s15;
	p0 =	sne.s32 s14, s6  }
.Ltmp1:
0x2b4: {  	s15 =	sshll.u32 s15, $0x9;
	(pc) =	sbr.rel @p0 .LBB2_2-.Ltmp1, $4  }
0x2b5: {  	s15 =	sand.u32 $0x1FFFFE00, s15  }
0x2b6: {  	s15 =	sadd.s32 s3, s15;
	[tilespmem:v56+s17+$0x0] =	vst.idx.msk $0xffff, v57  }
0x2b7: {  	[hbm4b:s15+s4] =	stream.linear.scatter [tilespmem:s17], [sflag:$0x2], $0x1000, $0x38;
	[tilespmem:$0x4000] =	vst v63  }
0x2b8: {  	s15 =	smov.u32 s14  }
0x2b9: {  	s13 =	sadd.s32 $0x1, s13  }
0x2ba: {  	_ =	swait.ge [sflag:s12], $0x1000;
	p0 =	sne.s32 s13, s8  }
.Ltmp2:
0x2bb: {  	[sflag:s12] =	ssyncset.done $0x0;
	(pc) =	sbr.rel @p0 .LBB2_1-.Ltmp2, $4  }
0x2bc: {  	[sflag:s12] =	ssyncadd.s32 $0xFFFFF000  }
0x2bd: {  	_ =	swait.ge [sflag:s12], $0x1000  }
0x2be: {  	[sflag:s12] =	ssyncset.done $0x0  }
0x2bf: {  	[sflag:s12] =	ssyncadd.s32 $0xFFFFF000  }
0x2c0: {  	_ =	sfence.sel $0x180000  }
0x2c1: {  	[bflag:$0x0] =	sbarrier.arrive $0xFFFF  }
0x2c2: {  	p0 =	sne.s32 s0, $0x0;
	_ =	strace $0x90000047  }
0x2c3: {  	s0 =	sadd.s32 @!p0 $0x100000, s2;
	[bflag:$0x2] =	sbarrier.arrive $0xFFFF  }
0x2c4: {  	[sflag:s0] =	ssyncadd.tile.s32 @!p0 $0x1;
	_ =	shalt  }
.Lfunc_end2:
_tile_overlayer_lowered:
.L_overlay_start_2:
0x2c5: {  	(tag) =	ssettag $0x2  }
0x2c6: {  	s0 =	rddreg [dreg:$0x0];
	s2 =	stileid.u32  }
0x2c7: {  	s1 =	rddreg [dreg:$0x1];
	p0 =	sne.s32 s2, $0x0  }
0x2c8: {  	s3 =	rddreg [dreg:$0x2];
	[bflag:$0x3] =	sbarrier.arrive $0xFFFF;
	s2 =	simm.s32 @!p0 $0x1C03  }
0x2c9: {  	[timem:s3], [sflag:s2] =	dma.local @!p0 [hbm:s0], s1  }
0x2ca: {  	s0 =	simm.s32 @!p0 $0x3  }
0x2cb: {  	_ =	swait.ge @!p0 [sflag:s0], s1  }
0x2cc: {  	s1 =	ssub.s32 @!p0 $0x0, s1;
	[sflag:s0] =	ssyncset.done @!p0 $0x0  }
0x2cd: {  	[sflag:s0] =	ssyncadd.s32 @!p0 s1  }
0x2ce: {  	[bflag:$0x3] =	sbarrier.arrive $0xFFFF  }
0x2cf: {  	_ =	shalt  }

</sc_bundles>
